<compile_context>
chip_gen: v7x
topology: tpu7x:2x2x1
jax: 0.10.2.dev20260603
libtpu: 0.0.44.dev20260713+nightly
codegen_flags: <defaults>
</compile_context>

<pallas_src>
import functools

import jax
import jax.numpy as jnp
import numpy as np
from jax import lax
from jax.experimental import pallas as pl
from jax.experimental.pallas import tpu as pltpu
from jax.experimental.pallas import tpu_sc as plsc

_EPS = 1e-5
_NPB = 800
_NPB2 = 2000


def _sc_gather(table, idx):
    V, D = table.shape
    E = idx.shape[0]
    info = plsc.get_sparse_core_info()
    NC, NS = info.num_cores, info.num_subcores
    NW = NC * NS
    assert E % NW == 0
    e_per_w = E // NW
    CH = 1000
    assert e_per_w % CH == 0
    n_ch = e_per_w // CH
    mesh = plsc.VectorSubcoreMesh(core_axis_name="c", subcore_axis_name="s")

    @functools.partial(
        pl.kernel,
        mesh=mesh,
        out_type=jax.ShapeDtypeStruct((E, D), jnp.float32),
        compiler_params=pltpu.CompilerParams(use_tc_tiling_on_sc=False),
        scratch_types=[
            pltpu.VMEM((2, CH), jnp.int32),
            pltpu.VMEM((2, CH, D), jnp.float32),
            pltpu.SemaphoreType.DMA,
            pltpu.SemaphoreType.DMA,
        ],
    )
    def k(table_hbm, idx_hbm, out_hbm, idx_v, rows_v, gsem, osem):
        wid = lax.axis_index("s") * NC + lax.axis_index("c")
        base = wid * e_per_w

        gather_h = [None, None]
        out_h = [None, None]
        pltpu.sync_copy(idx_hbm.at[pl.ds(base, CH)], idx_v.at[0])
        gather_h[0] = pltpu.async_copy(table_hbm.at[idx_v.at[0]], rows_v.at[0], gsem)
        for j in range(n_ch):
            b = j % 2
            nb = (j + 1) % 2
            if j + 1 < n_ch:
                noff = base + (j + 1) * CH
                pltpu.sync_copy(idx_hbm.at[pl.ds(noff, CH)], idx_v.at[nb])
                if out_h[nb] is not None:
                    out_h[nb].wait()
                gather_h[nb] = pltpu.async_copy(
                    table_hbm.at[idx_v.at[nb]], rows_v.at[nb], gsem
                )
            gather_h[b].wait()
            out_h[b] = pltpu.async_copy(
                rows_v.at[b], out_hbm.at[pl.ds(base + j * CH, CH)], osem
            )
        out_h[(n_ch - 2) % 2].wait()
        out_h[(n_ch - 1) % 2].wait()

    return k(table, idx)


def _tc_init(na, wnrow, binrow):
    BN = na.shape[0]
    HA = wnrow.shape[1]
    grid = BN // _NPB2

    def body(na_ref, w_ref, b_ref, atom_ref):
        atom_ref[...] = na_ref[...] * w_ref[...] + b_ref[...]

    return pl.pallas_call(
        body,
        grid=(grid,),
        in_specs=[
            pl.BlockSpec((_NPB2, 1), lambda i: (i, 0)),
            pl.BlockSpec((1, HA), lambda i: (0, 0)),
            pl.BlockSpec((1, HA), lambda i: (0, 0)),
        ],
        out_specs=pl.BlockSpec((_NPB2, HA), lambda i: (i, 0)),
        out_shape=jax.ShapeDtypeStruct((BN, HA), jnp.float32),
    )(na, wnrow, binrow)


def _tc_layer(anbr3, ef3, atom, wsF, wsC, bfF, bfC,
              wnFk, wnCk, weF0, weF1, weC0, weC1,
              ghFt, bhFt, ghCt, bhCt, go2, bo2, Kfold, Tfold, S,
              final, extras):
    BN, HA = atom.shape
    grid = BN // _NPB
    Sn = float(BN)

    c0 = lambda k, i: (0, 0)
    edge_map = lambda k, i: (0, jnp.where(k == 0, i, 0), 0)
    node_map = lambda k, i: (i, 0)
    out_map = lambda k, i: (jnp.where(k == 2, i, 0), 0)

    def body(a_ref, e_ref, atom_ref, wsF_ref, wsC_ref, bfF_ref, bfC_ref,
             wnF_ref, wnC_ref, weF0_ref, weF1_ref, weC0_ref, weC1_ref,
             ghF_ref, bhF_ref, ghC_ref, bhC_ref,
             go_ref, bo_ref, K_ref, T_ref, *rest):
        if final:
            we_ref, b0_ref, out_ref, g_s, st_s, sm_s, st2_s = rest
        else:
            natom_ref, g_s, st_s, sm_s, st2_s = rest
        k = pl.program_id(0)
        i = pl.program_id(1)

        def gate_halves(get_a, get_e, wn_dtype):
            hp = lax.Precision.HIGHEST
            at = atom_ref[...]
            sF = (
                jnp.dot(at, wsF_ref[...], preferred_element_type=jnp.float32,
                        precision=hp)
                + bfF_ref[...]
            )
            sC = (
                jnp.dot(at, wsC_ref[...], preferred_element_type=jnp.float32,
                        precision=hp)
                + bfC_ref[...]
            )
            eh = [get_e(0), get_e(1)]
            weF = [weF0_ref[...], weF1_ref[...]]
            weC = [weC0_ref[...], weC1_ref[...]]
            wnF = wnF_ref[...].astype(wn_dtype)
            wnC = wnC_ref[...].astype(wn_dtype)
            outs = []
            for kk in range(4):
                a2 = get_a(kk)
                e2 = eh[kk // 2]
                pa = hp if a2.dtype == jnp.float32 else None
                gF = (
                    jnp.dot(a2, wnF, preferred_element_type=jnp.float32,
                            precision=pa)
                    + jnp.dot(e2, weF[kk % 2], preferred_element_type=jnp.float32)
                    + sF
                )
                gC = (
                    jnp.dot(a2, wnC, preferred_element_type=jnp.float32,
                            precision=pa)
                    + jnp.dot(e2, weC[kk % 2], preferred_element_type=jnp.float32)
                    + sC
                )
                outs.append((gF, gC))
            return outs

        @pl.when(k == 0)
        def _phase_stats():
            s1F = s2F = s1C = s2C = None
            for kk, (gF, gC) in enumerate(gate_halves(
                lambda kk: a_ref[kk], lambda j: e_ref[j], jnp.float32
            )):
                g_s[kk, pl.ds(i * _NPB, _NPB), :] = gF.astype(jnp.bfloat16)
                g_s[4 + kk, pl.ds(i * _NPB, _NPB), :] = gC.astype(jnp.bfloat16)
                p1F = jnp.sum(gF, axis=0, keepdims=True)
                p2F = jnp.sum(gF * gF, axis=0, keepdims=True)
                p1C = jnp.sum(gC, axis=0, keepdims=True)
                p2C = jnp.sum(gC * gC, axis=0, keepdims=True)
                if s1F is None:
                    s1F, s2F, s1C, s2C = p1F, p2F, p1C, p2C
                else:
                    s1F, s2F, s1C, s2C = s1F + p1F, s2F + p2F, s1C + p1C, s2C + p2C
            upd = jnp.concatenate([s1F, s2F, s1C, s2C], axis=0)

            @pl.when(i == 0)
            def _():
                st_s[...] = jnp.zeros_like(st_s)

            st_s[...] += upd

        @pl.when(k == 1)
        def _phase_apply():
            stf = jnp.dot(st_s[...], K_ref[...], preferred_element_type=jnp.float32)
            m1F = stf[0:1, :] / S
            vF = stf[1:2, :] / S - m1F * m1F
            aF = ghF_ref[...] * lax.rsqrt(vF + _EPS)
            cF = bhF_ref[...] - m1F * aF
            m1C = stf[2:3, :] / S
            vC = stf[3:4, :] / S - m1C * m1C
            aC = ghC_ref[...] * lax.rsqrt(vC + _EPS)
            cC = bhC_ref[...] - m1C * aC
            tot = None
            for kk in range(4):
                gF = g_s[kk, pl.ds(i * _NPB, _NPB), :]
                gC = g_s[4 + kk, pl.ds(i * _NPB, _NPB), :]
                p = jax.nn.sigmoid(gF * aF + cF) * jnp.maximum(gC * aC + cC, 0.0)
                tot = p if tot is None else tot + p
            sm = jnp.dot(tot, T_ref[...], preferred_element_type=jnp.float32)
            sm_s[pl.ds(i * _NPB, _NPB), :] = sm
            t1 = jnp.sum(sm, axis=0, keepdims=True)
            t2 = jnp.sum(sm * sm, axis=0, keepdims=True)

            @pl.when(i == 0)
            def _():
                st2_s[...] = jnp.zeros_like(st2_s)

            st2_s[...] += jnp.concatenate([t1, t2], axis=0)

        @pl.when(k == 2)
        def _phase_node():
            st_v = st2_s[...]
            m1 = st_v[0:1, :] / Sn
            v = st_v[1:2, :] / Sn - m1 * m1
            aa = go_ref[...] * lax.rsqrt(v + _EPS)
            cc = bo_ref[...] - m1 * aa
            sm = sm_s[pl.ds(i * _NPB, _NPB), :]
            na_ = jnp.maximum(atom_ref[...] + aa * sm + cc, 0.0)
            if final:
                val = jnp.sum(na_ * we_ref[...])

                @pl.when(i == 0)
                def _():
                    out_ref[...] = Sn * b0_ref[...]

                out_ref[...] += val.reshape(1, 1)
            else:
                natom_ref[...] = na_

    in_specs = [
        pl.BlockSpec((4, _NPB, 128), edge_map),
        pl.BlockSpec((2, _NPB, 128), edge_map),
        pl.BlockSpec((_NPB, HA), node_map),
        pl.BlockSpec((HA, 128), c0),
        pl.BlockSpec((HA, 128), c0),
        pl.BlockSpec((1, 128), c0),
        pl.BlockSpec((1, 128), c0),
        pl.BlockSpec((128, 128), c0),
        pl.BlockSpec((128, 128), c0),
        pl.BlockSpec((128, 128), c0),
        pl.BlockSpec((128, 128), c0),
        pl.BlockSpec((128, 128), c0),
        pl.BlockSpec((128, 128), c0),
        pl.BlockSpec((1, 128), c0),
        pl.BlockSpec((1, 128), c0),
        pl.BlockSpec((1, 128), c0),
        pl.BlockSpec((1, 128), c0),
        pl.BlockSpec((1, HA), c0),
        pl.BlockSpec((1, HA), c0),
        pl.BlockSpec((128, 128), c0),
        pl.BlockSpec((128, HA), c0),
    ]
    args = [anbr3, ef3, atom, wsF, wsC, bfF, bfC,
            wnFk, wnCk, weF0, weF1, weC0, weC1,
            ghFt, bhFt, ghCt, bhCt, go2, bo2, Kfold, Tfold]
    if final:
        werow, b0 = extras
        in_specs += [pl.BlockSpec((1, HA), c0), pl.BlockSpec((1, 1), c0)]
        args += [werow, b0]
        out_specs = pl.BlockSpec((1, 1), c0)
        out_shape = jax.ShapeDtypeStruct((1, 1), jnp.float32)
    else:
        out_specs = pl.BlockSpec((_NPB, HA), out_map)
        out_shape = jax.ShapeDtypeStruct((BN, HA), jnp.float32)

    return pl.pallas_call(
        body,
        grid=(3, grid),
        in_specs=in_specs,
        out_specs=out_specs,
        out_shape=out_shape,
        scratch_shapes=[
            pltpu.VMEM((8, BN, 128), jnp.bfloat16),
            pltpu.VMEM((4, 128), jnp.float32),
            pltpu.VMEM((BN, HA), jnp.float32),
            pltpu.VMEM((2, HA), jnp.float32),
        ],
        compiler_params=pltpu.CompilerParams(
            dimension_semantics=("arbitrary", "arbitrary"),
            vmem_limit_bytes=112 * 1024 * 1024,
        ),
    )(*args)


def kernel(node_attr, edge_attr, edge_idx, Wn, b_in, Wf, bf, gh, bh, go, bo, We, b_out):
    B, N, M = edge_idx.shape
    HA = Wn.shape[0]
    HB = edge_attr.shape[-1]
    BN = B * N
    E = BN * M
    MG = M // 4
    EG = M // 8

    f32 = jnp.float32
    eye4 = jnp.eye(4, dtype=f32)
    eye8 = jnp.eye(8, dtype=f32)

    na = node_attr.reshape(BN, 1)

    idx_off = edge_idx + (jnp.arange(B, dtype=edge_idx.dtype) * N)[:, None, None]
    idx_r = idx_off.reshape(BN, MG, 4).transpose(1, 0, 2).reshape(E)

    ef3 = (
        edge_attr.reshape(BN, EG, 8, HB).transpose(1, 0, 2, 3).reshape(EG, BN, 128)
    ).astype(jnp.bfloat16)

    r128 = np.arange(128)
    Kfold = jnp.asarray((r128[:, None] % HA == r128[None, :] % HA), dtype=f32)
    Tfold = jnp.asarray((r128[:, None] % HA == np.arange(HA)[None, :]), dtype=f32)

    def tile4(x):
        return jnp.concatenate([x] * 4, axis=1)

    n_layers = Wf.shape[0]
    layers = []
    for i in range(n_layers):
        Wfi = Wf[i]
        k8F = jnp.kron(eye8, Wfi[:HA, 2 * HA :].T)
        k8C = jnp.kron(eye8, Wfi[HA:, 2 * HA :].T)
        layers.append(dict(
            wsF=jnp.concatenate([Wfi[:HA, :HA].T] * 4, axis=1),
            wsC=jnp.concatenate([Wfi[HA:, :HA].T] * 4, axis=1),
            wnFk=jnp.kron(eye4, Wfi[:HA, HA : 2 * HA].T),
            wnCk=jnp.kron(eye4, Wfi[HA:, HA : 2 * HA].T),
            weF0=k8F[:, :128].astype(jnp.bfloat16),
            weF1=k8F[:, 128:].astype(jnp.bfloat16),
            weC0=k8C[:, :128].astype(jnp.bfloat16),
            weC1=k8C[:, 128:].astype(jnp.bfloat16),
            bfF=tile4(bf[i][:HA].reshape(1, HA)),
            bfC=tile4(bf[i][HA:].reshape(1, HA)),
            ghFt=tile4(gh[i][:HA].reshape(1, HA)),
            ghCt=tile4(gh[i][HA:].reshape(1, HA)),
            bhFt=tile4(bh[i][:HA].reshape(1, HA)),
            bhCt=tile4(bh[i][HA:].reshape(1, HA)),
            go2=go[i].reshape(1, HA),
            bo2=bo[i].reshape(1, HA),
        ))

    atom = _tc_init(na, Wn.reshape(1, HA), b_in.reshape(1, HA))

    out = None
    for i in range(n_layers):
        Li = layers[i]
        anbr3 = _sc_gather(atom, idx_r).reshape(MG, BN, 128)
        last = i == n_layers - 1
        extras = (We.reshape(1, HA), b_out.reshape(1, 1)) if last else None
        res = _tc_layer(
            anbr3, ef3, atom,
            Li["wsF"], Li["wsC"], Li["bfF"], Li["bfC"],
            Li["wnFk"], Li["wnCk"],
            Li["weF0"], Li["weF1"], Li["weC0"], Li["weC1"],
            Li["ghFt"], Li["bhFt"], Li["ghCt"], Li["bhCt"],
            Li["go2"], Li["bo2"], Kfold, Tfold, float(E),
            last, extras,
        )
        if last:
            out = res
        else:
            atom = res

    return out.reshape(())

# --- scband reference (transcript-rebuilt; emitter-appended) ---
"""Pipeline reference for scband-idpfold-40450001993921 (READ-ONLY COPY).

The authoritative reference and input builder live on the scoring server;
editing this copy changes nothing except your own understanding.
"""

import jax, jax.numpy as jnp
import numpy as np

H_A = 32
H_B = 16
N_CONV = 3
B, N, M = 2, 10000, 16


def setup_inputs(seed: int = 0) -> dict:
    key = jax.random.key(seed)
    ks = jax.random.split(key, 16)
    inp = {}
    inp["node_attr"] = jax.random.normal(ks[0], (B, N, 1), dtype=jnp.float32)
    inp["edge_attr"] = jax.random.normal(ks[1], (B, N, M, H_B), dtype=jnp.float32)
    inp["edge_idx"] = jax.random.randint(ks[2], (B, N, M), 0, N, dtype=jnp.int32)
    inp["Wn"] = jax.random.normal(ks[3], (H_A, 1), dtype=jnp.float32) * 0.1
    inp["b_in"] = jnp.zeros((H_A,), dtype=jnp.float32)
    inp["Wf"] = jax.random.normal(ks[4], (N_CONV, 2 * H_A, 2 * H_A + H_B), dtype=jnp.float32) * 0.05
    inp["bf"] = jnp.zeros((N_CONV, 2 * H_A), dtype=jnp.float32)
    inp["gh"] = jnp.ones((N_CONV, 2 * H_A), dtype=jnp.float32)
    inp["bh"] = jnp.zeros((N_CONV, 2 * H_A), dtype=jnp.float32)
    inp["go"] = jnp.ones((N_CONV, H_A), dtype=jnp.float32)
    inp["bo"] = jnp.zeros((N_CONV, H_A), dtype=jnp.float32)
    inp["We"] = jax.random.normal(ks[5], (1, H_A), dtype=jnp.float32) * 0.1
    inp["b_out"] = jnp.zeros((1,), dtype=jnp.float32)
    return inp


def _batchnorm(x, g, b, eps=1e-5):
    # torch BatchNorm1d in training mode: biased batch statistics over dim 0
    mean = jnp.mean(x, axis=0)
    var = jnp.var(x, axis=0)
    return g * (x - mean) / jnp.sqrt(var + eps) + b


def _conv_layer(atom_emb, nbr_emb, nbr_adj, Wf, bf, gh, bh, go, bo):
    Bb, Nn, Mm = nbr_adj.shape
    h_a = atom_emb.shape[-1]
    # gather: atom_emb[arange(B)[:,None], nbr_adj.view(B,-1)] -> (B, N, M, h_a)
    atom_nbr = atom_emb[jnp.arange(Bb)[:, None], nbr_adj.reshape(Bb, -1)].reshape(Bb, Nn, Mm, h_a)
    self_emb = jnp.broadcast_to(atom_emb[:, :, None, :], (Bb, Nn, Mm, h_a))
    total = jnp.concatenate([self_emb, atom_nbr, nbr_emb], axis=-1)
    gated = total @ Wf.T + bf
    gated = _batchnorm(gated.reshape(-1, 2 * h_a), gh, bh).reshape(Bb, Nn, Mm, 2 * h_a)
    nbr_filter, nbr_core = jnp.split(gated, 2, axis=3)
    nbr_filter = jax.nn.sigmoid(nbr_filter)
    nbr_core = jax.nn.relu(nbr_core)
    summed = jnp.sum(nbr_filter * nbr_core, axis=2)
    summed = _batchnorm(summed.reshape(-1, h_a), go, bo).reshape(Bb, Nn, h_a)
    return jax.nn.relu(atom_emb + summed)


def reference(node_attr, edge_attr, edge_idx, Wn, b_in, Wf, bf, gh, bh, go, bo, We, b_out):
    node = node_attr @ Wn.T + b_in
    for i in range(N_CONV):
        node = _conv_layer(node, edge_attr, edge_idx, Wf[i], bf[i], gh[i], bh[i], go[i], bo[i])
    e = node @ We.T + b_out
    return jnp.sum(e)

if __name__ == "__main__":
    import jax
    _d = setup_inputs()
    print(jax.jit(kernel)(*tuple(_d.values())))

</pallas_src>

<mosaic_0001>
#map = affine_map<(d0, d1) -> (0, 0)>
#map1 = affine_map<(d0, d1) -> (0)>
module attributes {stable_mosaic.version = 14 : i64} {
  func.func @k(%arg0: i32, %arg1: i32, %arg2: memref<20000x32xf32, #tpu.memory_space<hbm>>, %arg3: memref<320000xi32, #tpu.memory_space<hbm>>, %arg4: memref<320000x32xf32, #tpu.memory_space<hbm>>, %arg5: memref<2x1000xi32, #tpu.memory_space<vmem>>, %arg6: memref<2x1000x32xf32, #tpu.memory_space<vmem>>, %arg7: memref<!tpu.dma_semaphore, #tpu.memory_space<semaphore_mem>>, %arg8: memref<!tpu.dma_semaphore, #tpu.memory_space<semaphore_mem>>) attributes {dimension_semantics = [#tpu.dimension_semantics<core_parallel>, #tpu.dimension_semantics<subcore_parallel>], iteration_bounds = array<i64: 2, 16>, scalar_prefetch = 0 : i64, scratch_operands = 4 : i64, tpu.core_type = #tpu.core_type<sc_vector_subcore>, window_params = [{transform_indices = #map}, {transform_indices = #map1}, {transform_indices = #map}]} {
    %mul3A = arith.constant 2 : i32
    %mul3A_0 = arith.muli %arg1, %mul3A : i32
    %add3A = arith.addi %mul3A_0, %arg0 : i32
    %mul3A_1 = arith.constant 10000 : i32
    %mul3A_2 = arith.muli %add3A, %mul3A_1 : i32
    %run_scoped3A = arith.constant 0 : i32
    "tpu.region"() ({
      %run_scoped3A_548 = tpu.sem_alloc : memref<!tpu.dma_semaphore, #tpu.memory_space<semaphore_mem>>
      %dma_start3A_549 = arith.constant 0 : i32
      %dma_start3A_550 = tpu.memref_slice %arg5[%run_scoped3A, %dma_start3A_549] : memref<2x1000xi32, #tpu.memory_space<vmem>> -> memref<1x1000xi32, #tpu.memory_space<vmem>>
      %dma_start3A_551 = tpu.memref_squeeze %dma_start3A_550 : memref<1x1000xi32, #tpu.memory_space<vmem>> -> memref<1000xi32, #tpu.memory_space<vmem>>
      %dma_start3A_552 = tpu.memref_slice %arg3[%mul3A_2] : memref<320000xi32, #tpu.memory_space<hbm>> -> memref<1000xi32, #tpu.memory_space<hbm>>
      %dma_start3A_553 = arith.constant 0 : i32
      %dma_start3A_554 = tpu.memref_slice %arg5[%run_scoped3A, %dma_start3A_553] : memref<2x1000xi32, #tpu.memory_space<vmem>> -> memref<1x1000xi32, #tpu.memory_space<vmem>>
      %dma_start3A_555 = tpu.memref_squeeze %dma_start3A_554 : memref<1x1000xi32, #tpu.memory_space<vmem>> -> memref<1000xi32, #tpu.memory_space<vmem>>
      %dma_start3A_556 = tpu.memref_slice %arg3[%mul3A_2] : memref<320000xi32, #tpu.memory_space<hbm>> -> memref<1000xi32, #tpu.memory_space<hbm>>
      tpu.enqueue_dma source(%dma_start3A_556 : memref<1000xi32, #tpu.memory_space<hbm>>) target(%dma_start3A_555 : memref<1000xi32, #tpu.memory_space<vmem>>) target_semaphore(%run_scoped3A_548 : memref<!tpu.dma_semaphore, #tpu.memory_space<semaphore_mem>>)
      %dma_wait3A_557 = arith.constant 0 : i32
      %dma_wait3A_558 = tpu.memref_slice %arg5[%run_scoped3A, %dma_wait3A_557] : memref<2x1000xi32, #tpu.memory_space<vmem>> -> memref<1x1000xi32, #tpu.memory_space<vmem>>
      %dma_wait3A_559 = tpu.memref_squeeze %dma_wait3A_558 : memref<1x1000xi32, #tpu.memory_space<vmem>> -> memref<1000xi32, #tpu.memory_space<vmem>>
      %dma_wait3A_560 = tpu.memref_slice %arg3[%mul3A_2] : memref<320000xi32, #tpu.memory_space<hbm>> -> memref<1000xi32, #tpu.memory_space<hbm>>
      %dma_wait3A_561 = arith.constant 0 : i32
      %dma_wait3A_562 = tpu.memref_slice %arg5[%run_scoped3A, %dma_wait3A_561] : memref<2x1000xi32, #tpu.memory_space<vmem>> -> memref<1x1000xi32, #tpu.memory_space<vmem>>
      %dma_wait3A_563 = tpu.memref_squeeze %dma_wait3A_562 : memref<1x1000xi32, #tpu.memory_space<vmem>> -> memref<1000xi32, #tpu.memory_space<vmem>>
      %dma_wait3A_564 = tpu.memref_slice %arg3[%mul3A_2] : memref<320000xi32, #tpu.memory_space<hbm>> -> memref<1000xi32, #tpu.memory_space<hbm>>
      tpu.wait_dma2 semaphore(%run_scoped3A_548 : memref<!tpu.dma_semaphore, #tpu.memory_space<semaphore_mem>>) src(%dma_wait3A_564 : memref<1000xi32, #tpu.memory_space<hbm>>) dst(%dma_wait3A_563 : memref<1000xi32, #tpu.memory_space<vmem>>)
      tpu.yield
    }) : () -> ()
    %dma_start3A = arith.constant 0 : i32
    %dma_start3A_3 = arith.constant 0 : i32
    %dma_start3A_4 = arith.constant 0 : i32
    %dma_start3A_5 = arith.constant 0 : i32
    %dma_start3A_6 = tpu.memref_slice %arg6[%dma_start3A_3, %dma_start3A_4, %dma_start3A_5] : memref<2x1000x32xf32, #tpu.memory_space<vmem>> -> memref<1x1000x32xf32, #tpu.memory_space<vmem>>
    %dma_start3A_7 = tpu.memref_squeeze %dma_start3A_6 : memref<1x1000x32xf32, #tpu.memory_space<vmem>> -> memref<1000x32xf32, #tpu.memory_space<vmem>>
    %dma_start3A_8 = arith.constant 0 : i32
    %dma_start3A_9 = tpu.memref_slice %arg5[%dma_start3A, %dma_start3A_8] : memref<2x1000xi32, #tpu.memory_space<vmem>> -> memref<1x1000xi32, #tpu.memory_space<vmem>>
    %dma_start3A_10 = tpu.memref_squeeze %dma_start3A_9 : memref<1x1000xi32, #tpu.memory_space<vmem>> -> memref<1000xi32, #tpu.memory_space<vmem>>
    %dma_start3A_11 = arith.constant 0 : i32
    %dma_start3A_12 = arith.constant 0 : i32
    %dma_start3A_13 = tpu.memref_slice %arg2[%dma_start3A_11, %dma_start3A_12] : memref<20000x32xf32, #tpu.memory_space<hbm>> -> memref<20000x32xf32, #tpu.memory_space<hbm>>
    tpu.enqueue_indirect_dma source(%dma_start3A_13 : memref<20000x32xf32, #tpu.memory_space<hbm>>) target(%dma_start3A_7 : memref<1000x32xf32, #tpu.memory_space<vmem>>) offsets(%dma_start3A_10 : memref<1000xi32, #tpu.memory_space<vmem>>) semaphore(%arg7 : memref<!tpu.dma_semaphore, #tpu.memory_space<semaphore_mem>>)
    %add3A_14 = arith.constant 1000 : i32
    %add3A_15 = arith.addi %mul3A_2, %add3A_14 : i32
    %run_scoped3A_16 = arith.constant 1 : i32
    "tpu.region"() ({
      %run_scoped3A_548 = tpu.sem_alloc : memref<!tpu.dma_semaphore, #tpu.memory_space<semaphore_mem>>
      %dma_start3A_549 = arith.constant 0 : i32
      %dma_start3A_550 = tpu.memref_slice %arg5[%run_scoped3A_16, %dma_start3A_549] : memref<2x1000xi32, #tpu.memory_space<vmem>> -> memref<1x1000xi32, #tpu.memory_space<vmem>>
      %dma_start3A_551 = tpu.memref_squeeze %dma_start3A_550 : memref<1x1000xi32, #tpu.memory_space<vmem>> -> memref<1000xi32, #tpu.memory_space<vmem>>
      %dma_start3A_552 = tpu.memref_slice %arg3[%add3A_15] : memref<320000xi32, #tpu.memory_space<hbm>> -> memref<1000xi32, #tpu.memory_space<hbm>>
      %dma_start3A_553 = arith.constant 0 : i32
      %dma_start3A_554 = tpu.memref_slice %arg5[%run_scoped3A_16, %dma_start3A_553] : memref<2x1000xi32, #tpu.memory_space<vmem>> -> memref<1x1000xi32, #tpu.memory_space<vmem>>
      %dma_start3A_555 = tpu.memref_squeeze %dma_start3A_554 : memref<1x1000xi32, #tpu.memory_space<vmem>> -> memref<1000xi32, #tpu.memory_space<vmem>>
      %dma_start3A_556 = tpu.memref_slice %arg3[%add3A_15] : memref<320000xi32, #tpu.memory_space<hbm>> -> memref<1000xi32, #tpu.memory_space<hbm>>
      tpu.enqueue_dma source(%dma_start3A_556 : memref<1000xi32, #tpu.memory_space<hbm>>) target(%dma_start3A_555 : memref<1000xi32, #tpu.memory_space<vmem>>) target_semaphore(%run_scoped3A_548 : memref<!tpu.dma_semaphore, #tpu.memory_space<semaphore_mem>>)
      %dma_wait3A_557 = arith.constant 0 : i32
      %dma_wait3A_558 = tpu.memref_slice %arg5[%run_scoped3A_16, %dma_wait3A_557] : memref<2x1000xi32, #tpu.memory_space<vmem>> -> memref<1x1000xi32, #tpu.memory_space<vmem>>
      %dma_wait3A_559 = tpu.memref_squeeze %dma_wait3A_558 : memref<1x1000xi32, #tpu.memory_space<vmem>> -> memref<1000xi32, #tpu.memory_space<vmem>>
      %dma_wait3A_560 = tpu.memref_slice %arg3[%add3A_15] : memref<320000xi32, #tpu.memory_space<hbm>> -> memref<1000xi32, #tpu.memory_space<hbm>>
      %dma_wait3A_561 = arith.constant 0 : i32
      %dma_wait3A_562 = tpu.memref_slice %arg5[%run_scoped3A_16, %dma_wait3A_561] : memref<2x1000xi32, #tpu.memory_space<vmem>> -> memref<1x1000xi32, #tpu.memory_space<vmem>>
      %dma_wait3A_563 = tpu.memref_squeeze %dma_wait3A_562 : memref<1x1000xi32, #tpu.memory_space<vmem>> -> memref<1000xi32, #tpu.memory_space<vmem>>
      %dma_wait3A_564 = tpu.memref_slice %arg3[%add3A_15] : memref<320000xi32, #tpu.memory_space<hbm>> -> memref<1000xi32, #tpu.memory_space<hbm>>
      tpu.wait_dma2 semaphore(%run_scoped3A_548 : memref<!tpu.dma_semaphore, #tpu.memory_space<semaphore_mem>>) src(%dma_wait3A_564 : memref<1000xi32, #tpu.memory_space<hbm>>) dst(%dma_wait3A_563 : memref<1000xi32, #tpu.memory_space<vmem>>)
      tpu.yield
    }) : () -> ()
    %dma_start3A_17 = arith.constant 1 : i32
    %dma_start3A_18 = arith.constant 1 : i32
    %dma_start3A_19 = arith.constant 0 : i32
    %dma_start3A_20 = arith.constant 0 : i32
    %dma_start3A_21 = tpu.memref_slice %arg6[%dma_start3A_18, %dma_start3A_19, %dma_start3A_20] : memref<2x1000x32xf32, #tpu.memory_space<vmem>> -> memref<1x1000x32xf32, #tpu.memory_space<vmem>>
    %dma_start3A_22 = tpu.memref_squeeze %dma_start3A_21 : memref<1x1000x32xf32, #tpu.memory_space<vmem>> -> memref<1000x32xf32, #tpu.memory_space<vmem>>
    %dma_start3A_23 = arith.constant 0 : i32
    %dma_start3A_24 = tpu.memref_slice %arg5[%dma_start3A_17, %dma_start3A_23] : memref<2x1000xi32, #tpu.memory_space<vmem>> -> memref<1x1000xi32, #tpu.memory_space<vmem>>
    %dma_start3A_25 = tpu.memref_squeeze %dma_start3A_24 : memref<1x1000xi32, #tpu.memory_space<vmem>> -> memref<1000xi32, #tpu.memory_space<vmem>>
    %dma_start3A_26 = arith.constant 0 : i32
    %dma_start3A_27 = arith.constant 0 : i32
    %dma_start3A_28 = tpu.memref_slice %arg2[%dma_start3A_26, %dma_start3A_27] : memref<20000x32xf32, #tpu.memory_space<hbm>> -> memref<20000x32xf32, #tpu.memory_space<hbm>>
    tpu.enqueue_indirect_dma source(%dma_start3A_28 : memref<20000x32xf32, #tpu.memory_space<hbm>>) target(%dma_start3A_22 : memref<1000x32xf32, #tpu.memory_space<vmem>>) offsets(%dma_start3A_25 : memref<1000xi32, #tpu.memory_space<vmem>>) semaphore(%arg7 : memref<!tpu.dma_semaphore, #tpu.memory_space<semaphore_mem>>)
    %dma_wait3A = arith.constant 0 : i32
    %dma_wait3A_29 = arith.constant 0 : i32
    %dma_wait3A_30 = arith.constant 0 : i32
    %dma_wait3A_31 = arith.constant 0 : i32
    %dma_wait3A_32 = tpu.memref_slice %arg6[%dma_wait3A_29, %dma_wait3A_30, %dma_wait3A_31] : memref<2x1000x32xf32, #tpu.memory_space<vmem>> -> memref<1x1000x32xf32, #tpu.memory_space<vmem>>
    %dma_wait3A_33 = tpu.memref_squeeze %dma_wait3A_32 : memref<1x1000x32xf32, #tpu.memory_space<vmem>> -> memref<1000x32xf32, #tpu.memory_space<vmem>>
    %dma_wait3A_34 = arith.constant 0 : i32
    %dma_wait3A_35 = tpu.memref_slice %arg5[%dma_wait3A, %dma_wait3A_34] : memref<2x1000xi32, #tpu.memory_space<vmem>> -> memref<1x1000xi32, #tpu.memory_space<vmem>>
    %dma_wait3A_36 = tpu.memref_squeeze %dma_wait3A_35 : memref<1x1000xi32, #tpu.memory_space<vmem>> -> memref<1000xi32, #tpu.memory_space<vmem>>
    %dma_wait3A_37 = arith.constant 0 : i32
    %dma_wait3A_38 = arith.constant 0 : i32
    %dma_wait3A_39 = tpu.memref_slice %arg2[%dma_wait3A_37, %dma_wait3A_38] : memref<20000x32xf32, #tpu.memory_space<hbm>> -> memref<20000x32xf32, #tpu.memory_space<hbm>>
    tpu.wait_indirect_dma semaphore(%arg7 : memref<!tpu.dma_semaphore, #tpu.memory_space<semaphore_mem>>) src(%dma_wait3A_39 : memref<20000x32xf32, #tpu.memory_space<hbm>>) dst(%dma_wait3A_33 : memref<1000x32xf32, #tpu.memory_space<vmem>>)
    %add3A_40 = arith.constant 0 : i32
    %add3A_41 = arith.addi %mul3A_2, %add3A_40 : i32
    %dma_start3A_42 = arith.constant 0 : i32
    %dma_start3A_43 = arith.constant 0 : i32
    %dma_start3A_44 = arith.constant 0 : i32
    %dma_start3A_45 = tpu.memref_slice %arg6[%dma_start3A_42, %dma_start3A_43, %dma_start3A_44] : memref<2x1000x32xf32, #tpu.memory_space<vmem>> -> memref<1x1000x32xf32, #tpu.memory_space<vmem>>
    %dma_start3A_46 = tpu.memref_squeeze %dma_start3A_45 : memref<1x1000x32xf32, #tpu.memory_space<vmem>> -> memref<1000x32xf32, #tpu.memory_space<vmem>>
    %dma_start3A_47 = arith.constant 0 : i32
    %dma_start3A_48 = tpu.memref_slice %arg4[%add3A_41, %dma_start3A_47] : memref<320000x32xf32, #tpu.memory_space<hbm>> -> memref<1000x32xf32, #tpu.memory_space<hbm>>
    %dma_start3A_49 = arith.constant 0 : i32
    %dma_start3A_50 = tpu.memref_slice %arg4[%add3A_41, %dma_start3A_49] : memref<320000x32xf32, #tpu.memory_space<hbm>> -> memref<1000x32xf32, #tpu.memory_space<hbm>>
    %dma_start3A_51 = arith.constant 0 : i32
    %dma_start3A_52 = arith.constant 0 : i32
    %dma_start3A_53 = tpu.memref_slice %arg6[%dma_start3A_42, %dma_start3A_51, %dma_start3A_52] : memref<2x1000x32xf32, #tpu.memory_space<vmem>> -> memref<1x1000x32xf32, #tpu.memory_space<vmem>>
    %dma_start3A_54 = tpu.memref_squeeze %dma_start3A_53 : memref<1x1000x32xf32, #tpu.memory_space<vmem>> -> memref<1000x32xf32, #tpu.memory_space<vmem>>
    tpu.enqueue_dma source(%dma_start3A_54 : memref<1000x32xf32, #tpu.memory_space<vmem>>) target(%dma_start3A_50 : memref<1000x32xf32, #tpu.memory_space<hbm>>) target_semaphore(%arg8 : memref<!tpu.dma_semaphore, #tpu.memory_space<semaphore_mem>>)
    %add3A_55 = arith.constant 2000 : i32
    %add3A_56 = arith.addi %mul3A_2, %add3A_55 : i32
    %run_scoped3A_57 = arith.constant 0 : i32
    "tpu.region"() ({
      %run_scoped3A_548 = tpu.sem_alloc : memref<!tpu.dma_semaphore, #tpu.memory_space<semaphore_mem>>
      %dma_start3A_549 = arith.constant 0 : i32
      %dma_start3A_550 = tpu.memref_slice %arg5[%run_scoped3A_57, %dma_start3A_549] : memref<2x1000xi32, #tpu.memory_space<vmem>> -> memref<1x1000xi32, #tpu.memory_space<vmem>>
      %dma_start3A_551 = tpu.memref_squeeze %dma_start3A_550 : memref<1x1000xi32, #tpu.memory_space<vmem>> -> memref<1000xi32, #tpu.memory_space<vmem>>
      %dma_start3A_552 = tpu.memref_slice %arg3[%add3A_56] : memref<320000xi32, #tpu.memory_space<hbm>> -> memref<1000xi32, #tpu.memory_space<hbm>>
      %dma_start3A_553 = arith.constant 0 : i32
      %dma_start3A_554 = tpu.memref_slice %arg5[%run_scoped3A_57, %dma_start3A_553] : memref<2x1000xi32, #tpu.memory_space<vmem>> -> memref<1x1000xi32, #tpu.memory_space<vmem>>
      %dma_start3A_555 = tpu.memref_squeeze %dma_start3A_554 : memref<1x1000xi32, #tpu.memory_space<vmem>> -> memref<1000xi32, #tpu.memory_space<vmem>>
      %dma_start3A_556 = tpu.memref_slice %arg3[%add3A_56] : memref<320000xi32, #tpu.memory_space<hbm>> -> memref<1000xi32, #tpu.memory_space<hbm>>
      tpu.enqueue_dma source(%dma_start3A_556 : memref<1000xi32, #tpu.memory_space<hbm>>) target(%dma_start3A_555 : memref<1000xi32, #tpu.memory_space<vmem>>) target_semaphore(%run_scoped3A_548 : memref<!tpu.dma_semaphore, #tpu.memory_space<semaphore_mem>>)
      %dma_wait3A_557 = arith.constant 0 : i32
      %dma_wait3A_558 = tpu.memref_slice %arg5[%run_scoped3A_57, %dma_wait3A_557] : memref<2x1000xi32, #tpu.memory_space<vmem>> -> memref<1x1000xi32, #tpu.memory_space<vmem>>
      %dma_wait3A_559 = tpu.memref_squeeze %dma_wait3A_558 : memref<1x1000xi32, #tpu.memory_space<vmem>> -> memref<1000xi32, #tpu.memory_space<vmem>>
      %dma_wait3A_560 = tpu.memref_slice %arg3[%add3A_56] : memref<320000xi32, #tpu.memory_space<hbm>> -> memref<1000xi32, #tpu.memory_space<hbm>>
      %dma_wait3A_561 = arith.constant 0 : i32
      %dma_wait3A_562 = tpu.memref_slice %arg5[%run_scoped3A_57, %dma_wait3A_561] : memref<2x1000xi32, #tpu.memory_space<vmem>> -> memref<1x1000xi32, #tpu.memory_space<vmem>>
      %dma_wait3A_563 = tpu.memref_squeeze %dma_wait3A_562 : memref<1x1000xi32, #tpu.memory_space<vmem>> -> memref<1000xi32, #tpu.memory_space<vmem>>
      %dma_wait3A_564 = tpu.memref_slice %arg3[%add3A_56] : memref<320000xi32, #tpu.memory_space<hbm>> -> memref<1000xi32, #tpu.memory_space<hbm>>
      tpu.wait_dma2 semaphore(%run_scoped3A_548 : memref<!tpu.dma_semaphore, #tpu.memory_space<semaphore_mem>>) src(%dma_wait3A_564 : memref<1000xi32, #tpu.memory_space<hbm>>) dst(%dma_wait3A_563 : memref<1000xi32, #tpu.memory_space<vmem>>)
      tpu.yield
    }) : () -> ()
    %dma_wait3A_58 = arith.constant 0 : i32
    %dma_wait3A_59 = arith.constant 0 : i32
    %dma_wait3A_60 = arith.constant 0 : i32
    %dma_wait3A_61 = tpu.memref_slice %arg6[%dma_wait3A_58, %dma_wait3A_59, %dma_wait3A_60] : memref<2x1000x32xf32, #tpu.memory_space<vmem>> -> memref<1x1000x32xf32, #tpu.memory_space<vmem>>
    %dma_wait3A_62 = tpu.memref_squeeze %dma_wait3A_61 : memref<1x1000x32xf32, #tpu.memory_space<vmem>> -> memref<1000x32xf32, #tpu.memory_space<vmem>>
    %dma_wait3A_63 = arith.constant 0 : i32
    %dma_wait3A_64 = tpu.memref_slice %arg4[%add3A_41, %dma_wait3A_63] : memref<320000x32xf32, #tpu.memory_space<hbm>> -> memref<1000x32xf32, #tpu.memory_space<hbm>>
    %dma_wait3A_65 = arith.constant 0 : i32
    %dma_wait3A_66 = tpu.memref_slice %arg4[%add3A_41, %dma_wait3A_65] : memref<320000x32xf32, #tpu.memory_space<hbm>> -> memref<1000x32xf32, #tpu.memory_space<hbm>>
    %dma_wait3A_67 = arith.constant 0 : i32
    %dma_wait3A_68 = arith.constant 0 : i32
    %dma_wait3A_69 = tpu.memref_slice %arg6[%dma_wait3A_58, %dma_wait3A_67, %dma_wait3A_68] : memref<2x1000x32xf32, #tpu.memory_space<vmem>> -> memref<1x1000x32xf32, #tpu.memory_space<vmem>>
    %dma_wait3A_70 = tpu.memref_squeeze %dma_wait3A_69 : memref<1x1000x32xf32, #tpu.memory_space<vmem>> -> memref<1000x32xf32, #tpu.memory_space<vmem>>
    tpu.wait_dma2 semaphore(%arg8 : memref<!tpu.dma_semaphore, #tpu.memory_space<semaphore_mem>>) src(%dma_wait3A_70 : memref<1000x32xf32, #tpu.memory_space<vmem>>) dst(%dma_wait3A_66 : memref<1000x32xf32, #tpu.memory_space<hbm>>)
    %dma_start3A_71 = arith.constant 0 : i32
    %dma_start3A_72 = arith.constant 0 : i32
    %dma_start3A_73 = arith.constant 0 : i32
    %dma_start3A_74 = arith.constant 0 : i32
    %dma_start3A_75 = tpu.memref_slice %arg6[%dma_start3A_72, %dma_start3A_73, %dma_start3A_74] : memref<2x1000x32xf32, #tpu.memory_space<vmem>> -> memref<1x1000x32xf32, #tpu.memory_space<vmem>>
    %dma_start3A_76 = tpu.memref_squeeze %dma_start3A_75 : memref<1x1000x32xf32, #tpu.memory_space<vmem>> -> memref<1000x32xf32, #tpu.memory_space<vmem>>
    %dma_start3A_77 = arith.constant 0 : i32
    %dma_start3A_78 = tpu.memref_slice %arg5[%dma_start3A_71, %dma_start3A_77] : memref<2x1000xi32, #tpu.memory_space<vmem>> -> memref<1x1000xi32, #tpu.memory_space<vmem>>
    %dma_start3A_79 = tpu.memref_squeeze %dma_start3A_78 : memref<1x1000xi32, #tpu.memory_space<vmem>> -> memref<1000xi32, #tpu.memory_space<vmem>>
    %dma_start3A_80 = arith.constant 0 : i32
    %dma_start3A_81 = arith.constant 0 : i32
    %dma_start3A_82 = tpu.memref_slice %arg2[%dma_start3A_80, %dma_start3A_81] : memref<20000x32xf32, #tpu.memory_space<hbm>> -> memref<20000x32xf32, #tpu.memory_space<hbm>>
    tpu.enqueue_indirect_dma source(%dma_start3A_82 : memref<20000x32xf32, #tpu.memory_space<hbm>>) target(%dma_start3A_76 : memref<1000x32xf32, #tpu.memory_space<vmem>>) offsets(%dma_start3A_79 : memref<1000xi32, #tpu.memory_space<vmem>>) semaphore(%arg7 : memref<!tpu.dma_semaphore, #tpu.memory_space<semaphore_mem>>)
    %dma_wait3A_83 = arith.constant 1 : i32
    %dma_wait3A_84 = arith.constant 1 : i32
    %dma_wait3A_85 = arith.constant 0 : i32
    %dma_wait3A_86 = arith.constant 0 : i32
    %dma_wait3A_87 = tpu.memref_slice %arg6[%dma_wait3A_84, %dma_wait3A_85, %dma_wait3A_86] : memref<2x1000x32xf32, #tpu.memory_space<vmem>> -> memref<1x1000x32xf32, #tpu.memory_space<vmem>>
    %dma_wait3A_88 = tpu.memref_squeeze %dma_wait3A_87 : memref<1x1000x32xf32, #tpu.memory_space<vmem>> -> memref<1000x32xf32, #tpu.memory_space<vmem>>
    %dma_wait3A_89 = arith.constant 0 : i32
    %dma_wait3A_90 = tpu.memref_slice %arg5[%dma_wait3A_83, %dma_wait3A_89] : memref<2x1000xi32, #tpu.memory_space<vmem>> -> memref<1x1000xi32, #tpu.memory_space<vmem>>
    %dma_wait3A_91 = tpu.memref_squeeze %dma_wait3A_90 : memref<1x1000xi32, #tpu.memory_space<vmem>> -> memref<1000xi32, #tpu.memory_space<vmem>>
    %dma_wait3A_92 = arith.constant 0 : i32
    %dma_wait3A_93 = arith.constant 0 : i32
    %dma_wait3A_94 = tpu.memref_slice %arg2[%dma_wait3A_92, %dma_wait3A_93] : memref<20000x32xf32, #tpu.memory_space<hbm>> -> memref<20000x32xf32, #tpu.memory_space<hbm>>
    tpu.wait_indirect_dma semaphore(%arg7 : memref<!tpu.dma_semaphore, #tpu.memory_space<semaphore_mem>>) src(%dma_wait3A_94 : memref<20000x32xf32, #tpu.memory_space<hbm>>) dst(%dma_wait3A_88 : memref<1000x32xf32, #tpu.memory_space<vmem>>)
    %add3A_95 = arith.constant 1000 : i32
    %add3A_96 = arith.addi %mul3A_2, %add3A_95 : i32
    %dma_start3A_97 = arith.constant 1 : i32
    %dma_start3A_98 = arith.constant 0 : i32
    %dma_start3A_99 = arith.constant 0 : i32
    %dma_start3A_100 = tpu.memref_slice %arg6[%dma_start3A_97, %dma_start3A_98, %dma_start3A_99] : memref<2x1000x32xf32, #tpu.memory_space<vmem>> -> memref<1x1000x32xf32, #tpu.memory_space<vmem>>
    %dma_start3A_101 = tpu.memref_squeeze %dma_start3A_100 : memref<1x1000x32xf32, #tpu.memory_space<vmem>> -> memref<1000x32xf32, #tpu.memory_space<vmem>>
    %dma_start3A_102 = arith.constant 0 : i32
    %dma_start3A_103 = tpu.memref_slice %arg4[%add3A_96, %dma_start3A_102] : memref<320000x32xf32, #tpu.memory_space<hbm>> -> memref<1000x32xf32, #tpu.memory_space<hbm>>
    %dma_start3A_104 = arith.constant 0 : i32
    %dma_start3A_105 = tpu.memref_slice %arg4[%add3A_96, %dma_start3A_104] : memref<320000x32xf32, #tpu.memory_space<hbm>> -> memref<1000x32xf32, #tpu.memory_space<hbm>>
    %dma_start3A_106 = arith.constant 0 : i32
    %dma_start3A_107 = arith.constant 0 : i32
    %dma_start3A_108 = tpu.memref_slice %arg6[%dma_start3A_97, %dma_start3A_106, %dma_start3A_107] : memref<2x1000x32xf32, #tpu.memory_space<vmem>> -> memref<1x1000x32xf32, #tpu.memory_space<vmem>>
    %dma_start3A_109 = tpu.memref_squeeze %dma_start3A_108 : memref<1x1000x32xf32, #tpu.memory_space<vmem>> -> memref<1000x32xf32, #tpu.memory_space<vmem>>
    tpu.enqueue_dma source(%dma_start3A_109 : memref<1000x32xf32, #tpu.memory_space<vmem>>) target(%dma_start3A_105 : memref<1000x32xf32, #tpu.memory_space<hbm>>) target_semaphore(%arg8 : memref<!tpu.dma_semaphore, #tpu.memory_space<semaphore_mem>>)
    %add3A_110 = arith.constant 3000 : i32
    %add3A_111 = arith.addi %mul3A_2, %add3A_110 : i32
    %run_scoped3A_112 = arith.constant 1 : i32
    "tpu.region"() ({
      %run_scoped3A_548 = tpu.sem_alloc : memref<!tpu.dma_semaphore, #tpu.memory_space<semaphore_mem>>
      %dma_start3A_549 = arith.constant 0 : i32
      %dma_start3A_550 = tpu.memref_slice %arg5[%run_scoped3A_112, %dma_start3A_549] : memref<2x1000xi32, #tpu.memory_space<vmem>> -> memref<1x1000xi32, #tpu.memory_space<vmem>>
      %dma_start3A_551 = tpu.memref_squeeze %dma_start3A_550 : memref<1x1000xi32, #tpu.memory_space<vmem>> -> memref<1000xi32, #tpu.memory_space<vmem>>
      %dma_start3A_552 = tpu.memref_slice %arg3[%add3A_111] : memref<320000xi32, #tpu.memory_space<hbm>> -> memref<1000xi32, #tpu.memory_space<hbm>>
      %dma_start3A_553 = arith.constant 0 : i32
      %dma_start3A_554 = tpu.memref_slice %arg5[%run_scoped3A_112, %dma_start3A_553] : memref<2x1000xi32, #tpu.memory_space<vmem>> -> memref<1x1000xi32, #tpu.memory_space<vmem>>
      %dma_start3A_555 = tpu.memref_squeeze %dma_start3A_554 : memref<1x1000xi32, #tpu.memory_space<vmem>> -> memref<1000xi32, #tpu.memory_space<vmem>>
      %dma_start3A_556 = tpu.memref_slice %arg3[%add3A_111] : memref<320000xi32, #tpu.memory_space<hbm>> -> memref<1000xi32, #tpu.memory_space<hbm>>
      tpu.enqueue_dma source(%dma_start3A_556 : memref<1000xi32, #tpu.memory_space<hbm>>) target(%dma_start3A_555 : memref<1000xi32, #tpu.memory_space<vmem>>) target_semaphore(%run_scoped3A_548 : memref<!tpu.dma_semaphore, #tpu.memory_space<semaphore_mem>>)
      %dma_wait3A_557 = arith.constant 0 : i32
      %dma_wait3A_558 = tpu.memref_slice %arg5[%run_scoped3A_112, %dma_wait3A_557] : memref<2x1000xi32, #tpu.memory_space<vmem>> -> memref<1x1000xi32, #tpu.memory_space<vmem>>
      %dma_wait3A_559 = tpu.memref_squeeze %dma_wait3A_558 : memref<1x1000xi32, #tpu.memory_space<vmem>> -> memref<1000xi32, #tpu.memory_space<vmem>>
      %dma_wait3A_560 = tpu.memref_slice %arg3[%add3A_111] : memref<320000xi32, #tpu.memory_space<hbm>> -> memref<1000xi32, #tpu.memory_space<hbm>>
      %dma_wait3A_561 = arith.constant 0 : i32
      %dma_wait3A_562 = tpu.memref_slice %arg5[%run_scoped3A_112, %dma_wait3A_561] : memref<2x1000xi32, #tpu.memory_space<vmem>> -> memref<1x1000xi32, #tpu.memory_space<vmem>>
      %dma_wait3A_563 = tpu.memref_squeeze %dma_wait3A_562 : memref<1x1000xi32, #tpu.memory_space<vmem>> -> memref<1000xi32, #tpu.memory_space<vmem>>
      %dma_wait3A_564 = tpu.memref_slice %arg3[%add3A_111] : memref<320000xi32, #tpu.memory_space<hbm>> -> memref<1000xi32, #tpu.memory_space<hbm>>
      tpu.wait_dma2 semaphore(%run_scoped3A_548 : memref<!tpu.dma_semaphore, #tpu.memory_space<semaphore_mem>>) src(%dma_wait3A_564 : memref<1000xi32, #tpu.memory_space<hbm>>) dst(%dma_wait3A_563 : memref<1000xi32, #tpu.memory_space<vmem>>)
      tpu.yield
    }) : () -> ()
    %dma_wait3A_113 = arith.constant 1 : i32
    %dma_wait3A_114 = arith.constant 0 : i32
    %dma_wait3A_115 = arith.constant 0 : i32
    %dma_wait3A_116 = tpu.memref_slice %arg6[%dma_wait3A_113, %dma_wait3A_114, %dma_wait3A_115] : memref<2x1000x32xf32, #tpu.memory_space<vmem>> -> memref<1x1000x32xf32, #tpu.memory_space<vmem>>
    %dma_wait3A_117 = tpu.memref_squeeze %dma_wait3A_116 : memref<1x1000x32xf32, #tpu.memory_space<vmem>> -> memref<1000x32xf32, #tpu.memory_space<vmem>>
    %dma_wait3A_118 = arith.constant 0 : i32
    %dma_wait3A_119 = tpu.memref_slice %arg4[%add3A_96, %dma_wait3A_118] : memref<320000x32xf32, #tpu.memory_space<hbm>> -> memref<1000x32xf32, #tpu.memory_space<hbm>>
    %dma_wait3A_120 = arith.constant 0 : i32
    %dma_wait3A_121 = tpu.memref_slice %arg4[%add3A_96, %dma_wait3A_120] : memref<320000x32xf32, #tpu.memory_space<hbm>> -> memref<1000x32xf32, #tpu.memory_space<hbm>>
    %dma_wait3A_122 = arith.constant 0 : i32
    %dma_wait3A_123 = arith.constant 0 : i32
    %dma_wait3A_124 = tpu.memref_slice %arg6[%dma_wait3A_113, %dma_wait3A_122, %dma_wait3A_123] : memref<2x1000x32xf32, #tpu.memory_space<vmem>> -> memref<1x1000x32xf32, #tpu.memory_space<vmem>>
    %dma_wait3A_125 = tpu.memref_squeeze %dma_wait3A_124 : memref<1x1000x32xf32, #tpu.memory_space<vmem>> -> memref<1000x32xf32, #tpu.memory_space<vmem>>
    tpu.wait_dma2 semaphore(%arg8 : memref<!tpu.dma_semaphore, #tpu.memory_space<semaphore_mem>>) src(%dma_wait3A_125 : memref<1000x32xf32, #tpu.memory_space<vmem>>) dst(%dma_wait3A_121 : memref<1000x32xf32, #tpu.memory_space<hbm>>)
    %dma_start3A_126 = arith.constant 1 : i32
    %dma_start3A_127 = arith.constant 1 : i32
    %dma_start3A_128 = arith.constant 0 : i32
    %dma_start3A_129 = arith.constant 0 : i32
    %dma_start3A_130 = tpu.memref_slice %arg6[%dma_start3A_127, %dma_start3A_128, %dma_start3A_129] : memref<2x1000x32xf32, #tpu.memory_space<vmem>> -> memref<1x1000x32xf32, #tpu.memory_space<vmem>>
    %dma_start3A_131 = tpu.memref_squeeze %dma_start3A_130 : memref<1x1000x32xf32, #tpu.memory_space<vmem>> -> memref<1000x32xf32, #tpu.memory_space<vmem>>
    %dma_start3A_132 = arith.constant 0 : i32
    %dma_start3A_133 = tpu.memref_slice %arg5[%dma_start3A_126, %dma_start3A_132] : memref<2x1000xi32, #tpu.memory_space<vmem>> -> memref<1x1000xi32, #tpu.memory_space<vmem>>
    %dma_start3A_134 = tpu.memref_squeeze %dma_start3A_133 : memref<1x1000xi32, #tpu.memory_space<vmem>> -> memref<1000xi32, #tpu.memory_space<vmem>>
    %dma_start3A_135 = arith.constant 0 : i32
    %dma_start3A_136 = arith.constant 0 : i32
    %dma_start3A_137 = tpu.memref_slice %arg2[%dma_start3A_135, %dma_start3A_136] : memref<20000x32xf32, #tpu.memory_space<hbm>> -> memref<20000x32xf32, #tpu.memory_space<hbm>>
    tpu.enqueue_indirect_dma source(%dma_start3A_137 : memref<20000x32xf32, #tpu.memory_space<hbm>>) target(%dma_start3A_131 : memref<1000x32xf32, #tpu.memory_space<vmem>>) offsets(%dma_start3A_134 : memref<1000xi32, #tpu.memory_space<vmem>>) semaphore(%arg7 : memref<!tpu.dma_semaphore, #tpu.memory_space<semaphore_mem>>)
    %dma_wait3A_138 = arith.constant 0 : i32
    %dma_wait3A_139 = arith.constant 0 : i32
    %dma_wait3A_140 = arith.constant 0 : i32
    %dma_wait3A_141 = arith.constant 0 : i32
    %dma_wait3A_142 = tpu.memref_slice %arg6[%dma_wait3A_139, %dma_wait3A_140, %dma_wait3A_141] : memref<2x1000x32xf32, #tpu.memory_space<vmem>> -> memref<1x1000x32xf32, #tpu.memory_space<vmem>>
    %dma_wait3A_143 = tpu.memref_squeeze %dma_wait3A_142 : memref<1x1000x32xf32, #tpu.memory_space<vmem>> -> memref<1000x32xf32, #tpu.memory_space<vmem>>
    %dma_wait3A_144 = arith.constant 0 : i32
    %dma_wait3A_145 = tpu.memref_slice %arg5[%dma_wait3A_138, %dma_wait3A_144] : memref<2x1000xi32, #tpu.memory_space<vmem>> -> memref<1x1000xi32, #tpu.memory_space<vmem>>
    %dma_wait3A_146 = tpu.memref_squeeze %dma_wait3A_145 : memref<1x1000xi32, #tpu.memory_space<vmem>> -> memref<1000xi32, #tpu.memory_space<vmem>>
    %dma_wait3A_147 = arith.constant 0 : i32
    %dma_wait3A_148 = arith.constant 0 : i32
    %dma_wait3A_149 = tpu.memref_slice %arg2[%dma_wait3A_147, %dma_wait3A_148] : memref<20000x32xf32, #tpu.memory_space<hbm>> -> memref<20000x32xf32, #tpu.memory_space<hbm>>
    tpu.wait_indirect_dma semaphore(%arg7 : memref<!tpu.dma_semaphore, #tpu.memory_space<semaphore_mem>>) src(%dma_wait3A_149 : memref<20000x32xf32, #tpu.memory_space<hbm>>) dst(%dma_wait3A_143 : memref<1000x32xf32, #tpu.memory_space<vmem>>)
    %add3A_150 = arith.constant 2000 : i32
    %add3A_151 = arith.addi %mul3A_2, %add3A_150 : i32
    %dma_start3A_152 = arith.constant 0 : i32
    %dma_start3A_153 = arith.constant 0 : i32
    %dma_start3A_154 = arith.constant 0 : i32
    %dma_start3A_155 = tpu.memref_slice %arg6[%dma_start3A_152, %dma_start3A_153, %dma_start3A_154] : memref<2x1000x32xf32, #tpu.memory_space<vmem>> -> memref<1x1000x32xf32, #tpu.memory_space<vmem>>
    %dma_start3A_156 = tpu.memref_squeeze %dma_start3A_155 : memref<1x1000x32xf32, #tpu.memory_space<vmem>> -> memref<1000x32xf32, #tpu.memory_space<vmem>>
    %dma_start3A_157 = arith.constant 0 : i32
    %dma_start3A_158 = tpu.memref_slice %arg4[%add3A_151, %dma_start3A_157] : memref<320000x32xf32, #tpu.memory_space<hbm>> -> memref<1000x32xf32, #tpu.memory_space<hbm>>
    %dma_start3A_159 = arith.constant 0 : i32
    %dma_start3A_160 = tpu.memref_slice %arg4[%add3A_151, %dma_start3A_159] : memref<320000x32xf32, #tpu.memory_space<hbm>> -> memref<1000x32xf32, #tpu.memory_space<hbm>>
    %dma_start3A_161 = arith.constant 0 : i32
    %dma_start3A_162 = arith.constant 0 : i32
    %dma_start3A_163 = tpu.memref_slice %arg6[%dma_start3A_152, %dma_start3A_161, %dma_start3A_162] : memref<2x1000x32xf32, #tpu.memory_space<vmem>> -> memref<1x1000x32xf32, #tpu.memory_space<vmem>>
    %dma_start3A_164 = tpu.memref_squeeze %dma_start3A_163 : memref<1x1000x32xf32, #tpu.memory_space<vmem>> -> memref<1000x32xf32, #tpu.memory_space<vmem>>
    tpu.enqueue_dma source(%dma_start3A_164 : memref<1000x32xf32, #tpu.memory_space<vmem>>) target(%dma_start3A_160 : memref<1000x32xf32, #tpu.memory_space<hbm>>) target_semaphore(%arg8 : memref<!tpu.dma_semaphore, #tpu.memory_space<semaphore_mem>>)
    %add3A_165 = arith.constant 4000 : i32
    %add3A_166 = arith.addi %mul3A_2, %add3A_165 : i32
    %run_scoped3A_167 = arith.constant 0 : i32
    "tpu.region"() ({
      %run_scoped3A_548 = tpu.sem_alloc : memref<!tpu.dma_semaphore, #tpu.memory_space<semaphore_mem>>
      %dma_start3A_549 = arith.constant 0 : i32
      %dma_start3A_550 = tpu.memref_slice %arg5[%run_scoped3A_167, %dma_start3A_549] : memref<2x1000xi32, #tpu.memory_space<vmem>> -> memref<1x1000xi32, #tpu.memory_space<vmem>>
      %dma_start3A_551 = tpu.memref_squeeze %dma_start3A_550 : memref<1x1000xi32, #tpu.memory_space<vmem>> -> memref<1000xi32, #tpu.memory_space<vmem>>
      %dma_start3A_552 = tpu.memref_slice %arg3[%add3A_166] : memref<320000xi32, #tpu.memory_space<hbm>> -> memref<1000xi32, #tpu.memory_space<hbm>>
      %dma_start3A_553 = arith.constant 0 : i32
      %dma_start3A_554 = tpu.memref_slice %arg5[%run_scoped3A_167, %dma_start3A_553] : memref<2x1000xi32, #tpu.memory_space<vmem>> -> memref<1x1000xi32, #tpu.memory_space<vmem>>
      %dma_start3A_555 = tpu.memref_squeeze %dma_start3A_554 : memref<1x1000xi32, #tpu.memory_space<vmem>> -> memref<1000xi32, #tpu.memory_space<vmem>>
      %dma_start3A_556 = tpu.memref_slice %arg3[%add3A_166] : memref<320000xi32, #tpu.memory_space<hbm>> -> memref<1000xi32, #tpu.memory_space<hbm>>
      tpu.enqueue_dma source(%dma_start3A_556 : memref<1000xi32, #tpu.memory_space<hbm>>) target(%dma_start3A_555 : memref<1000xi32, #tpu.memory_space<vmem>>) target_semaphore(%run_scoped3A_548 : memref<!tpu.dma_semaphore, #tpu.memory_space<semaphore_mem>>)
      %dma_wait3A_557 = arith.constant 0 : i32
      %dma_wait3A_558 = tpu.memref_slice %arg5[%run_scoped3A_167, %dma_wait3A_557] : memref<2x1000xi32, #tpu.memory_space<vmem>> -> memref<1x1000xi32, #tpu.memory_space<vmem>>
      %dma_wait3A_559 = tpu.memref_squeeze %dma_wait3A_558 : memref<1x1000xi32, #tpu.memory_space<vmem>> -> memref<1000xi32, #tpu.memory_space<vmem>>
      %dma_wait3A_560 = tpu.memref_slice %arg3[%add3A_166] : memref<320000xi32, #tpu.memory_space<hbm>> -> memref<1000xi32, #tpu.memory_space<hbm>>
      %dma_wait3A_561 = arith.constant 0 : i32
      %dma_wait3A_562 = tpu.memref_slice %arg5[%run_scoped3A_167, %dma_wait3A_561] : memref<2x1000xi32, #tpu.memory_space<vmem>> -> memref<1x1000xi32, #tpu.memory_space<vmem>>
      %dma_wait3A_563 = tpu.memref_squeeze %dma_wait3A_562 : memref<1x1000xi32, #tpu.memory_space<vmem>> -> memref<1000xi32, #tpu.memory_space<vmem>>
      %dma_wait3A_564 = tpu.memref_slice %arg3[%add3A_166] : memref<320000xi32, #tpu.memory_space<hbm>> -> memref<1000xi32, #tpu.memory_space<hbm>>
      tpu.wait_dma2 semaphore(%run_scoped3A_548 : memref<!tpu.dma_semaphore, #tpu.memory_space<semaphore_mem>>) src(%dma_wait3A_564 : memref<1000xi32, #tpu.memory_space<hbm>>) dst(%dma_wait3A_563 : memref<1000xi32, #tpu.memory_space<vmem>>)
      tpu.yield
    }) : () -> ()
    %dma_wait3A_168 = arith.constant 0 : i32
    %dma_wait3A_169 = arith.constant 0 : i32
    %dma_wait3A_170 = arith.constant 0 : i32
    %dma_wait3A_171 = tpu.memref_slice %arg6[%dma_wait3A_168, %dma_wait3A_169, %dma_wait3A_170] : memref<2x1000x32xf32, #tpu.memory_space<vmem>> -> memref<1x1000x32xf32, #tpu.memory_space<vmem>>
    %dma_wait3A_172 = tpu.memref_squeeze %dma_wait3A_171 : memref<1x1000x32xf32, #tpu.memory_space<vmem>> -> memref<1000x32xf32, #tpu.memory_space<vmem>>
    %dma_wait3A_173 = arith.constant 0 : i32
    %dma_wait3A_174 = tpu.memref_slice %arg4[%add3A_151, %dma_wait3A_173] : memref<320000x32xf32, #tpu.memory_space<hbm>> -> memref<1000x32xf32, #tpu.memory_space<hbm>>
    %dma_wait3A_175 = arith.constant 0 : i32
    %dma_wait3A_176 = tpu.memref_slice %arg4[%add3A_151, %dma_wait3A_175] : memref<320000x32xf32, #tpu.memory_space<hbm>> -> memref<1000x32xf32, #tpu.memory_space<hbm>>
    %dma_wait3A_177 = arith.constant 0 : i32
    %dma_wait3A_178 = arith.constant 0 : i32
    %dma_wait3A_179 = tpu.memref_slice %arg6[%dma_wait3A_168, %dma_wait3A_177, %dma_wait3A_178] : memref<2x1000x32xf32, #tpu.memory_space<vmem>> -> memref<1x1000x32xf32, #tpu.memory_space<vmem>>
    %dma_wait3A_180 = tpu.memref_squeeze %dma_wait3A_179 : memref<1x1000x32xf32, #tpu.memory_space<vmem>> -> memref<1000x32xf32, #tpu.memory_space<vmem>>
    tpu.wait_dma2 semaphore(%arg8 : memref<!tpu.dma_semaphore, #tpu.memory_space<semaphore_mem>>) src(%dma_wait3A_180 : memref<1000x32xf32, #tpu.memory_space<vmem>>) dst(%dma_wait3A_176 : memref<1000x32xf32, #tpu.memory_space<hbm>>)
    %dma_start3A_181 = arith.constant 0 : i32
    %dma_start3A_182 = arith.constant 0 : i32
    %dma_start3A_183 = arith.constant 0 : i32
    %dma_start3A_184 = arith.constant 0 : i32
    %dma_start3A_185 = tpu.memref_slice %arg6[%dma_start3A_182, %dma_start3A_183, %dma_start3A_184] : memref<2x1000x32xf32, #tpu.memory_space<vmem>> -> memref<1x1000x32xf32, #tpu.memory_space<vmem>>
    %dma_start3A_186 = tpu.memref_squeeze %dma_start3A_185 : memref<1x1000x32xf32, #tpu.memory_space<vmem>> -> memref<1000x32xf32, #tpu.memory_space<vmem>>
    %dma_start3A_187 = arith.constant 0 : i32
    %dma_start3A_188 = tpu.memref_slice %arg5[%dma_start3A_181, %dma_start3A_187] : memref<2x1000xi32, #tpu.memory_space<vmem>> -> memref<1x1000xi32, #tpu.memory_space<vmem>>
    %dma_start3A_189 = tpu.memref_squeeze %dma_start3A_188 : memref<1x1000xi32, #tpu.memory_space<vmem>> -> memref<1000xi32, #tpu.memory_space<vmem>>
    %dma_start3A_190 = arith.constant 0 : i32
    %dma_start3A_191 = arith.constant 0 : i32
    %dma_start3A_192 = tpu.memref_slice %arg2[%dma_start3A_190, %dma_start3A_191] : memref<20000x32xf32, #tpu.memory_space<hbm>> -> memref<20000x32xf32, #tpu.memory_space<hbm>>
    tpu.enqueue_indirect_dma source(%dma_start3A_192 : memref<20000x32xf32, #tpu.memory_space<hbm>>) target(%dma_start3A_186 : memref<1000x32xf32, #tpu.memory_space<vmem>>) offsets(%dma_start3A_189 : memref<1000xi32, #tpu.memory_space<vmem>>) semaphore(%arg7 : memref<!tpu.dma_semaphore, #tpu.memory_space<semaphore_mem>>)
    %dma_wait3A_193 = arith.constant 1 : i32
    %dma_wait3A_194 = arith.constant 1 : i32
    %dma_wait3A_195 = arith.constant 0 : i32
    %dma_wait3A_196 = arith.constant 0 : i32
    %dma_wait3A_197 = tpu.memref_slice %arg6[%dma_wait3A_194, %dma_wait3A_195, %dma_wait3A_196] : memref<2x1000x32xf32, #tpu.memory_space<vmem>> -> memref<1x1000x32xf32, #tpu.memory_space<vmem>>
    %dma_wait3A_198 = tpu.memref_squeeze %dma_wait3A_197 : memref<1x1000x32xf32, #tpu.memory_space<vmem>> -> memref<1000x32xf32, #tpu.memory_space<vmem>>
    %dma_wait3A_199 = arith.constant 0 : i32
    %dma_wait3A_200 = tpu.memref_slice %arg5[%dma_wait3A_193, %dma_wait3A_199] : memref<2x1000xi32, #tpu.memory_space<vmem>> -> memref<1x1000xi32, #tpu.memory_space<vmem>>
    %dma_wait3A_201 = tpu.memref_squeeze %dma_wait3A_200 : memref<1x1000xi32, #tpu.memory_space<vmem>> -> memref<1000xi32, #tpu.memory_space<vmem>>
    %dma_wait3A_202 = arith.constant 0 : i32
    %dma_wait3A_203 = arith.constant 0 : i32
    %dma_wait3A_204 = tpu.memref_slice %arg2[%dma_wait3A_202, %dma_wait3A_203] : memref<20000x32xf32, #tpu.memory_space<hbm>> -> memref<20000x32xf32, #tpu.memory_space<hbm>>
    tpu.wait_indirect_dma semaphore(%arg7 : memref<!tpu.dma_semaphore, #tpu.memory_space<semaphore_mem>>) src(%dma_wait3A_204 : memref<20000x32xf32, #tpu.memory_space<hbm>>) dst(%dma_wait3A_198 : memref<1000x32xf32, #tpu.memory_space<vmem>>)
    %add3A_205 = arith.constant 3000 : i32
    %add3A_206 = arith.addi %mul3A_2, %add3A_205 : i32
    %dma_start3A_207 = arith.constant 1 : i32
    %dma_start3A_208 = arith.constant 0 : i32
    %dma_start3A_209 = arith.constant 0 : i32
    %dma_start3A_210 = tpu.memref_slice %arg6[%dma_start3A_207, %dma_start3A_208, %dma_start3A_209] : memref<2x1000x32xf32, #tpu.memory_space<vmem>> -> memref<1x1000x32xf32, #tpu.memory_space<vmem>>
    %dma_start3A_211 = tpu.memref_squeeze %dma_start3A_210 : memref<1x1000x32xf32, #tpu.memory_space<vmem>> -> memref<1000x32xf32, #tpu.memory_space<vmem>>
    %dma_start3A_212 = arith.constant 0 : i32
    %dma_start3A_213 = tpu.memref_slice %arg4[%add3A_206, %dma_start3A_212] : memref<320000x32xf32, #tpu.memory_space<hbm>> -> memref<1000x32xf32, #tpu.memory_space<hbm>>
    %dma_start3A_214 = arith.constant 0 : i32
    %dma_start3A_215 = tpu.memref_slice %arg4[%add3A_206, %dma_start3A_214] : memref<320000x32xf32, #tpu.memory_space<hbm>> -> memref<1000x32xf32, #tpu.memory_space<hbm>>
    %dma_start3A_216 = arith.constant 0 : i32
    %dma_start3A_217 = arith.constant 0 : i32
    %dma_start3A_218 = tpu.memref_slice %arg6[%dma_start3A_207, %dma_start3A_216, %dma_start3A_217] : memref<2x1000x32xf32, #tpu.memory_space<vmem>> -> memref<1x1000x32xf32, #tpu.memory_space<vmem>>
    %dma_start3A_219 = tpu.memref_squeeze %dma_start3A_218 : memref<1x1000x32xf32, #tpu.memory_space<vmem>> -> memref<1000x32xf32, #tpu.memory_space<vmem>>
    tpu.enqueue_dma source(%dma_start3A_219 : memref<1000x32xf32, #tpu.memory_space<vmem>>) target(%dma_start3A_215 : memref<1000x32xf32, #tpu.memory_space<hbm>>) target_semaphore(%arg8 : memref<!tpu.dma_semaphore, #tpu.memory_space<semaphore_mem>>)
    %add3A_220 = arith.constant 5000 : i32
    %add3A_221 = arith.addi %mul3A_2, %add3A_220 : i32
    %run_scoped3A_222 = arith.constant 1 : i32
    "tpu.region"() ({
      %run_scoped3A_548 = tpu.sem_alloc : memref<!tpu.dma_semaphore, #tpu.memory_space<semaphore_mem>>
      %dma_start3A_549 = arith.constant 0 : i32
      %dma_start3A_550 = tpu.memref_slice %arg5[%run_scoped3A_222, %dma_start3A_549] : memref<2x1000xi32, #tpu.memory_space<vmem>> -> memref<1x1000xi32, #tpu.memory_space<vmem>>
      %dma_start3A_551 = tpu.memref_squeeze %dma_start3A_550 : memref<1x1000xi32, #tpu.memory_space<vmem>> -> memref<1000xi32, #tpu.memory_space<vmem>>
      %dma_start3A_552 = tpu.memref_slice %arg3[%add3A_221] : memref<320000xi32, #tpu.memory_space<hbm>> -> memref<1000xi32, #tpu.memory_space<hbm>>
      %dma_start3A_553 = arith.constant 0 : i32
      %dma_start3A_554 = tpu.memref_slice %arg5[%run_scoped3A_222, %dma_start3A_553] : memref<2x1000xi32, #tpu.memory_space<vmem>> -> memref<1x1000xi32, #tpu.memory_space<vmem>>
      %dma_start3A_555 = tpu.memref_squeeze %dma_start3A_554 : memref<1x1000xi32, #tpu.memory_space<vmem>> -> memref<1000xi32, #tpu.memory_space<vmem>>
      %dma_start3A_556 = tpu.memref_slice %arg3[%add3A_221] : memref<320000xi32, #tpu.memory_space<hbm>> -> memref<1000xi32, #tpu.memory_space<hbm>>
      tpu.enqueue_dma source(%dma_start3A_556 : memref<1000xi32, #tpu.memory_space<hbm>>) target(%dma_start3A_555 : memref<1000xi32, #tpu.memory_space<vmem>>) target_semaphore(%run_scoped3A_548 : memref<!tpu.dma_semaphore, #tpu.memory_space<semaphore_mem>>)
      %dma_wait3A_557 = arith.constant 0 : i32
      %dma_wait3A_558 = tpu.memref_slice %arg5[%run_scoped3A_222, %dma_wait3A_557] : memref<2x1000xi32, #tpu.memory_space<vmem>> -> memref<1x1000xi32, #tpu.memory_space<vmem>>
      %dma_wait3A_559 = tpu.memref_squeeze %dma_wait3A_558 : memref<1x1000xi32, #tpu.memory_space<vmem>> -> memref<1000xi32, #tpu.memory_space<vmem>>
      %dma_wait3A_560 = tpu.memref_slice %arg3[%add3A_221] : memref<320000xi32, #tpu.memory_space<hbm>> -> memref<1000xi32, #tpu.memory_space<hbm>>
      %dma_wait3A_561 = arith.constant 0 : i32
      %dma_wait3A_562 = tpu.memref_slice %arg5[%run_scoped3A_222, %dma_wait3A_561] : memref<2x1000xi32, #tpu.memory_space<vmem>> -> memref<1x1000xi32, #tpu.memory_space<vmem>>
      %dma_wait3A_563 = tpu.memref_squeeze %dma_wait3A_562 : memref<1x1000xi32, #tpu.memory_space<vmem>> -> memref<1000xi32, #tpu.memory_space<vmem>>
      %dma_wait3A_564 = tpu.memref_slice %arg3[%add3A_221] : memref<320000xi32, #tpu.memory_space<hbm>> -> memref<1000xi32, #tpu.memory_space<hbm>>
      tpu.wait_dma2 semaphore(%run_scoped3A_548 : memref<!tpu.dma_semaphore, #tpu.memory_space<semaphore_mem>>) src(%dma_wait3A_564 : memref<1000xi32, #tpu.memory_space<hbm>>) dst(%dma_wait3A_563 : memref<1000xi32, #tpu.memory_space<vmem>>)
      tpu.yield
    }) : () -> ()
    %dma_wait3A_223 = arith.constant 1 : i32
    %dma_wait3A_224 = arith.constant 0 : i32
    %dma_wait3A_225 = arith.constant 0 : i32
    %dma_wait3A_226 = tpu.memref_slice %arg6[%dma_wait3A_223, %dma_wait3A_224, %dma_wait3A_225] : memref<2x1000x32xf32, #tpu.memory_space<vmem>> -> memref<1x1000x32xf32, #tpu.memory_space<vmem>>
    %dma_wait3A_227 = tpu.memref_squeeze %dma_wait3A_226 : memref<1x1000x32xf32, #tpu.memory_space<vmem>> -> memref<1000x32xf32, #tpu.memory_space<vmem>>
    %dma_wait3A_228 = arith.constant 0 : i32
    %dma_wait3A_229 = tpu.memref_slice %arg4[%add3A_206, %dma_wait3A_228] : memref<320000x32xf32, #tpu.memory_space<hbm>> -> memref<1000x32xf32, #tpu.memory_space<hbm>>
    %dma_wait3A_230 = arith.constant 0 : i32
    %dma_wait3A_231 = tpu.memref_slice %arg4[%add3A_206, %dma_wait3A_230] : memref<320000x32xf32, #tpu.memory_space<hbm>> -> memref<1000x32xf32, #tpu.memory_space<hbm>>
    %dma_wait3A_232 = arith.constant 0 : i32
    %dma_wait3A_233 = arith.constant 0 : i32
    %dma_wait3A_234 = tpu.memref_slice %arg6[%dma_wait3A_223, %dma_wait3A_232, %dma_wait3A_233] : memref<2x1000x32xf32, #tpu.memory_space<vmem>> -> memref<1x1000x32xf32, #tpu.memory_space<vmem>>
    %dma_wait3A_235 = tpu.memref_squeeze %dma_wait3A_234 : memref<1x1000x32xf32, #tpu.memory_space<vmem>> -> memref<1000x32xf32, #tpu.memory_space<vmem>>
    tpu.wait_dma2 semaphore(%arg8 : memref<!tpu.dma_semaphore, #tpu.memory_space<semaphore_mem>>) src(%dma_wait3A_235 : memref<1000x32xf32, #tpu.memory_space<vmem>>) dst(%dma_wait3A_231 : memref<1000x32xf32, #tpu.memory_space<hbm>>)
    %dma_start3A_236 = arith.constant 1 : i32
    %dma_start3A_237 = arith.constant 1 : i32
    %dma_start3A_238 = arith.constant 0 : i32
    %dma_start3A_239 = arith.constant 0 : i32
    %dma_start3A_240 = tpu.memref_slice %arg6[%dma_start3A_237, %dma_start3A_238, %dma_start3A_239] : memref<2x1000x32xf32, #tpu.memory_space<vmem>> -> memref<1x1000x32xf32, #tpu.memory_space<vmem>>
    %dma_start3A_241 = tpu.memref_squeeze %dma_start3A_240 : memref<1x1000x32xf32, #tpu.memory_space<vmem>> -> memref<1000x32xf32, #tpu.memory_space<vmem>>
    %dma_start3A_242 = arith.constant 0 : i32
    %dma_start3A_243 = tpu.memref_slice %arg5[%dma_start3A_236, %dma_start3A_242] : memref<2x1000xi32, #tpu.memory_space<vmem>> -> memref<1x1000xi32, #tpu.memory_space<vmem>>
    %dma_start3A_244 = tpu.memref_squeeze %dma_start3A_243 : memref<1x1000xi32, #tpu.memory_space<vmem>> -> memref<1000xi32, #tpu.memory_space<vmem>>
    %dma_start3A_245 = arith.constant 0 : i32
    %dma_start3A_246 = arith.constant 0 : i32
    %dma_start3A_247 = tpu.memref_slice %arg2[%dma_start3A_245, %dma_start3A_246] : memref<20000x32xf32, #tpu.memory_space<hbm>> -> memref<20000x32xf32, #tpu.memory_space<hbm>>
    tpu.enqueue_indirect_dma source(%dma_start3A_247 : memref<20000x32xf32, #tpu.memory_space<hbm>>) target(%dma_start3A_241 : memref<1000x32xf32, #tpu.memory_space<vmem>>) offsets(%dma_start3A_244 : memref<1000xi32, #tpu.memory_space<vmem>>) semaphore(%arg7 : memref<!tpu.dma_semaphore, #tpu.memory_space<semaphore_mem>>)
    %dma_wait3A_248 = arith.constant 0 : i32
    %dma_wait3A_249 = arith.constant 0 : i32
    %dma_wait3A_250 = arith.constant 0 : i32
    %dma_wait3A_251 = arith.constant 0 : i32
    %dma_wait3A_252 = tpu.memref_slice %arg6[%dma_wait3A_249, %dma_wait3A_250, %dma_wait3A_251] : memref<2x1000x32xf32, #tpu.memory_space<vmem>> -> memref<1x1000x32xf32, #tpu.memory_space<vmem>>
    %dma_wait3A_253 = tpu.memref_squeeze %dma_wait3A_252 : memref<1x1000x32xf32, #tpu.memory_space<vmem>> -> memref<1000x32xf32, #tpu.memory_space<vmem>>
    %dma_wait3A_254 = arith.constant 0 : i32
    %dma_wait3A_255 = tpu.memref_slice %arg5[%dma_wait3A_248, %dma_wait3A_254] : memref<2x1000xi32, #tpu.memory_space<vmem>> -> memref<1x1000xi32, #tpu.memory_space<vmem>>
    %dma_wait3A_256 = tpu.memref_squeeze %dma_wait3A_255 : memref<1x1000xi32, #tpu.memory_space<vmem>> -> memref<1000xi32, #tpu.memory_space<vmem>>
    %dma_wait3A_257 = arith.constant 0 : i32
    %dma_wait3A_258 = arith.constant 0 : i32
    %dma_wait3A_259 = tpu.memref_slice %arg2[%dma_wait3A_257, %dma_wait3A_258] : memref<20000x32xf32, #tpu.memory_space<hbm>> -> memref<20000x32xf32, #tpu.memory_space<hbm>>
    tpu.wait_indirect_dma semaphore(%arg7 : memref<!tpu.dma_semaphore, #tpu.memory_space<semaphore_mem>>) src(%dma_wait3A_259 : memref<20000x32xf32, #tpu.memory_space<hbm>>) dst(%dma_wait3A_253 : memref<1000x32xf32, #tpu.memory_space<vmem>>)
    %add3A_260 = arith.constant 4000 : i32
    %add3A_261 = arith.addi %mul3A_2, %add3A_260 : i32
    %dma_start3A_262 = arith.constant 0 : i32
    %dma_start3A_263 = arith.constant 0 : i32
    %dma_start3A_264 = arith.constant 0 : i32
    %dma_start3A_265 = tpu.memref_slice %arg6[%dma_start3A_262, %dma_start3A_263, %dma_start3A_264] : memref<2x1000x32xf32, #tpu.memory_space<vmem>> -> memref<1x1000x32xf32, #tpu.memory_space<vmem>>
    %dma_start3A_266 = tpu.memref_squeeze %dma_start3A_265 : memref<1x1000x32xf32, #tpu.memory_space<vmem>> -> memref<1000x32xf32, #tpu.memory_space<vmem>>
    %dma_start3A_267 = arith.constant 0 : i32
    %dma_start3A_268 = tpu.memref_slice %arg4[%add3A_261, %dma_start3A_267] : memref<320000x32xf32, #tpu.memory_space<hbm>> -> memref<1000x32xf32, #tpu.memory_space<hbm>>
    %dma_start3A_269 = arith.constant 0 : i32
    %dma_start3A_270 = tpu.memref_slice %arg4[%add3A_261, %dma_start3A_269] : memref<320000x32xf32, #tpu.memory_space<hbm>> -> memref<1000x32xf32, #tpu.memory_space<hbm>>
    %dma_start3A_271 = arith.constant 0 : i32
    %dma_start3A_272 = arith.constant 0 : i32
    %dma_start3A_273 = tpu.memref_slice %arg6[%dma_start3A_262, %dma_start3A_271, %dma_start3A_272] : memref<2x1000x32xf32, #tpu.memory_space<vmem>> -> memref<1x1000x32xf32, #tpu.memory_space<vmem>>
    %dma_start3A_274 = tpu.memref_squeeze %dma_start3A_273 : memref<1x1000x32xf32, #tpu.memory_space<vmem>> -> memref<1000x32xf32, #tpu.memory_space<vmem>>
    tpu.enqueue_dma source(%dma_start3A_274 : memref<1000x32xf32, #tpu.memory_space<vmem>>) target(%dma_start3A_270 : memref<1000x32xf32, #tpu.memory_space<hbm>>) target_semaphore(%arg8 : memref<!tpu.dma_semaphore, #tpu.memory_space<semaphore_mem>>)
    %add3A_275 = arith.constant 6000 : i32
    %add3A_276 = arith.addi %mul3A_2, %add3A_275 : i32
    %run_scoped3A_277 = arith.constant 0 : i32
    "tpu.region"() ({
      %run_scoped3A_548 = tpu.sem_alloc : memref<!tpu.dma_semaphore, #tpu.memory_space<semaphore_mem>>
      %dma_start3A_549 = arith.constant 0 : i32
      %dma_start3A_550 = tpu.memref_slice %arg5[%run_scoped3A_277, %dma_start3A_549] : memref<2x1000xi32, #tpu.memory_space<vmem>> -> memref<1x1000xi32, #tpu.memory_space<vmem>>
      %dma_start3A_551 = tpu.memref_squeeze %dma_start3A_550 : memref<1x1000xi32, #tpu.memory_space<vmem>> -> memref<1000xi32, #tpu.memory_space<vmem>>
      %dma_start3A_552 = tpu.memref_slice %arg3[%add3A_276] : memref<320000xi32, #tpu.memory_space<hbm>> -> memref<1000xi32, #tpu.memory_space<hbm>>
      %dma_start3A_553 = arith.constant 0 : i32
      %dma_start3A_554 = tpu.memref_slice %arg5[%run_scoped3A_277, %dma_start3A_553] : memref<2x1000xi32, #tpu.memory_space<vmem>> -> memref<1x1000xi32, #tpu.memory_space<vmem>>
      %dma_start3A_555 = tpu.memref_squeeze %dma_start3A_554 : memref<1x1000xi32, #tpu.memory_space<vmem>> -> memref<1000xi32, #tpu.memory_space<vmem>>
      %dma_start3A_556 = tpu.memref_slice %arg3[%add3A_276] : memref<320000xi32, #tpu.memory_space<hbm>> -> memref<1000xi32, #tpu.memory_space<hbm>>
      tpu.enqueue_dma source(%dma_start3A_556 : memref<1000xi32, #tpu.memory_space<hbm>>) target(%dma_start3A_555 : memref<1000xi32, #tpu.memory_space<vmem>>) target_semaphore(%run_scoped3A_548 : memref<!tpu.dma_semaphore, #tpu.memory_space<semaphore_mem>>)
      %dma_wait3A_557 = arith.constant 0 : i32
      %dma_wait3A_558 = tpu.memref_slice %arg5[%run_scoped3A_277, %dma_wait3A_557] : memref<2x1000xi32, #tpu.memory_space<vmem>> -> memref<1x1000xi32, #tpu.memory_space<vmem>>
      %dma_wait3A_559 = tpu.memref_squeeze %dma_wait3A_558 : memref<1x1000xi32, #tpu.memory_space<vmem>> -> memref<1000xi32, #tpu.memory_space<vmem>>
      %dma_wait3A_560 = tpu.memref_slice %arg3[%add3A_276] : memref<320000xi32, #tpu.memory_space<hbm>> -> memref<1000xi32, #tpu.memory_space<hbm>>
      %dma_wait3A_561 = arith.constant 0 : i32
      %dma_wait3A_562 = tpu.memref_slice %arg5[%run_scoped3A_277, %dma_wait3A_561] : memref<2x1000xi32, #tpu.memory_space<vmem>> -> memref<1x1000xi32, #tpu.memory_space<vmem>>
      %dma_wait3A_563 = tpu.memref_squeeze %dma_wait3A_562 : memref<1x1000xi32, #tpu.memory_space<vmem>> -> memref<1000xi32, #tpu.memory_space<vmem>>
      %dma_wait3A_564 = tpu.memref_slice %arg3[%add3A_276] : memref<320000xi32, #tpu.memory_space<hbm>> -> memref<1000xi32, #tpu.memory_space<hbm>>
      tpu.wait_dma2 semaphore(%run_scoped3A_548 : memref<!tpu.dma_semaphore, #tpu.memory_space<semaphore_mem>>) src(%dma_wait3A_564 : memref<1000xi32, #tpu.memory_space<hbm>>) dst(%dma_wait3A_563 : memref<1000xi32, #tpu.memory_space<vmem>>)
      tpu.yield
    }) : () -> ()
    %dma_wait3A_278 = arith.constant 0 : i32
    %dma_wait3A_279 = arith.constant 0 : i32
    %dma_wait3A_280 = arith.constant 0 : i32
    %dma_wait3A_281 = tpu.memref_slice %arg6[%dma_wait3A_278, %dma_wait3A_279, %dma_wait3A_280] : memref<2x1000x32xf32, #tpu.memory_space<vmem>> -> memref<1x1000x32xf32, #tpu.memory_space<vmem>>
    %dma_wait3A_282 = tpu.memref_squeeze %dma_wait3A_281 : memref<1x1000x32xf32, #tpu.memory_space<vmem>> -> memref<1000x32xf32, #tpu.memory_space<vmem>>
    %dma_wait3A_283 = arith.constant 0 : i32
    %dma_wait3A_284 = tpu.memref_slice %arg4[%add3A_261, %dma_wait3A_283] : memref<320000x32xf32, #tpu.memory_space<hbm>> -> memref<1000x32xf32, #tpu.memory_space<hbm>>
    %dma_wait3A_285 = arith.constant 0 : i32
    %dma_wait3A_286 = tpu.memref_slice %arg4[%add3A_261, %dma_wait3A_285] : memref<320000x32xf32, #tpu.memory_space<hbm>> -> memref<1000x32xf32, #tpu.memory_space<hbm>>
    %dma_wait3A_287 = arith.constant 0 : i32
    %dma_wait3A_288 = arith.constant 0 : i32
    %dma_wait3A_289 = tpu.memref_slice %arg6[%dma_wait3A_278, %dma_wait3A_287, %dma_wait3A_288] : memref<2x1000x32xf32, #tpu.memory_space<vmem>> -> memref<1x1000x32xf32, #tpu.memory_space<vmem>>
    %dma_wait3A_290 = tpu.memref_squeeze %dma_wait3A_289 : memref<1x1000x32xf32, #tpu.memory_space<vmem>> -> memref<1000x32xf32, #tpu.memory_space<vmem>>
    tpu.wait_dma2 semaphore(%arg8 : memref<!tpu.dma_semaphore, #tpu.memory_space<semaphore_mem>>) src(%dma_wait3A_290 : memref<1000x32xf32, #tpu.memory_space<vmem>>) dst(%dma_wait3A_286 : memref<1000x32xf32, #tpu.memory_space<hbm>>)
    %dma_start3A_291 = arith.constant 0 : i32
    %dma_start3A_292 = arith.constant 0 : i32
    %dma_start3A_293 = arith.constant 0 : i32
    %dma_start3A_294 = arith.constant 0 : i32
    %dma_start3A_295 = tpu.memref_slice %arg6[%dma_start3A_292, %dma_start3A_293, %dma_start3A_294] : memref<2x1000x32xf32, #tpu.memory_space<vmem>> -> memref<1x1000x32xf32, #tpu.memory_space<vmem>>
    %dma_start3A_296 = tpu.memref_squeeze %dma_start3A_295 : memref<1x1000x32xf32, #tpu.memory_space<vmem>> -> memref<1000x32xf32, #tpu.memory_space<vmem>>
    %dma_start3A_297 = arith.constant 0 : i32
    %dma_start3A_298 = tpu.memref_slice %arg5[%dma_start3A_291, %dma_start3A_297] : memref<2x1000xi32, #tpu.memory_space<vmem>> -> memref<1x1000xi32, #tpu.memory_space<vmem>>
    %dma_start3A_299 = tpu.memref_squeeze %dma_start3A_298 : memref<1x1000xi32, #tpu.memory_space<vmem>> -> memref<1000xi32, #tpu.memory_space<vmem>>
    %dma_start3A_300 = arith.constant 0 : i32
    %dma_start3A_301 = arith.constant 0 : i32
    %dma_start3A_302 = tpu.memref_slice %arg2[%dma_start3A_300, %dma_start3A_301] : memref<20000x32xf32, #tpu.memory_space<hbm>> -> memref<20000x32xf32, #tpu.memory_space<hbm>>
    tpu.enqueue_indirect_dma source(%dma_start3A_302 : memref<20000x32xf32, #tpu.memory_space<hbm>>) target(%dma_start3A_296 : memref<1000x32xf32, #tpu.memory_space<vmem>>) offsets(%dma_start3A_299 : memref<1000xi32, #tpu.memory_space<vmem>>) semaphore(%arg7 : memref<!tpu.dma_semaphore, #tpu.memory_space<semaphore_mem>>)
    %dma_wait3A_303 = arith.constant 1 : i32
    %dma_wait3A_304 = arith.constant 1 : i32
    %dma_wait3A_305 = arith.constant 0 : i32
    %dma_wait3A_306 = arith.constant 0 : i32
    %dma_wait3A_307 = tpu.memref_slice %arg6[%dma_wait3A_304, %dma_wait3A_305, %dma_wait3A_306] : memref<2x1000x32xf32, #tpu.memory_space<vmem>> -> memref<1x1000x32xf32, #tpu.memory_space<vmem>>
    %dma_wait3A_308 = tpu.memref_squeeze %dma_wait3A_307 : memref<1x1000x32xf32, #tpu.memory_space<vmem>> -> memref<1000x32xf32, #tpu.memory_space<vmem>>
    %dma_wait3A_309 = arith.constant 0 : i32
    %dma_wait3A_310 = tpu.memref_slice %arg5[%dma_wait3A_303, %dma_wait3A_309] : memref<2x1000xi32, #tpu.memory_space<vmem>> -> memref<1x1000xi32, #tpu.memory_space<vmem>>
    %dma_wait3A_311 = tpu.memref_squeeze %dma_wait3A_310 : memref<1x1000xi32, #tpu.memory_space<vmem>> -> memref<1000xi32, #tpu.memory_space<vmem>>
    %dma_wait3A_312 = arith.constant 0 : i32
    %dma_wait3A_313 = arith.constant 0 : i32
    %dma_wait3A_314 = tpu.memref_slice %arg2[%dma_wait3A_312, %dma_wait3A_313] : memref<20000x32xf32, #tpu.memory_space<hbm>> -> memref<20000x32xf32, #tpu.memory_space<hbm>>
    tpu.wait_indirect_dma semaphore(%arg7 : memref<!tpu.dma_semaphore, #tpu.memory_space<semaphore_mem>>) src(%dma_wait3A_314 : memref<20000x32xf32, #tpu.memory_space<hbm>>) dst(%dma_wait3A_308 : memref<1000x32xf32, #tpu.memory_space<vmem>>)
    %add3A_315 = arith.constant 5000 : i32
    %add3A_316 = arith.addi %mul3A_2, %add3A_315 : i32
    %dma_start3A_317 = arith.constant 1 : i32
    %dma_start3A_318 = arith.constant 0 : i32
    %dma_start3A_319 = arith.constant 0 : i32
    %dma_start3A_320 = tpu.memref_slice %arg6[%dma_start3A_317, %dma_start3A_318, %dma_start3A_319] : memref<2x1000x32xf32, #tpu.memory_space<vmem>> -> memref<1x1000x32xf32, #tpu.memory_space<vmem>>
    %dma_start3A_321 = tpu.memref_squeeze %dma_start3A_320 : memref<1x1000x32xf32, #tpu.memory_space<vmem>> -> memref<1000x32xf32, #tpu.memory_space<vmem>>
    %dma_start3A_322 = arith.constant 0 : i32
    %dma_start3A_323 = tpu.memref_slice %arg4[%add3A_316, %dma_start3A_322] : memref<320000x32xf32, #tpu.memory_space<hbm>> -> memref<1000x32xf32, #tpu.memory_space<hbm>>
    %dma_start3A_324 = arith.constant 0 : i32
    %dma_start3A_325 = tpu.memref_slice %arg4[%add3A_316, %dma_start3A_324] : memref<320000x32xf32, #tpu.memory_space<hbm>> -> memref<1000x32xf32, #tpu.memory_space<hbm>>
    %dma_start3A_326 = arith.constant 0 : i32
    %dma_start3A_327 = arith.constant 0 : i32
    %dma_start3A_328 = tpu.memref_slice %arg6[%dma_start3A_317, %dma_start3A_326, %dma_start3A_327] : memref<2x1000x32xf32, #tpu.memory_space<vmem>> -> memref<1x1000x32xf32, #tpu.memory_space<vmem>>
    %dma_start3A_329 = tpu.memref_squeeze %dma_start3A_328 : memref<1x1000x32xf32, #tpu.memory_space<vmem>> -> memref<1000x32xf32, #tpu.memory_space<vmem>>
    tpu.enqueue_dma source(%dma_start3A_329 : memref<1000x32xf32, #tpu.memory_space<vmem>>) target(%dma_start3A_325 : memref<1000x32xf32, #tpu.memory_space<hbm>>) target_semaphore(%arg8 : memref<!tpu.dma_semaphore, #tpu.memory_space<semaphore_mem>>)
    %add3A_330 = arith.constant 7000 : i32
    %add3A_331 = arith.addi %mul3A_2, %add3A_330 : i32
    %run_scoped3A_332 = arith.constant 1 : i32
    "tpu.region"() ({
      %run_scoped3A_548 = tpu.sem_alloc : memref<!tpu.dma_semaphore, #tpu.memory_space<semaphore_mem>>
      %dma_start3A_549 = arith.constant 0 : i32
      %dma_start3A_550 = tpu.memref_slice %arg5[%run_scoped3A_332, %dma_start3A_549] : memref<2x1000xi32, #tpu.memory_space<vmem>> -> memref<1x1000xi32, #tpu.memory_space<vmem>>
      %dma_start3A_551 = tpu.memref_squeeze %dma_start3A_550 : memref<1x1000xi32, #tpu.memory_space<vmem>> -> memref<1000xi32, #tpu.memory_space<vmem>>
      %dma_start3A_552 = tpu.memref_slice %arg3[%add3A_331] : memref<320000xi32, #tpu.memory_space<hbm>> -> memref<1000xi32, #tpu.memory_space<hbm>>
      %dma_start3A_553 = arith.constant 0 : i32
      %dma_start3A_554 = tpu.memref_slice %arg5[%run_scoped3A_332, %dma_start3A_553] : memref<2x1000xi32, #tpu.memory_space<vmem>> -> memref<1x1000xi32, #tpu.memory_space<vmem>>
      %dma_start3A_555 = tpu.memref_squeeze %dma_start3A_554 : memref<1x1000xi32, #tpu.memory_space<vmem>> -> memref<1000xi32, #tpu.memory_space<vmem>>
      %dma_start3A_556 = tpu.memref_slice %arg3[%add3A_331] : memref<320000xi32, #tpu.memory_space<hbm>> -> memref<1000xi32, #tpu.memory_space<hbm>>
      tpu.enqueue_dma source(%dma_start3A_556 : memref<1000xi32, #tpu.memory_space<hbm>>) target(%dma_start3A_555 : memref<1000xi32, #tpu.memory_space<vmem>>) target_semaphore(%run_scoped3A_548 : memref<!tpu.dma_semaphore, #tpu.memory_space<semaphore_mem>>)
      %dma_wait3A_557 = arith.constant 0 : i32
      %dma_wait3A_558 = tpu.memref_slice %arg5[%run_scoped3A_332, %dma_wait3A_557] : memref<2x1000xi32, #tpu.memory_space<vmem>> -> memref<1x1000xi32, #tpu.memory_space<vmem>>
      %dma_wait3A_559 = tpu.memref_squeeze %dma_wait3A_558 : memref<1x1000xi32, #tpu.memory_space<vmem>> -> memref<1000xi32, #tpu.memory_space<vmem>>
      %dma_wait3A_560 = tpu.memref_slice %arg3[%add3A_331] : memref<320000xi32, #tpu.memory_space<hbm>> -> memref<1000xi32, #tpu.memory_space<hbm>>
      %dma_wait3A_561 = arith.constant 0 : i32
      %dma_wait3A_562 = tpu.memref_slice %arg5[%run_scoped3A_332, %dma_wait3A_561] : memref<2x1000xi32, #tpu.memory_space<vmem>> -> memref<1x1000xi32, #tpu.memory_space<vmem>>
      %dma_wait3A_563 = tpu.memref_squeeze %dma_wait3A_562 : memref<1x1000xi32, #tpu.memory_space<vmem>> -> memref<1000xi32, #tpu.memory_space<vmem>>
      %dma_wait3A_564 = tpu.memref_slice %arg3[%add3A_331] : memref<320000xi32, #tpu.memory_space<hbm>> -> memref<1000xi32, #tpu.memory_space<hbm>>
      tpu.wait_dma2 semaphore(%run_scoped3A_548 : memref<!tpu.dma_semaphore, #tpu.memory_space<semaphore_mem>>) src(%dma_wait3A_564 : memref<1000xi32, #tpu.memory_space<hbm>>) dst(%dma_wait3A_563 : memref<1000xi32, #tpu.memory_space<vmem>>)
      tpu.yield
    }) : () -> ()
    %dma_wait3A_333 = arith.constant 1 : i32
    %dma_wait3A_334 = arith.constant 0 : i32
    %dma_wait3A_335 = arith.constant 0 : i32
    %dma_wait3A_336 = tpu.memref_slice %arg6[%dma_wait3A_333, %dma_wait3A_334, %dma_wait3A_335] : memref<2x1000x32xf32, #tpu.memory_space<vmem>> -> memref<1x1000x32xf32, #tpu.memory_space<vmem>>
    %dma_wait3A_337 = tpu.memref_squeeze %dma_wait3A_336 : memref<1x1000x32xf32, #tpu.memory_space<vmem>> -> memref<1000x32xf32, #tpu.memory_space<vmem>>
    %dma_wait3A_338 = arith.constant 0 : i32
    %dma_wait3A_339 = tpu.memref_slice %arg4[%add3A_316, %dma_wait3A_338] : memref<320000x32xf32, #tpu.memory_space<hbm>> -> memref<1000x32xf32, #tpu.memory_space<hbm>>
    %dma_wait3A_340 = arith.constant 0 : i32
    %dma_wait3A_341 = tpu.memref_slice %arg4[%add3A_316, %dma_wait3A_340] : memref<320000x32xf32, #tpu.memory_space<hbm>> -> memref<1000x32xf32, #tpu.memory_space<hbm>>
    %dma_wait3A_342 = arith.constant 0 : i32
    %dma_wait3A_343 = arith.constant 0 : i32
    %dma_wait3A_344 = tpu.memref_slice %arg6[%dma_wait3A_333, %dma_wait3A_342, %dma_wait3A_343] : memref<2x1000x32xf32, #tpu.memory_space<vmem>> -> memref<1x1000x32xf32, #tpu.memory_space<vmem>>
    %dma_wait3A_345 = tpu.memref_squeeze %dma_wait3A_344 : memref<1x1000x32xf32, #tpu.memory_space<vmem>> -> memref<1000x32xf32, #tpu.memory_space<vmem>>
    tpu.wait_dma2 semaphore(%arg8 : memref<!tpu.dma_semaphore, #tpu.memory_space<semaphore_mem>>) src(%dma_wait3A_345 : memref<1000x32xf32, #tpu.memory_space<vmem>>) dst(%dma_wait3A_341 : memref<1000x32xf32, #tpu.memory_space<hbm>>)
    %dma_start3A_346 = arith.constant 1 : i32
    %dma_start3A_347 = arith.constant 1 : i32
    %dma_start3A_348 = arith.constant 0 : i32
    %dma_start3A_349 = arith.constant 0 : i32
    %dma_start3A_350 = tpu.memref_slice %arg6[%dma_start3A_347, %dma_start3A_348, %dma_start3A_349] : memref<2x1000x32xf32, #tpu.memory_space<vmem>> -> memref<1x1000x32xf32, #tpu.memory_space<vmem>>
    %dma_start3A_351 = tpu.memref_squeeze %dma_start3A_350 : memref<1x1000x32xf32, #tpu.memory_space<vmem>> -> memref<1000x32xf32, #tpu.memory_space<vmem>>
    %dma_start3A_352 = arith.constant 0 : i32
    %dma_start3A_353 = tpu.memref_slice %arg5[%dma_start3A_346, %dma_start3A_352] : memref<2x1000xi32, #tpu.memory_space<vmem>> -> memref<1x1000xi32, #tpu.memory_space<vmem>>
    %dma_start3A_354 = tpu.memref_squeeze %dma_start3A_353 : memref<1x1000xi32, #tpu.memory_space<vmem>> -> memref<1000xi32, #tpu.memory_space<vmem>>
    %dma_start3A_355 = arith.constant 0 : i32
    %dma_start3A_356 = arith.constant 0 : i32
    %dma_start3A_357 = tpu.memref_slice %arg2[%dma_start3A_355, %dma_start3A_356] : memref<20000x32xf32, #tpu.memory_space<hbm>> -> memref<20000x32xf32, #tpu.memory_space<hbm>>
    tpu.enqueue_indirect_dma source(%dma_start3A_357 : memref<20000x32xf32, #tpu.memory_space<hbm>>) target(%dma_start3A_351 : memref<1000x32xf32, #tpu.memory_space<vmem>>) offsets(%dma_start3A_354 : memref<1000xi32, #tpu.memory_space<vmem>>) semaphore(%arg7 : memref<!tpu.dma_semaphore, #tpu.memory_space<semaphore_mem>>)
    %dma_wait3A_358 = arith.constant 0 : i32
    %dma_wait3A_359 = arith.constant 0 : i32
    %dma_wait3A_360 = arith.constant 0 : i32
    %dma_wait3A_361 = arith.constant 0 : i32
    %dma_wait3A_362 = tpu.memref_slice %arg6[%dma_wait3A_359, %dma_wait3A_360, %dma_wait3A_361] : memref<2x1000x32xf32, #tpu.memory_space<vmem>> -> memref<1x1000x32xf32, #tpu.memory_space<vmem>>
    %dma_wait3A_363 = tpu.memref_squeeze %dma_wait3A_362 : memref<1x1000x32xf32, #tpu.memory_space<vmem>> -> memref<1000x32xf32, #tpu.memory_space<vmem>>
    %dma_wait3A_364 = arith.constant 0 : i32
    %dma_wait3A_365 = tpu.memref_slice %arg5[%dma_wait3A_358, %dma_wait3A_364] : memref<2x1000xi32, #tpu.memory_space<vmem>> -> memref<1x1000xi32, #tpu.memory_space<vmem>>
    %dma_wait3A_366 = tpu.memref_squeeze %dma_wait3A_365 : memref<1x1000xi32, #tpu.memory_space<vmem>> -> memref<1000xi32, #tpu.memory_space<vmem>>
    %dma_wait3A_367 = arith.constant 0 : i32
    %dma_wait3A_368 = arith.constant 0 : i32
    %dma_wait3A_369 = tpu.memref_slice %arg2[%dma_wait3A_367, %dma_wait3A_368] : memref<20000x32xf32, #tpu.memory_space<hbm>> -> memref<20000x32xf32, #tpu.memory_space<hbm>>
    tpu.wait_indirect_dma semaphore(%arg7 : memref<!tpu.dma_semaphore, #tpu.memory_space<semaphore_mem>>) src(%dma_wait3A_369 : memref<20000x32xf32, #tpu.memory_space<hbm>>) dst(%dma_wait3A_363 : memref<1000x32xf32, #tpu.memory_space<vmem>>)
    %add3A_370 = arith.constant 6000 : i32
    %add3A_371 = arith.addi %mul3A_2, %add3A_370 : i32
    %dma_start3A_372 = arith.constant 0 : i32
    %dma_start3A_373 = arith.constant 0 : i32
    %dma_start3A_374 = arith.constant 0 : i32
    %dma_start3A_375 = tpu.memref_slice %arg6[%dma_start3A_372, %dma_start3A_373, %dma_start3A_374] : memref<2x1000x32xf32, #tpu.memory_space<vmem>> -> memref<1x1000x32xf32, #tpu.memory_space<vmem>>
    %dma_start3A_376 = tpu.memref_squeeze %dma_start3A_375 : memref<1x1000x32xf32, #tpu.memory_space<vmem>> -> memref<1000x32xf32, #tpu.memory_space<vmem>>
    %dma_start3A_377 = arith.constant 0 : i32
    %dma_start3A_378 = tpu.memref_slice %arg4[%add3A_371, %dma_start3A_377] : memref<320000x32xf32, #tpu.memory_space<hbm>> -> memref<1000x32xf32, #tpu.memory_space<hbm>>
    %dma_start3A_379 = arith.constant 0 : i32
    %dma_start3A_380 = tpu.memref_slice %arg4[%add3A_371, %dma_start3A_379] : memref<320000x32xf32, #tpu.memory_space<hbm>> -> memref<1000x32xf32, #tpu.memory_space<hbm>>
    %dma_start3A_381 = arith.constant 0 : i32
    %dma_start3A_382 = arith.constant 0 : i32
    %dma_start3A_383 = tpu.memref_slice %arg6[%dma_start3A_372, %dma_start3A_381, %dma_start3A_382] : memref<2x1000x32xf32, #tpu.memory_space<vmem>> -> memref<1x1000x32xf32, #tpu.memory_space<vmem>>
    %dma_start3A_384 = tpu.memref_squeeze %dma_start3A_383 : memref<1x1000x32xf32, #tpu.memory_space<vmem>> -> memref<1000x32xf32, #tpu.memory_space<vmem>>
    tpu.enqueue_dma source(%dma_start3A_384 : memref<1000x32xf32, #tpu.memory_space<vmem>>) target(%dma_start3A_380 : memref<1000x32xf32, #tpu.memory_space<hbm>>) target_semaphore(%arg8 : memref<!tpu.dma_semaphore, #tpu.memory_space<semaphore_mem>>)
    %add3A_385 = arith.constant 8000 : i32
    %add3A_386 = arith.addi %mul3A_2, %add3A_385 : i32
    %run_scoped3A_387 = arith.constant 0 : i32
    "tpu.region"() ({
      %run_scoped3A_548 = tpu.sem_alloc : memref<!tpu.dma_semaphore, #tpu.memory_space<semaphore_mem>>
      %dma_start3A_549 = arith.constant 0 : i32
      %dma_start3A_550 = tpu.memref_slice %arg5[%run_scoped3A_387, %dma_start3A_549] : memref<2x1000xi32, #tpu.memory_space<vmem>> -> memref<1x1000xi32, #tpu.memory_space<vmem>>
      %dma_start3A_551 = tpu.memref_squeeze %dma_start3A_550 : memref<1x1000xi32, #tpu.memory_space<vmem>> -> memref<1000xi32, #tpu.memory_space<vmem>>
      %dma_start3A_552 = tpu.memref_slice %arg3[%add3A_386] : memref<320000xi32, #tpu.memory_space<hbm>> -> memref<1000xi32, #tpu.memory_space<hbm>>
      %dma_start3A_553 = arith.constant 0 : i32
      %dma_start3A_554 = tpu.memref_slice %arg5[%run_scoped3A_387, %dma_start3A_553] : memref<2x1000xi32, #tpu.memory_space<vmem>> -> memref<1x1000xi32, #tpu.memory_space<vmem>>
      %dma_start3A_555 = tpu.memref_squeeze %dma_start3A_554 : memref<1x1000xi32, #tpu.memory_space<vmem>> -> memref<1000xi32, #tpu.memory_space<vmem>>
      %dma_start3A_556 = tpu.memref_slice %arg3[%add3A_386] : memref<320000xi32, #tpu.memory_space<hbm>> -> memref<1000xi32, #tpu.memory_space<hbm>>
      tpu.enqueue_dma source(%dma_start3A_556 : memref<1000xi32, #tpu.memory_space<hbm>>) target(%dma_start3A_555 : memref<1000xi32, #tpu.memory_space<vmem>>) target_semaphore(%run_scoped3A_548 : memref<!tpu.dma_semaphore, #tpu.memory_space<semaphore_mem>>)
      %dma_wait3A_557 = arith.constant 0 : i32
      %dma_wait3A_558 = tpu.memref_slice %arg5[%run_scoped3A_387, %dma_wait3A_557] : memref<2x1000xi32, #tpu.memory_space<vmem>> -> memref<1x1000xi32, #tpu.memory_space<vmem>>
      %dma_wait3A_559 = tpu.memref_squeeze %dma_wait3A_558 : memref<1x1000xi32, #tpu.memory_space<vmem>> -> memref<1000xi32, #tpu.memory_space<vmem>>
      %dma_wait3A_560 = tpu.memref_slice %arg3[%add3A_386] : memref<320000xi32, #tpu.memory_space<hbm>> -> memref<1000xi32, #tpu.memory_space<hbm>>
      %dma_wait3A_561 = arith.constant 0 : i32
      %dma_wait3A_562 = tpu.memref_slice %arg5[%run_scoped3A_387, %dma_wait3A_561] : memref<2x1000xi32, #tpu.memory_space<vmem>> -> memref<1x1000xi32, #tpu.memory_space<vmem>>
      %dma_wait3A_563 = tpu.memref_squeeze %dma_wait3A_562 : memref<1x1000xi32, #tpu.memory_space<vmem>> -> memref<1000xi32, #tpu.memory_space<vmem>>
      %dma_wait3A_564 = tpu.memref_slice %arg3[%add3A_386] : memref<320000xi32, #tpu.memory_space<hbm>> -> memref<1000xi32, #tpu.memory_space<hbm>>
      tpu.wait_dma2 semaphore(%run_scoped3A_548 : memref<!tpu.dma_semaphore, #tpu.memory_space<semaphore_mem>>) src(%dma_wait3A_564 : memref<1000xi32, #tpu.memory_space<hbm>>) dst(%dma_wait3A_563 : memref<1000xi32, #tpu.memory_space<vmem>>)
      tpu.yield
    }) : () -> ()
    %dma_wait3A_388 = arith.constant 0 : i32
    %dma_wait3A_389 = arith.constant 0 : i32
    %dma_wait3A_390 = arith.constant 0 : i32
    %dma_wait3A_391 = tpu.memref_slice %arg6[%dma_wait3A_388, %dma_wait3A_389, %dma_wait3A_390] : memref<2x1000x32xf32, #tpu.memory_space<vmem>> -> memref<1x1000x32xf32, #tpu.memory_space<vmem>>
    %dma_wait3A_392 = tpu.memref_squeeze %dma_wait3A_391 : memref<1x1000x32xf32, #tpu.memory_space<vmem>> -> memref<1000x32xf32, #tpu.memory_space<vmem>>
    %dma_wait3A_393 = arith.constant 0 : i32
    %dma_wait3A_394 = tpu.memref_slice %arg4[%add3A_371, %dma_wait3A_393] : memref<320000x32xf32, #tpu.memory_space<hbm>> -> memref<1000x32xf32, #tpu.memory_space<hbm>>
    %dma_wait3A_395 = arith.constant 0 : i32
    %dma_wait3A_396 = tpu.memref_slice %arg4[%add3A_371, %dma_wait3A_395] : memref<320000x32xf32, #tpu.memory_space<hbm>> -> memref<1000x32xf32, #tpu.memory_space<hbm>>
    %dma_wait3A_397 = arith.constant 0 : i32
    %dma_wait3A_398 = arith.constant 0 : i32
    %dma_wait3A_399 = tpu.memref_slice %arg6[%dma_wait3A_388, %dma_wait3A_397, %dma_wait3A_398] : memref<2x1000x32xf32, #tpu.memory_space<vmem>> -> memref<1x1000x32xf32, #tpu.memory_space<vmem>>
    %dma_wait3A_400 = tpu.memref_squeeze %dma_wait3A_399 : memref<1x1000x32xf32, #tpu.memory_space<vmem>> -> memref<1000x32xf32, #tpu.memory_space<vmem>>
    tpu.wait_dma2 semaphore(%arg8 : memref<!tpu.dma_semaphore, #tpu.memory_space<semaphore_mem>>) src(%dma_wait3A_400 : memref<1000x32xf32, #tpu.memory_space<vmem>>) dst(%dma_wait3A_396 : memref<1000x32xf32, #tpu.memory_space<hbm>>)
    %dma_start3A_401 = arith.constant 0 : i32
    %dma_start3A_402 = arith.constant 0 : i32
    %dma_start3A_403 = arith.constant 0 : i32
    %dma_start3A_404 = arith.constant 0 : i32
    %dma_start3A_405 = tpu.memref_slice %arg6[%dma_start3A_402, %dma_start3A_403, %dma_start3A_404] : memref<2x1000x32xf32, #tpu.memory_space<vmem>> -> memref<1x1000x32xf32, #tpu.memory_space<vmem>>
    %dma_start3A_406 = tpu.memref_squeeze %dma_start3A_405 : memref<1x1000x32xf32, #tpu.memory_space<vmem>> -> memref<1000x32xf32, #tpu.memory_space<vmem>>
    %dma_start3A_407 = arith.constant 0 : i32
    %dma_start3A_408 = tpu.memref_slice %arg5[%dma_start3A_401, %dma_start3A_407] : memref<2x1000xi32, #tpu.memory_space<vmem>> -> memref<1x1000xi32, #tpu.memory_space<vmem>>
    %dma_start3A_409 = tpu.memref_squeeze %dma_start3A_408 : memref<1x1000xi32, #tpu.memory_space<vmem>> -> memref<1000xi32, #tpu.memory_space<vmem>>
    %dma_start3A_410 = arith.constant 0 : i32
    %dma_start3A_411 = arith.constant 0 : i32
    %dma_start3A_412 = tpu.memref_slice %arg2[%dma_start3A_410, %dma_start3A_411] : memref<20000x32xf32, #tpu.memory_space<hbm>> -> memref<20000x32xf32, #tpu.memory_space<hbm>>
    tpu.enqueue_indirect_dma source(%dma_start3A_412 : memref<20000x32xf32, #tpu.memory_space<hbm>>) target(%dma_start3A_406 : memref<1000x32xf32, #tpu.memory_space<vmem>>) offsets(%dma_start3A_409 : memref<1000xi32, #tpu.memory_space<vmem>>) semaphore(%arg7 : memref<!tpu.dma_semaphore, #tpu.memory_space<semaphore_mem>>)
    %dma_wait3A_413 = arith.constant 1 : i32
    %dma_wait3A_414 = arith.constant 1 : i32
    %dma_wait3A_415 = arith.constant 0 : i32
    %dma_wait3A_416 = arith.constant 0 : i32
    %dma_wait3A_417 = tpu.memref_slice %arg6[%dma_wait3A_414, %dma_wait3A_415, %dma_wait3A_416] : memref<2x1000x32xf32, #tpu.memory_space<vmem>> -> memref<1x1000x32xf32, #tpu.memory_space<vmem>>
    %dma_wait3A_418 = tpu.memref_squeeze %dma_wait3A_417 : memref<1x1000x32xf32, #tpu.memory_space<vmem>> -> memref<1000x32xf32, #tpu.memory_space<vmem>>
    %dma_wait3A_419 = arith.constant 0 : i32
    %dma_wait3A_420 = tpu.memref_slice %arg5[%dma_wait3A_413, %dma_wait3A_419] : memref<2x1000xi32, #tpu.memory_space<vmem>> -> memref<1x1000xi32, #tpu.memory_space<vmem>>
    %dma_wait3A_421 = tpu.memref_squeeze %dma_wait3A_420 : memref<1x1000xi32, #tpu.memory_space<vmem>> -> memref<1000xi32, #tpu.memory_space<vmem>>
    %dma_wait3A_422 = arith.constant 0 : i32
    %dma_wait3A_423 = arith.constant 0 : i32
    %dma_wait3A_424 = tpu.memref_slice %arg2[%dma_wait3A_422, %dma_wait3A_423] : memref<20000x32xf32, #tpu.memory_space<hbm>> -> memref<20000x32xf32, #tpu.memory_space<hbm>>
    tpu.wait_indirect_dma semaphore(%arg7 : memref<!tpu.dma_semaphore, #tpu.memory_space<semaphore_mem>>) src(%dma_wait3A_424 : memref<20000x32xf32, #tpu.memory_space<hbm>>) dst(%dma_wait3A_418 : memref<1000x32xf32, #tpu.memory_space<vmem>>)
    %add3A_425 = arith.constant 7000 : i32
    %add3A_426 = arith.addi %mul3A_2, %add3A_425 : i32
    %dma_start3A_427 = arith.constant 1 : i32
    %dma_start3A_428 = arith.constant 0 : i32
    %dma_start3A_429 = arith.constant 0 : i32
    %dma_start3A_430 = tpu.memref_slice %arg6[%dma_start3A_427, %dma_start3A_428, %dma_start3A_429] : memref<2x1000x32xf32, #tpu.memory_space<vmem>> -> memref<1x1000x32xf32, #tpu.memory_space<vmem>>
    %dma_start3A_431 = tpu.memref_squeeze %dma_start3A_430 : memref<1x1000x32xf32, #tpu.memory_space<vmem>> -> memref<1000x32xf32, #tpu.memory_space<vmem>>
    %dma_start3A_432 = arith.constant 0 : i32
    %dma_start3A_433 = tpu.memref_slice %arg4[%add3A_426, %dma_start3A_432] : memref<320000x32xf32, #tpu.memory_space<hbm>> -> memref<1000x32xf32, #tpu.memory_space<hbm>>
    %dma_start3A_434 = arith.constant 0 : i32
    %dma_start3A_435 = tpu.memref_slice %arg4[%add3A_426, %dma_start3A_434] : memref<320000x32xf32, #tpu.memory_space<hbm>> -> memref<1000x32xf32, #tpu.memory_space<hbm>>
    %dma_start3A_436 = arith.constant 0 : i32
    %dma_start3A_437 = arith.constant 0 : i32
    %dma_start3A_438 = tpu.memref_slice %arg6[%dma_start3A_427, %dma_start3A_436, %dma_start3A_437] : memref<2x1000x32xf32, #tpu.memory_space<vmem>> -> memref<1x1000x32xf32, #tpu.memory_space<vmem>>
    %dma_start3A_439 = tpu.memref_squeeze %dma_start3A_438 : memref<1x1000x32xf32, #tpu.memory_space<vmem>> -> memref<1000x32xf32, #tpu.memory_space<vmem>>
    tpu.enqueue_dma source(%dma_start3A_439 : memref<1000x32xf32, #tpu.memory_space<vmem>>) target(%dma_start3A_435 : memref<1000x32xf32, #tpu.memory_space<hbm>>) target_semaphore(%arg8 : memref<!tpu.dma_semaphore, #tpu.memory_space<semaphore_mem>>)
    %add3A_440 = arith.constant 9000 : i32
    %add3A_441 = arith.addi %mul3A_2, %add3A_440 : i32
    %run_scoped3A_442 = arith.constant 1 : i32
    "tpu.region"() ({
      %run_scoped3A_548 = tpu.sem_alloc : memref<!tpu.dma_semaphore, #tpu.memory_space<semaphore_mem>>
      %dma_start3A_549 = arith.constant 0 : i32
      %dma_start3A_550 = tpu.memref_slice %arg5[%run_scoped3A_442, %dma_start3A_549] : memref<2x1000xi32, #tpu.memory_space<vmem>> -> memref<1x1000xi32, #tpu.memory_space<vmem>>
      %dma_start3A_551 = tpu.memref_squeeze %dma_start3A_550 : memref<1x1000xi32, #tpu.memory_space<vmem>> -> memref<1000xi32, #tpu.memory_space<vmem>>
      %dma_start3A_552 = tpu.memref_slice %arg3[%add3A_441] : memref<320000xi32, #tpu.memory_space<hbm>> -> memref<1000xi32, #tpu.memory_space<hbm>>
      %dma_start3A_553 = arith.constant 0 : i32
      %dma_start3A_554 = tpu.memref_slice %arg5[%run_scoped3A_442, %dma_start3A_553] : memref<2x1000xi32, #tpu.memory_space<vmem>> -> memref<1x1000xi32, #tpu.memory_space<vmem>>
      %dma_start3A_555 = tpu.memref_squeeze %dma_start3A_554 : memref<1x1000xi32, #tpu.memory_space<vmem>> -> memref<1000xi32, #tpu.memory_space<vmem>>
      %dma_start3A_556 = tpu.memref_slice %arg3[%add3A_441] : memref<320000xi32, #tpu.memory_space<hbm>> -> memref<1000xi32, #tpu.memory_space<hbm>>
      tpu.enqueue_dma source(%dma_start3A_556 : memref<1000xi32, #tpu.memory_space<hbm>>) target(%dma_start3A_555 : memref<1000xi32, #tpu.memory_space<vmem>>) target_semaphore(%run_scoped3A_548 : memref<!tpu.dma_semaphore, #tpu.memory_space<semaphore_mem>>)
      %dma_wait3A_557 = arith.constant 0 : i32
      %dma_wait3A_558 = tpu.memref_slice %arg5[%run_scoped3A_442, %dma_wait3A_557] : memref<2x1000xi32, #tpu.memory_space<vmem>> -> memref<1x1000xi32, #tpu.memory_space<vmem>>
      %dma_wait3A_559 = tpu.memref_squeeze %dma_wait3A_558 : memref<1x1000xi32, #tpu.memory_space<vmem>> -> memref<1000xi32, #tpu.memory_space<vmem>>
      %dma_wait3A_560 = tpu.memref_slice %arg3[%add3A_441] : memref<320000xi32, #tpu.memory_space<hbm>> -> memref<1000xi32, #tpu.memory_space<hbm>>
      %dma_wait3A_561 = arith.constant 0 : i32
      %dma_wait3A_562 = tpu.memref_slice %arg5[%run_scoped3A_442, %dma_wait3A_561] : memref<2x1000xi32, #tpu.memory_space<vmem>> -> memref<1x1000xi32, #tpu.memory_space<vmem>>
      %dma_wait3A_563 = tpu.memref_squeeze %dma_wait3A_562 : memref<1x1000xi32, #tpu.memory_space<vmem>> -> memref<1000xi32, #tpu.memory_space<vmem>>
      %dma_wait3A_564 = tpu.memref_slice %arg3[%add3A_441] : memref<320000xi32, #tpu.memory_space<hbm>> -> memref<1000xi32, #tpu.memory_space<hbm>>
      tpu.wait_dma2 semaphore(%run_scoped3A_548 : memref<!tpu.dma_semaphore, #tpu.memory_space<semaphore_mem>>) src(%dma_wait3A_564 : memref<1000xi32, #tpu.memory_space<hbm>>) dst(%dma_wait3A_563 : memref<1000xi32, #tpu.memory_space<vmem>>)
      tpu.yield
    }) : () -> ()
    %dma_wait3A_443 = arith.constant 1 : i32
    %dma_wait3A_444 = arith.constant 0 : i32
    %dma_wait3A_445 = arith.constant 0 : i32
    %dma_wait3A_446 = tpu.memref_slice %arg6[%dma_wait3A_443, %dma_wait3A_444, %dma_wait3A_445] : memref<2x1000x32xf32, #tpu.memory_space<vmem>> -> memref<1x1000x32xf32, #tpu.memory_space<vmem>>
    %dma_wait3A_447 = tpu.memref_squeeze %dma_wait3A_446 : memref<1x1000x32xf32, #tpu.memory_space<vmem>> -> memref<1000x32xf32, #tpu.memory_space<vmem>>
    %dma_wait3A_448 = arith.constant 0 : i32
    %dma_wait3A_449 = tpu.memref_slice %arg4[%add3A_426, %dma_wait3A_448] : memref<320000x32xf32, #tpu.memory_space<hbm>> -> memref<1000x32xf32, #tpu.memory_space<hbm>>
    %dma_wait3A_450 = arith.constant 0 : i32
    %dma_wait3A_451 = tpu.memref_slice %arg4[%add3A_426, %dma_wait3A_450] : memref<320000x32xf32, #tpu.memory_space<hbm>> -> memref<1000x32xf32, #tpu.memory_space<hbm>>
    %dma_wait3A_452 = arith.constant 0 : i32
    %dma_wait3A_453 = arith.constant 0 : i32
    %dma_wait3A_454 = tpu.memref_slice %arg6[%dma_wait3A_443, %dma_wait3A_452, %dma_wait3A_453] : memref<2x1000x32xf32, #tpu.memory_space<vmem>> -> memref<1x1000x32xf32, #tpu.memory_space<vmem>>
    %dma_wait3A_455 = tpu.memref_squeeze %dma_wait3A_454 : memref<1x1000x32xf32, #tpu.memory_space<vmem>> -> memref<1000x32xf32, #tpu.memory_space<vmem>>
    tpu.wait_dma2 semaphore(%arg8 : memref<!tpu.dma_semaphore, #tpu.memory_space<semaphore_mem>>) src(%dma_wait3A_455 : memref<1000x32xf32, #tpu.memory_space<vmem>>) dst(%dma_wait3A_451 : memref<1000x32xf32, #tpu.memory_space<hbm>>)
    %dma_start3A_456 = arith.constant 1 : i32
    %dma_start3A_457 = arith.constant 1 : i32
    %dma_start3A_458 = arith.constant 0 : i32
    %dma_start3A_459 = arith.constant 0 : i32
    %dma_start3A_460 = tpu.memref_slice %arg6[%dma_start3A_457, %dma_start3A_458, %dma_start3A_459] : memref<2x1000x32xf32, #tpu.memory_space<vmem>> -> memref<1x1000x32xf32, #tpu.memory_space<vmem>>
    %dma_start3A_461 = tpu.memref_squeeze %dma_start3A_460 : memref<1x1000x32xf32, #tpu.memory_space<vmem>> -> memref<1000x32xf32, #tpu.memory_space<vmem>>
    %dma_start3A_462 = arith.constant 0 : i32
    %dma_start3A_463 = tpu.memref_slice %arg5[%dma_start3A_456, %dma_start3A_462] : memref<2x1000xi32, #tpu.memory_space<vmem>> -> memref<1x1000xi32, #tpu.memory_space<vmem>>
    %dma_start3A_464 = tpu.memref_squeeze %dma_start3A_463 : memref<1x1000xi32, #tpu.memory_space<vmem>> -> memref<1000xi32, #tpu.memory_space<vmem>>
    %dma_start3A_465 = arith.constant 0 : i32
    %dma_start3A_466 = arith.constant 0 : i32
    %dma_start3A_467 = tpu.memref_slice %arg2[%dma_start3A_465, %dma_start3A_466] : memref<20000x32xf32, #tpu.memory_space<hbm>> -> memref<20000x32xf32, #tpu.memory_space<hbm>>
    tpu.enqueue_indirect_dma source(%dma_start3A_467 : memref<20000x32xf32, #tpu.memory_space<hbm>>) target(%dma_start3A_461 : memref<1000x32xf32, #tpu.memory_space<vmem>>) offsets(%dma_start3A_464 : memref<1000xi32, #tpu.memory_space<vmem>>) semaphore(%arg7 : memref<!tpu.dma_semaphore, #tpu.memory_space<semaphore_mem>>)
    %dma_wait3A_468 = arith.constant 0 : i32
    %dma_wait3A_469 = arith.constant 0 : i32
    %dma_wait3A_470 = arith.constant 0 : i32
    %dma_wait3A_471 = arith.constant 0 : i32
    %dma_wait3A_472 = tpu.memref_slice %arg6[%dma_wait3A_469, %dma_wait3A_470, %dma_wait3A_471] : memref<2x1000x32xf32, #tpu.memory_space<vmem>> -> memref<1x1000x32xf32, #tpu.memory_space<vmem>>
    %dma_wait3A_473 = tpu.memref_squeeze %dma_wait3A_472 : memref<1x1000x32xf32, #tpu.memory_space<vmem>> -> memref<1000x32xf32, #tpu.memory_space<vmem>>
    %dma_wait3A_474 = arith.constant 0 : i32
    %dma_wait3A_475 = tpu.memref_slice %arg5[%dma_wait3A_468, %dma_wait3A_474] : memref<2x1000xi32, #tpu.memory_space<vmem>> -> memref<1x1000xi32, #tpu.memory_space<vmem>>
    %dma_wait3A_476 = tpu.memref_squeeze %dma_wait3A_475 : memref<1x1000xi32, #tpu.memory_space<vmem>> -> memref<1000xi32, #tpu.memory_space<vmem>>
    %dma_wait3A_477 = arith.constant 0 : i32
    %dma_wait3A_478 = arith.constant 0 : i32
    %dma_wait3A_479 = tpu.memref_slice %arg2[%dma_wait3A_477, %dma_wait3A_478] : memref<20000x32xf32, #tpu.memory_space<hbm>> -> memref<20000x32xf32, #tpu.memory_space<hbm>>
    tpu.wait_indirect_dma semaphore(%arg7 : memref<!tpu.dma_semaphore, #tpu.memory_space<semaphore_mem>>) src(%dma_wait3A_479 : memref<20000x32xf32, #tpu.memory_space<hbm>>) dst(%dma_wait3A_473 : memref<1000x32xf32, #tpu.memory_space<vmem>>)
    %add3A_480 = arith.constant 8000 : i32
    %add3A_481 = arith.addi %mul3A_2, %add3A_480 : i32
    %dma_start3A_482 = arith.constant 0 : i32
    %dma_start3A_483 = arith.constant 0 : i32
    %dma_start3A_484 = arith.constant 0 : i32
    %dma_start3A_485 = tpu.memref_slice %arg6[%dma_start3A_482, %dma_start3A_483, %dma_start3A_484] : memref<2x1000x32xf32, #tpu.memory_space<vmem>> -> memref<1x1000x32xf32, #tpu.memory_space<vmem>>
    %dma_start3A_486 = tpu.memref_squeeze %dma_start3A_485 : memref<1x1000x32xf32, #tpu.memory_space<vmem>> -> memref<1000x32xf32, #tpu.memory_space<vmem>>
    %dma_start3A_487 = arith.constant 0 : i32
    %dma_start3A_488 = tpu.memref_slice %arg4[%add3A_481, %dma_start3A_487] : memref<320000x32xf32, #tpu.memory_space<hbm>> -> memref<1000x32xf32, #tpu.memory_space<hbm>>
    %dma_start3A_489 = arith.constant 0 : i32
    %dma_start3A_490 = tpu.memref_slice %arg4[%add3A_481, %dma_start3A_489] : memref<320000x32xf32, #tpu.memory_space<hbm>> -> memref<1000x32xf32, #tpu.memory_space<hbm>>
    %dma_start3A_491 = arith.constant 0 : i32
    %dma_start3A_492 = arith.constant 0 : i32
    %dma_start3A_493 = tpu.memref_slice %arg6[%dma_start3A_482, %dma_start3A_491, %dma_start3A_492] : memref<2x1000x32xf32, #tpu.memory_space<vmem>> -> memref<1x1000x32xf32, #tpu.memory_space<vmem>>
    %dma_start3A_494 = tpu.memref_squeeze %dma_start3A_493 : memref<1x1000x32xf32, #tpu.memory_space<vmem>> -> memref<1000x32xf32, #tpu.memory_space<vmem>>
    tpu.enqueue_dma source(%dma_start3A_494 : memref<1000x32xf32, #tpu.memory_space<vmem>>) target(%dma_start3A_490 : memref<1000x32xf32, #tpu.memory_space<hbm>>) target_semaphore(%arg8 : memref<!tpu.dma_semaphore, #tpu.memory_space<semaphore_mem>>)
    %dma_wait3A_495 = arith.constant 1 : i32
    %dma_wait3A_496 = arith.constant 1 : i32
    %dma_wait3A_497 = arith.constant 0 : i32
    %dma_wait3A_498 = arith.constant 0 : i32
    %dma_wait3A_499 = tpu.memref_slice %arg6[%dma_wait3A_496, %dma_wait3A_497, %dma_wait3A_498] : memref<2x1000x32xf32, #tpu.memory_space<vmem>> -> memref<1x1000x32xf32, #tpu.memory_space<vmem>>
    %dma_wait3A_500 = tpu.memref_squeeze %dma_wait3A_499 : memref<1x1000x32xf32, #tpu.memory_space<vmem>> -> memref<1000x32xf32, #tpu.memory_space<vmem>>
    %dma_wait3A_501 = arith.constant 0 : i32
    %dma_wait3A_502 = tpu.memref_slice %arg5[%dma_wait3A_495, %dma_wait3A_501] : memref<2x1000xi32, #tpu.memory_space<vmem>> -> memref<1x1000xi32, #tpu.memory_space<vmem>>
    %dma_wait3A_503 = tpu.memref_squeeze %dma_wait3A_502 : memref<1x1000xi32, #tpu.memory_space<vmem>> -> memref<1000xi32, #tpu.memory_space<vmem>>
    %dma_wait3A_504 = arith.constant 0 : i32
    %dma_wait3A_505 = arith.constant 0 : i32
    %dma_wait3A_506 = tpu.memref_slice %arg2[%dma_wait3A_504, %dma_wait3A_505] : memref<20000x32xf32, #tpu.memory_space<hbm>> -> memref<20000x32xf32, #tpu.memory_space<hbm>>
    tpu.wait_indirect_dma semaphore(%arg7 : memref<!tpu.dma_semaphore, #tpu.memory_space<semaphore_mem>>) src(%dma_wait3A_506 : memref<20000x32xf32, #tpu.memory_space<hbm>>) dst(%dma_wait3A_500 : memref<1000x32xf32, #tpu.memory_space<vmem>>)
    %add3A_507 = arith.constant 9000 : i32
    %add3A_508 = arith.addi %mul3A_2, %add3A_507 : i32
    %dma_start3A_509 = arith.constant 1 : i32
    %dma_start3A_510 = arith.constant 0 : i32
    %dma_start3A_511 = arith.constant 0 : i32
    %dma_start3A_512 = tpu.memref_slice %arg6[%dma_start3A_509, %dma_start3A_510, %dma_start3A_511] : memref<2x1000x32xf32, #tpu.memory_space<vmem>> -> memref<1x1000x32xf32, #tpu.memory_space<vmem>>
    %dma_start3A_513 = tpu.memref_squeeze %dma_start3A_512 : memref<1x1000x32xf32, #tpu.memory_space<vmem>> -> memref<1000x32xf32, #tpu.memory_space<vmem>>
    %dma_start3A_514 = arith.constant 0 : i32
    %dma_start3A_515 = tpu.memref_slice %arg4[%add3A_508, %dma_start3A_514] : memref<320000x32xf32, #tpu.memory_space<hbm>> -> memref<1000x32xf32, #tpu.memory_space<hbm>>
    %dma_start3A_516 = arith.constant 0 : i32
    %dma_start3A_517 = tpu.memref_slice %arg4[%add3A_508, %dma_start3A_516] : memref<320000x32xf32, #tpu.memory_space<hbm>> -> memref<1000x32xf32, #tpu.memory_space<hbm>>
    %dma_start3A_518 = arith.constant 0 : i32
    %dma_start3A_519 = arith.constant 0 : i32
    %dma_start3A_520 = tpu.memref_slice %arg6[%dma_start3A_509, %dma_start3A_518, %dma_start3A_519] : memref<2x1000x32xf32, #tpu.memory_space<vmem>> -> memref<1x1000x32xf32, #tpu.memory_space<vmem>>
    %dma_start3A_521 = tpu.memref_squeeze %dma_start3A_520 : memref<1x1000x32xf32, #tpu.memory_space<vmem>> -> memref<1000x32xf32, #tpu.memory_space<vmem>>
    tpu.enqueue_dma source(%dma_start3A_521 : memref<1000x32xf32, #tpu.memory_space<vmem>>) target(%dma_start3A_517 : memref<1000x32xf32, #tpu.memory_space<hbm>>) target_semaphore(%arg8 : memref<!tpu.dma_semaphore, #tpu.memory_space<semaphore_mem>>)
    %dma_wait3A_522 = arith.constant 0 : i32
    %dma_wait3A_523 = arith.constant 0 : i32
    %dma_wait3A_524 = arith.constant 0 : i32
    %dma_wait3A_525 = tpu.memref_slice %arg6[%dma_wait3A_522, %dma_wait3A_523, %dma_wait3A_524] : memref<2x1000x32xf32, #tpu.memory_space<vmem>> -> memref<1x1000x32xf32, #tpu.memory_space<vmem>>
    %dma_wait3A_526 = tpu.memref_squeeze %dma_wait3A_525 : memref<1x1000x32xf32, #tpu.memory_space<vmem>> -> memref<1000x32xf32, #tpu.memory_space<vmem>>
    %dma_wait3A_527 = arith.constant 0 : i32
    %dma_wait3A_528 = tpu.memref_slice %arg4[%add3A_481, %dma_wait3A_527] : memref<320000x32xf32, #tpu.memory_space<hbm>> -> memref<1000x32xf32, #tpu.memory_space<hbm>>
    %dma_wait3A_529 = arith.constant 0 : i32
    %dma_wait3A_530 = tpu.memref_slice %arg4[%add3A_481, %dma_wait3A_529] : memref<320000x32xf32, #tpu.memory_space<hbm>> -> memref<1000x32xf32, #tpu.memory_space<hbm>>
    %dma_wait3A_531 = arith.constant 0 : i32
    %dma_wait3A_532 = arith.constant 0 : i32
    %dma_wait3A_533 = tpu.memref_slice %arg6[%dma_wait3A_522, %dma_wait3A_531, %dma_wait3A_532] : memref<2x1000x32xf32, #tpu.memory_space<vmem>> -> memref<1x1000x32xf32, #tpu.memory_space<vmem>>
    %dma_wait3A_534 = tpu.memref_squeeze %dma_wait3A_533 : memref<1x1000x32xf32, #tpu.memory_space<vmem>> -> memref<1000x32xf32, #tpu.memory_space<vmem>>
    tpu.wait_dma2 semaphore(%arg8 : memref<!tpu.dma_semaphore, #tpu.memory_space<semaphore_mem>>) src(%dma_wait3A_534 : memref<1000x32xf32, #tpu.memory_space<vmem>>) dst(%dma_wait3A_530 : memref<1000x32xf32, #tpu.memory_space<hbm>>)
    %dma_wait3A_535 = arith.constant 1 : i32
    %dma_wait3A_536 = arith.constant 0 : i32
    %dma_wait3A_537 = arith.constant 0 : i32
    %dma_wait3A_538 = tpu.memref_slice %arg6[%dma_wait3A_535, %dma_wait3A_536, %dma_wait3A_537] : memref<2x1000x32xf32, #tpu.memory_space<vmem>> -> memref<1x1000x32xf32, #tpu.memory_space<vmem>>
    %dma_wait3A_539 = tpu.memref_squeeze %dma_wait3A_538 : memref<1x1000x32xf32, #tpu.memory_space<vmem>> -> memref<1000x32xf32, #tpu.memory_space<vmem>>
    %dma_wait3A_540 = arith.constant 0 : i32
    %dma_wait3A_541 = tpu.memref_slice %arg4[%add3A_508, %dma_wait3A_540] : memref<320000x32xf32, #tpu.memory_space<hbm>> -> memref<1000x32xf32, #tpu.memory_space<hbm>>
    %dma_wait3A_542 = arith.constant 0 : i32
    %dma_wait3A_543 = tpu.memref_slice %arg4[%add3A_508, %dma_wait3A_542] : memref<320000x32xf32, #tpu.memory_space<hbm>> -> memref<1000x32xf32, #tpu.memory_space<hbm>>
    %dma_wait3A_544 = arith.constant 0 : i32
    %dma_wait3A_545 = arith.constant 0 : i32
    %dma_wait3A_546 = tpu.memref_slice %arg6[%dma_wait3A_535, %dma_wait3A_544, %dma_wait3A_545] : memref<2x1000x32xf32, #tpu.memory_space<vmem>> -> memref<1x1000x32xf32, #tpu.memory_space<vmem>>
    %dma_wait3A_547 = tpu.memref_squeeze %dma_wait3A_546 : memref<1x1000x32xf32, #tpu.memory_space<vmem>> -> memref<1000x32xf32, #tpu.memory_space<vmem>>
    tpu.wait_dma2 semaphore(%arg8 : memref<!tpu.dma_semaphore, #tpu.memory_space<semaphore_mem>>) src(%dma_wait3A_547 : memref<1000x32xf32, #tpu.memory_space<vmem>>) dst(%dma_wait3A_543 : memref<1000x32xf32, #tpu.memory_space<hbm>>)
    return
  }
}

#map = affine_map<(d0, d1) -> (0, 0)>
#map1 = affine_map<(d0, d1) -> (0)>
module attributes {stable_mosaic.version = 14 : i64} {
  func.func @k(%arg0: i32, %arg1: i32, %arg2: memref<20000x32xf32, #tpu.memory_space<hbm>>, %arg3: memref<320000xi32, #tpu.memory_space<hbm>>, %arg4: memref<320000x32xf32, #tpu.memory_space<hbm>>, %arg5: memref<2x1000xi32, #tpu.memory_space<vmem>>, %arg6: memref<2x1000x32xf32, #tpu.memory_space<vmem>>, %arg7: memref<!tpu.dma_semaphore, #tpu.memory_space<semaphore_mem>>, %arg8: memref<!tpu.dma_semaphore, #tpu.memory_space<semaphore_mem>>) attributes {dimension_semantics = [#tpu.dimension_semantics<core_parallel>, #tpu.dimension_semantics<subcore_parallel>], iteration_bounds = array<i64: 2, 16>, scalar_prefetch = 0 : i64, scratch_operands = 4 : i64, tpu.core_type = #tpu.core_type<sc_vector_subcore>, window_params = [{transform_indices = #map}, {transform_indices = #map1}, {transform_indices = #map}]} {
    %mul3A = arith.constant 2 : i32
    %mul3A_0 = arith.muli %arg1, %mul3A : i32
    %add3A = arith.addi %mul3A_0, %arg0 : i32
    %mul3A_1 = arith.constant 10000 : i32
    %mul3A_2 = arith.muli %add3A, %mul3A_1 : i32
    %run_scoped3A = arith.constant 0 : i32
    "tpu.region"() ({
      %run_scoped3A_548 = tpu.sem_alloc : memref<!tpu.dma_semaphore, #tpu.memory_space<semaphore_mem>>
      %dma_start3A_549 = arith.constant 0 : i32
      %dma_start3A_550 = tpu.memref_slice %arg5[%run_scoped3A, %dma_start3A_549] : memref<2x1000xi32, #tpu.memory_space<vmem>> -> memref<1x1000xi32, #tpu.memory_space<vmem>>
      %dma_start3A_551 = tpu.memref_squeeze %dma_start3A_550 : memref<1x1000xi32, #tpu.memory_space<vmem>> -> memref<1000xi32, #tpu.memory_space<vmem>>
      %dma_start3A_552 = tpu.memref_slice %arg3[%mul3A_2] : memref<320000xi32, #tpu.memory_space<hbm>> -> memref<1000xi32, #tpu.memory_space<hbm>>
      %dma_start3A_553 = arith.constant 0 : i32
      %dma_start3A_554 = tpu.memref_slice %arg5[%run_scoped3A, %dma_start3A_553] : memref<2x1000xi32, #tpu.memory_space<vmem>> -> memref<1x1000xi32, #tpu.memory_space<vmem>>
      %dma_start3A_555 = tpu.memref_squeeze %dma_start3A_554 : memref<1x1000xi32, #tpu.memory_space<vmem>> -> memref<1000xi32, #tpu.memory_space<vmem>>
      %dma_start3A_556 = tpu.memref_slice %arg3[%mul3A_2] : memref<320000xi32, #tpu.memory_space<hbm>> -> memref<1000xi32, #tpu.memory_space<hbm>>
      tpu.enqueue_dma source(%dma_start3A_556 : memref<1000xi32, #tpu.memory_space<hbm>>) target(%dma_start3A_555 : memref<1000xi32, #tpu.memory_space<vmem>>) target_semaphore(%run_scoped3A_548 : memref<!tpu.dma_semaphore, #tpu.memory_space<semaphore_mem>>)
      %dma_wait3A_557 = arith.constant 0 : i32
      %dma_wait3A_558 = tpu.memref_slice %arg5[%run_scoped3A, %dma_wait3A_557] : memref<2x1000xi32, #tpu.memory_space<vmem>> -> memref<1x1000xi32, #tpu.memory_space<vmem>>
      %dma_wait3A_559 = tpu.memref_squeeze %dma_wait3A_558 : memref<1x1000xi32, #tpu.memory_space<vmem>> -> memref<1000xi32, #tpu.memory_space<vmem>>
      %dma_wait3A_560 = tpu.memref_slice %arg3[%mul3A_2] : memref<320000xi32, #tpu.memory_space<hbm>> -> memref<1000xi32, #tpu.memory_space<hbm>>
      %dma_wait3A_561 = arith.constant 0 : i32
      %dma_wait3A_562 = tpu.memref_slice %arg5[%run_scoped3A, %dma_wait3A_561] : memref<2x1000xi32, #tpu.memory_space<vmem>> -> memref<1x1000xi32, #tpu.memory_space<vmem>>
      %dma_wait3A_563 = tpu.memref_squeeze %dma_wait3A_562 : memref<1x1000xi32, #tpu.memory_space<vmem>> -> memref<1000xi32, #tpu.memory_space<vmem>>
      %dma_wait3A_564 = tpu.memref_slice %arg3[%mul3A_2] : memref<320000xi32, #tpu.memory_space<hbm>> -> memref<1000xi32, #tpu.memory_space<hbm>>
      tpu.wait_dma2 semaphore(%run_scoped3A_548 : memref<!tpu.dma_semaphore, #tpu.memory_space<semaphore_mem>>) src(%dma_wait3A_564 : memref<1000xi32, #tpu.memory_space<hbm>>) dst(%dma_wait3A_563 : memref<1000xi32, #tpu.memory_space<vmem>>)
      tpu.yield
    }) : () -> ()
    %dma_start3A = arith.constant 0 : i32
    %dma_start3A_3 = arith.constant 0 : i32
    %dma_start3A_4 = arith.constant 0 : i32
    %dma_start3A_5 = arith.constant 0 : i32
    %dma_start3A_6 = tpu.memref_slice %arg6[%dma_start3A_3, %dma_start3A_4, %dma_start3A_5] : memref<2x1000x32xf32, #tpu.memory_space<vmem>> -> memref<1x1000x32xf32, #tpu.memory_space<vmem>>
    %dma_start3A_7 = tpu.memref_squeeze %dma_start3A_6 : memref<1x1000x32xf32, #tpu.memory_space<vmem>> -> memref<1000x32xf32, #tpu.memory_space<vmem>>
    %dma_start3A_8 = arith.constant 0 : i32
    %dma_start3A_9 = tpu.memref_slice %arg5[%dma_start3A, %dma_start3A_8] : memref<2x1000xi32, #tpu.memory_space<vmem>> -> memref<1x1000xi32, #tpu.memory_space<vmem>>
    %dma_start3A_10 = tpu.memref_squeeze %dma_start3A_9 : memref<1x1000xi32, #tpu.memory_space<vmem>> -> memref<1000xi32, #tpu.memory_space<vmem>>
    %dma_start3A_11 = arith.constant 0 : i32
    %dma_start3A_12 = arith.constant 0 : i32
    %dma_start3A_13 = tpu.memref_slice %arg2[%dma_start3A_11, %dma_start3A_12] : memref<20000x32xf32, #tpu.memory_space<hbm>> -> memref<20000x32xf32, #tpu.memory_space<hbm>>
    tpu.enqueue_indirect_dma source(%dma_start3A_13 : memref<20000x32xf32, #tpu.memory_space<hbm>>) target(%dma_start3A_7 : memref<1000x32xf32, #tpu.memory_space<vmem>>) offsets(%dma_start3A_10 : memref<1000xi32, #tpu.memory_space<vmem>>) semaphore(%arg7 : memref<!tpu.dma_semaphore, #tpu.memory_space<semaphore_mem>>)
    %add3A_14 = arith.constant 1000 : i32
    %add3A_15 = arith.addi %mul3A_2, %add3A_14 : i32
    %run_scoped3A_16 = arith.constant 1 : i32
    "tpu.region"() ({
      %run_scoped3A_548 = tpu.sem_alloc : memref<!tpu.dma_semaphore, #tpu.memory_space<semaphore_mem>>
      %dma_start3A_549 = arith.constant 0 : i32
      %dma_start3A_550 = tpu.memref_slice %arg5[%run_scoped3A_16, %dma_start3A_549] : memref<2x1000xi32, #tpu.memory_space<vmem>> -> memref<1x1000xi32, #tpu.memory_space<vmem>>
      %dma_start3A_551 = tpu.memref_squeeze %dma_start3A_550 : memref<1x1000xi32, #tpu.memory_space<vmem>> -> memref<1000xi32, #tpu.memory_space<vmem>>
      %dma_start3A_552 = tpu.memref_slice %arg3[%add3A_15] : memref<320000xi32, #tpu.memory_space<hbm>> -> memref<1000xi32, #tpu.memory_space<hbm>>
      %dma_start3A_553 = arith.constant 0 : i32
      %dma_start3A_554 = tpu.memref_slice %arg5[%run_scoped3A_16, %dma_start3A_553] : memref<2x1000xi32, #tpu.memory_space<vmem>> -> memref<1x1000xi32, #tpu.memory_space<vmem>>
      %dma_start3A_555 = tpu.memref_squeeze %dma_start3A_554 : memref<1x1000xi32, #tpu.memory_space<vmem>> -> memref<1000xi32, #tpu.memory_space<vmem>>
      %dma_start3A_556 = tpu.memref_slice %arg3[%add3A_15] : memref<320000xi32, #tpu.memory_space<hbm>> -> memref<1000xi32, #tpu.memory_space<hbm>>
      tpu.enqueue_dma source(%dma_start3A_556 : memref<1000xi32, #tpu.memory_space<hbm>>) target(%dma_start3A_555 : memref<1000xi32, #tpu.memory_space<vmem>>) target_semaphore(%run_scoped3A_548 : memref<!tpu.dma_semaphore, #tpu.memory_space<semaphore_mem>>)
      %dma_wait3A_557 = arith.constant 0 : i32
      %dma_wait3A_558 = tpu.memref_slice %arg5[%run_scoped3A_16, %dma_wait3A_557] : memref<2x1000xi32, #tpu.memory_space<vmem>> -> memref<1x1000xi32, #tpu.memory_space<vmem>>
      %dma_wait3A_559 = tpu.memref_squeeze %dma_wait3A_558 : memref<1x1000xi32, #tpu.memory_space<vmem>> -> memref<1000xi32, #tpu.memory_space<vmem>>
      %dma_wait3A_560 = tpu.memref_slice %arg3[%add3A_15] : memref<320000xi32, #tpu.memory_space<hbm>> -> memref<1000xi32, #tpu.memory_space<hbm>>
      %dma_wait3A_561 = arith.constant 0 : i32
      %dma_wait3A_562 = tpu.memref_slice %arg5[%run_scoped3A_16, %dma_wait3A_561] : memref<2x1000xi32, #tpu.memory_space<vmem>> -> memref<1x1000xi32, #tpu.memory_space<vmem>>
      %dma_wait3A_563 = tpu.memref_squeeze %dma_wait3A_562 : memref<1x1000xi32, #tpu.memory_space<vmem>> -> memref<1000xi32, #tpu.memory_space<vmem>>
      %dma_wait3A_564 = tpu.memref_slice %arg3[%add3A_15] : memref<320000xi32, #tpu.memory_space<hbm>> -> memref<1000xi32, #tpu.memory_space<hbm>>
      tpu.wait_dma2 semaphore(%run_scoped3A_548 : memref<!tpu.dma_semaphore, #tpu.memory_space<semaphore_mem>>) src(%dma_wait3A_564 : memref<1000xi32, #tpu.memory_space<hbm>>) dst(%dma_wait3A_563 : memref<1000xi32, #tpu.memory_space<vmem>>)
      tpu.yield
    }) : () -> ()
    %dma_start3A_17 = arith.constant 1 : i32
    %dma_start3A_18 = arith.constant 1 : i32
    %dma_start3A_19 = arith.constant 0 : i32
    %dma_start3A_20 = arith.constant 0 : i32
    %dma_start3A_21 = tpu.memref_slice %arg6[%dma_start3A_18, %dma_start3A_19, %dma_start3A_20] : memref<2x1000x32xf32, #tpu.memory_space<vmem>> -> memref<1x1000x32xf32, #tpu.memory_space<vmem>>
    %dma_start3A_22 = tpu.memref_squeeze %dma_start3A_21 : memref<1x1000x32xf32, #tpu.memory_space<vmem>> -> memref<1000x32xf32, #tpu.memory_space<vmem>>
    %dma_start3A_23 = arith.constant 0 : i32
    %dma_start3A_24 = tpu.memref_slice %arg5[%dma_start3A_17, %dma_start3A_23] : memref<2x1000xi32, #tpu.memory_space<vmem>> -> memref<1x1000xi32, #tpu.memory_space<vmem>>
    %dma_start3A_25 = tpu.memref_squeeze %dma_start3A_24 : memref<1x1000xi32, #tpu.memory_space<vmem>> -> memref<1000xi32, #tpu.memory_space<vmem>>
    %dma_start3A_26 = arith.constant 0 : i32
    %dma_start3A_27 = arith.constant 0 : i32
    %dma_start3A_28 = tpu.memref_slice %arg2[%dma_start3A_26, %dma_start3A_27] : memref<20000x32xf32, #tpu.memory_space<hbm>> -> memref<20000x32xf32, #tpu.memory_space<hbm>>
    tpu.enqueue_indirect_dma source(%dma_start3A_28 : memref<20000x32xf32, #tpu.memory_space<hbm>>) target(%dma_start3A_22 : memref<1000x32xf32, #tpu.memory_space<vmem>>) offsets(%dma_start3A_25 : memref<1000xi32, #tpu.memory_space<vmem>>) semaphore(%arg7 : memref<!tpu.dma_semaphore, #tpu.memory_space<semaphore_mem>>)
    %dma_wait3A = arith.constant 0 : i32
    %dma_wait3A_29 = arith.constant 0 : i32
    %dma_wait3A_30 = arith.constant 0 : i32
    %dma_wait3A_31 = arith.constant 0 : i32
    %dma_wait3A_32 = tpu.memref_slice %arg6[%dma_wait3A_29, %dma_wait3A_30, %dma_wait3A_31] : memref<2x1000x32xf32, #tpu.memory_space<vmem>> -> memref<1x1000x32xf32, #tpu.memory_space<vmem>>
    %dma_wait3A_33 = tpu.memref_squeeze %dma_wait3A_32 : memref<1x1000x32xf32, #tpu.memory_space<vmem>> -> memref<1000x32xf32, #tpu.memory_space<vmem>>
    %dma_wait3A_34 = arith.constant 0 : i32
    %dma_wait3A_35 = tpu.memref_slice %arg5[%dma_wait3A, %dma_wait3A_34] : memref<2x1000xi32, #tpu.memory_space<vmem>> -> memref<1x1000xi32, #tpu.memory_space<vmem>>
    %dma_wait3A_36 = tpu.memref_squeeze %dma_wait3A_35 : memref<1x1000xi32, #tpu.memory_space<vmem>> -> memref<1000xi32, #tpu.memory_space<vmem>>
    %dma_wait3A_37 = arith.constant 0 : i32
    %dma_wait3A_38 = arith.constant 0 : i32
    %dma_wait3A_39 = tpu.memref_slice %arg2[%dma_wait3A_37, %dma_wait3A_38] : memref<20000x32xf32, #tpu.memory_space<hbm>> -> memref<20000x32xf32, #tpu.memory_space<hbm>>
    tpu.wait_indirect_dma semaphore(%arg7 : memref<!tpu.dma_semaphore, #tpu.memory_space<semaphore_mem>>) src(%dma_wait3A_39 : memref<20000x32xf32, #tpu.memory_space<hbm>>) dst(%dma_wait3A_33 : memref<1000x32xf32, #tpu.memory_space<vmem>>)
    %add3A_40 = arith.constant 0 : i32
    %add3A_41 = arith.addi %mul3A_2, %add3A_40 : i32
    %dma_start3A_42 = arith.constant 0 : i32
    %dma_start3A_43 = arith.constant 0 : i32
    %dma_start3A_44 = arith.constant 0 : i32
    %dma_start3A_45 = tpu.memref_slice %arg6[%dma_start3A_42, %dma_start3A_43, %dma_start3A_44] : memref<2x1000x32xf32, #tpu.memory_space<vmem>> -> memref<1x1000x32xf32, #tpu.memory_space<vmem>>
    %dma_start3A_46 = tpu.memref_squeeze %dma_start3A_45 : memref<1x1000x32xf32, #tpu.memory_space<vmem>> -> memref<1000x32xf32, #tpu.memory_space<vmem>>
    %dma_start3A_47 = arith.constant 0 : i32
    %dma_start3A_48 = tpu.memref_slice %arg4[%add3A_41, %dma_start3A_47] : memref<320000x32xf32, #tpu.memory_space<hbm>> -> memref<1000x32xf32, #tpu.memory_space<hbm>>
    %dma_start3A_49 = arith.constant 0 : i32
    %dma_start3A_50 = tpu.memref_slice %arg4[%add3A_41, %dma_start3A_49] : memref<320000x32xf32, #tpu.memory_space<hbm>> -> memref<1000x32xf32, #tpu.memory_space<hbm>>
    %dma_start3A_51 = arith.constant 0 : i32
    %dma_start3A_52 = arith.constant 0 : i32
    %dma_start3A_53 = tpu.memref_slice %arg6[%dma_start3A_42, %dma_start3A_51, %dma_start3A_52] : memref<2x1000x32xf32, #tpu.memory_space<vmem>> -> memref<1x1000x32xf32, #tpu.memory_space<vmem>>
    %dma_start3A_54 = tpu.memref_squeeze %dma_start3A_53 : memref<1x1000x32xf32, #tpu.memory_space<vmem>> -> memref<1000x32xf32, #tpu.memory_space<vmem>>
    tpu.enqueue_dma source(%dma_start3A_54 : memref<1000x32xf32, #tpu.memory_space<vmem>>) target(%dma_start3A_50 : memref<1000x32xf32, #tpu.memory_space<hbm>>) target_semaphore(%arg8 : memref<!tpu.dma_semaphore, #tpu.memory_space<semaphore_mem>>)
    %add3A_55 = arith.constant 2000 : i32
    %add3A_56 = arith.addi %mul3A_2, %add3A_55 : i32
    %run_scoped3A_57 = arith.constant 0 : i32
    "tpu.region"() ({
      %run_scoped3A_548 = tpu.sem_alloc : memref<!tpu.dma_semaphore, #tpu.memory_space<semaphore_mem>>
      %dma_start3A_549 = arith.constant 0 : i32
      %dma_start3A_550 = tpu.memref_slice %arg5[%run_scoped3A_57, %dma_start3A_549] : memref<2x1000xi32, #tpu.memory_space<vmem>> -> memref<1x1000xi32, #tpu.memory_space<vmem>>
      %dma_start3A_551 = tpu.memref_squeeze %dma_start3A_550 : memref<1x1000xi32, #tpu.memory_space<vmem>> -> memref<1000xi32, #tpu.memory_space<vmem>>
      %dma_start3A_552 = tpu.memref_slice %arg3[%add3A_56] : memref<320000xi32, #tpu.memory_space<hbm>> -> memref<1000xi32, #tpu.memory_space<hbm>>
      %dma_start3A_553 = arith.constant 0 : i32
      %dma_start3A_554 = tpu.memref_slice %arg5[%run_scoped3A_57, %dma_start3A_553] : memref<2x1000xi32, #tpu.memory_space<vmem>> -> memref<1x1000xi32, #tpu.memory_space<vmem>>
      %dma_start3A_555 = tpu.memref_squeeze %dma_start3A_554 : memref<1x1000xi32, #tpu.memory_space<vmem>> -> memref<1000xi32, #tpu.memory_space<vmem>>
      %dma_start3A_556 = tpu.memref_slice %arg3[%add3A_56] : memref<320000xi32, #tpu.memory_space<hbm>> -> memref<1000xi32, #tpu.memory_space<hbm>>
      tpu.enqueue_dma source(%dma_start3A_556 : memref<1000xi32, #tpu.memory_space<hbm>>) target(%dma_start3A_555 : memref<1000xi32, #tpu.memory_space<vmem>>) target_semaphore(%run_scoped3A_548 : memref<!tpu.dma_semaphore, #tpu.memory_space<semaphore_mem>>)
      %dma_wait3A_557 = arith.constant 0 : i32
      %dma_wait3A_558 = tpu.memref_slice %arg5[%run_scoped3A_57, %dma_wait3A_557] : memref<2x1000xi32, #tpu.memory_space<vmem>> -> memref<1x1000xi32, #tpu.memory_space<vmem>>
      %dma_wait3A_559 = tpu.memref_squeeze %dma_wait3A_558 : memref<1x1000xi32, #tpu.memory_space<vmem>> -> memref<1000xi32, #tpu.memory_space<vmem>>
      %dma_wait3A_560 = tpu.memref_slice %arg3[%add3A_56] : memref<320000xi32, #tpu.memory_space<hbm>> -> memref<1000xi32, #tpu.memory_space<hbm>>
      %dma_wait3A_561 = arith.constant 0 : i32
      %dma_wait3A_562 = tpu.memref_slice %arg5[%run_scoped3A_57, %dma_wait3A_561] : memref<2x1000xi32, #tpu.memory_space<vmem>> -> memref<1x1000xi32, #tpu.memory_space<vmem>>
      %dma_wait3A_563 = tpu.memref_squeeze %dma_wait3A_562 : memref<1x1000xi32, #tpu.memory_space<vmem>> -> memref<1000xi32, #tpu.memory_space<vmem>>
      %dma_wait3A_564 = tpu.memref_slice %arg3[%add3A_56] : memref<320000xi32, #tpu.memory_space<hbm>> -> memref<1000xi32, #tpu.memory_space<hbm>>
      tpu.wait_dma2 semaphore(%run_scoped3A_548 : memref<!tpu.dma_semaphore, #tpu.memory_space<semaphore_mem>>) src(%dma_wait3A_564 : memref<1000xi32, #tpu.memory_space<hbm>>) dst(%dma_wait3A_563 : memref<1000xi32, #tpu.memory_space<vmem>>)
      tpu.yield
    }) : () -> ()
    %dma_wait3A_58 = arith.constant 0 : i32
    %dma_wait3A_59 = arith.constant 0 : i32
    %dma_wait3A_60 = arith.constant 0 : i32
    %dma_wait3A_61 = tpu.memref_slice %arg6[%dma_wait3A_58, %dma_wait3A_59, %dma_wait3A_60] : memref<2x1000x32xf32, #tpu.memory_space<vmem>> -> memref<1x1000x32xf32, #tpu.memory_space<vmem>>
    %dma_wait3A_62 = tpu.memref_squeeze %dma_wait3A_61 : memref<1x1000x32xf32, #tpu.memory_space<vmem>> -> memref<1000x32xf32, #tpu.memory_space<vmem>>
    %dma_wait3A_63 = arith.constant 0 : i32
    %dma_wait3A_64 = tpu.memref_slice %arg4[%add3A_41, %dma_wait3A_63] : memref<320000x32xf32, #tpu.memory_space<hbm>> -> memref<1000x32xf32, #tpu.memory_space<hbm>>
    %dma_wait3A_65 = arith.constant 0 : i32
    %dma_wait3A_66 = tpu.memref_slice %arg4[%add3A_41, %dma_wait3A_65] : memref<320000x32xf32, #tpu.memory_space<hbm>> -> memref<1000x32xf32, #tpu.memory_space<hbm>>
    %dma_wait3A_67 = arith.constant 0 : i32
    %dma_wait3A_68 = arith.constant 0 : i32
    %dma_wait3A_69 = tpu.memref_slice %arg6[%dma_wait3A_58, %dma_wait3A_67, %dma_wait3A_68] : memref<2x1000x32xf32, #tpu.memory_space<vmem>> -> memref<1x1000x32xf32, #tpu.memory_space<vmem>>
    %dma_wait3A_70 = tpu.memref_squeeze %dma_wait3A_69 : memref<1x1000x32xf32, #tpu.memory_space<vmem>> -> memref<1000x32xf32, #tpu.memory_space<vmem>>
    tpu.wait_dma2 semaphore(%arg8 : memref<!tpu.dma_semaphore, #tpu.memory_space<semaphore_mem>>) src(%dma_wait3A_70 : memref<1000x32xf32, #tpu.memory_space<vmem>>) dst(%dma_wait3A_66 : memref<1000x32xf32, #tpu.memory_space<hbm>>)
    %dma_start3A_71 = arith.constant 0 : i32
    %dma_start3A_72 = arith.constant 0 : i32
    %dma_start3A_73 = arith.constant 0 : i32
    %dma_start3A_74 = arith.constant 0 : i32
    %dma_start3A_75 = tpu.memref_slice %arg6[%dma_start3A_72, %dma_start3A_73, %dma_start3A_74] : memref<2x1000x32xf32, #tpu.memory_space<vmem>> -> memref<1x1000x32xf32, #tpu.memory_space<vmem>>
    %dma_start3A_76 = tpu.memref_squeeze %dma_start3A_75 : memref<1x1000x32xf32, #tpu.memory_space<vmem>> -> memref<1000x32xf32, #tpu.memory_space<vmem>>
    %dma_start3A_77 = arith.constant 0 : i32
    %dma_start3A_78 = tpu.memref_slice %arg5[%dma_start3A_71, %dma_start3A_77] : memref<2x1000xi32, #tpu.memory_space<vmem>> -> memref<1x1000xi32, #tpu.memory_space<vmem>>
    %dma_start3A_79 = tpu.memref_squeeze %dma_start3A_78 : memref<1x1000xi32, #tpu.memory_space<vmem>> -> memref<1000xi32, #tpu.memory_space<vmem>>
    %dma_start3A_80 = arith.constant 0 : i32
    %dma_start3A_81 = arith.constant 0 : i32
    %dma_start3A_82 = tpu.memref_slice %arg2[%dma_start3A_80, %dma_start3A_81] : memref<20000x32xf32, #tpu.memory_space<hbm>> -> memref<20000x32xf32, #tpu.memory_space<hbm>>
    tpu.enqueue_indirect_dma source(%dma_start3A_82 : memref<20000x32xf32, #tpu.memory_space<hbm>>) target(%dma_start3A_76 : memref<1000x32xf32, #tpu.memory_space<vmem>>) offsets(%dma_start3A_79 : memref<1000xi32, #tpu.memory_space<vmem>>) semaphore(%arg7 : memref<!tpu.dma_semaphore, #tpu.memory_space<semaphore_mem>>)
    %dma_wait3A_83 = arith.constant 1 : i32
    %dma_wait3A_84 = arith.constant 1 : i32
    %dma_wait3A_85 = arith.constant 0 : i32
    %dma_wait3A_86 = arith.constant 0 : i32
    %dma_wait3A_87 = tpu.memref_slice %arg6[%dma_wait3A_84, %dma_wait3A_85, %dma_wait3A_86] : memref<2x1000x32xf32, #tpu.memory_space<vmem>> -> memref<1x1000x32xf32, #tpu.memory_space<vmem>>
    %dma_wait3A_88 = tpu.memref_squeeze %dma_wait3A_87 : memref<1x1000x32xf32, #tpu.memory_space<vmem>> -> memref<1000x32xf32, #tpu.memory_space<vmem>>
    %dma_wait3A_89 = arith.constant 0 : i32
    %dma_wait3A_90 = tpu.memref_slice %arg5[%dma_wait3A_83, %dma_wait3A_89] : memref<2x1000xi32, #tpu.memory_space<vmem>> -> memref<1x1000xi32, #tpu.memory_space<vmem>>
    %dma_wait3A_91 = tpu.memref_squeeze %dma_wait3A_90 : memref<1x1000xi32, #tpu.memory_space<vmem>> -> memref<1000xi32, #tpu.memory_space<vmem>>
    %dma_wait3A_92 = arith.constant 0 : i32
    %dma_wait3A_93 = arith.constant 0 : i32
    %dma_wait3A_94 = tpu.memref_slice %arg2[%dma_wait3A_92, %dma_wait3A_93] : memref<20000x32xf32, #tpu.memory_space<hbm>> -> memref<20000x32xf32, #tpu.memory_space<hbm>>
    tpu.wait_indirect_dma semaphore(%arg7 : memref<!tpu.dma_semaphore, #tpu.memory_space<semaphore_mem>>) src(%dma_wait3A_94 : memref<20000x32xf32, #tpu.memory_space<hbm>>) dst(%dma_wait3A_88 : memref<1000x32xf32, #tpu.memory_space<vmem>>)
    %add3A_95 = arith.constant 1000 : i32
    %add3A_96 = arith.addi %mul3A_2, %add3A_95 : i32
    %dma_start3A_97 = arith.constant 1 : i32
    %dma_start3A_98 = arith.constant 0 : i32
    %dma_start3A_99 = arith.constant 0 : i32
    %dma_start3A_100 = tpu.memref_slice %arg6[%dma_start3A_97, %dma_start3A_98, %dma_start3A_99] : memref<2x1000x32xf32, #tpu.memory_space<vmem>> -> memref<1x1000x32xf32, #tpu.memory_space<vmem>>
    %dma_start3A_101 = tpu.memref_squeeze %dma_start3A_100 : memref<1x1000x32xf32, #tpu.memory_space<vmem>> -> memref<1000x32xf32, #tpu.memory_space<vmem>>
    %dma_start3A_102 = arith.constant 0 : i32
    %dma_start3A_103 = tpu.memref_slice %arg4[%add3A_96, %dma_start3A_102] : memref<320000x32xf32, #tpu.memory_space<hbm>> -> memref<1000x32xf32, #tpu.memory_space<hbm>>
    %dma_start3A_104 = arith.constant 0 : i32
    %dma_start3A_105 = tpu.memref_slice %arg4[%add3A_96, %dma_start3A_104] : memref<320000x32xf32, #tpu.memory_space<hbm>> -> memref<1000x32xf32, #tpu.memory_space<hbm>>
    %dma_start3A_106 = arith.constant 0 : i32
    %dma_start3A_107 = arith.constant 0 : i32
    %dma_start3A_108 = tpu.memref_slice %arg6[%dma_start3A_97, %dma_start3A_106, %dma_start3A_107] : memref<2x1000x32xf32, #tpu.memory_space<vmem>> -> memref<1x1000x32xf32, #tpu.memory_space<vmem>>
    %dma_start3A_109 = tpu.memref_squeeze %dma_start3A_108 : memref<1x1000x32xf32, #tpu.memory_space<vmem>> -> memref<1000x32xf32, #tpu.memory_space<vmem>>
    tpu.enqueue_dma source(%dma_start3A_109 : memref<1000x32xf32, #tpu.memory_space<vmem>>) target(%dma_start3A_105 : memref<1000x32xf32, #tpu.memory_space<hbm>>) target_semaphore(%arg8 : memref<!tpu.dma_semaphore, #tpu.memory_space<semaphore_mem>>)
    %add3A_110 = arith.constant 3000 : i32
    %add3A_111 = arith.addi %mul3A_2, %add3A_110 : i32
    %run_scoped3A_112 = arith.constant 1 : i32
    "tpu.region"() ({
      %run_scoped3A_548 = tpu.sem_alloc : memref<!tpu.dma_semaphore, #tpu.memory_space<semaphore_mem>>
      %dma_start3A_549 = arith.constant 0 : i32
      %dma_start3A_550 = tpu.memref_slice %arg5[%run_scoped3A_112, %dma_start3A_549] : memref<2x1000xi32, #tpu.memory_space<vmem>> -> memref<1x1000xi32, #tpu.memory_space<vmem>>
      %dma_start3A_551 = tpu.memref_squeeze %dma_start3A_550 : memref<1x1000xi32, #tpu.memory_space<vmem>> -> memref<1000xi32, #tpu.memory_space<vmem>>
      %dma_start3A_552 = tpu.memref_slice %arg3[%add3A_111] : memref<320000xi32, #tpu.memory_space<hbm>> -> memref<1000xi32, #tpu.memory_space<hbm>>
      %dma_start3A_553 = arith.constant 0 : i32
      %dma_start3A_554 = tpu.memref_slice %arg5[%run_scoped3A_112, %dma_start3A_553] : memref<2x1000xi32, #tpu.memory_space<vmem>> -> memref<1x1000xi32, #tpu.memory_space<vmem>>
      %dma_start3A_555 = tpu.memref_squeeze %dma_start3A_554 : memref<1x1000xi32, #tpu.memory_space<vmem>> -> memref<1000xi32, #tpu.memory_space<vmem>>
      %dma_start3A_556 = tpu.memref_slice %arg3[%add3A_111] : memref<320000xi32, #tpu.memory_space<hbm>> -> memref<1000xi32, #tpu.memory_space<hbm>>
      tpu.enqueue_dma source(%dma_start3A_556 : memref<1000xi32, #tpu.memory_space<hbm>>) target(%dma_start3A_555 : memref<1000xi32, #tpu.memory_space<vmem>>) target_semaphore(%run_scoped3A_548 : memref<!tpu.dma_semaphore, #tpu.memory_space<semaphore_mem>>)
      %dma_wait3A_557 = arith.constant 0 : i32
      %dma_wait3A_558 = tpu.memref_slice %arg5[%run_scoped3A_112, %dma_wait3A_557] : memref<2x1000xi32, #tpu.memory_space<vmem>> -> memref<1x1000xi32, #tpu.memory_space<vmem>>
      %dma_wait3A_559 = tpu.memref_squeeze %dma_wait3A_558 : memref<1x1000xi32, #tpu.memory_space<vmem>> -> memref<1000xi32, #tpu.memory_space<vmem>>
      %dma_wait3A_560 = tpu.memref_slice %arg3[%add3A_111] : memref<320000xi32, #tpu.memory_space<hbm>> -> memref<1000xi32, #tpu.memory_space<hbm>>
      %dma_wait3A_561 = arith.constant 0 : i32
      %dma_wait3A_562 = tpu.memref_slice %arg5[%run_scoped3A_112, %dma_wait3A_561] : memref<2x1000xi32, #tpu.memory_space<vmem>> -> memref<1x1000xi32, #tpu.memory_space<vmem>>
      %dma_wait3A_563 = tpu.memref_squeeze %dma_wait3A_562 : memref<1x1000xi32, #tpu.memory_space<vmem>> -> memref<1000xi32, #tpu.memory_space<vmem>>
      %dma_wait3A_564 = tpu.memref_slice %arg3[%add3A_111] : memref<320000xi32, #tpu.memory_space<hbm>> -> memref<1000xi32, #tpu.memory_space<hbm>>
      tpu.wait_dma2 semaphore(%run_scoped3A_548 : memref<!tpu.dma_semaphore, #tpu.memory_space<semaphore_mem>>) src(%dma_wait3A_564 : memref<1000xi32, #tpu.memory_space<hbm>>) dst(%dma_wait3A_563 : memref<1000xi32, #tpu.memory_space<vmem>>)
      tpu.yield
    }) : () -> ()
    %dma_wait3A_113 = arith.constant 1 : i32
    %dma_wait3A_114 = arith.constant 0 : i32
    %dma_wait3A_115 = arith.constant 0 : i32
    %dma_wait3A_116 = tpu.memref_slice %arg6[%dma_wait3A_113, %dma_wait3A_114, %dma_wait3A_115] : memref<2x1000x32xf32, #tpu.memory_space<vmem>> -> memref<1x1000x32xf32, #tpu.memory_space<vmem>>
    %dma_wait3A_117 = tpu.memref_squeeze %dma_wait3A_116 : memref<1x1000x32xf32, #tpu.memory_space<vmem>> -> memref<1000x32xf32, #tpu.memory_space<vmem>>
    %dma_wait3A_118 = arith.constant 0 : i32
    %dma_wait3A_119 = tpu.memref_slice %arg4[%add3A_96, %dma_wait3A_118] : memref<320000x32xf32, #tpu.memory_space<hbm>> -> memref<1000x32xf32, #tpu.memory_space<hbm>>
    %dma_wait3A_120 = arith.constant 0 : i32
    %dma_wait3A_121 = tpu.memref_slice %arg4[%add3A_96, %dma_wait3A_120] : memref<320000x32xf32, #tpu.memory_space<hbm>> -> memref<1000x32xf32, #tpu.memory_space<hbm>>
    %dma_wait3A_122 = arith.constant 0 : i32
    %dma_wait3A_123 = arith.constant 0 : i32
    %dma_wait3A_124 = tpu.memref_slice %arg6[%dma_wait3A_113, %dma_wait3A_122, %dma_wait3A_123] : memref<2x1000x32xf32, #tpu.memory_space<vmem>> -> memref<1x1000x32xf32, #tpu.memory_space<vmem>>
    %dma_wait3A_125 = tpu.memref_squeeze %dma_wait3A_124 : memref<1x1000x32xf32, #tpu.memory_space<vmem>> -> memref<1000x32xf32, #tpu.memory_space<vmem>>
    tpu.wait_dma2 semaphore(%arg8 : memref<!tpu.dma_semaphore, #tpu.memory_space<semaphore_mem>>) src(%dma_wait3A_125 : memref<1000x32xf32, #tpu.memory_space<vmem>>) dst(%dma_wait3A_121 : memref<1000x32xf32, #tpu.memory_space<hbm>>)
    %dma_start3A_126 = arith.constant 1 : i32
    %dma_start3A_127 = arith.constant 1 : i32
    %dma_start3A_128 = arith.constant 0 : i32
    %dma_start3A_129 = arith.constant 0 : i32
    %dma_start3A_130 = tpu.memref_slice %arg6[%dma_start3A_127, %dma_start3A_128, %dma_start3A_129] : memref<2x1000x32xf32, #tpu.memory_space<vmem>> -> memref<1x1000x32xf32, #tpu.memory_space<vmem>>
    %dma_start3A_131 = tpu.memref_squeeze %dma_start3A_130 : memref<1x1000x32xf32, #tpu.memory_space<vmem>> -> memref<1000x32xf32, #tpu.memory_space<vmem>>
    %dma_start3A_132 = arith.constant 0 : i32
    %dma_start3A_133 = tpu.memref_slice %arg5[%dma_start3A_126, %dma_start3A_132] : memref<2x1000xi32, #tpu.memory_space<vmem>> -> memref<1x1000xi32, #tpu.memory_space<vmem>>
    %dma_start3A_134 = tpu.memref_squeeze %dma_start3A_133 : memref<1x1000xi32, #tpu.memory_space<vmem>> -> memref<1000xi32, #tpu.memory_space<vmem>>
    %dma_start3A_135 = arith.constant 0 : i32
    %dma_start3A_136 = arith.constant 0 : i32
    %dma_start3A_137 = tpu.memref_slice %arg2[%dma_start3A_135, %dma_start3A_136] : memref<20000x32xf32, #tpu.memory_space<hbm>> -> memref<20000x32xf32, #tpu.memory_space<hbm>>
    tpu.enqueue_indirect_dma source(%dma_start3A_137 : memref<20000x32xf32, #tpu.memory_space<hbm>>) target(%dma_start3A_131 : memref<1000x32xf32, #tpu.memory_space<vmem>>) offsets(%dma_start3A_134 : memref<1000xi32, #tpu.memory_space<vmem>>) semaphore(%arg7 : memref<!tpu.dma_semaphore, #tpu.memory_space<semaphore_mem>>)
    %dma_wait3A_138 = arith.constant 0 : i32
    %dma_wait3A_139 = arith.constant 0 : i32
    %dma_wait3A_140 = arith.constant 0 : i32
    %dma_wait3A_141 = arith.constant 0 : i32
    %dma_wait3A_142 = tpu.memref_slice %arg6[%dma_wait3A_139, %dma_wait3A_140, %dma_wait3A_141] : memref<2x1000x32xf32, #tpu.memory_space<vmem>> -> memref<1x1000x32xf32, #tpu.memory_space<vmem>>
    %dma_wait3A_143 = tpu.memref_squeeze %dma_wait3A_142 : memref<1x1000x32xf32, #tpu.memory_space<vmem>> -> memref<1000x32xf32, #tpu.memory_space<vmem>>
    %dma_wait3A_144 = arith.constant 0 : i32
    %dma_wait3A_145 = tpu.memref_slice %arg5[%dma_wait3A_138, %dma_wait3A_144] : memref<2x1000xi32, #tpu.memory_space<vmem>> -> memref<1x1000xi32, #tpu.memory_space<vmem>>
    %dma_wait3A_146 = tpu.memref_squeeze %dma_wait3A_145 : memref<1x1000xi32, #tpu.memory_space<vmem>> -> memref<1000xi32, #tpu.memory_space<vmem>>
    %dma_wait3A_147 = arith.constant 0 : i32
    %dma_wait3A_148 = arith.constant 0 : i32
    %dma_wait3A_149 = tpu.memref_slice %arg2[%dma_wait3A_147, %dma_wait3A_148] : memref<20000x32xf32, #tpu.memory_space<hbm>> -> memref<20000x32xf32, #tpu.memory_space<hbm>>
    tpu.wait_indirect_dma semaphore(%arg7 : memref<!tpu.dma_semaphore, #tpu.memory_space<semaphore_mem>>) src(%dma_wait3A_149 : memref<20000x32xf32, #tpu.memory_space<hbm>>) dst(%dma_wait3A_143 : memref<1000x32xf32, #tpu.memory_space<vmem>>)
    %add3A_150 = arith.constant 2000 : i32
    %add3A_151 = arith.addi %mul3A_2, %add3A_150 : i32
    %dma_start3A_152 = arith.constant 0 : i32
    %dma_start3A_153 = arith.constant 0 : i32
    %dma_start3A_154 = arith.constant 0 : i32
    %dma_start3A_155 = tpu.memref_slice %arg6[%dma_start3A_152, %dma_start3A_153, %dma_start3A_154] : memref<2x1000x32xf32, #tpu.memory_space<vmem>> -> memref<1x1000x32xf32, #tpu.memory_space<vmem>>
    %dma_start3A_156 = tpu.memref_squeeze %dma_start3A_155 : memref<1x1000x32xf32, #tpu.memory_space<vmem>> -> memref<1000x32xf32, #tpu.memory_space<vmem>>
    %dma_start3A_157 = arith.constant 0 : i32
    %dma_start3A_158 = tpu.memref_slice %arg4[%add3A_151, %dma_start3A_157] : memref<320000x32xf32, #tpu.memory_space<hbm>> -> memref<1000x32xf32, #tpu.memory_space<hbm>>
    %dma_start3A_159 = arith.constant 0 : i32
    %dma_start3A_160 = tpu.memref_slice %arg4[%add3A_151, %dma_start3A_159] : memref<320000x32xf32, #tpu.memory_space<hbm>> -> memref<1000x32xf32, #tpu.memory_space<hbm>>
    %dma_start3A_161 = arith.constant 0 : i32
    %dma_start3A_162 = arith.constant 0 : i32
    %dma_start3A_163 = tpu.memref_slice %arg6[%dma_start3A_152, %dma_start3A_161, %dma_start3A_162] : memref<2x1000x32xf32, #tpu.memory_space<vmem>> -> memref<1x1000x32xf32, #tpu.memory_space<vmem>>
    %dma_start3A_164 = tpu.memref_squeeze %dma_start3A_163 : memref<1x1000x32xf32, #tpu.memory_space<vmem>> -> memref<1000x32xf32, #tpu.memory_space<vmem>>
    tpu.enqueue_dma source(%dma_start3A_164 : memref<1000x32xf32, #tpu.memory_space<vmem>>) target(%dma_start3A_160 : memref<1000x32xf32, #tpu.memory_space<hbm>>) target_semaphore(%arg8 : memref<!tpu.dma_semaphore, #tpu.memory_space<semaphore_mem>>)
    %add3A_165 = arith.constant 4000 : i32
    %add3A_166 = arith.addi %mul3A_2, %add3A_165 : i32
    %run_scoped3A_167 = arith.constant 0 : i32
    "tpu.region"() ({
      %run_scoped3A_548 = tpu.sem_alloc : memref<!tpu.dma_semaphore, #tpu.memory_space<semaphore_mem>>
      %dma_start3A_549 = arith.constant 0 : i32
      %dma_start3A_550 = tpu.memref_slice %arg5[%run_scoped3A_167, %dma_start3A_549] : memref<2x1000xi32, #tpu.memory_space<vmem>> -> memref<1x1000xi32, #tpu.memory_space<vmem>>
      %dma_start3A_551 = tpu.memref_squeeze %dma_start3A_550 : memref<1x1000xi32, #tpu.memory_space<vmem>> -> memref<1000xi32, #tpu.memory_space<vmem>>
      %dma_start3A_552 = tpu.memref_slice %arg3[%add3A_166] : memref<320000xi32, #tpu.memory_space<hbm>> -> memref<1000xi32, #tpu.memory_space<hbm>>
      %dma_start3A_553 = arith.constant 0 : i32
      %dma_start3A_554 = tpu.memref_slice %arg5[%run_scoped3A_167, %dma_start3A_553] : memref<2x1000xi32, #tpu.memory_space<vmem>> -> memref<1x1000xi32, #tpu.memory_space<vmem>>
      %dma_start3A_555 = tpu.memref_squeeze %dma_start3A_554 : memref<1x1000xi32, #tpu.memory_space<vmem>> -> memref<1000xi32, #tpu.memory_space<vmem>>
      %dma_start3A_556 = tpu.memref_slice %arg3[%add3A_166] : memref<320000xi32, #tpu.memory_space<hbm>> -> memref<1000xi32, #tpu.memory_space<hbm>>
      tpu.enqueue_dma source(%dma_start3A_556 : memref<1000xi32, #tpu.memory_space<hbm>>) target(%dma_start3A_555 : memref<1000xi32, #tpu.memory_space<vmem>>) target_semaphore(%run_scoped3A_548 : memref<!tpu.dma_semaphore, #tpu.memory_space<semaphore_mem>>)
      %dma_wait3A_557 = arith.constant 0 : i32
      %dma_wait3A_558 = tpu.memref_slice %arg5[%run_scoped3A_167, %dma_wait3A_557] : memref<2x1000xi32, #tpu.memory_space<vmem>> -> memref<1x1000xi32, #tpu.memory_space<vmem>>
      %dma_wait3A_559 = tpu.memref_squeeze %dma_wait3A_558 : memref<1x1000xi32, #tpu.memory_space<vmem>> -> memref<1000xi32, #tpu.memory_space<vmem>>
      %dma_wait3A_560 = tpu.memref_slice %arg3[%add3A_166] : memref<320000xi32, #tpu.memory_space<hbm>> -> memref<1000xi32, #tpu.memory_space<hbm>>
      %dma_wait3A_561 = arith.constant 0 : i32
      %dma_wait3A_562 = tpu.memref_slice %arg5[%run_scoped3A_167, %dma_wait3A_561] : memref<2x1000xi32, #tpu.memory_space<vmem>> -> memref<1x1000xi32, #tpu.memory_space<vmem>>
      %dma_wait3A_563 = tpu.memref_squeeze %dma_wait3A_562 : memref<1x1000xi32, #tpu.memory_space<vmem>> -> memref<1000xi32, #tpu.memory_space<vmem>>
      %dma_wait3A_564 = tpu.memref_slice %arg3[%add3A_166] : memref<320000xi32, #tpu.memory_space<hbm>> -> memref<1000xi32, #tpu.memory_space<hbm>>
      tpu.wait_dma2 semaphore(%run_scoped3A_548 : memref<!tpu.dma_semaphore, #tpu.memory_space<semaphore_mem>>) src(%dma_wait3A_564 : memref<1000xi32, #tpu.memory_space<hbm>>) dst(%dma_wait3A_563 : memref<1000xi32, #tpu.memory_space<vmem>>)
      tpu.yield
    }) : () -> ()
    %dma_wait3A_168 = arith.constant 0 : i32
    %dma_wait3A_169 = arith.constant 0 : i32
    %dma_wait3A_170 = arith.constant 0 : i32
    %dma_wait3A_171 = tpu.memref_slice %arg6[%dma_wait3A_168, %dma_wait3A_169, %dma_wait3A_170] : memref<2x1000x32xf32, #tpu.memory_space<vmem>> -> memref<1x1000x32xf32, #tpu.memory_space<vmem>>
    %dma_wait3A_172 = tpu.memref_squeeze %dma_wait3A_171 : memref<1x1000x32xf32, #tpu.memory_space<vmem>> -> memref<1000x32xf32, #tpu.memory_space<vmem>>
    %dma_wait3A_173 = arith.constant 0 : i32
    %dma_wait3A_174 = tpu.memref_slice %arg4[%add3A_151, %dma_wait3A_173] : memref<320000x32xf32, #tpu.memory_space<hbm>> -> memref<1000x32xf32, #tpu.memory_space<hbm>>
    %dma_wait3A_175 = arith.constant 0 : i32
    %dma_wait3A_176 = tpu.memref_slice %arg4[%add3A_151, %dma_wait3A_175] : memref<320000x32xf32, #tpu.memory_space<hbm>> -> memref<1000x32xf32, #tpu.memory_space<hbm>>
    %dma_wait3A_177 = arith.constant 0 : i32
    %dma_wait3A_178 = arith.constant 0 : i32
    %dma_wait3A_179 = tpu.memref_slice %arg6[%dma_wait3A_168, %dma_wait3A_177, %dma_wait3A_178] : memref<2x1000x32xf32, #tpu.memory_space<vmem>> -> memref<1x1000x32xf32, #tpu.memory_space<vmem>>
    %dma_wait3A_180 = tpu.memref_squeeze %dma_wait3A_179 : memref<1x1000x32xf32, #tpu.memory_space<vmem>> -> memref<1000x32xf32, #tpu.memory_space<vmem>>
    tpu.wait_dma2 semaphore(%arg8 : memref<!tpu.dma_semaphore, #tpu.memory_space<semaphore_mem>>) src(%dma_wait3A_180 : memref<1000x32xf32, #tpu.memory_space<vmem>>) dst(%dma_wait3A_176 : memref<1000x32xf32, #tpu.memory_space<hbm>>)
    %dma_start3A_181 = arith.constant 0 : i32
    %dma_start3A_182 = arith.constant 0 : i32
    %dma_start3A_183 = arith.constant 0 : i32
    %dma_start3A_184 = arith.constant 0 : i32
    %dma_start3A_185 = tpu.memref_slice %arg6[%dma_start3A_182, %dma_start3A_183, %dma_start3A_184] : memref<2x1000x32xf32, #tpu.memory_space<vmem>> -> memref<1x1000x32xf32, #tpu.memory_space<vmem>>
    %dma_start3A_186 = tpu.memref_squeeze %dma_start3A_185 : memref<1x1000x32xf32, #tpu.memory_space<vmem>> -> memref<1000x32xf32, #tpu.memory_space<vmem>>
    %dma_start3A_187 = arith.constant 0 : i32
    %dma_start3A_188 = tpu.memref_slice %arg5[%dma_start3A_181, %dma_start3A_187] : memref<2x1000xi32, #tpu.memory_space<vmem>> -> memref<1x1000xi32, #tpu.memory_space<vmem>>
    %dma_start3A_189 = tpu.memref_squeeze %dma_start3A_188 : memref<1x1000xi32, #tpu.memory_space<vmem>> -> memref<1000xi32, #tpu.memory_space<vmem>>
    %dma_start3A_190 = arith.constant 0 : i32
    %dma_start3A_191 = arith.constant 0 : i32
    %dma_start3A_192 = tpu.memref_slice %arg2[%dma_start3A_190, %dma_start3A_191] : memref<20000x32xf32, #tpu.memory_space<hbm>> -> memref<20000x32xf32, #tpu.memory_space<hbm>>
    tpu.enqueue_indirect_dma source(%dma_start3A_192 : memref<20000x32xf32, #tpu.memory_space<hbm>>) target(%dma_start3A_186 : memref<1000x32xf32, #tpu.memory_space<vmem>>) offsets(%dma_start3A_189 : memref<1000xi32, #tpu.memory_space<vmem>>) semaphore(%arg7 : memref<!tpu.dma_semaphore, #tpu.memory_space<semaphore_mem>>)
    %dma_wait3A_193 = arith.constant 1 : i32
    %dma_wait3A_194 = arith.constant 1 : i32
    %dma_wait3A_195 = arith.constant 0 : i32
    %dma_wait3A_196 = arith.constant 0 : i32
    %dma_wait3A_197 = tpu.memref_slice %arg6[%dma_wait3A_194, %dma_wait3A_195, %dma_wait3A_196] : memref<2x1000x32xf32, #tpu.memory_space<vmem>> -> memref<1x1000x32xf32, #tpu.memory_space<vmem>>
    %dma_wait3A_198 = tpu.memref_squeeze %dma_wait3A_197 : memref<1x1000x32xf32, #tpu.memory_space<vmem>> -> memref<1000x32xf32, #tpu.memory_space<vmem>>
    %dma_wait3A_199 = arith.constant 0 : i32
    %dma_wait3A_200 = tpu.memref_slice %arg5[%dma_wait3A_193, %dma_wait3A_199] : memref<2x1000xi32, #tpu.memory_space<vmem>> -> memref<1x1000xi32, #tpu.memory_space<vmem>>
    %dma_wait3A_201 = tpu.memref_squeeze %dma_wait3A_200 : memref<1x1000xi32, #tpu.memory_space<vmem>> -> memref<1000xi32, #tpu.memory_space<vmem>>
    %dma_wait3A_202 = arith.constant 0 : i32
    %dma_wait3A_203 = arith.constant 0 : i32
    %dma_wait3A_204 = tpu.memref_slice %arg2[%dma_wait3A_202, %dma_wait3A_203] : memref<20000x32xf32, #tpu.memory_space<hbm>> -> memref<20000x32xf32, #tpu.memory_space<hbm>>
    tpu.wait_indirect_dma semaphore(%arg7 : memref<!tpu.dma_semaphore, #tpu.memory_space<semaphore_mem>>) src(%dma_wait3A_204 : memref<20000x32xf32, #tpu.memory_space<hbm>>) dst(%dma_wait3A_198 : memref<1000x32xf32, #tpu.memory_space<vmem>>)
    %add3A_205 = arith.constant 3000 : i32
    %add3A_206 = arith.addi %mul3A_2, %add3A_205 : i32
    %dma_start3A_207 = arith.constant 1 : i32
    %dma_start3A_208 = arith.constant 0 : i32
    %dma_start3A_209 = arith.constant 0 : i32
    %dma_start3A_210 = tpu.memref_slice %arg6[%dma_start3A_207, %dma_start3A_208, %dma_start3A_209] : memref<2x1000x32xf32, #tpu.memory_space<vmem>> -> memref<1x1000x32xf32, #tpu.memory_space<vmem>>
    %dma_start3A_211 = tpu.memref_squeeze %dma_start3A_210 : memref<1x1000x32xf32, #tpu.memory_space<vmem>> -> memref<1000x32xf32, #tpu.memory_space<vmem>>
    %dma_start3A_212 = arith.constant 0 : i32
    %dma_start3A_213 = tpu.memref_slice %arg4[%add3A_206, %dma_start3A_212] : memref<320000x32xf32, #tpu.memory_space<hbm>> -> memref<1000x32xf32, #tpu.memory_space<hbm>>
    %dma_start3A_214 = arith.constant 0 : i32
    %dma_start3A_215 = tpu.memref_slice %arg4[%add3A_206, %dma_start3A_214] : memref<320000x32xf32, #tpu.memory_space<hbm>> -> memref<1000x32xf32, #tpu.memory_space<hbm>>
    %dma_start3A_216 = arith.constant 0 : i32
    %dma_start3A_217 = arith.constant 0 : i32
    %dma_start3A_218 = tpu.memref_slice %arg6[%dma_start3A_207, %dma_start3A_216, %dma_start3A_217] : memref<2x1000x32xf32, #tpu.memory_space<vmem>> -> memref<1x1000x32xf32, #tpu.memory_space<vmem>>
    %dma_start3A_219 = tpu.memref_squeeze %dma_start3A_218 : memref<1x1000x32xf32, #tpu.memory_space<vmem>> -> memref<1000x32xf32, #tpu.memory_space<vmem>>
    tpu.enqueue_dma source(%dma_start3A_219 : memref<1000x32xf32, #tpu.memory_space<vmem>>) target(%dma_start3A_215 : memref<1000x32xf32, #tpu.memory_space<hbm>>) target_semaphore(%arg8 : memref<!tpu.dma_semaphore, #tpu.memory_space<semaphore_mem>>)
    %add3A_220 = arith.constant 5000 : i32
    %add3A_221 = arith.addi %mul3A_2, %add3A_220 : i32
    %run_scoped3A_222 = arith.constant 1 : i32
    "tpu.region"() ({
      %run_scoped3A_548 = tpu.sem_alloc : memref<!tpu.dma_semaphore, #tpu.memory_space<semaphore_mem>>
      %dma_start3A_549 = arith.constant 0 : i32
      %dma_start3A_550 = tpu.memref_slice %arg5[%run_scoped3A_222, %dma_start3A_549] : memref<2x1000xi32, #tpu.memory_space<vmem>> -> memref<1x1000xi32, #tpu.memory_space<vmem>>
      %dma_start3A_551 = tpu.memref_squeeze %dma_start3A_550 : memref<1x1000xi32, #tpu.memory_space<vmem>> -> memref<1000xi32, #tpu.memory_space<vmem>>
      %dma_start3A_552 = tpu.memref_slice %arg3[%add3A_221] : memref<320000xi32, #tpu.memory_space<hbm>> -> memref<1000xi32, #tpu.memory_space<hbm>>
      %dma_start3A_553 = arith.constant 0 : i32
      %dma_start3A_554 = tpu.memref_slice %arg5[%run_scoped3A_222, %dma_start3A_553] : memref<2x1000xi32, #tpu.memory_space<vmem>> -> memref<1x1000xi32, #tpu.memory_space<vmem>>
      %dma_start3A_555 = tpu.memref_squeeze %dma_start3A_554 : memref<1x1000xi32, #tpu.memory_space<vmem>> -> memref<1000xi32, #tpu.memory_space<vmem>>
      %dma_start3A_556 = tpu.memref_slice %arg3[%add3A_221] : memref<320000xi32, #tpu.memory_space<hbm>> -> memref<1000xi32, #tpu.memory_space<hbm>>
      tpu.enqueue_dma source(%dma_start3A_556 : memref<1000xi32, #tpu.memory_space<hbm>>) target(%dma_start3A_555 : memref<1000xi32, #tpu.memory_space<vmem>>) target_semaphore(%run_scoped3A_548 : memref<!tpu.dma_semaphore, #tpu.memory_space<semaphore_mem>>)
      %dma_wait3A_557 = arith.constant 0 : i32
      %dma_wait3A_558 = tpu.memref_slice %arg5[%run_scoped3A_222, %dma_wait3A_557] : memref<2x1000xi32, #tpu.memory_space<vmem>> -> memref<1x1000xi32, #tpu.memory_space<vmem>>
      %dma_wait3A_559 = tpu.memref_squeeze %dma_wait3A_558 : memref<1x1000xi32, #tpu.memory_space<vmem>> -> memref<1000xi32, #tpu.memory_space<vmem>>
      %dma_wait3A_560 = tpu.memref_slice %arg3[%add3A_221] : memref<320000xi32, #tpu.memory_space<hbm>> -> memref<1000xi32, #tpu.memory_space<hbm>>
      %dma_wait3A_561 = arith.constant 0 : i32
      %dma_wait3A_562 = tpu.memref_slice %arg5[%run_scoped3A_222, %dma_wait3A_561] : memref<2x1000xi32, #tpu.memory_space<vmem>> -> memref<1x1000xi32, #tpu.memory_space<vmem>>
      %dma_wait3A_563 = tpu.memref_squeeze %dma_wait3A_562 : memref<1x1000xi32, #tpu.memory_space<vmem>> -> memref<1000xi32, #tpu.memory_space<vmem>>
      %dma_wait3A_564 = tpu.memref_slice %arg3[%add3A_221] : memref<320000xi32, #tpu.memory_space<hbm>> -> memref<1000xi32, #tpu.memory_space<hbm>>
      tpu.wait_dma2 semaphore(%run_scoped3A_548 : memref<!tpu.dma_semaphore, #tpu.memory_space<semaphore_mem>>) src(%dma_wait3A_564 : memref<1000xi32, #tpu.memory_space<hbm>>) dst(%dma_wait3A_563 : memref<1000xi32, #tpu.memory_space<vmem>>)
      tpu.yield
    }) : () -> ()
    %dma_wait3A_223 = arith.constant 1 : i32
    %dma_wait3A_224 = arith.constant 0 : i32
    %dma_wait3A_225 = arith.constant 0 : i32
    %dma_wait3A_226 = tpu.memref_slice %arg6[%dma_wait3A_223, %dma_wait3A_224, %dma_wait3A_225] : memref<2x1000x32xf32, #tpu.memory_space<vmem>> -> memref<1x1000x32xf32, #tpu.memory_space<vmem>>
    %dma_wait3A_227 = tpu.memref_squeeze %dma_wait3A_226 : memref<1x1000x32xf32, #tpu.memory_space<vmem>> -> memref<1000x32xf32, #tpu.memory_space<vmem>>
    %dma_wait3A_228 = arith.constant 0 : i32
    %dma_wait3A_229 = tpu.memref_slice %arg4[%add3A_206, %dma_wait3A_228] : memref<320000x32xf32, #tpu.memory_space<hbm>> -> memref<1000x32xf32, #tpu.memory_space<hbm>>
    %dma_wait3A_230 = arith.constant 0 : i32
    %dma_wait3A_231 = tpu.memref_slice %arg4[%add3A_206, %dma_wait3A_230] : memref<320000x32xf32, #tpu.memory_space<hbm>> -> memref<1000x32xf32, #tpu.memory_space<hbm>>
    %dma_wait3A_232 = arith.constant 0 : i32
    %dma_wait3A_233 = arith.constant 0 : i32
    %dma_wait3A_234 = tpu.memref_slice %arg6[%dma_wait3A_223, %dma_wait3A_232, %dma_wait3A_233] : memref<2x1000x32xf32, #tpu.memory_space<vmem>> -> memref<1x1000x32xf32, #tpu.memory_space<vmem>>
    %dma_wait3A_235 = tpu.memref_squeeze %dma_wait3A_234 : memref<1x1000x32xf32, #tpu.memory_space<vmem>> -> memref<1000x32xf32, #tpu.memory_space<vmem>>
    tpu.wait_dma2 semaphore(%arg8 : memref<!tpu.dma_semaphore, #tpu.memory_space<semaphore_mem>>) src(%dma_wait3A_235 : memref<1000x32xf32, #tpu.memory_space<vmem>>) dst(%dma_wait3A_231 : memref<1000x32xf32, #tpu.memory_space<hbm>>)
    %dma_start3A_236 = arith.constant 1 : i32
    %dma_start3A_237 = arith.constant 1 : i32
    %dma_start3A_238 = arith.constant 0 : i32
    %dma_start3A_239 = arith.constant 0 : i32
    %dma_start3A_240 = tpu.memref_slice %arg6[%dma_start3A_237, %dma_start3A_238, %dma_start3A_239] : memref<2x1000x32xf32, #tpu.memory_space<vmem>> -> memref<1x1000x32xf32, #tpu.memory_space<vmem>>
    %dma_start3A_241 = tpu.memref_squeeze %dma_start3A_240 : memref<1x1000x32xf32, #tpu.memory_space<vmem>> -> memref<1000x32xf32, #tpu.memory_space<vmem>>
    %dma_start3A_242 = arith.constant 0 : i32
    %dma_start3A_243 = tpu.memref_slice %arg5[%dma_start3A_236, %dma_start3A_242] : memref<2x1000xi32, #tpu.memory_space<vmem>> -> memref<1x1000xi32, #tpu.memory_space<vmem>>
    %dma_start3A_244 = tpu.memref_squeeze %dma_start3A_243 : memref<1x1000xi32, #tpu.memory_space<vmem>> -> memref<1000xi32, #tpu.memory_space<vmem>>
    %dma_start3A_245 = arith.constant 0 : i32
    %dma_start3A_246 = arith.constant 0 : i32
    %dma_start3A_247 = tpu.memref_slice %arg2[%dma_start3A_245, %dma_start3A_246] : memref<20000x32xf32, #tpu.memory_space<hbm>> -> memref<20000x32xf32, #tpu.memory_space<hbm>>
    tpu.enqueue_indirect_dma source(%dma_start3A_247 : memref<20000x32xf32, #tpu.memory_space<hbm>>) target(%dma_start3A_241 : memref<1000x32xf32, #tpu.memory_space<vmem>>) offsets(%dma_start3A_244 : memref<1000xi32, #tpu.memory_space<vmem>>) semaphore(%arg7 : memref<!tpu.dma_semaphore, #tpu.memory_space<semaphore_mem>>)
    %dma_wait3A_248 = arith.constant 0 : i32
    %dma_wait3A_249 = arith.constant 0 : i32
    %dma_wait3A_250 = arith.constant 0 : i32
    %dma_wait3A_251 = arith.constant 0 : i32
    %dma_wait3A_252 = tpu.memref_slice %arg6[%dma_wait3A_249, %dma_wait3A_250, %dma_wait3A_251] : memref<2x1000x32xf32, #tpu.memory_space<vmem>> -> memref<1x1000x32xf32, #tpu.memory_space<vmem>>
    %dma_wait3A_253 = tpu.memref_squeeze %dma_wait3A_252 : memref<1x1000x32xf32, #tpu.memory_space<vmem>> -> memref<1000x32xf32, #tpu.memory_space<vmem>>
    %dma_wait3A_254 = arith.constant 0 : i32
    %dma_wait3A_255 = tpu.memref_slice %arg5[%dma_wait3A_248, %dma_wait3A_254] : memref<2x1000xi32, #tpu.memory_space<vmem>> -> memref<1x1000xi32, #tpu.memory_space<vmem>>
    %dma_wait3A_256 = tpu.memref_squeeze %dma_wait3A_255 : memref<1x1000xi32, #tpu.memory_space<vmem>> -> memref<1000xi32, #tpu.memory_space<vmem>>
    %dma_wait3A_257 = arith.constant 0 : i32
    %dma_wait3A_258 = arith.constant 0 : i32
    %dma_wait3A_259 = tpu.memref_slice %arg2[%dma_wait3A_257, %dma_wait3A_258] : memref<20000x32xf32, #tpu.memory_space<hbm>> -> memref<20000x32xf32, #tpu.memory_space<hbm>>
    tpu.wait_indirect_dma semaphore(%arg7 : memref<!tpu.dma_semaphore, #tpu.memory_space<semaphore_mem>>) src(%dma_wait3A_259 : memref<20000x32xf32, #tpu.memory_space<hbm>>) dst(%dma_wait3A_253 : memref<1000x32xf32, #tpu.memory_space<vmem>>)
    %add3A_260 = arith.constant 4000 : i32
    %add3A_261 = arith.addi %mul3A_2, %add3A_260 : i32
    %dma_start3A_262 = arith.constant 0 : i32
    %dma_start3A_263 = arith.constant 0 : i32
    %dma_start3A_264 = arith.constant 0 : i32
    %dma_start3A_265 = tpu.memref_slice %arg6[%dma_start3A_262, %dma_start3A_263, %dma_start3A_264] : memref<2x1000x32xf32, #tpu.memory_space<vmem>> -> memref<1x1000x32xf32, #tpu.memory_space<vmem>>
    %dma_start3A_266 = tpu.memref_squeeze %dma_start3A_265 : memref<1x1000x32xf32, #tpu.memory_space<vmem>> -> memref<1000x32xf32, #tpu.memory_space<vmem>>
    %dma_start3A_267 = arith.constant 0 : i32
    %dma_start3A_268 = tpu.memref_slice %arg4[%add3A_261, %dma_start3A_267] : memref<320000x32xf32, #tpu.memory_space<hbm>> -> memref<1000x32xf32, #tpu.memory_space<hbm>>
    %dma_start3A_269 = arith.constant 0 : i32
    %dma_start3A_270 = tpu.memref_slice %arg4[%add3A_261, %dma_start3A_269] : memref<320000x32xf32, #tpu.memory_space<hbm>> -> memref<1000x32xf32, #tpu.memory_space<hbm>>
    %dma_start3A_271 = arith.constant 0 : i32
    %dma_start3A_272 = arith.constant 0 : i32
    %dma_start3A_273 = tpu.memref_slice %arg6[%dma_start3A_262, %dma_start3A_271, %dma_start3A_272] : memref<2x1000x32xf32, #tpu.memory_space<vmem>> -> memref<1x1000x32xf32, #tpu.memory_space<vmem>>
    %dma_start3A_274 = tpu.memref_squeeze %dma_start3A_273 : memref<1x1000x32xf32, #tpu.memory_space<vmem>> -> memref<1000x32xf32, #tpu.memory_space<vmem>>
    tpu.enqueue_dma source(%dma_start3A_274 : memref<1000x32xf32, #tpu.memory_space<vmem>>) target(%dma_start3A_270 : memref<1000x32xf32, #tpu.memory_space<hbm>>) target_semaphore(%arg8 : memref<!tpu.dma_semaphore, #tpu.memory_space<semaphore_mem>>)
    %add3A_275 = arith.constant 6000 : i32
    %add3A_276 = arith.addi %mul3A_2, %add3A_275 : i32
    %run_scoped3A_277 = arith.constant 0 : i32
    "tpu.region"() ({
      %run_scoped3A_548 = tpu.sem_alloc : memref<!tpu.dma_semaphore, #tpu.memory_space<semaphore_mem>>
      %dma_start3A_549 = arith.constant 0 : i32
      %dma_start3A_550 = tpu.memref_slice %arg5[%run_scoped3A_277, %dma_start3A_549] : memref<2x1000xi32, #tpu.memory_space<vmem>> -> memref<1x1000xi32, #tpu.memory_space<vmem>>
      %dma_start3A_551 = tpu.memref_squeeze %dma_start3A_550 : memref<1x1000xi32, #tpu.memory_space<vmem>> -> memref<1000xi32, #tpu.memory_space<vmem>>
      %dma_start3A_552 = tpu.memref_slice %arg3[%add3A_276] : memref<320000xi32, #tpu.memory_space<hbm>> -> memref<1000xi32, #tpu.memory_space<hbm>>
      %dma_start3A_553 = arith.constant 0 : i32
      %dma_start3A_554 = tpu.memref_slice %arg5[%run_scoped3A_277, %dma_start3A_553] : memref<2x1000xi32, #tpu.memory_space<vmem>> -> memref<1x1000xi32, #tpu.memory_space<vmem>>
      %dma_start3A_555 = tpu.memref_squeeze %dma_start3A_554 : memref<1x1000xi32, #tpu.memory_space<vmem>> -> memref<1000xi32, #tpu.memory_space<vmem>>
      %dma_start3A_556 = tpu.memref_slice %arg3[%add3A_276] : memref<320000xi32, #tpu.memory_space<hbm>> -> memref<1000xi32, #tpu.memory_space<hbm>>
      tpu.enqueue_dma source(%dma_start3A_556 : memref<1000xi32, #tpu.memory_space<hbm>>) target(%dma_start3A_555 : memref<1000xi32, #tpu.memory_space<vmem>>) target_semaphore(%run_scoped3A_548 : memref<!tpu.dma_semaphore, #tpu.memory_space<semaphore_mem>>)
      %dma_wait3A_557 = arith.constant 0 : i32
      %dma_wait3A_558 = tpu.memref_slice %arg5[%run_scoped3A_277, %dma_wait3A_557] : memref<2x1000xi32, #tpu.memory_space<vmem>> -> memref<1x1000xi32, #tpu.memory_space<vmem>>
      %dma_wait3A_559 = tpu.memref_squeeze %dma_wait3A_558 : memref<1x1000xi32, #tpu.memory_space<vmem>> -> memref<1000xi32, #tpu.memory_space<vmem>>
      %dma_wait3A_560 = tpu.memref_slice %arg3[%add3A_276] : memref<320000xi32, #tpu.memory_space<hbm>> -> memref<1000xi32, #tpu.memory_space<hbm>>
      %dma_wait3A_561 = arith.constant 0 : i32
      %dma_wait3A_562 = tpu.memref_slice %arg5[%run_scoped3A_277, %dma_wait3A_561] : memref<2x1000xi32, #tpu.memory_space<vmem>> -> memref<1x1000xi32, #tpu.memory_space<vmem>>
      %dma_wait3A_563 = tpu.memref_squeeze %dma_wait3A_562 : memref<1x1000xi32, #tpu.memory_space<vmem>> -> memref<1000xi32, #tpu.memory_space<vmem>>
      %dma_wait3A_564 = tpu.memref_slice %arg3[%add3A_276] : memref<320000xi32, #tpu.memory_space<hbm>> -> memref<1000xi32, #tpu.memory_space<hbm>>
      tpu.wait_dma2 semaphore(%run_scoped3A_548 : memref<!tpu.dma_semaphore, #tpu.memory_space<semaphore_mem>>) src(%dma_wait3A_564 : memref<1000xi32, #tpu.memory_space<hbm>>) dst(%dma_wait3A_563 : memref<1000xi32, #tpu.memory_space<vmem>>)
      tpu.yield
    }) : () -> ()
    %dma_wait3A_278 = arith.constant 0 : i32
    %dma_wait3A_279 = arith.constant 0 : i32
    %dma_wait3A_280 = arith.constant 0 : i32
    %dma_wait3A_281 = tpu.memref_slice %arg6[%dma_wait3A_278, %dma_wait3A_279, %dma_wait3A_280] : memref<2x1000x32xf32, #tpu.memory_space<vmem>> -> memref<1x1000x32xf32, #tpu.memory_space<vmem>>
    %dma_wait3A_282 = tpu.memref_squeeze %dma_wait3A_281 : memref<1x1000x32xf32, #tpu.memory_space<vmem>> -> memref<1000x32xf32, #tpu.memory_space<vmem>>
    %dma_wait3A_283 = arith.constant 0 : i32
    %dma_wait3A_284 = tpu.memref_slice %arg4[%add3A_261, %dma_wait3A_283] : memref<320000x32xf32, #tpu.memory_space<hbm>> -> memref<1000x32xf32, #tpu.memory_space<hbm>>
    %dma_wait3A_285 = arith.constant 0 : i32
    %dma_wait3A_286 = tpu.memref_slice %arg4[%add3A_261, %dma_wait3A_285] : memref<320000x32xf32, #tpu.memory_space<hbm>> -> memref<1000x32xf32, #tpu.memory_space<hbm>>
    %dma_wait3A_287 = arith.constant 0 : i32
    %dma_wait3A_288 = arith.constant 0 : i32
    %dma_wait3A_289 = tpu.memref_slice %arg6[%dma_wait3A_278, %dma_wait3A_287, %dma_wait3A_288] : memref<2x1000x32xf32, #tpu.memory_space<vmem>> -> memref<1x1000x32xf32, #tpu.memory_space<vmem>>
    %dma_wait3A_290 = tpu.memref_squeeze %dma_wait3A_289 : memref<1x1000x32xf32, #tpu.memory_space<vmem>> -> memref<1000x32xf32, #tpu.memory_space<vmem>>
    tpu.wait_dma2 semaphore(%arg8 : memref<!tpu.dma_semaphore, #tpu.memory_space<semaphore_mem>>) src(%dma_wait3A_290 : memref<1000x32xf32, #tpu.memory_space<vmem>>) dst(%dma_wait3A_286 : memref<1000x32xf32, #tpu.memory_space<hbm>>)
    %dma_start3A_291 = arith.constant 0 : i32
    %dma_start3A_292 = arith.constant 0 : i32
    %dma_start3A_293 = arith.constant 0 : i32
    %dma_start3A_294 = arith.constant 0 : i32
    %dma_start3A_295 = tpu.memref_slice %arg6[%dma_start3A_292, %dma_start3A_293, %dma_start3A_294] : memref<2x1000x32xf32, #tpu.memory_space<vmem>> -> memref<1x1000x32xf32, #tpu.memory_space<vmem>>
    %dma_start3A_296 = tpu.memref_squeeze %dma_start3A_295 : memref<1x1000x32xf32, #tpu.memory_space<vmem>> -> memref<1000x32xf32, #tpu.memory_space<vmem>>
    %dma_start3A_297 = arith.constant 0 : i32
    %dma_start3A_298 = tpu.memref_slice %arg5[%dma_start3A_291, %dma_start3A_297] : memref<2x1000xi32, #tpu.memory_space<vmem>> -> memref<1x1000xi32, #tpu.memory_space<vmem>>
    %dma_start3A_299 = tpu.memref_squeeze %dma_start3A_298 : memref<1x1000xi32, #tpu.memory_space<vmem>> -> memref<1000xi32, #tpu.memory_space<vmem>>
    %dma_start3A_300 = arith.constant 0 : i32
    %dma_start3A_301 = arith.constant 0 : i32
    %dma_start3A_302 = tpu.memref_slice %arg2[%dma_start3A_300, %dma_start3A_301] : memref<20000x32xf32, #tpu.memory_space<hbm>> -> memref<20000x32xf32, #tpu.memory_space<hbm>>
    tpu.enqueue_indirect_dma source(%dma_start3A_302 : memref<20000x32xf32, #tpu.memory_space<hbm>>) target(%dma_start3A_296 : memref<1000x32xf32, #tpu.memory_space<vmem>>) offsets(%dma_start3A_299 : memref<1000xi32, #tpu.memory_space<vmem>>) semaphore(%arg7 : memref<!tpu.dma_semaphore, #tpu.memory_space<semaphore_mem>>)
    %dma_wait3A_303 = arith.constant 1 : i32
    %dma_wait3A_304 = arith.constant 1 : i32
    %dma_wait3A_305 = arith.constant 0 : i32
    %dma_wait3A_306 = arith.constant 0 : i32
    %dma_wait3A_307 = tpu.memref_slice %arg6[%dma_wait3A_304, %dma_wait3A_305, %dma_wait3A_306] : memref<2x1000x32xf32, #tpu.memory_space<vmem>> -> memref<1x1000x32xf32, #tpu.memory_space<vmem>>
    %dma_wait3A_308 = tpu.memref_squeeze %dma_wait3A_307 : memref<1x1000x32xf32, #tpu.memory_space<vmem>> -> memref<1000x32xf32, #tpu.memory_space<vmem>>
    %dma_wait3A_309 = arith.constant 0 : i32
    %dma_wait3A_310 = tpu.memref_slice %arg5[%dma_wait3A_303, %dma_wait3A_309] : memref<2x1000xi32, #tpu.memory_space<vmem>> -> memref<1x1000xi32, #tpu.memory_space<vmem>>
    %dma_wait3A_311 = tpu.memref_squeeze %dma_wait3A_310 : memref<1x1000xi32, #tpu.memory_space<vmem>> -> memref<1000xi32, #tpu.memory_space<vmem>>
    %dma_wait3A_312 = arith.constant 0 : i32
    %dma_wait3A_313 = arith.constant 0 : i32
    %dma_wait3A_314 = tpu.memref_slice %arg2[%dma_wait3A_312, %dma_wait3A_313] : memref<20000x32xf32, #tpu.memory_space<hbm>> -> memref<20000x32xf32, #tpu.memory_space<hbm>>
    tpu.wait_indirect_dma semaphore(%arg7 : memref<!tpu.dma_semaphore, #tpu.memory_space<semaphore_mem>>) src(%dma_wait3A_314 : memref<20000x32xf32, #tpu.memory_space<hbm>>) dst(%dma_wait3A_308 : memref<1000x32xf32, #tpu.memory_space<vmem>>)
    %add3A_315 = arith.constant 5000 : i32
    %add3A_316 = arith.addi %mul3A_2, %add3A_315 : i32
    %dma_start3A_317 = arith.constant 1 : i32
    %dma_start3A_318 = arith.constant 0 : i32
    %dma_start3A_319 = arith.constant 0 : i32
    %dma_start3A_320 = tpu.memref_slice %arg6[%dma_start3A_317, %dma_start3A_318, %dma_start3A_319] : memref<2x1000x32xf32, #tpu.memory_space<vmem>> -> memref<1x1000x32xf32, #tpu.memory_space<vmem>>
    %dma_start3A_321 = tpu.memref_squeeze %dma_start3A_320 : memref<1x1000x32xf32, #tpu.memory_space<vmem>> -> memref<1000x32xf32, #tpu.memory_space<vmem>>
    %dma_start3A_322 = arith.constant 0 : i32
    %dma_start3A_323 = tpu.memref_slice %arg4[%add3A_316, %dma_start3A_322] : memref<320000x32xf32, #tpu.memory_space<hbm>> -> memref<1000x32xf32, #tpu.memory_space<hbm>>
    %dma_start3A_324 = arith.constant 0 : i32
    %dma_start3A_325 = tpu.memref_slice %arg4[%add3A_316, %dma_start3A_324] : memref<320000x32xf32, #tpu.memory_space<hbm>> -> memref<1000x32xf32, #tpu.memory_space<hbm>>
    %dma_start3A_326 = arith.constant 0 : i32
    %dma_start3A_327 = arith.constant 0 : i32
    %dma_start3A_328 = tpu.memref_slice %arg6[%dma_start3A_317, %dma_start3A_326, %dma_start3A_327] : memref<2x1000x32xf32, #tpu.memory_space<vmem>> -> memref<1x1000x32xf32, #tpu.memory_space<vmem>>
    %dma_start3A_329 = tpu.memref_squeeze %dma_start3A_328 : memref<1x1000x32xf32, #tpu.memory_space<vmem>> -> memref<1000x32xf32, #tpu.memory_space<vmem>>
    tpu.enqueue_dma source(%dma_start3A_329 : memref<1000x32xf32, #tpu.memory_space<vmem>>) target(%dma_start3A_325 : memref<1000x32xf32, #tpu.memory_space<hbm>>) target_semaphore(%arg8 : memref<!tpu.dma_semaphore, #tpu.memory_space<semaphore_mem>>)
    %add3A_330 = arith.constant 7000 : i32
    %add3A_331 = arith.addi %mul3A_2, %add3A_330 : i32
    %run_scoped3A_332 = arith.constant 1 : i32
    "tpu.region"() ({
      %run_scoped3A_548 = tpu.sem_alloc : memref<!tpu.dma_semaphore, #tpu.memory_space<semaphore_mem>>
      %dma_start3A_549 = arith.constant 0 : i32
      %dma_start3A_550 = tpu.memref_slice %arg5[%run_scoped3A_332, %dma_start3A_549] : memref<2x1000xi32, #tpu.memory_space<vmem>> -> memref<1x1000xi32, #tpu.memory_space<vmem>>
      %dma_start3A_551 = tpu.memref_squeeze %dma_start3A_550 : memref<1x1000xi32, #tpu.memory_space<vmem>> -> memref<1000xi32, #tpu.memory_space<vmem>>
      %dma_start3A_552 = tpu.memref_slice %arg3[%add3A_331] : memref<320000xi32, #tpu.memory_space<hbm>> -> memref<1000xi32, #tpu.memory_space<hbm>>
      %dma_start3A_553 = arith.constant 0 : i32
      %dma_start3A_554 = tpu.memref_slice %arg5[%run_scoped3A_332, %dma_start3A_553] : memref<2x1000xi32, #tpu.memory_space<vmem>> -> memref<1x1000xi32, #tpu.memory_space<vmem>>
      %dma_start3A_555 = tpu.memref_squeeze %dma_start3A_554 : memref<1x1000xi32, #tpu.memory_space<vmem>> -> memref<1000xi32, #tpu.memory_space<vmem>>
      %dma_start3A_556 = tpu.memref_slice %arg3[%add3A_331] : memref<320000xi32, #tpu.memory_space<hbm>> -> memref<1000xi32, #tpu.memory_space<hbm>>
      tpu.enqueue_dma source(%dma_start3A_556 : memref<1000xi32, #tpu.memory_space<hbm>>) target(%dma_start3A_555 : memref<1000xi32, #tpu.memory_space<vmem>>) target_semaphore(%run_scoped3A_548 : memref<!tpu.dma_semaphore, #tpu.memory_space<semaphore_mem>>)
      %dma_wait3A_557 = arith.constant 0 : i32
      %dma_wait3A_558 = tpu.memref_slice %arg5[%run_scoped3A_332, %dma_wait3A_557] : memref<2x1000xi32, #tpu.memory_space<vmem>> -> memref<1x1000xi32, #tpu.memory_space<vmem>>
      %dma_wait3A_559 = tpu.memref_squeeze %dma_wait3A_558 : memref<1x1000xi32, #tpu.memory_space<vmem>> -> memref<1000xi32, #tpu.memory_space<vmem>>
      %dma_wait3A_560 = tpu.memref_slice %arg3[%add3A_331] : memref<320000xi32, #tpu.memory_space<hbm>> -> memref<1000xi32, #tpu.memory_space<hbm>>
      %dma_wait3A_561 = arith.constant 0 : i32
      %dma_wait3A_562 = tpu.memref_slice %arg5[%run_scoped3A_332, %dma_wait3A_561] : memref<2x1000xi32, #tpu.memory_space<vmem>> -> memref<1x1000xi32, #tpu.memory_space<vmem>>
      %dma_wait3A_563 = tpu.memref_squeeze %dma_wait3A_562 : memref<1x1000xi32, #tpu.memory_space<vmem>> -> memref<1000xi32, #tpu.memory_space<vmem>>
      %dma_wait3A_564 = tpu.memref_slice %arg3[%add3A_331] : memref<320000xi32, #tpu.memory_space<hbm>> -> memref<1000xi32, #tpu.memory_space<hbm>>
      tpu.wait_dma2 semaphore(%run_scoped3A_548 : memref<!tpu.dma_semaphore, #tpu.memory_space<semaphore_mem>>) src(%dma_wait3A_564 : memref<1000xi32, #tpu.memory_space<hbm>>) dst(%dma_wait3A_563 : memref<1000xi32, #tpu.memory_space<vmem>>)
      tpu.yield
    }) : () -> ()
    %dma_wait3A_333 = arith.constant 1 : i32
    %dma_wait3A_334 = arith.constant 0 : i32
    %dma_wait3A_335 = arith.constant 0 : i32
    %dma_wait3A_336 = tpu.memref_slice %arg6[%dma_wait3A_333, %dma_wait3A_334, %dma_wait3A_335] : memref<2x1000x32xf32, #tpu.memory_space<vmem>> -> memref<1x1000x32xf32, #tpu.memory_space<vmem>>
    %dma_wait3A_337 = tpu.memref_squeeze %dma_wait3A_336 : memref<1x1000x32xf32, #tpu.memory_space<vmem>> -> memref<1000x32xf32, #tpu.memory_space<vmem>>
    %dma_wait3A_338 = arith.constant 0 : i32
    %dma_wait3A_339 = tpu.memref_slice %arg4[%add3A_316, %dma_wait3A_338] : memref<320000x32xf32, #tpu.memory_space<hbm>> -> memref<1000x32xf32, #tpu.memory_space<hbm>>
    %dma_wait3A_340 = arith.constant 0 : i32
    %dma_wait3A_341 = tpu.memref_slice %arg4[%add3A_316, %dma_wait3A_340] : memref<320000x32xf32, #tpu.memory_space<hbm>> -> memref<1000x32xf32, #tpu.memory_space<hbm>>
    %dma_wait3A_342 = arith.constant 0 : i32
    %dma_wait3A_343 = arith.constant 0 : i32
    %dma_wait3A_344 = tpu.memref_slice %arg6[%dma_wait3A_333, %dma_wait3A_342, %dma_wait3A_343] : memref<2x1000x32xf32, #tpu.memory_space<vmem>> -> memref<1x1000x32xf32, #tpu.memory_space<vmem>>
    %dma_wait3A_345 = tpu.memref_squeeze %dma_wait3A_344 : memref<1x1000x32xf32, #tpu.memory_space<vmem>> -> memref<1000x32xf32, #tpu.memory_space<vmem>>
    tpu.wait_dma2 semaphore(%arg8 : memref<!tpu.dma_semaphore, #tpu.memory_space<semaphore_mem>>) src(%dma_wait3A_345 : memref<1000x32xf32, #tpu.memory_space<vmem>>) dst(%dma_wait3A_341 : memref<1000x32xf32, #tpu.memory_space<hbm>>)
    %dma_start3A_346 = arith.constant 1 : i32
    %dma_start3A_347 = arith.constant 1 : i32
    %dma_start3A_348 = arith.constant 0 : i32
    %dma_start3A_349 = arith.constant 0 : i32
    %dma_start3A_350 = tpu.memref_slice %arg6[%dma_start3A_347, %dma_start3A_348, %dma_start3A_349] : memref<2x1000x32xf32, #tpu.memory_space<vmem>> -> memref<1x1000x32xf32, #tpu.memory_space<vmem>>
    %dma_start3A_351 = tpu.memref_squeeze %dma_start3A_350 : memref<1x1000x32xf32, #tpu.memory_space<vmem>> -> memref<1000x32xf32, #tpu.memory_space<vmem>>
    %dma_start3A_352 = arith.constant 0 : i32
    %dma_start3A_353 = tpu.memref_slice %arg5[%dma_start3A_346, %dma_start3A_352] : memref<2x1000xi32, #tpu.memory_space<vmem>> -> memref<1x1000xi32, #tpu.memory_space<vmem>>
    %dma_start3A_354 = tpu.memref_squeeze %dma_start3A_353 : memref<1x1000xi32, #tpu.memory_space<vmem>> -> memref<1000xi32, #tpu.memory_space<vmem>>
    %dma_start3A_355 = arith.constant 0 : i32
    %dma_start3A_356 = arith.constant 0 : i32
    %dma_start3A_357 = tpu.memref_slice %arg2[%dma_start3A_355, %dma_start3A_356] : memref<20000x32xf32, #tpu.memory_space<hbm>> -> memref<20000x32xf32, #tpu.memory_space<hbm>>
    tpu.enqueue_indirect_dma source(%dma_start3A_357 : memref<20000x32xf32, #tpu.memory_space<hbm>>) target(%dma_start3A_351 : memref<1000x32xf32, #tpu.memory_space<vmem>>) offsets(%dma_start3A_354 : memref<1000xi32, #tpu.memory_space<vmem>>) semaphore(%arg7 : memref<!tpu.dma_semaphore, #tpu.memory_space<semaphore_mem>>)
    %dma_wait3A_358 = arith.constant 0 : i32
    %dma_wait3A_359 = arith.constant 0 : i32
    %dma_wait3A_360 = arith.constant 0 : i32
    %dma_wait3A_361 = arith.constant 0 : i32
    %dma_wait3A_362 = tpu.memref_slice %arg6[%dma_wait3A_359, %dma_wait3A_360, %dma_wait3A_361] : memref<2x1000x32xf32, #tpu.memory_space<vmem>> -> memref<1x1000x32xf32, #tpu.memory_space<vmem>>
    %dma_wait3A_363 = tpu.memref_squeeze %dma_wait3A_362 : memref<1x1000x32xf32, #tpu.memory_space<vmem>> -> memref<1000x32xf32, #tpu.memory_space<vmem>>
    %dma_wait3A_364 = arith.constant 0 : i32
    %dma_wait3A_365 = tpu.memref_slice %arg5[%dma_wait3A_358, %dma_wait3A_364] : memref<2x1000xi32, #tpu.memory_space<vmem>> -> memref<1x1000xi32, #tpu.memory_space<vmem>>
    %dma_wait3A_366 = tpu.memref_squeeze %dma_wait3A_365 : memref<1x1000xi32, #tpu.memory_space<vmem>> -> memref<1000xi32, #tpu.memory_space<vmem>>
    %dma_wait3A_367 = arith.constant 0 : i32
    %dma_wait3A_368 = arith.constant 0 : i32
    %dma_wait3A_369 = tpu.memref_slice %arg2[%dma_wait3A_367, %dma_wait3A_368] : memref<20000x32xf32, #tpu.memory_space<hbm>> -> memref<20000x32xf32, #tpu.memory_space<hbm>>
    tpu.wait_indirect_dma semaphore(%arg7 : memref<!tpu.dma_semaphore, #tpu.memory_space<semaphore_mem>>) src(%dma_wait3A_369 : memref<20000x32xf32, #tpu.memory_space<hbm>>) dst(%dma_wait3A_363 : memref<1000x32xf32, #tpu.memory_space<vmem>>)
    %add3A_370 = arith.constant 6000 : i32
    %add3A_371 = arith.addi %mul3A_2, %add3A_370 : i32
    %dma_start3A_372 = arith.constant 0 : i32
    %dma_start3A_373 = arith.constant 0 : i32
    %dma_start3A_374 = arith.constant 0 : i32
    %dma_start3A_375 = tpu.memref_slice %arg6[%dma_start3A_372, %dma_start3A_373, %dma_start3A_374] : memref<2x1000x32xf32, #tpu.memory_space<vmem>> -> memref<1x1000x32xf32, #tpu.memory_space<vmem>>
    %dma_start3A_376 = tpu.memref_squeeze %dma_start3A_375 : memref<1x1000x32xf32, #tpu.memory_space<vmem>> -> memref<1000x32xf32, #tpu.memory_space<vmem>>
    %dma_start3A_377 = arith.constant 0 : i32
    %dma_start3A_378 = tpu.memref_slice %arg4[%add3A_371, %dma_start3A_377] : memref<320000x32xf32, #tpu.memory_space<hbm>> -> memref<1000x32xf32, #tpu.memory_space<hbm>>
    %dma_start3A_379 = arith.constant 0 : i32
    %dma_start3A_380 = tpu.memref_slice %arg4[%add3A_371, %dma_start3A_379] : memref<320000x32xf32, #tpu.memory_space<hbm>> -> memref<1000x32xf32, #tpu.memory_space<hbm>>
    %dma_start3A_381 = arith.constant 0 : i32
    %dma_start3A_382 = arith.constant 0 : i32
    %dma_start3A_383 = tpu.memref_slice %arg6[%dma_start3A_372, %dma_start3A_381, %dma_start3A_382] : memref<2x1000x32xf32, #tpu.memory_space<vmem>> -> memref<1x1000x32xf32, #tpu.memory_space<vmem>>
    %dma_start3A_384 = tpu.memref_squeeze %dma_start3A_383 : memref<1x1000x32xf32, #tpu.memory_space<vmem>> -> memref<1000x32xf32, #tpu.memory_space<vmem>>
    tpu.enqueue_dma source(%dma_start3A_384 : memref<1000x32xf32, #tpu.memory_space<vmem>>) target(%dma_start3A_380 : memref<1000x32xf32, #tpu.memory_space<hbm>>) target_semaphore(%arg8 : memref<!tpu.dma_semaphore, #tpu.memory_space<semaphore_mem>>)
    %add3A_385 = arith.constant 8000 : i32
    %add3A_386 = arith.addi %mul3A_2, %add3A_385 : i32
    %run_scoped3A_387 = arith.constant 0 : i32
    "tpu.region"() ({
      %run_scoped3A_548 = tpu.sem_alloc : memref<!tpu.dma_semaphore, #tpu.memory_space<semaphore_mem>>
      %dma_start3A_549 = arith.constant 0 : i32
      %dma_start3A_550 = tpu.memref_slice %arg5[%run_scoped3A_387, %dma_start3A_549] : memref<2x1000xi32, #tpu.memory_space<vmem>> -> memref<1x1000xi32, #tpu.memory_space<vmem>>
      %dma_start3A_551 = tpu.memref_squeeze %dma_start3A_550 : memref<1x1000xi32, #tpu.memory_space<vmem>> -> memref<1000xi32, #tpu.memory_space<vmem>>
      %dma_start3A_552 = tpu.memref_slice %arg3[%add3A_386] : memref<320000xi32, #tpu.memory_space<hbm>> -> memref<1000xi32, #tpu.memory_space<hbm>>
      %dma_start3A_553 = arith.constant 0 : i32
      %dma_start3A_554 = tpu.memref_slice %arg5[%run_scoped3A_387, %dma_start3A_553] : memref<2x1000xi32, #tpu.memory_space<vmem>> -> memref<1x1000xi32, #tpu.memory_space<vmem>>
      %dma_start3A_555 = tpu.memref_squeeze %dma_start3A_554 : memref<1x1000xi32, #tpu.memory_space<vmem>> -> memref<1000xi32, #tpu.memory_space<vmem>>
      %dma_start3A_556 = tpu.memref_slice %arg3[%add3A_386] : memref<320000xi32, #tpu.memory_space<hbm>> -> memref<1000xi32, #tpu.memory_space<hbm>>
      tpu.enqueue_dma source(%dma_start3A_556 : memref<1000xi32, #tpu.memory_space<hbm>>) target(%dma_start3A_555 : memref<1000xi32, #tpu.memory_space<vmem>>) target_semaphore(%run_scoped3A_548 : memref<!tpu.dma_semaphore, #tpu.memory_space<semaphore_mem>>)
      %dma_wait3A_557 = arith.constant 0 : i32
      %dma_wait3A_558 = tpu.memref_slice %arg5[%run_scoped3A_387, %dma_wait3A_557] : memref<2x1000xi32, #tpu.memory_space<vmem>> -> memref<1x1000xi32, #tpu.memory_space<vmem>>
      %dma_wait3A_559 = tpu.memref_squeeze %dma_wait3A_558 : memref<1x1000xi32, #tpu.memory_space<vmem>> -> memref<1000xi32, #tpu.memory_space<vmem>>
      %dma_wait3A_560 = tpu.memref_slice %arg3[%add3A_386] : memref<320000xi32, #tpu.memory_space<hbm>> -> memref<1000xi32, #tpu.memory_space<hbm>>
      %dma_wait3A_561 = arith.constant 0 : i32
      %dma_wait3A_562 = tpu.memref_slice %arg5[%run_scoped3A_387, %dma_wait3A_561] : memref<2x1000xi32, #tpu.memory_space<vmem>> -> memref<1x1000xi32, #tpu.memory_space<vmem>>
      %dma_wait3A_563 = tpu.memref_squeeze %dma_wait3A_562 : memref<1x1000xi32, #tpu.memory_space<vmem>> -> memref<1000xi32, #tpu.memory_space<vmem>>
      %dma_wait3A_564 = tpu.memref_slice %arg3[%add3A_386] : memref<320000xi32, #tpu.memory_space<hbm>> -> memref<1000xi32, #tpu.memory_space<hbm>>
      tpu.wait_dma2 semaphore(%run_scoped3A_548 : memref<!tpu.dma_semaphore, #tpu.memory_space<semaphore_mem>>) src(%dma_wait3A_564 : memref<1000xi32, #tpu.memory_space<hbm>>) dst(%dma_wait3A_563 : memref<1000xi32, #tpu.memory_space<vmem>>)
      tpu.yield
    }) : () -> ()
    %dma_wait3A_388 = arith.constant 0 : i32
    %dma_wait3A_389 = arith.constant 0 : i32
    %dma_wait3A_390 = arith.constant 0 : i32
    %dma_wait3A_391 = tpu.memref_slice %arg6[%dma_wait3A_388, %dma_wait3A_389, %dma_wait3A_390] : memref<2x1000x32xf32, #tpu.memory_space<vmem>> -> memref<1x1000x32xf32, #tpu.memory_space<vmem>>
    %dma_wait3A_392 = tpu.memref_squeeze %dma_wait3A_391 : memref<1x1000x32xf32, #tpu.memory_space<vmem>> -> memref<1000x32xf32, #tpu.memory_space<vmem>>
    %dma_wait3A_393 = arith.constant 0 : i32
    %dma_wait3A_394 = tpu.memref_slice %arg4[%add3A_371, %dma_wait3A_393] : memref<320000x32xf32, #tpu.memory_space<hbm>> -> memref<1000x32xf32, #tpu.memory_space<hbm>>
    %dma_wait3A_395 = arith.constant 0 : i32
    %dma_wait3A_396 = tpu.memref_slice %arg4[%add3A_371, %dma_wait3A_395] : memref<320000x32xf32, #tpu.memory_space<hbm>> -> memref<1000x32xf32, #tpu.memory_space<hbm>>
    %dma_wait3A_397 = arith.constant 0 : i32
    %dma_wait3A_398 = arith.constant 0 : i32
    %dma_wait3A_399 = tpu.memref_slice %arg6[%dma_wait3A_388, %dma_wait3A_397, %dma_wait3A_398] : memref<2x1000x32xf32, #tpu.memory_space<vmem>> -> memref<1x1000x32xf32, #tpu.memory_space<vmem>>
    %dma_wait3A_400 = tpu.memref_squeeze %dma_wait3A_399 : memref<1x1000x32xf32, #tpu.memory_space<vmem>> -> memref<1000x32xf32, #tpu.memory_space<vmem>>
    tpu.wait_dma2 semaphore(%arg8 : memref<!tpu.dma_semaphore, #tpu.memory_space<semaphore_mem>>) src(%dma_wait3A_400 : memref<1000x32xf32, #tpu.memory_space<vmem>>) dst(%dma_wait3A_396 : memref<1000x32xf32, #tpu.memory_space<hbm>>)
    %dma_start3A_401 = arith.constant 0 : i32
    %dma_start3A_402 = arith.constant 0 : i32
    %dma_start3A_403 = arith.constant 0 : i32
    %dma_start3A_404 = arith.constant 0 : i32
    %dma_start3A_405 = tpu.memref_slice %arg6[%dma_start3A_402, %dma_start3A_403, %dma_start3A_404] : memref<2x1000x32xf32, #tpu.memory_space<vmem>> -> memref<1x1000x32xf32, #tpu.memory_space<vmem>>
    %dma_start3A_406 = tpu.memref_squeeze %dma_start3A_405 : memref<1x1000x32xf32, #tpu.memory_space<vmem>> -> memref<1000x32xf32, #tpu.memory_space<vmem>>
    %dma_start3A_407 = arith.constant 0 : i32
    %dma_start3A_408 = tpu.memref_slice %arg5[%dma_start3A_401, %dma_start3A_407] : memref<2x1000xi32, #tpu.memory_space<vmem>> -> memref<1x1000xi32, #tpu.memory_space<vmem>>
    %dma_start3A_409 = tpu.memref_squeeze %dma_start3A_408 : memref<1x1000xi32, #tpu.memory_space<vmem>> -> memref<1000xi32, #tpu.memory_space<vmem>>
    %dma_start3A_410 = arith.constant 0 : i32
    %dma_start3A_411 = arith.constant 0 : i32
    %dma_start3A_412 = tpu.memref_slice %arg2[%dma_start3A_410, %dma_start3A_411] : memref<20000x32xf32, #tpu.memory_space<hbm>> -> memref<20000x32xf32, #tpu.memory_space<hbm>>
    tpu.enqueue_indirect_dma source(%dma_start3A_412 : memref<20000x32xf32, #tpu.memory_space<hbm>>) target(%dma_start3A_406 : memref<1000x32xf32, #tpu.memory_space<vmem>>) offsets(%dma_start3A_409 : memref<1000xi32, #tpu.memory_space<vmem>>) semaphore(%arg7 : memref<!tpu.dma_semaphore, #tpu.memory_space<semaphore_mem>>)
    %dma_wait3A_413 = arith.constant 1 : i32
    %dma_wait3A_414 = arith.constant 1 : i32
    %dma_wait3A_415 = arith.constant 0 : i32
    %dma_wait3A_416 = arith.constant 0 : i32
    %dma_wait3A_417 = tpu.memref_slice %arg6[%dma_wait3A_414, %dma_wait3A_415, %dma_wait3A_416] : memref<2x1000x32xf32, #tpu.memory_space<vmem>> -> memref<1x1000x32xf32, #tpu.memory_space<vmem>>
    %dma_wait3A_418 = tpu.memref_squeeze %dma_wait3A_417 : memref<1x1000x32xf32, #tpu.memory_space<vmem>> -> memref<1000x32xf32, #tpu.memory_space<vmem>>
    %dma_wait3A_419 = arith.constant 0 : i32
    %dma_wait3A_420 = tpu.memref_slice %arg5[%dma_wait3A_413, %dma_wait3A_419] : memref<2x1000xi32, #tpu.memory_space<vmem>> -> memref<1x1000xi32, #tpu.memory_space<vmem>>
    %dma_wait3A_421 = tpu.memref_squeeze %dma_wait3A_420 : memref<1x1000xi32, #tpu.memory_space<vmem>> -> memref<1000xi32, #tpu.memory_space<vmem>>
    %dma_wait3A_422 = arith.constant 0 : i32
    %dma_wait3A_423 = arith.constant 0 : i32
    %dma_wait3A_424 = tpu.memref_slice %arg2[%dma_wait3A_422, %dma_wait3A_423] : memref<20000x32xf32, #tpu.memory_space<hbm>> -> memref<20000x32xf32, #tpu.memory_space<hbm>>
    tpu.wait_indirect_dma semaphore(%arg7 : memref<!tpu.dma_semaphore, #tpu.memory_space<semaphore_mem>>) src(%dma_wait3A_424 : memref<20000x32xf32, #tpu.memory_space<hbm>>) dst(%dma_wait3A_418 : memref<1000x32xf32, #tpu.memory_space<vmem>>)
    %add3A_425 = arith.constant 7000 : i32
    %add3A_426 = arith.addi %mul3A_2, %add3A_425 : i32
    %dma_start3A_427 = arith.constant 1 : i32
    %dma_start3A_428 = arith.constant 0 : i32
    %dma_start3A_429 = arith.constant 0 : i32
    %dma_start3A_430 = tpu.memref_slice %arg6[%dma_start3A_427, %dma_start3A_428, %dma_start3A_429] : memref<2x1000x32xf32, #tpu.memory_space<vmem>> -> memref<1x1000x32xf32, #tpu.memory_space<vmem>>
    %dma_start3A_431 = tpu.memref_squeeze %dma_start3A_430 : memref<1x1000x32xf32, #tpu.memory_space<vmem>> -> memref<1000x32xf32, #tpu.memory_space<vmem>>
    %dma_start3A_432 = arith.constant 0 : i32
    %dma_start3A_433 = tpu.memref_slice %arg4[%add3A_426, %dma_start3A_432] : memref<320000x32xf32, #tpu.memory_space<hbm>> -> memref<1000x32xf32, #tpu.memory_space<hbm>>
    %dma_start3A_434 = arith.constant 0 : i32
    %dma_start3A_435 = tpu.memref_slice %arg4[%add3A_426, %dma_start3A_434] : memref<320000x32xf32, #tpu.memory_space<hbm>> -> memref<1000x32xf32, #tpu.memory_space<hbm>>
    %dma_start3A_436 = arith.constant 0 : i32
    %dma_start3A_437 = arith.constant 0 : i32
    %dma_start3A_438 = tpu.memref_slice %arg6[%dma_start3A_427, %dma_start3A_436, %dma_start3A_437] : memref<2x1000x32xf32, #tpu.memory_space<vmem>> -> memref<1x1000x32xf32, #tpu.memory_space<vmem>>
    %dma_start3A_439 = tpu.memref_squeeze %dma_start3A_438 : memref<1x1000x32xf32, #tpu.memory_space<vmem>> -> memref<1000x32xf32, #tpu.memory_space<vmem>>
    tpu.enqueue_dma source(%dma_start3A_439 : memref<1000x32xf32, #tpu.memory_space<vmem>>) target(%dma_start3A_435 : memref<1000x32xf32, #tpu.memory_space<hbm>>) target_semaphore(%arg8 : memref<!tpu.dma_semaphore, #tpu.memory_space<semaphore_mem>>)
    %add3A_440 = arith.constant 9000 : i32
    %add3A_441 = arith.addi %mul3A_2, %add3A_440 : i32
    %run_scoped3A_442 = arith.constant 1 : i32
    "tpu.region"() ({
      %run_scoped3A_548 = tpu.sem_alloc : memref<!tpu.dma_semaphore, #tpu.memory_space<semaphore_mem>>
      %dma_start3A_549 = arith.constant 0 : i32
      %dma_start3A_550 = tpu.memref_slice %arg5[%run_scoped3A_442, %dma_start3A_549] : memref<2x1000xi32, #tpu.memory_space<vmem>> -> memref<1x1000xi32, #tpu.memory_space<vmem>>
      %dma_start3A_551 = tpu.memref_squeeze %dma_start3A_550 : memref<1x1000xi32, #tpu.memory_space<vmem>> -> memref<1000xi32, #tpu.memory_space<vmem>>
      %dma_start3A_552 = tpu.memref_slice %arg3[%add3A_441] : memref<320000xi32, #tpu.memory_space<hbm>> -> memref<1000xi32, #tpu.memory_space<hbm>>
      %dma_start3A_553 = arith.constant 0 : i32
      %dma_start3A_554 = tpu.memref_slice %arg5[%run_scoped3A_442, %dma_start3A_553] : memref<2x1000xi32, #tpu.memory_space<vmem>> -> memref<1x1000xi32, #tpu.memory_space<vmem>>
      %dma_start3A_555 = tpu.memref_squeeze %dma_start3A_554 : memref<1x1000xi32, #tpu.memory_space<vmem>> -> memref<1000xi32, #tpu.memory_space<vmem>>
      %dma_start3A_556 = tpu.memref_slice %arg3[%add3A_441] : memref<320000xi32, #tpu.memory_space<hbm>> -> memref<1000xi32, #tpu.memory_space<hbm>>
      tpu.enqueue_dma source(%dma_start3A_556 : memref<1000xi32, #tpu.memory_space<hbm>>) target(%dma_start3A_555 : memref<1000xi32, #tpu.memory_space<vmem>>) target_semaphore(%run_scoped3A_548 : memref<!tpu.dma_semaphore, #tpu.memory_space<semaphore_mem>>)
      %dma_wait3A_557 = arith.constant 0 : i32
      %dma_wait3A_558 = tpu.memref_slice %arg5[%run_scoped3A_442, %dma_wait3A_557] : memref<2x1000xi32, #tpu.memory_space<vmem>> -> memref<1x1000xi32, #tpu.memory_space<vmem>>
      %dma_wait3A_559 = tpu.memref_squeeze %dma_wait3A_558 : memref<1x1000xi32, #tpu.memory_space<vmem>> -> memref<1000xi32, #tpu.memory_space<vmem>>
      %dma_wait3A_560 = tpu.memref_slice %arg3[%add3A_441] : memref<320000xi32, #tpu.memory_space<hbm>> -> memref<1000xi32, #tpu.memory_space<hbm>>
      %dma_wait3A_561 = arith.constant 0 : i32
      %dma_wait3A_562 = tpu.memref_slice %arg5[%run_scoped3A_442, %dma_wait3A_561] : memref<2x1000xi32, #tpu.memory_space<vmem>> -> memref<1x1000xi32, #tpu.memory_space<vmem>>
      %dma_wait3A_563 = tpu.memref_squeeze %dma_wait3A_562 : memref<1x1000xi32, #tpu.memory_space<vmem>> -> memref<1000xi32, #tpu.memory_space<vmem>>
      %dma_wait3A_564 = tpu.memref_slice %arg3[%add3A_441] : memref<320000xi32, #tpu.memory_space<hbm>> -> memref<1000xi32, #tpu.memory_space<hbm>>
      tpu.wait_dma2 semaphore(%run_scoped3A_548 : memref<!tpu.dma_semaphore, #tpu.memory_space<semaphore_mem>>) src(%dma_wait3A_564 : memref<1000xi32, #tpu.memory_space<hbm>>) dst(%dma_wait3A_563 : memref<1000xi32, #tpu.memory_space<vmem>>)
      tpu.yield
    }) : () -> ()
    %dma_wait3A_443 = arith.constant 1 : i32
    %dma_wait3A_444 = arith.constant 0 : i32
    %dma_wait3A_445 = arith.constant 0 : i32
    %dma_wait3A_446 = tpu.memref_slice %arg6[%dma_wait3A_443, %dma_wait3A_444, %dma_wait3A_445] : memref<2x1000x32xf32, #tpu.memory_space<vmem>> -> memref<1x1000x32xf32, #tpu.memory_space<vmem>>
    %dma_wait3A_447 = tpu.memref_squeeze %dma_wait3A_446 : memref<1x1000x32xf32, #tpu.memory_space<vmem>> -> memref<1000x32xf32, #tpu.memory_space<vmem>>
    %dma_wait3A_448 = arith.constant 0 : i32
    %dma_wait3A_449 = tpu.memref_slice %arg4[%add3A_426, %dma_wait3A_448] : memref<320000x32xf32, #tpu.memory_space<hbm>> -> memref<1000x32xf32, #tpu.memory_space<hbm>>
    %dma_wait3A_450 = arith.constant 0 : i32
    %dma_wait3A_451 = tpu.memref_slice %arg4[%add3A_426, %dma_wait3A_450] : memref<320000x32xf32, #tpu.memory_space<hbm>> -> memref<1000x32xf32, #tpu.memory_space<hbm>>
    %dma_wait3A_452 = arith.constant 0 : i32
    %dma_wait3A_453 = arith.constant 0 : i32
    %dma_wait3A_454 = tpu.memref_slice %arg6[%dma_wait3A_443, %dma_wait3A_452, %dma_wait3A_453] : memref<2x1000x32xf32, #tpu.memory_space<vmem>> -> memref<1x1000x32xf32, #tpu.memory_space<vmem>>
    %dma_wait3A_455 = tpu.memref_squeeze %dma_wait3A_454 : memref<1x1000x32xf32, #tpu.memory_space<vmem>> -> memref<1000x32xf32, #tpu.memory_space<vmem>>
    tpu.wait_dma2 semaphore(%arg8 : memref<!tpu.dma_semaphore, #tpu.memory_space<semaphore_mem>>) src(%dma_wait3A_455 : memref<1000x32xf32, #tpu.memory_space<vmem>>) dst(%dma_wait3A_451 : memref<1000x32xf32, #tpu.memory_space<hbm>>)
    %dma_start3A_456 = arith.constant 1 : i32
    %dma_start3A_457 = arith.constant 1 : i32
    %dma_start3A_458 = arith.constant 0 : i32
    %dma_start3A_459 = arith.constant 0 : i32
    %dma_start3A_460 = tpu.memref_slice %arg6[%dma_start3A_457, %dma_start3A_458, %dma_start3A_459] : memref<2x1000x32xf32, #tpu.memory_space<vmem>> -> memref<1x1000x32xf32, #tpu.memory_space<vmem>>
    %dma_start3A_461 = tpu.memref_squeeze %dma_start3A_460 : memref<1x1000x32xf32, #tpu.memory_space<vmem>> -> memref<1000x32xf32, #tpu.memory_space<vmem>>
    %dma_start3A_462 = arith.constant 0 : i32
    %dma_start3A_463 = tpu.memref_slice %arg5[%dma_start3A_456, %dma_start3A_462] : memref<2x1000xi32, #tpu.memory_space<vmem>> -> memref<1x1000xi32, #tpu.memory_space<vmem>>
    %dma_start3A_464 = tpu.memref_squeeze %dma_start3A_463 : memref<1x1000xi32, #tpu.memory_space<vmem>> -> memref<1000xi32, #tpu.memory_space<vmem>>
    %dma_start3A_465 = arith.constant 0 : i32
    %dma_start3A_466 = arith.constant 0 : i32
    %dma_start3A_467 = tpu.memref_slice %arg2[%dma_start3A_465, %dma_start3A_466] : memref<20000x32xf32, #tpu.memory_space<hbm>> -> memref<20000x32xf32, #tpu.memory_space<hbm>>
    tpu.enqueue_indirect_dma source(%dma_start3A_467 : memref<20000x32xf32, #tpu.memory_space<hbm>>) target(%dma_start3A_461 : memref<1000x32xf32, #tpu.memory_space<vmem>>) offsets(%dma_start3A_464 : memref<1000xi32, #tpu.memory_space<vmem>>) semaphore(%arg7 : memref<!tpu.dma_semaphore, #tpu.memory_space<semaphore_mem>>)
    %dma_wait3A_468 = arith.constant 0 : i32
    %dma_wait3A_469 = arith.constant 0 : i32
    %dma_wait3A_470 = arith.constant 0 : i32
    %dma_wait3A_471 = arith.constant 0 : i32
    %dma_wait3A_472 = tpu.memref_slice %arg6[%dma_wait3A_469, %dma_wait3A_470, %dma_wait3A_471] : memref<2x1000x32xf32, #tpu.memory_space<vmem>> -> memref<1x1000x32xf32, #tpu.memory_space<vmem>>
    %dma_wait3A_473 = tpu.memref_squeeze %dma_wait3A_472 : memref<1x1000x32xf32, #tpu.memory_space<vmem>> -> memref<1000x32xf32, #tpu.memory_space<vmem>>
    %dma_wait3A_474 = arith.constant 0 : i32
    %dma_wait3A_475 = tpu.memref_slice %arg5[%dma_wait3A_468, %dma_wait3A_474] : memref<2x1000xi32, #tpu.memory_space<vmem>> -> memref<1x1000xi32, #tpu.memory_space<vmem>>
    %dma_wait3A_476 = tpu.memref_squeeze %dma_wait3A_475 : memref<1x1000xi32, #tpu.memory_space<vmem>> -> memref<1000xi32, #tpu.memory_space<vmem>>
    %dma_wait3A_477 = arith.constant 0 : i32
    %dma_wait3A_478 = arith.constant 0 : i32
    %dma_wait3A_479 = tpu.memref_slice %arg2[%dma_wait3A_477, %dma_wait3A_478] : memref<20000x32xf32, #tpu.memory_space<hbm>> -> memref<20000x32xf32, #tpu.memory_space<hbm>>
    tpu.wait_indirect_dma semaphore(%arg7 : memref<!tpu.dma_semaphore, #tpu.memory_space<semaphore_mem>>) src(%dma_wait3A_479 : memref<20000x32xf32, #tpu.memory_space<hbm>>) dst(%dma_wait3A_473 : memref<1000x32xf32, #tpu.memory_space<vmem>>)
    %add3A_480 = arith.constant 8000 : i32
    %add3A_481 = arith.addi %mul3A_2, %add3A_480 : i32
    %dma_start3A_482 = arith.constant 0 : i32
    %dma_start3A_483 = arith.constant 0 : i32
    %dma_start3A_484 = arith.constant 0 : i32
    %dma_start3A_485 = tpu.memref_slice %arg6[%dma_start3A_482, %dma_start3A_483, %dma_start3A_484] : memref<2x1000x32xf32, #tpu.memory_space<vmem>> -> memref<1x1000x32xf32, #tpu.memory_space<vmem>>
    %dma_start3A_486 = tpu.memref_squeeze %dma_start3A_485 : memref<1x1000x32xf32, #tpu.memory_space<vmem>> -> memref<1000x32xf32, #tpu.memory_space<vmem>>
    %dma_start3A_487 = arith.constant 0 : i32
    %dma_start3A_488 = tpu.memref_slice %arg4[%add3A_481, %dma_start3A_487] : memref<320000x32xf32, #tpu.memory_space<hbm>> -> memref<1000x32xf32, #tpu.memory_space<hbm>>
    %dma_start3A_489 = arith.constant 0 : i32
    %dma_start3A_490 = tpu.memref_slice %arg4[%add3A_481, %dma_start3A_489] : memref<320000x32xf32, #tpu.memory_space<hbm>> -> memref<1000x32xf32, #tpu.memory_space<hbm>>
    %dma_start3A_491 = arith.constant 0 : i32
    %dma_start3A_492 = arith.constant 0 : i32
    %dma_start3A_493 = tpu.memref_slice %arg6[%dma_start3A_482, %dma_start3A_491, %dma_start3A_492] : memref<2x1000x32xf32, #tpu.memory_space<vmem>> -> memref<1x1000x32xf32, #tpu.memory_space<vmem>>
    %dma_start3A_494 = tpu.memref_squeeze %dma_start3A_493 : memref<1x1000x32xf32, #tpu.memory_space<vmem>> -> memref<1000x32xf32, #tpu.memory_space<vmem>>
    tpu.enqueue_dma source(%dma_start3A_494 : memref<1000x32xf32, #tpu.memory_space<vmem>>) target(%dma_start3A_490 : memref<1000x32xf32, #tpu.memory_space<hbm>>) target_semaphore(%arg8 : memref<!tpu.dma_semaphore, #tpu.memory_space<semaphore_mem>>)
    %dma_wait3A_495 = arith.constant 1 : i32
    %dma_wait3A_496 = arith.constant 1 : i32
    %dma_wait3A_497 = arith.constant 0 : i32
    %dma_wait3A_498 = arith.constant 0 : i32
    %dma_wait3A_499 = tpu.memref_slice %arg6[%dma_wait3A_496, %dma_wait3A_497, %dma_wait3A_498] : memref<2x1000x32xf32, #tpu.memory_space<vmem>> -> memref<1x1000x32xf32, #tpu.memory_space<vmem>>
    %dma_wait3A_500 = tpu.memref_squeeze %dma_wait3A_499 : memref<1x1000x32xf32, #tpu.memory_space<vmem>> -> memref<1000x32xf32, #tpu.memory_space<vmem>>
    %dma_wait3A_501 = arith.constant 0 : i32
    %dma_wait3A_502 = tpu.memref_slice %arg5[%dma_wait3A_495, %dma_wait3A_501] : memref<2x1000xi32, #tpu.memory_space<vmem>> -> memref<1x1000xi32, #tpu.memory_space<vmem>>
    %dma_wait3A_503 = tpu.memref_squeeze %dma_wait3A_502 : memref<1x1000xi32, #tpu.memory_space<vmem>> -> memref<1000xi32, #tpu.memory_space<vmem>>
    %dma_wait3A_504 = arith.constant 0 : i32
    %dma_wait3A_505 = arith.constant 0 : i32
    %dma_wait3A_506 = tpu.memref_slice %arg2[%dma_wait3A_504, %dma_wait3A_505] : memref<20000x32xf32, #tpu.memory_space<hbm>> -> memref<20000x32xf32, #tpu.memory_space<hbm>>
    tpu.wait_indirect_dma semaphore(%arg7 : memref<!tpu.dma_semaphore, #tpu.memory_space<semaphore_mem>>) src(%dma_wait3A_506 : memref<20000x32xf32, #tpu.memory_space<hbm>>) dst(%dma_wait3A_500 : memref<1000x32xf32, #tpu.memory_space<vmem>>)
    %add3A_507 = arith.constant 9000 : i32
    %add3A_508 = arith.addi %mul3A_2, %add3A_507 : i32
    %dma_start3A_509 = arith.constant 1 : i32
    %dma_start3A_510 = arith.constant 0 : i32
    %dma_start3A_511 = arith.constant 0 : i32
    %dma_start3A_512 = tpu.memref_slice %arg6[%dma_start3A_509, %dma_start3A_510, %dma_start3A_511] : memref<2x1000x32xf32, #tpu.memory_space<vmem>> -> memref<1x1000x32xf32, #tpu.memory_space<vmem>>
    %dma_start3A_513 = tpu.memref_squeeze %dma_start3A_512 : memref<1x1000x32xf32, #tpu.memory_space<vmem>> -> memref<1000x32xf32, #tpu.memory_space<vmem>>
    %dma_start3A_514 = arith.constant 0 : i32
    %dma_start3A_515 = tpu.memref_slice %arg4[%add3A_508, %dma_start3A_514] : memref<320000x32xf32, #tpu.memory_space<hbm>> -> memref<1000x32xf32, #tpu.memory_space<hbm>>
    %dma_start3A_516 = arith.constant 0 : i32
    %dma_start3A_517 = tpu.memref_slice %arg4[%add3A_508, %dma_start3A_516] : memref<320000x32xf32, #tpu.memory_space<hbm>> -> memref<1000x32xf32, #tpu.memory_space<hbm>>
    %dma_start3A_518 = arith.constant 0 : i32
    %dma_start3A_519 = arith.constant 0 : i32
    %dma_start3A_520 = tpu.memref_slice %arg6[%dma_start3A_509, %dma_start3A_518, %dma_start3A_519] : memref<2x1000x32xf32, #tpu.memory_space<vmem>> -> memref<1x1000x32xf32, #tpu.memory_space<vmem>>
    %dma_start3A_521 = tpu.memref_squeeze %dma_start3A_520 : memref<1x1000x32xf32, #tpu.memory_space<vmem>> -> memref<1000x32xf32, #tpu.memory_space<vmem>>
    tpu.enqueue_dma source(%dma_start3A_521 : memref<1000x32xf32, #tpu.memory_space<vmem>>) target(%dma_start3A_517 : memref<1000x32xf32, #tpu.memory_space<hbm>>) target_semaphore(%arg8 : memref<!tpu.dma_semaphore, #tpu.memory_space<semaphore_mem>>)
    %dma_wait3A_522 = arith.constant 0 : i32
    %dma_wait3A_523 = arith.constant 0 : i32
    %dma_wait3A_524 = arith.constant 0 : i32
    %dma_wait3A_525 = tpu.memref_slice %arg6[%dma_wait3A_522, %dma_wait3A_523, %dma_wait3A_524] : memref<2x1000x32xf32, #tpu.memory_space<vmem>> -> memref<1x1000x32xf32, #tpu.memory_space<vmem>>
    %dma_wait3A_526 = tpu.memref_squeeze %dma_wait3A_525 : memref<1x1000x32xf32, #tpu.memory_space<vmem>> -> memref<1000x32xf32, #tpu.memory_space<vmem>>
    %dma_wait3A_527 = arith.constant 0 : i32
    %dma_wait3A_528 = tpu.memref_slice %arg4[%add3A_481, %dma_wait3A_527] : memref<320000x32xf32, #tpu.memory_space<hbm>> -> memref<1000x32xf32, #tpu.memory_space<hbm>>
    %dma_wait3A_529 = arith.constant 0 : i32
    %dma_wait3A_530 = tpu.memref_slice %arg4[%add3A_481, %dma_wait3A_529] : memref<320000x32xf32, #tpu.memory_space<hbm>> -> memref<1000x32xf32, #tpu.memory_space<hbm>>
    %dma_wait3A_531 = arith.constant 0 : i32
    %dma_wait3A_532 = arith.constant 0 : i32
    %dma_wait3A_533 = tpu.memref_slice %arg6[%dma_wait3A_522, %dma_wait3A_531, %dma_wait3A_532] : memref<2x1000x32xf32, #tpu.memory_space<vmem>> -> memref<1x1000x32xf32, #tpu.memory_space<vmem>>
    %dma_wait3A_534 = tpu.memref_squeeze %dma_wait3A_533 : memref<1x1000x32xf32, #tpu.memory_space<vmem>> -> memref<1000x32xf32, #tpu.memory_space<vmem>>
    tpu.wait_dma2 semaphore(%arg8 : memref<!tpu.dma_semaphore, #tpu.memory_space<semaphore_mem>>) src(%dma_wait3A_534 : memref<1000x32xf32, #tpu.memory_space<vmem>>) dst(%dma_wait3A_530 : memref<1000x32xf32, #tpu.memory_space<hbm>>)
    %dma_wait3A_535 = arith.constant 1 : i32
    %dma_wait3A_536 = arith.constant 0 : i32
    %dma_wait3A_537 = arith.constant 0 : i32
    %dma_wait3A_538 = tpu.memref_slice %arg6[%dma_wait3A_535, %dma_wait3A_536, %dma_wait3A_537] : memref<2x1000x32xf32, #tpu.memory_space<vmem>> -> memref<1x1000x32xf32, #tpu.memory_space<vmem>>
    %dma_wait3A_539 = tpu.memref_squeeze %dma_wait3A_538 : memref<1x1000x32xf32, #tpu.memory_space<vmem>> -> memref<1000x32xf32, #tpu.memory_space<vmem>>
    %dma_wait3A_540 = arith.constant 0 : i32
    %dma_wait3A_541 = tpu.memref_slice %arg4[%add3A_508, %dma_wait3A_540] : memref<320000x32xf32, #tpu.memory_space<hbm>> -> memref<1000x32xf32, #tpu.memory_space<hbm>>
    %dma_wait3A_542 = arith.constant 0 : i32
    %dma_wait3A_543 = tpu.memref_slice %arg4[%add3A_508, %dma_wait3A_542] : memref<320000x32xf32, #tpu.memory_space<hbm>> -> memref<1000x32xf32, #tpu.memory_space<hbm>>
    %dma_wait3A_544 = arith.constant 0 : i32
    %dma_wait3A_545 = arith.constant 0 : i32
    %dma_wait3A_546 = tpu.memref_slice %arg6[%dma_wait3A_535, %dma_wait3A_544, %dma_wait3A_545] : memref<2x1000x32xf32, #tpu.memory_space<vmem>> -> memref<1x1000x32xf32, #tpu.memory_space<vmem>>
    %dma_wait3A_547 = tpu.memref_squeeze %dma_wait3A_546 : memref<1x1000x32xf32, #tpu.memory_space<vmem>> -> memref<1000x32xf32, #tpu.memory_space<vmem>>
    tpu.wait_dma2 semaphore(%arg8 : memref<!tpu.dma_semaphore, #tpu.memory_space<semaphore_mem>>) src(%dma_wait3A_547 : memref<1000x32xf32, #tpu.memory_space<vmem>>) dst(%dma_wait3A_543 : memref<1000x32xf32, #tpu.memory_space<hbm>>)
    return
  }
}

#map = affine_map<(d0, d1) -> (0, 0)>
#map1 = affine_map<(d0, d1) -> (0)>
module attributes {stable_mosaic.version = 14 : i64} {
  func.func @k(%arg0: i32, %arg1: i32, %arg2: memref<20000x32xf32, #tpu.memory_space<hbm>>, %arg3: memref<320000xi32, #tpu.memory_space<hbm>>, %arg4: memref<320000x32xf32, #tpu.memory_space<hbm>>, %arg5: memref<2x1000xi32, #tpu.memory_space<vmem>>, %arg6: memref<2x1000x32xf32, #tpu.memory_space<vmem>>, %arg7: memref<!tpu.dma_semaphore, #tpu.memory_space<semaphore_mem>>, %arg8: memref<!tpu.dma_semaphore, #tpu.memory_space<semaphore_mem>>) attributes {dimension_semantics = [#tpu.dimension_semantics<core_parallel>, #tpu.dimension_semantics<subcore_parallel>], iteration_bounds = array<i64: 2, 16>, scalar_prefetch = 0 : i64, scratch_operands = 4 : i64, tpu.core_type = #tpu.core_type<sc_vector_subcore>, window_params = [{transform_indices = #map}, {transform_indices = #map1}, {transform_indices = #map}]} {
    %mul3A = arith.constant 2 : i32
    %mul3A_0 = arith.muli %arg1, %mul3A : i32
    %add3A = arith.addi %mul3A_0, %arg0 : i32
    %mul3A_1 = arith.constant 10000 : i32
    %mul3A_2 = arith.muli %add3A, %mul3A_1 : i32
    %run_scoped3A = arith.constant 0 : i32
    "tpu.region"() ({
      %run_scoped3A_548 = tpu.sem_alloc : memref<!tpu.dma_semaphore, #tpu.memory_space<semaphore_mem>>
      %dma_start3A_549 = arith.constant 0 : i32
      %dma_start3A_550 = tpu.memref_slice %arg5[%run_scoped3A, %dma_start3A_549] : memref<2x1000xi32, #tpu.memory_space<vmem>> -> memref<1x1000xi32, #tpu.memory_space<vmem>>
      %dma_start3A_551 = tpu.memref_squeeze %dma_start3A_550 : memref<1x1000xi32, #tpu.memory_space<vmem>> -> memref<1000xi32, #tpu.memory_space<vmem>>
      %dma_start3A_552 = tpu.memref_slice %arg3[%mul3A_2] : memref<320000xi32, #tpu.memory_space<hbm>> -> memref<1000xi32, #tpu.memory_space<hbm>>
      %dma_start3A_553 = arith.constant 0 : i32
      %dma_start3A_554 = tpu.memref_slice %arg5[%run_scoped3A, %dma_start3A_553] : memref<2x1000xi32, #tpu.memory_space<vmem>> -> memref<1x1000xi32, #tpu.memory_space<vmem>>
      %dma_start3A_555 = tpu.memref_squeeze %dma_start3A_554 : memref<1x1000xi32, #tpu.memory_space<vmem>> -> memref<1000xi32, #tpu.memory_space<vmem>>
      %dma_start3A_556 = tpu.memref_slice %arg3[%mul3A_2] : memref<320000xi32, #tpu.memory_space<hbm>> -> memref<1000xi32, #tpu.memory_space<hbm>>
      tpu.enqueue_dma source(%dma_start3A_556 : memref<1000xi32, #tpu.memory_space<hbm>>) target(%dma_start3A_555 : memref<1000xi32, #tpu.memory_space<vmem>>) target_semaphore(%run_scoped3A_548 : memref<!tpu.dma_semaphore, #tpu.memory_space<semaphore_mem>>)
      %dma_wait3A_557 = arith.constant 0 : i32
      %dma_wait3A_558 = tpu.memref_slice %arg5[%run_scoped3A, %dma_wait3A_557] : memref<2x1000xi32, #tpu.memory_space<vmem>> -> memref<1x1000xi32, #tpu.memory_space<vmem>>
      %dma_wait3A_559 = tpu.memref_squeeze %dma_wait3A_558 : memref<1x1000xi32, #tpu.memory_space<vmem>> -> memref<1000xi32, #tpu.memory_space<vmem>>
      %dma_wait3A_560 = tpu.memref_slice %arg3[%mul3A_2] : memref<320000xi32, #tpu.memory_space<hbm>> -> memref<1000xi32, #tpu.memory_space<hbm>>
      %dma_wait3A_561 = arith.constant 0 : i32
      %dma_wait3A_562 = tpu.memref_slice %arg5[%run_scoped3A, %dma_wait3A_561] : memref<2x1000xi32, #tpu.memory_space<vmem>> -> memref<1x1000xi32, #tpu.memory_space<vmem>>
      %dma_wait3A_563 = tpu.memref_squeeze %dma_wait3A_562 : memref<1x1000xi32, #tpu.memory_space<vmem>> -> memref<1000xi32, #tpu.memory_space<vmem>>
      %dma_wait3A_564 = tpu.memref_slice %arg3[%mul3A_2] : memref<320000xi32, #tpu.memory_space<hbm>> -> memref<1000xi32, #tpu.memory_space<hbm>>
      tpu.wait_dma2 semaphore(%run_scoped3A_548 : memref<!tpu.dma_semaphore, #tpu.memory_space<semaphore_mem>>) src(%dma_wait3A_564 : memref<1000xi32, #tpu.memory_space<hbm>>) dst(%dma_wait3A_563 : memref<1000xi32, #tpu.memory_space<vmem>>)
      tpu.yield
    }) : () -> ()
    %dma_start3A = arith.constant 0 : i32
    %dma_start3A_3 = arith.constant 0 : i32
    %dma_start3A_4 = arith.constant 0 : i32
    %dma_start3A_5 = arith.constant 0 : i32
    %dma_start3A_6 = tpu.memref_slice %arg6[%dma_start3A_3, %dma_start3A_4, %dma_start3A_5] : memref<2x1000x32xf32, #tpu.memory_space<vmem>> -> memref<1x1000x32xf32, #tpu.memory_space<vmem>>
    %dma_start3A_7 = tpu.memref_squeeze %dma_start3A_6 : memref<1x1000x32xf32, #tpu.memory_space<vmem>> -> memref<1000x32xf32, #tpu.memory_space<vmem>>
    %dma_start3A_8 = arith.constant 0 : i32
    %dma_start3A_9 = tpu.memref_slice %arg5[%dma_start3A, %dma_start3A_8] : memref<2x1000xi32, #tpu.memory_space<vmem>> -> memref<1x1000xi32, #tpu.memory_space<vmem>>
    %dma_start3A_10 = tpu.memref_squeeze %dma_start3A_9 : memref<1x1000xi32, #tpu.memory_space<vmem>> -> memref<1000xi32, #tpu.memory_space<vmem>>
    %dma_start3A_11 = arith.constant 0 : i32
    %dma_start3A_12 = arith.constant 0 : i32
    %dma_start3A_13 = tpu.memref_slice %arg2[%dma_start3A_11, %dma_start3A_12] : memref<20000x32xf32, #tpu.memory_space<hbm>> -> memref<20000x32xf32, #tpu.memory_space<hbm>>
    tpu.enqueue_indirect_dma source(%dma_start3A_13 : memref<20000x32xf32, #tpu.memory_space<hbm>>) target(%dma_start3A_7 : memref<1000x32xf32, #tpu.memory_space<vmem>>) offsets(%dma_start3A_10 : memref<1000xi32, #tpu.memory_space<vmem>>) semaphore(%arg7 : memref<!tpu.dma_semaphore, #tpu.memory_space<semaphore_mem>>)
    %add3A_14 = arith.constant 1000 : i32
    %add3A_15 = arith.addi %mul3A_2, %add3A_14 : i32
    %run_scoped3A_16 = arith.constant 1 : i32
    "tpu.region"() ({
      %run_scoped3A_548 = tpu.sem_alloc : memref<!tpu.dma_semaphore, #tpu.memory_space<semaphore_mem>>
      %dma_start3A_549 = arith.constant 0 : i32
      %dma_start3A_550 = tpu.memref_slice %arg5[%run_scoped3A_16, %dma_start3A_549] : memref<2x1000xi32, #tpu.memory_space<vmem>> -> memref<1x1000xi32, #tpu.memory_space<vmem>>
      %dma_start3A_551 = tpu.memref_squeeze %dma_start3A_550 : memref<1x1000xi32, #tpu.memory_space<vmem>> -> memref<1000xi32, #tpu.memory_space<vmem>>
      %dma_start3A_552 = tpu.memref_slice %arg3[%add3A_15] : memref<320000xi32, #tpu.memory_space<hbm>> -> memref<1000xi32, #tpu.memory_space<hbm>>
      %dma_start3A_553 = arith.constant 0 : i32
      %dma_start3A_554 = tpu.memref_slice %arg5[%run_scoped3A_16, %dma_start3A_553] : memref<2x1000xi32, #tpu.memory_space<vmem>> -> memref<1x1000xi32, #tpu.memory_space<vmem>>
      %dma_start3A_555 = tpu.memref_squeeze %dma_start3A_554 : memref<1x1000xi32, #tpu.memory_space<vmem>> -> memref<1000xi32, #tpu.memory_space<vmem>>
      %dma_start3A_556 = tpu.memref_slice %arg3[%add3A_15] : memref<320000xi32, #tpu.memory_space<hbm>> -> memref<1000xi32, #tpu.memory_space<hbm>>
      tpu.enqueue_dma source(%dma_start3A_556 : memref<1000xi32, #tpu.memory_space<hbm>>) target(%dma_start3A_555 : memref<1000xi32, #tpu.memory_space<vmem>>) target_semaphore(%run_scoped3A_548 : memref<!tpu.dma_semaphore, #tpu.memory_space<semaphore_mem>>)
      %dma_wait3A_557 = arith.constant 0 : i32
      %dma_wait3A_558 = tpu.memref_slice %arg5[%run_scoped3A_16, %dma_wait3A_557] : memref<2x1000xi32, #tpu.memory_space<vmem>> -> memref<1x1000xi32, #tpu.memory_space<vmem>>
      %dma_wait3A_559 = tpu.memref_squeeze %dma_wait3A_558 : memref<1x1000xi32, #tpu.memory_space<vmem>> -> memref<1000xi32, #tpu.memory_space<vmem>>
      %dma_wait3A_560 = tpu.memref_slice %arg3[%add3A_15] : memref<320000xi32, #tpu.memory_space<hbm>> -> memref<1000xi32, #tpu.memory_space<hbm>>
      %dma_wait3A_561 = arith.constant 0 : i32
      %dma_wait3A_562 = tpu.memref_slice %arg5[%run_scoped3A_16, %dma_wait3A_561] : memref<2x1000xi32, #tpu.memory_space<vmem>> -> memref<1x1000xi32, #tpu.memory_space<vmem>>
      %dma_wait3A_563 = tpu.memref_squeeze %dma_wait3A_562 : memref<1x1000xi32, #tpu.memory_space<vmem>> -> memref<1000xi32, #tpu.memory_space<vmem>>
      %dma_wait3A_564 = tpu.memref_slice %arg3[%add3A_15] : memref<320000xi32, #tpu.memory_space<hbm>> -> memref<1000xi32, #tpu.memory_space<hbm>>
      tpu.wait_dma2 semaphore(%run_scoped3A_548 : memref<!tpu.dma_semaphore, #tpu.memory_space<semaphore_mem>>) src(%dma_wait3A_564 : memref<1000xi32, #tpu.memory_space<hbm>>) dst(%dma_wait3A_563 : memref<1000xi32, #tpu.memory_space<vmem>>)
      tpu.yield
    }) : () -> ()
    %dma_start3A_17 = arith.constant 1 : i32
    %dma_start3A_18 = arith.constant 1 : i32
    %dma_start3A_19 = arith.constant 0 : i32
    %dma_start3A_20 = arith.constant 0 : i32
    %dma_start3A_21 = tpu.memref_slice %arg6[%dma_start3A_18, %dma_start3A_19, %dma_start3A_20] : memref<2x1000x32xf32, #tpu.memory_space<vmem>> -> memref<1x1000x32xf32, #tpu.memory_space<vmem>>
    %dma_start3A_22 = tpu.memref_squeeze %dma_start3A_21 : memref<1x1000x32xf32, #tpu.memory_space<vmem>> -> memref<1000x32xf32, #tpu.memory_space<vmem>>
    %dma_start3A_23 = arith.constant 0 : i32
    %dma_start3A_24 = tpu.memref_slice %arg5[%dma_start3A_17, %dma_start3A_23] : memref<2x1000xi32, #tpu.memory_space<vmem>> -> memref<1x1000xi32, #tpu.memory_space<vmem>>
    %dma_start3A_25 = tpu.memref_squeeze %dma_start3A_24 : memref<1x1000xi32, #tpu.memory_space<vmem>> -> memref<1000xi32, #tpu.memory_space<vmem>>
    %dma_start3A_26 = arith.constant 0 : i32
    %dma_start3A_27 = arith.constant 0 : i32
    %dma_start3A_28 = tpu.memref_slice %arg2[%dma_start3A_26, %dma_start3A_27] : memref<20000x32xf32, #tpu.memory_space<hbm>> -> memref<20000x32xf32, #tpu.memory_space<hbm>>
    tpu.enqueue_indirect_dma source(%dma_start3A_28 : memref<20000x32xf32, #tpu.memory_space<hbm>>) target(%dma_start3A_22 : memref<1000x32xf32, #tpu.memory_space<vmem>>) offsets(%dma_start3A_25 : memref<1000xi32, #tpu.memory_space<vmem>>) semaphore(%arg7 : memref<!tpu.dma_semaphore, #tpu.memory_space<semaphore_mem>>)
    %dma_wait3A = arith.constant 0 : i32
    %dma_wait3A_29 = arith.constant 0 : i32
    %dma_wait3A_30 = arith.constant 0 : i32
    %dma_wait3A_31 = arith.constant 0 : i32
    %dma_wait3A_32 = tpu.memref_slice %arg6[%dma_wait3A_29, %dma_wait3A_30, %dma_wait3A_31] : memref<2x1000x32xf32, #tpu.memory_space<vmem>> -> memref<1x1000x32xf32, #tpu.memory_space<vmem>>
    %dma_wait3A_33 = tpu.memref_squeeze %dma_wait3A_32 : memref<1x1000x32xf32, #tpu.memory_space<vmem>> -> memref<1000x32xf32, #tpu.memory_space<vmem>>
    %dma_wait3A_34 = arith.constant 0 : i32
    %dma_wait3A_35 = tpu.memref_slice %arg5[%dma_wait3A, %dma_wait3A_34] : memref<2x1000xi32, #tpu.memory_space<vmem>> -> memref<1x1000xi32, #tpu.memory_space<vmem>>
    %dma_wait3A_36 = tpu.memref_squeeze %dma_wait3A_35 : memref<1x1000xi32, #tpu.memory_space<vmem>> -> memref<1000xi32, #tpu.memory_space<vmem>>
    %dma_wait3A_37 = arith.constant 0 : i32
    %dma_wait3A_38 = arith.constant 0 : i32
    %dma_wait3A_39 = tpu.memref_slice %arg2[%dma_wait3A_37, %dma_wait3A_38] : memref<20000x32xf32, #tpu.memory_space<hbm>> -> memref<20000x32xf32, #tpu.memory_space<hbm>>
    tpu.wait_indirect_dma semaphore(%arg7 : memref<!tpu.dma_semaphore, #tpu.memory_space<semaphore_mem>>) src(%dma_wait3A_39 : memref<20000x32xf32, #tpu.memory_space<hbm>>) dst(%dma_wait3A_33 : memref<1000x32xf32, #tpu.memory_space<vmem>>)
    %add3A_40 = arith.constant 0 : i32
    %add3A_41 = arith.addi %mul3A_2, %add3A_40 : i32
    %dma_start3A_42 = arith.constant 0 : i32
    %dma_start3A_43 = arith.constant 0 : i32
    %dma_start3A_44 = arith.constant 0 : i32
    %dma_start3A_45 = tpu.memref_slice %arg6[%dma_start3A_42, %dma_start3A_43, %dma_start3A_44] : memref<2x1000x32xf32, #tpu.memory_space<vmem>> -> memref<1x1000x32xf32, #tpu.memory_space<vmem>>
    %dma_start3A_46 = tpu.memref_squeeze %dma_start3A_45 : memref<1x1000x32xf32, #tpu.memory_space<vmem>> -> memref<1000x32xf32, #tpu.memory_space<vmem>>
    %dma_start3A_47 = arith.constant 0 : i32
    %dma_start3A_48 = tpu.memref_slice %arg4[%add3A_41, %dma_start3A_47] : memref<320000x32xf32, #tpu.memory_space<hbm>> -> memref<1000x32xf32, #tpu.memory_space<hbm>>
    %dma_start3A_49 = arith.constant 0 : i32
    %dma_start3A_50 = tpu.memref_slice %arg4[%add3A_41, %dma_start3A_49] : memref<320000x32xf32, #tpu.memory_space<hbm>> -> memref<1000x32xf32, #tpu.memory_space<hbm>>
    %dma_start3A_51 = arith.constant 0 : i32
    %dma_start3A_52 = arith.constant 0 : i32
    %dma_start3A_53 = tpu.memref_slice %arg6[%dma_start3A_42, %dma_start3A_51, %dma_start3A_52] : memref<2x1000x32xf32, #tpu.memory_space<vmem>> -> memref<1x1000x32xf32, #tpu.memory_space<vmem>>
    %dma_start3A_54 = tpu.memref_squeeze %dma_start3A_53 : memref<1x1000x32xf32, #tpu.memory_space<vmem>> -> memref<1000x32xf32, #tpu.memory_space<vmem>>
    tpu.enqueue_dma source(%dma_start3A_54 : memref<1000x32xf32, #tpu.memory_space<vmem>>) target(%dma_start3A_50 : memref<1000x32xf32, #tpu.memory_space<hbm>>) target_semaphore(%arg8 : memref<!tpu.dma_semaphore, #tpu.memory_space<semaphore_mem>>)
    %add3A_55 = arith.constant 2000 : i32
    %add3A_56 = arith.addi %mul3A_2, %add3A_55 : i32
    %run_scoped3A_57 = arith.constant 0 : i32
    "tpu.region"() ({
      %run_scoped3A_548 = tpu.sem_alloc : memref<!tpu.dma_semaphore, #tpu.memory_space<semaphore_mem>>
      %dma_start3A_549 = arith.constant 0 : i32
      %dma_start3A_550 = tpu.memref_slice %arg5[%run_scoped3A_57, %dma_start3A_549] : memref<2x1000xi32, #tpu.memory_space<vmem>> -> memref<1x1000xi32, #tpu.memory_space<vmem>>
      %dma_start3A_551 = tpu.memref_squeeze %dma_start3A_550 : memref<1x1000xi32, #tpu.memory_space<vmem>> -> memref<1000xi32, #tpu.memory_space<vmem>>
      %dma_start3A_552 = tpu.memref_slice %arg3[%add3A_56] : memref<320000xi32, #tpu.memory_space<hbm>> -> memref<1000xi32, #tpu.memory_space<hbm>>
      %dma_start3A_553 = arith.constant 0 : i32
      %dma_start3A_554 = tpu.memref_slice %arg5[%run_scoped3A_57, %dma_start3A_553] : memref<2x1000xi32, #tpu.memory_space<vmem>> -> memref<1x1000xi32, #tpu.memory_space<vmem>>
      %dma_start3A_555 = tpu.memref_squeeze %dma_start3A_554 : memref<1x1000xi32, #tpu.memory_space<vmem>> -> memref<1000xi32, #tpu.memory_space<vmem>>
      %dma_start3A_556 = tpu.memref_slice %arg3[%add3A_56] : memref<320000xi32, #tpu.memory_space<hbm>> -> memref<1000xi32, #tpu.memory_space<hbm>>
      tpu.enqueue_dma source(%dma_start3A_556 : memref<1000xi32, #tpu.memory_space<hbm>>) target(%dma_start3A_555 : memref<1000xi32, #tpu.memory_space<vmem>>) target_semaphore(%run_scoped3A_548 : memref<!tpu.dma_semaphore, #tpu.memory_space<semaphore_mem>>)
      %dma_wait3A_557 = arith.constant 0 : i32
      %dma_wait3A_558 = tpu.memref_slice %arg5[%run_scoped3A_57, %dma_wait3A_557] : memref<2x1000xi32, #tpu.memory_space<vmem>> -> memref<1x1000xi32, #tpu.memory_space<vmem>>
      %dma_wait3A_559 = tpu.memref_squeeze %dma_wait3A_558 : memref<1x1000xi32, #tpu.memory_space<vmem>> -> memref<1000xi32, #tpu.memory_space<vmem>>
      %dma_wait3A_560 = tpu.memref_slice %arg3[%add3A_56] : memref<320000xi32, #tpu.memory_space<hbm>> -> memref<1000xi32, #tpu.memory_space<hbm>>
      %dma_wait3A_561 = arith.constant 0 : i32
      %dma_wait3A_562 = tpu.memref_slice %arg5[%run_scoped3A_57, %dma_wait3A_561] : memref<2x1000xi32, #tpu.memory_space<vmem>> -> memref<1x1000xi32, #tpu.memory_space<vmem>>
      %dma_wait3A_563 = tpu.memref_squeeze %dma_wait3A_562 : memref<1x1000xi32, #tpu.memory_space<vmem>> -> memref<1000xi32, #tpu.memory_space<vmem>>
      %dma_wait3A_564 = tpu.memref_slice %arg3[%add3A_56] : memref<320000xi32, #tpu.memory_space<hbm>> -> memref<1000xi32, #tpu.memory_space<hbm>>
      tpu.wait_dma2 semaphore(%run_scoped3A_548 : memref<!tpu.dma_semaphore, #tpu.memory_space<semaphore_mem>>) src(%dma_wait3A_564 : memref<1000xi32, #tpu.memory_space<hbm>>) dst(%dma_wait3A_563 : memref<1000xi32, #tpu.memory_space<vmem>>)
      tpu.yield
    }) : () -> ()
    %dma_wait3A_58 = arith.constant 0 : i32
    %dma_wait3A_59 = arith.constant 0 : i32
    %dma_wait3A_60 = arith.constant 0 : i32
    %dma_wait3A_61 = tpu.memref_slice %arg6[%dma_wait3A_58, %dma_wait3A_59, %dma_wait3A_60] : memref<2x1000x32xf32, #tpu.memory_space<vmem>> -> memref<1x1000x32xf32, #tpu.memory_space<vmem>>
    %dma_wait3A_62 = tpu.memref_squeeze %dma_wait3A_61 : memref<1x1000x32xf32, #tpu.memory_space<vmem>> -> memref<1000x32xf32, #tpu.memory_space<vmem>>
    %dma_wait3A_63 = arith.constant 0 : i32
    %dma_wait3A_64 = tpu.memref_slice %arg4[%add3A_41, %dma_wait3A_63] : memref<320000x32xf32, #tpu.memory_space<hbm>> -> memref<1000x32xf32, #tpu.memory_space<hbm>>
    %dma_wait3A_65 = arith.constant 0 : i32
    %dma_wait3A_66 = tpu.memref_slice %arg4[%add3A_41, %dma_wait3A_65] : memref<320000x32xf32, #tpu.memory_space<hbm>> -> memref<1000x32xf32, #tpu.memory_space<hbm>>
    %dma_wait3A_67 = arith.constant 0 : i32
    %dma_wait3A_68 = arith.constant 0 : i32
    %dma_wait3A_69 = tpu.memref_slice %arg6[%dma_wait3A_58, %dma_wait3A_67, %dma_wait3A_68] : memref<2x1000x32xf32, #tpu.memory_space<vmem>> -> memref<1x1000x32xf32, #tpu.memory_space<vmem>>
    %dma_wait3A_70 = tpu.memref_squeeze %dma_wait3A_69 : memref<1x1000x32xf32, #tpu.memory_space<vmem>> -> memref<1000x32xf32, #tpu.memory_space<vmem>>
    tpu.wait_dma2 semaphore(%arg8 : memref<!tpu.dma_semaphore, #tpu.memory_space<semaphore_mem>>) src(%dma_wait3A_70 : memref<1000x32xf32, #tpu.memory_space<vmem>>) dst(%dma_wait3A_66 : memref<1000x32xf32, #tpu.memory_space<hbm>>)
    %dma_start3A_71 = arith.constant 0 : i32
    %dma_start3A_72 = arith.constant 0 : i32
    %dma_start3A_73 = arith.constant 0 : i32
    %dma_start3A_74 = arith.constant 0 : i32
    %dma_start3A_75 = tpu.memref_slice %arg6[%dma_start3A_72, %dma_start3A_73, %dma_start3A_74] : memref<2x1000x32xf32, #tpu.memory_space<vmem>> -> memref<1x1000x32xf32, #tpu.memory_space<vmem>>
    %dma_start3A_76 = tpu.memref_squeeze %dma_start3A_75 : memref<1x1000x32xf32, #tpu.memory_space<vmem>> -> memref<1000x32xf32, #tpu.memory_space<vmem>>
    %dma_start3A_77 = arith.constant 0 : i32
    %dma_start3A_78 = tpu.memref_slice %arg5[%dma_start3A_71, %dma_start3A_77] : memref<2x1000xi32, #tpu.memory_space<vmem>> -> memref<1x1000xi32, #tpu.memory_space<vmem>>
    %dma_start3A_79 = tpu.memref_squeeze %dma_start3A_78 : memref<1x1000xi32, #tpu.memory_space<vmem>> -> memref<1000xi32, #tpu.memory_space<vmem>>
    %dma_start3A_80 = arith.constant 0 : i32
    %dma_start3A_81 = arith.constant 0 : i32
    %dma_start3A_82 = tpu.memref_slice %arg2[%dma_start3A_80, %dma_start3A_81] : memref<20000x32xf32, #tpu.memory_space<hbm>> -> memref<20000x32xf32, #tpu.memory_space<hbm>>
    tpu.enqueue_indirect_dma source(%dma_start3A_82 : memref<20000x32xf32, #tpu.memory_space<hbm>>) target(%dma_start3A_76 : memref<1000x32xf32, #tpu.memory_space<vmem>>) offsets(%dma_start3A_79 : memref<1000xi32, #tpu.memory_space<vmem>>) semaphore(%arg7 : memref<!tpu.dma_semaphore, #tpu.memory_space<semaphore_mem>>)
    %dma_wait3A_83 = arith.constant 1 : i32
    %dma_wait3A_84 = arith.constant 1 : i32
    %dma_wait3A_85 = arith.constant 0 : i32
    %dma_wait3A_86 = arith.constant 0 : i32
    %dma_wait3A_87 = tpu.memref_slice %arg6[%dma_wait3A_84, %dma_wait3A_85, %dma_wait3A_86] : memref<2x1000x32xf32, #tpu.memory_space<vmem>> -> memref<1x1000x32xf32, #tpu.memory_space<vmem>>
    %dma_wait3A_88 = tpu.memref_squeeze %dma_wait3A_87 : memref<1x1000x32xf32, #tpu.memory_space<vmem>> -> memref<1000x32xf32, #tpu.memory_space<vmem>>
    %dma_wait3A_89 = arith.constant 0 : i32
    %dma_wait3A_90 = tpu.memref_slice %arg5[%dma_wait3A_83, %dma_wait3A_89] : memref<2x1000xi32, #tpu.memory_space<vmem>> -> memref<1x1000xi32, #tpu.memory_space<vmem>>
    %dma_wait3A_91 = tpu.memref_squeeze %dma_wait3A_90 : memref<1x1000xi32, #tpu.memory_space<vmem>> -> memref<1000xi32, #tpu.memory_space<vmem>>
    %dma_wait3A_92 = arith.constant 0 : i32
    %dma_wait3A_93 = arith.constant 0 : i32
    %dma_wait3A_94 = tpu.memref_slice %arg2[%dma_wait3A_92, %dma_wait3A_93] : memref<20000x32xf32, #tpu.memory_space<hbm>> -> memref<20000x32xf32, #tpu.memory_space<hbm>>
    tpu.wait_indirect_dma semaphore(%arg7 : memref<!tpu.dma_semaphore, #tpu.memory_space<semaphore_mem>>) src(%dma_wait3A_94 : memref<20000x32xf32, #tpu.memory_space<hbm>>) dst(%dma_wait3A_88 : memref<1000x32xf32, #tpu.memory_space<vmem>>)
    %add3A_95 = arith.constant 1000 : i32
    %add3A_96 = arith.addi %mul3A_2, %add3A_95 : i32
    %dma_start3A_97 = arith.constant 1 : i32
    %dma_start3A_98 = arith.constant 0 : i32
    %dma_start3A_99 = arith.constant 0 : i32
    %dma_start3A_100 = tpu.memref_slice %arg6[%dma_start3A_97, %dma_start3A_98, %dma_start3A_99] : memref<2x1000x32xf32, #tpu.memory_space<vmem>> -> memref<1x1000x32xf32, #tpu.memory_space<vmem>>
    %dma_start3A_101 = tpu.memref_squeeze %dma_start3A_100 : memref<1x1000x32xf32, #tpu.memory_space<vmem>> -> memref<1000x32xf32, #tpu.memory_space<vmem>>
    %dma_start3A_102 = arith.constant 0 : i32
    %dma_start3A_103 = tpu.memref_slice %arg4[%add3A_96, %dma_start3A_102] : memref<320000x32xf32, #tpu.memory_space<hbm>> -> memref<1000x32xf32, #tpu.memory_space<hbm>>
    %dma_start3A_104 = arith.constant 0 : i32
    %dma_start3A_105 = tpu.memref_slice %arg4[%add3A_96, %dma_start3A_104] : memref<320000x32xf32, #tpu.memory_space<hbm>> -> memref<1000x32xf32, #tpu.memory_space<hbm>>
    %dma_start3A_106 = arith.constant 0 : i32
    %dma_start3A_107 = arith.constant 0 : i32
    %dma_start3A_108 = tpu.memref_slice %arg6[%dma_start3A_97, %dma_start3A_106, %dma_start3A_107] : memref<2x1000x32xf32, #tpu.memory_space<vmem>> -> memref<1x1000x32xf32, #tpu.memory_space<vmem>>
    %dma_start3A_109 = tpu.memref_squeeze %dma_start3A_108 : memref<1x1000x32xf32, #tpu.memory_space<vmem>> -> memref<1000x32xf32, #tpu.memory_space<vmem>>
    tpu.enqueue_dma source(%dma_start3A_109 : memref<1000x32xf32, #tpu.memory_space<vmem>>) target(%dma_start3A_105 : memref<1000x32xf32, #tpu.memory_space<hbm>>) target_semaphore(%arg8 : memref<!tpu.dma_semaphore, #tpu.memory_space<semaphore_mem>>)
    %add3A_110 = arith.constant 3000 : i32
    %add3A_111 = arith.addi %mul3A_2, %add3A_110 : i32
    %run_scoped3A_112 = arith.constant 1 : i32
    "tpu.region"() ({
      %run_scoped3A_548 = tpu.sem_alloc : memref<!tpu.dma_semaphore, #tpu.memory_space<semaphore_mem>>
      %dma_start3A_549 = arith.constant 0 : i32
      %dma_start3A_550 = tpu.memref_slice %arg5[%run_scoped3A_112, %dma_start3A_549] : memref<2x1000xi32, #tpu.memory_space<vmem>> -> memref<1x1000xi32, #tpu.memory_space<vmem>>
      %dma_start3A_551 = tpu.memref_squeeze %dma_start3A_550 : memref<1x1000xi32, #tpu.memory_space<vmem>> -> memref<1000xi32, #tpu.memory_space<vmem>>
      %dma_start3A_552 = tpu.memref_slice %arg3[%add3A_111] : memref<320000xi32, #tpu.memory_space<hbm>> -> memref<1000xi32, #tpu.memory_space<hbm>>
      %dma_start3A_553 = arith.constant 0 : i32
      %dma_start3A_554 = tpu.memref_slice %arg5[%run_scoped3A_112, %dma_start3A_553] : memref<2x1000xi32, #tpu.memory_space<vmem>> -> memref<1x1000xi32, #tpu.memory_space<vmem>>
      %dma_start3A_555 = tpu.memref_squeeze %dma_start3A_554 : memref<1x1000xi32, #tpu.memory_space<vmem>> -> memref<1000xi32, #tpu.memory_space<vmem>>
      %dma_start3A_556 = tpu.memref_slice %arg3[%add3A_111] : memref<320000xi32, #tpu.memory_space<hbm>> -> memref<1000xi32, #tpu.memory_space<hbm>>
      tpu.enqueue_dma source(%dma_start3A_556 : memref<1000xi32, #tpu.memory_space<hbm>>) target(%dma_start3A_555 : memref<1000xi32, #tpu.memory_space<vmem>>) target_semaphore(%run_scoped3A_548 : memref<!tpu.dma_semaphore, #tpu.memory_space<semaphore_mem>>)
      %dma_wait3A_557 = arith.constant 0 : i32
      %dma_wait3A_558 = tpu.memref_slice %arg5[%run_scoped3A_112, %dma_wait3A_557] : memref<2x1000xi32, #tpu.memory_space<vmem>> -> memref<1x1000xi32, #tpu.memory_space<vmem>>
      %dma_wait3A_559 = tpu.memref_squeeze %dma_wait3A_558 : memref<1x1000xi32, #tpu.memory_space<vmem>> -> memref<1000xi32, #tpu.memory_space<vmem>>
      %dma_wait3A_560 = tpu.memref_slice %arg3[%add3A_111] : memref<320000xi32, #tpu.memory_space<hbm>> -> memref<1000xi32, #tpu.memory_space<hbm>>
      %dma_wait3A_561 = arith.constant 0 : i32
      %dma_wait3A_562 = tpu.memref_slice %arg5[%run_scoped3A_112, %dma_wait3A_561] : memref<2x1000xi32, #tpu.memory_space<vmem>> -> memref<1x1000xi32, #tpu.memory_space<vmem>>
      %dma_wait3A_563 = tpu.memref_squeeze %dma_wait3A_562 : memref<1x1000xi32, #tpu.memory_space<vmem>> -> memref<1000xi32, #tpu.memory_space<vmem>>
      %dma_wait3A_564 = tpu.memref_slice %arg3[%add3A_111] : memref<320000xi32, #tpu.memory_space<hbm>> -> memref<1000xi32, #tpu.memory_space<hbm>>
      tpu.wait_dma2 semaphore(%run_scoped3A_548 : memref<!tpu.dma_semaphore, #tpu.memory_space<semaphore_mem>>) src(%dma_wait3A_564 : memref<1000xi32, #tpu.memory_space<hbm>>) dst(%dma_wait3A_563 : memref<1000xi32, #tpu.memory_space<vmem>>)
      tpu.yield
    }) : () -> ()
    %dma_wait3A_113 = arith.constant 1 : i32
    %dma_wait3A_114 = arith.constant 0 : i32
    %dma_wait3A_115 = arith.constant 0 : i32
    %dma_wait3A_116 = tpu.memref_slice %arg6[%dma_wait3A_113, %dma_wait3A_114, %dma_wait3A_115] : memref<2x1000x32xf32, #tpu.memory_space<vmem>> -> memref<1x1000x32xf32, #tpu.memory_space<vmem>>
    %dma_wait3A_117 = tpu.memref_squeeze %dma_wait3A_116 : memref<1x1000x32xf32, #tpu.memory_space<vmem>> -> memref<1000x32xf32, #tpu.memory_space<vmem>>
    %dma_wait3A_118 = arith.constant 0 : i32
    %dma_wait3A_119 = tpu.memref_slice %arg4[%add3A_96, %dma_wait3A_118] : memref<320000x32xf32, #tpu.memory_space<hbm>> -> memref<1000x32xf32, #tpu.memory_space<hbm>>
    %dma_wait3A_120 = arith.constant 0 : i32
    %dma_wait3A_121 = tpu.memref_slice %arg4[%add3A_96, %dma_wait3A_120] : memref<320000x32xf32, #tpu.memory_space<hbm>> -> memref<1000x32xf32, #tpu.memory_space<hbm>>
    %dma_wait3A_122 = arith.constant 0 : i32
    %dma_wait3A_123 = arith.constant 0 : i32
    %dma_wait3A_124 = tpu.memref_slice %arg6[%dma_wait3A_113, %dma_wait3A_122, %dma_wait3A_123] : memref<2x1000x32xf32, #tpu.memory_space<vmem>> -> memref<1x1000x32xf32, #tpu.memory_space<vmem>>
    %dma_wait3A_125 = tpu.memref_squeeze %dma_wait3A_124 : memref<1x1000x32xf32, #tpu.memory_space<vmem>> -> memref<1000x32xf32, #tpu.memory_space<vmem>>
    tpu.wait_dma2 semaphore(%arg8 : memref<!tpu.dma_semaphore, #tpu.memory_space<semaphore_mem>>) src(%dma_wait3A_125 : memref<1000x32xf32, #tpu.memory_space<vmem>>) dst(%dma_wait3A_121 : memref<1000x32xf32, #tpu.memory_space<hbm>>)
    %dma_start3A_126 = arith.constant 1 : i32
    %dma_start3A_127 = arith.constant 1 : i32
    %dma_start3A_128 = arith.constant 0 : i32
    %dma_start3A_129 = arith.constant 0 : i32
    %dma_start3A_130 = tpu.memref_slice %arg6[%dma_start3A_127, %dma_start3A_128, %dma_start3A_129] : memref<2x1000x32xf32, #tpu.memory_space<vmem>> -> memref<1x1000x32xf32, #tpu.memory_space<vmem>>
    %dma_start3A_131 = tpu.memref_squeeze %dma_start3A_130 : memref<1x1000x32xf32, #tpu.memory_space<vmem>> -> memref<1000x32xf32, #tpu.memory_space<vmem>>
    %dma_start3A_132 = arith.constant 0 : i32
    %dma_start3A_133 = tpu.memref_slice %arg5[%dma_start3A_126, %dma_start3A_132] : memref<2x1000xi32, #tpu.memory_space<vmem>> -> memref<1x1000xi32, #tpu.memory_space<vmem>>
    %dma_start3A_134 = tpu.memref_squeeze %dma_start3A_133 : memref<1x1000xi32, #tpu.memory_space<vmem>> -> memref<1000xi32, #tpu.memory_space<vmem>>
    %dma_start3A_135 = arith.constant 0 : i32
    %dma_start3A_136 = arith.constant 0 : i32
    %dma_start3A_137 = tpu.memref_slice %arg2[%dma_start3A_135, %dma_start3A_136] : memref<20000x32xf32, #tpu.memory_space<hbm>> -> memref<20000x32xf32, #tpu.memory_space<hbm>>
    tpu.enqueue_indirect_dma source(%dma_start3A_137 : memref<20000x32xf32, #tpu.memory_space<hbm>>) target(%dma_start3A_131 : memref<1000x32xf32, #tpu.memory_space<vmem>>) offsets(%dma_start3A_134 : memref<1000xi32, #tpu.memory_space<vmem>>) semaphore(%arg7 : memref<!tpu.dma_semaphore, #tpu.memory_space<semaphore_mem>>)
    %dma_wait3A_138 = arith.constant 0 : i32
    %dma_wait3A_139 = arith.constant 0 : i32
    %dma_wait3A_140 = arith.constant 0 : i32
    %dma_wait3A_141 = arith.constant 0 : i32
    %dma_wait3A_142 = tpu.memref_slice %arg6[%dma_wait3A_139, %dma_wait3A_140, %dma_wait3A_141] : memref<2x1000x32xf32, #tpu.memory_space<vmem>> -> memref<1x1000x32xf32, #tpu.memory_space<vmem>>
    %dma_wait3A_143 = tpu.memref_squeeze %dma_wait3A_142 : memref<1x1000x32xf32, #tpu.memory_space<vmem>> -> memref<1000x32xf32, #tpu.memory_space<vmem>>
    %dma_wait3A_144 = arith.constant 0 : i32
    %dma_wait3A_145 = tpu.memref_slice %arg5[%dma_wait3A_138, %dma_wait3A_144] : memref<2x1000xi32, #tpu.memory_space<vmem>> -> memref<1x1000xi32, #tpu.memory_space<vmem>>
    %dma_wait3A_146 = tpu.memref_squeeze %dma_wait3A_145 : memref<1x1000xi32, #tpu.memory_space<vmem>> -> memref<1000xi32, #tpu.memory_space<vmem>>
    %dma_wait3A_147 = arith.constant 0 : i32
    %dma_wait3A_148 = arith.constant 0 : i32
    %dma_wait3A_149 = tpu.memref_slice %arg2[%dma_wait3A_147, %dma_wait3A_148] : memref<20000x32xf32, #tpu.memory_space<hbm>> -> memref<20000x32xf32, #tpu.memory_space<hbm>>
    tpu.wait_indirect_dma semaphore(%arg7 : memref<!tpu.dma_semaphore, #tpu.memory_space<semaphore_mem>>) src(%dma_wait3A_149 : memref<20000x32xf32, #tpu.memory_space<hbm>>) dst(%dma_wait3A_143 : memref<1000x32xf32, #tpu.memory_space<vmem>>)
    %add3A_150 = arith.constant 2000 : i32
    %add3A_151 = arith.addi %mul3A_2, %add3A_150 : i32
    %dma_start3A_152 = arith.constant 0 : i32
    %dma_start3A_153 = arith.constant 0 : i32
    %dma_start3A_154 = arith.constant 0 : i32
    %dma_start3A_155 = tpu.memref_slice %arg6[%dma_start3A_152, %dma_start3A_153, %dma_start3A_154] : memref<2x1000x32xf32, #tpu.memory_space<vmem>> -> memref<1x1000x32xf32, #tpu.memory_space<vmem>>
    %dma_start3A_156 = tpu.memref_squeeze %dma_start3A_155 : memref<1x1000x32xf32, #tpu.memory_space<vmem>> -> memref<1000x32xf32, #tpu.memory_space<vmem>>
    %dma_start3A_157 = arith.constant 0 : i32
    %dma_start3A_158 = tpu.memref_slice %arg4[%add3A_151, %dma_start3A_157] : memref<320000x32xf32, #tpu.memory_space<hbm>> -> memref<1000x32xf32, #tpu.memory_space<hbm>>
    %dma_start3A_159 = arith.constant 0 : i32
    %dma_start3A_160 = tpu.memref_slice %arg4[%add3A_151, %dma_start3A_159] : memref<320000x32xf32, #tpu.memory_space<hbm>> -> memref<1000x32xf32, #tpu.memory_space<hbm>>
    %dma_start3A_161 = arith.constant 0 : i32
    %dma_start3A_162 = arith.constant 0 : i32
    %dma_start3A_163 = tpu.memref_slice %arg6[%dma_start3A_152, %dma_start3A_161, %dma_start3A_162] : memref<2x1000x32xf32, #tpu.memory_space<vmem>> -> memref<1x1000x32xf32, #tpu.memory_space<vmem>>
    %dma_start3A_164 = tpu.memref_squeeze %dma_start3A_163 : memref<1x1000x32xf32, #tpu.memory_space<vmem>> -> memref<1000x32xf32, #tpu.memory_space<vmem>>
    tpu.enqueue_dma source(%dma_start3A_164 : memref<1000x32xf32, #tpu.memory_space<vmem>>) target(%dma_start3A_160 : memref<1000x32xf32, #tpu.memory_space<hbm>>) target_semaphore(%arg8 : memref<!tpu.dma_semaphore, #tpu.memory_space<semaphore_mem>>)
    %add3A_165 = arith.constant 4000 : i32
    %add3A_166 = arith.addi %mul3A_2, %add3A_165 : i32
    %run_scoped3A_167 = arith.constant 0 : i32
    "tpu.region"() ({
      %run_scoped3A_548 = tpu.sem_alloc : memref<!tpu.dma_semaphore, #tpu.memory_space<semaphore_mem>>
      %dma_start3A_549 = arith.constant 0 : i32
      %dma_start3A_550 = tpu.memref_slice %arg5[%run_scoped3A_167, %dma_start3A_549] : memref<2x1000xi32, #tpu.memory_space<vmem>> -> memref<1x1000xi32, #tpu.memory_space<vmem>>
      %dma_start3A_551 = tpu.memref_squeeze %dma_start3A_550 : memref<1x1000xi32, #tpu.memory_space<vmem>> -> memref<1000xi32, #tpu.memory_space<vmem>>
      %dma_start3A_552 = tpu.memref_slice %arg3[%add3A_166] : memref<320000xi32, #tpu.memory_space<hbm>> -> memref<1000xi32, #tpu.memory_space<hbm>>
      %dma_start3A_553 = arith.constant 0 : i32
      %dma_start3A_554 = tpu.memref_slice %arg5[%run_scoped3A_167, %dma_start3A_553] : memref<2x1000xi32, #tpu.memory_space<vmem>> -> memref<1x1000xi32, #tpu.memory_space<vmem>>
      %dma_start3A_555 = tpu.memref_squeeze %dma_start3A_554 : memref<1x1000xi32, #tpu.memory_space<vmem>> -> memref<1000xi32, #tpu.memory_space<vmem>>
      %dma_start3A_556 = tpu.memref_slice %arg3[%add3A_166] : memref<320000xi32, #tpu.memory_space<hbm>> -> memref<1000xi32, #tpu.memory_space<hbm>>
      tpu.enqueue_dma source(%dma_start3A_556 : memref<1000xi32, #tpu.memory_space<hbm>>) target(%dma_start3A_555 : memref<1000xi32, #tpu.memory_space<vmem>>) target_semaphore(%run_scoped3A_548 : memref<!tpu.dma_semaphore, #tpu.memory_space<semaphore_mem>>)
      %dma_wait3A_557 = arith.constant 0 : i32
      %dma_wait3A_558 = tpu.memref_slice %arg5[%run_scoped3A_167, %dma_wait3A_557] : memref<2x1000xi32, #tpu.memory_space<vmem>> -> memref<1x1000xi32, #tpu.memory_space<vmem>>
      %dma_wait3A_559 = tpu.memref_squeeze %dma_wait3A_558 : memref<1x1000xi32, #tpu.memory_space<vmem>> -> memref<1000xi32, #tpu.memory_space<vmem>>
      %dma_wait3A_560 = tpu.memref_slice %arg3[%add3A_166] : memref<320000xi32, #tpu.memory_space<hbm>> -> memref<1000xi32, #tpu.memory_space<hbm>>
      %dma_wait3A_561 = arith.constant 0 : i32
      %dma_wait3A_562 = tpu.memref_slice %arg5[%run_scoped3A_167, %dma_wait3A_561] : memref<2x1000xi32, #tpu.memory_space<vmem>> -> memref<1x1000xi32, #tpu.memory_space<vmem>>
      %dma_wait3A_563 = tpu.memref_squeeze %dma_wait3A_562 : memref<1x1000xi32, #tpu.memory_space<vmem>> -> memref<1000xi32, #tpu.memory_space<vmem>>
      %dma_wait3A_564 = tpu.memref_slice %arg3[%add3A_166] : memref<320000xi32, #tpu.memory_space<hbm>> -> memref<1000xi32, #tpu.memory_space<hbm>>
      tpu.wait_dma2 semaphore(%run_scoped3A_548 : memref<!tpu.dma_semaphore, #tpu.memory_space<semaphore_mem>>) src(%dma_wait3A_564 : memref<1000xi32, #tpu.memory_space<hbm>>) dst(%dma_wait3A_563 : memref<1000xi32, #tpu.memory_space<vmem>>)
      tpu.yield
    }) : () -> ()
    %dma_wait3A_168 = arith.constant 0 : i32
    %dma_wait3A_169 = arith.constant 0 : i32
    %dma_wait3A_170 = arith.constant 0 : i32
    %dma_wait3A_171 = tpu.memref_slice %arg6[%dma_wait3A_168, %dma_wait3A_169, %dma_wait3A_170] : memref<2x1000x32xf32, #tpu.memory_space<vmem>> -> memref<1x1000x32xf32, #tpu.memory_space<vmem>>
    %dma_wait3A_172 = tpu.memref_squeeze %dma_wait3A_171 : memref<1x1000x32xf32, #tpu.memory_space<vmem>> -> memref<1000x32xf32, #tpu.memory_space<vmem>>
    %dma_wait3A_173 = arith.constant 0 : i32
    %dma_wait3A_174 = tpu.memref_slice %arg4[%add3A_151, %dma_wait3A_173] : memref<320000x32xf32, #tpu.memory_space<hbm>> -> memref<1000x32xf32, #tpu.memory_space<hbm>>
    %dma_wait3A_175 = arith.constant 0 : i32
    %dma_wait3A_176 = tpu.memref_slice %arg4[%add3A_151, %dma_wait3A_175] : memref<320000x32xf32, #tpu.memory_space<hbm>> -> memref<1000x32xf32, #tpu.memory_space<hbm>>
    %dma_wait3A_177 = arith.constant 0 : i32
    %dma_wait3A_178 = arith.constant 0 : i32
    %dma_wait3A_179 = tpu.memref_slice %arg6[%dma_wait3A_168, %dma_wait3A_177, %dma_wait3A_178] : memref<2x1000x32xf32, #tpu.memory_space<vmem>> -> memref<1x1000x32xf32, #tpu.memory_space<vmem>>
    %dma_wait3A_180 = tpu.memref_squeeze %dma_wait3A_179 : memref<1x1000x32xf32, #tpu.memory_space<vmem>> -> memref<1000x32xf32, #tpu.memory_space<vmem>>
    tpu.wait_dma2 semaphore(%arg8 : memref<!tpu.dma_semaphore, #tpu.memory_space<semaphore_mem>>) src(%dma_wait3A_180 : memref<1000x32xf32, #tpu.memory_space<vmem>>) dst(%dma_wait3A_176 : memref<1000x32xf32, #tpu.memory_space<hbm>>)
    %dma_start3A_181 = arith.constant 0 : i32
    %dma_start3A_182 = arith.constant 0 : i32
    %dma_start3A_183 = arith.constant 0 : i32
    %dma_start3A_184 = arith.constant 0 : i32
    %dma_start3A_185 = tpu.memref_slice %arg6[%dma_start3A_182, %dma_start3A_183, %dma_start3A_184] : memref<2x1000x32xf32, #tpu.memory_space<vmem>> -> memref<1x1000x32xf32, #tpu.memory_space<vmem>>
    %dma_start3A_186 = tpu.memref_squeeze %dma_start3A_185 : memref<1x1000x32xf32, #tpu.memory_space<vmem>> -> memref<1000x32xf32, #tpu.memory_space<vmem>>
    %dma_start3A_187 = arith.constant 0 : i32
    %dma_start3A_188 = tpu.memref_slice %arg5[%dma_start3A_181, %dma_start3A_187] : memref<2x1000xi32, #tpu.memory_space<vmem>> -> memref<1x1000xi32, #tpu.memory_space<vmem>>
    %dma_start3A_189 = tpu.memref_squeeze %dma_start3A_188 : memref<1x1000xi32, #tpu.memory_space<vmem>> -> memref<1000xi32, #tpu.memory_space<vmem>>
    %dma_start3A_190 = arith.constant 0 : i32
    %dma_start3A_191 = arith.constant 0 : i32
    %dma_start3A_192 = tpu.memref_slice %arg2[%dma_start3A_190, %dma_start3A_191] : memref<20000x32xf32, #tpu.memory_space<hbm>> -> memref<20000x32xf32, #tpu.memory_space<hbm>>
    tpu.enqueue_indirect_dma source(%dma_start3A_192 : memref<20000x32xf32, #tpu.memory_space<hbm>>) target(%dma_start3A_186 : memref<1000x32xf32, #tpu.memory_space<vmem>>) offsets(%dma_start3A_189 : memref<1000xi32, #tpu.memory_space<vmem>>) semaphore(%arg7 : memref<!tpu.dma_semaphore, #tpu.memory_space<semaphore_mem>>)
    %dma_wait3A_193 = arith.constant 1 : i32
    %dma_wait3A_194 = arith.constant 1 : i32
    %dma_wait3A_195 = arith.constant 0 : i32
    %dma_wait3A_196 = arith.constant 0 : i32
    %dma_wait3A_197 = tpu.memref_slice %arg6[%dma_wait3A_194, %dma_wait3A_195, %dma_wait3A_196] : memref<2x1000x32xf32, #tpu.memory_space<vmem>> -> memref<1x1000x32xf32, #tpu.memory_space<vmem>>
    %dma_wait3A_198 = tpu.memref_squeeze %dma_wait3A_197 : memref<1x1000x32xf32, #tpu.memory_space<vmem>> -> memref<1000x32xf32, #tpu.memory_space<vmem>>
    %dma_wait3A_199 = arith.constant 0 : i32
    %dma_wait3A_200 = tpu.memref_slice %arg5[%dma_wait3A_193, %dma_wait3A_199] : memref<2x1000xi32, #tpu.memory_space<vmem>> -> memref<1x1000xi32, #tpu.memory_space<vmem>>
    %dma_wait3A_201 = tpu.memref_squeeze %dma_wait3A_200 : memref<1x1000xi32, #tpu.memory_space<vmem>> -> memref<1000xi32, #tpu.memory_space<vmem>>
    %dma_wait3A_202 = arith.constant 0 : i32
    %dma_wait3A_203 = arith.constant 0 : i32
    %dma_wait3A_204 = tpu.memref_slice %arg2[%dma_wait3A_202, %dma_wait3A_203] : memref<20000x32xf32, #tpu.memory_space<hbm>> -> memref<20000x32xf32, #tpu.memory_space<hbm>>
    tpu.wait_indirect_dma semaphore(%arg7 : memref<!tpu.dma_semaphore, #tpu.memory_space<semaphore_mem>>) src(%dma_wait3A_204 : memref<20000x32xf32, #tpu.memory_space<hbm>>) dst(%dma_wait3A_198 : memref<1000x32xf32, #tpu.memory_space<vmem>>)
    %add3A_205 = arith.constant 3000 : i32
    %add3A_206 = arith.addi %mul3A_2, %add3A_205 : i32
    %dma_start3A_207 = arith.constant 1 : i32
    %dma_start3A_208 = arith.constant 0 : i32
    %dma_start3A_209 = arith.constant 0 : i32
    %dma_start3A_210 = tpu.memref_slice %arg6[%dma_start3A_207, %dma_start3A_208, %dma_start3A_209] : memref<2x1000x32xf32, #tpu.memory_space<vmem>> -> memref<1x1000x32xf32, #tpu.memory_space<vmem>>
    %dma_start3A_211 = tpu.memref_squeeze %dma_start3A_210 : memref<1x1000x32xf32, #tpu.memory_space<vmem>> -> memref<1000x32xf32, #tpu.memory_space<vmem>>
    %dma_start3A_212 = arith.constant 0 : i32
    %dma_start3A_213 = tpu.memref_slice %arg4[%add3A_206, %dma_start3A_212] : memref<320000x32xf32, #tpu.memory_space<hbm>> -> memref<1000x32xf32, #tpu.memory_space<hbm>>
    %dma_start3A_214 = arith.constant 0 : i32
    %dma_start3A_215 = tpu.memref_slice %arg4[%add3A_206, %dma_start3A_214] : memref<320000x32xf32, #tpu.memory_space<hbm>> -> memref<1000x32xf32, #tpu.memory_space<hbm>>
    %dma_start3A_216 = arith.constant 0 : i32
    %dma_start3A_217 = arith.constant 0 : i32
    %dma_start3A_218 = tpu.memref_slice %arg6[%dma_start3A_207, %dma_start3A_216, %dma_start3A_217] : memref<2x1000x32xf32, #tpu.memory_space<vmem>> -> memref<1x1000x32xf32, #tpu.memory_space<vmem>>
    %dma_start3A_219 = tpu.memref_squeeze %dma_start3A_218 : memref<1x1000x32xf32, #tpu.memory_space<vmem>> -> memref<1000x32xf32, #tpu.memory_space<vmem>>
    tpu.enqueue_dma source(%dma_start3A_219 : memref<1000x32xf32, #tpu.memory_space<vmem>>) target(%dma_start3A_215 : memref<1000x32xf32, #tpu.memory_space<hbm>>) target_semaphore(%arg8 : memref<!tpu.dma_semaphore, #tpu.memory_space<semaphore_mem>>)
    %add3A_220 = arith.constant 5000 : i32
    %add3A_221 = arith.addi %mul3A_2, %add3A_220 : i32
    %run_scoped3A_222 = arith.constant 1 : i32
    "tpu.region"() ({
      %run_scoped3A_548 = tpu.sem_alloc : memref<!tpu.dma_semaphore, #tpu.memory_space<semaphore_mem>>
      %dma_start3A_549 = arith.constant 0 : i32
      %dma_start3A_550 = tpu.memref_slice %arg5[%run_scoped3A_222, %dma_start3A_549] : memref<2x1000xi32, #tpu.memory_space<vmem>> -> memref<1x1000xi32, #tpu.memory_space<vmem>>
      %dma_start3A_551 = tpu.memref_squeeze %dma_start3A_550 : memref<1x1000xi32, #tpu.memory_space<vmem>> -> memref<1000xi32, #tpu.memory_space<vmem>>
      %dma_start3A_552 = tpu.memref_slice %arg3[%add3A_221] : memref<320000xi32, #tpu.memory_space<hbm>> -> memref<1000xi32, #tpu.memory_space<hbm>>
      %dma_start3A_553 = arith.constant 0 : i32
      %dma_start3A_554 = tpu.memref_slice %arg5[%run_scoped3A_222, %dma_start3A_553] : memref<2x1000xi32, #tpu.memory_space<vmem>> -> memref<1x1000xi32, #tpu.memory_space<vmem>>
      %dma_start3A_555 = tpu.memref_squeeze %dma_start3A_554 : memref<1x1000xi32, #tpu.memory_space<vmem>> -> memref<1000xi32, #tpu.memory_space<vmem>>
      %dma_start3A_556 = tpu.memref_slice %arg3[%add3A_221] : memref<320000xi32, #tpu.memory_space<hbm>> -> memref<1000xi32, #tpu.memory_space<hbm>>
      tpu.enqueue_dma source(%dma_start3A_556 : memref<1000xi32, #tpu.memory_space<hbm>>) target(%dma_start3A_555 : memref<1000xi32, #tpu.memory_space<vmem>>) target_semaphore(%run_scoped3A_548 : memref<!tpu.dma_semaphore, #tpu.memory_space<semaphore_mem>>)
      %dma_wait3A_557 = arith.constant 0 : i32
      %dma_wait3A_558 = tpu.memref_slice %arg5[%run_scoped3A_222, %dma_wait3A_557] : memref<2x1000xi32, #tpu.memory_space<vmem>> -> memref<1x1000xi32, #tpu.memory_space<vmem>>
      %dma_wait3A_559 = tpu.memref_squeeze %dma_wait3A_558 : memref<1x1000xi32, #tpu.memory_space<vmem>> -> memref<1000xi32, #tpu.memory_space<vmem>>
      %dma_wait3A_560 = tpu.memref_slice %arg3[%add3A_221] : memref<320000xi32, #tpu.memory_space<hbm>> -> memref<1000xi32, #tpu.memory_space<hbm>>
      %dma_wait3A_561 = arith.constant 0 : i32
      %dma_wait3A_562 = tpu.memref_slice %arg5[%run_scoped3A_222, %dma_wait3A_561] : memref<2x1000xi32, #tpu.memory_space<vmem>> -> memref<1x1000xi32, #tpu.memory_space<vmem>>
      %dma_wait3A_563 = tpu.memref_squeeze %dma_wait3A_562 : memref<1x1000xi32, #tpu.memory_space<vmem>> -> memref<1000xi32, #tpu.memory_space<vmem>>
      %dma_wait3A_564 = tpu.memref_slice %arg3[%add3A_221] : memref<320000xi32, #tpu.memory_space<hbm>> -> memref<1000xi32, #tpu.memory_space<hbm>>
      tpu.wait_dma2 semaphore(%run_scoped3A_548 : memref<!tpu.dma_semaphore, #tpu.memory_space<semaphore_mem>>) src(%dma_wait3A_564 : memref<1000xi32, #tpu.memory_space<hbm>>) dst(%dma_wait3A_563 : memref<1000xi32, #tpu.memory_space<vmem>>)
      tpu.yield
    }) : () -> ()
    %dma_wait3A_223 = arith.constant 1 : i32
    %dma_wait3A_224 = arith.constant 0 : i32
    %dma_wait3A_225 = arith.constant 0 : i32
    %dma_wait3A_226 = tpu.memref_slice %arg6[%dma_wait3A_223, %dma_wait3A_224, %dma_wait3A_225] : memref<2x1000x32xf32, #tpu.memory_space<vmem>> -> memref<1x1000x32xf32, #tpu.memory_space<vmem>>
    %dma_wait3A_227 = tpu.memref_squeeze %dma_wait3A_226 : memref<1x1000x32xf32, #tpu.memory_space<vmem>> -> memref<1000x32xf32, #tpu.memory_space<vmem>>
    %dma_wait3A_228 = arith.constant 0 : i32
    %dma_wait3A_229 = tpu.memref_slice %arg4[%add3A_206, %dma_wait3A_228] : memref<320000x32xf32, #tpu.memory_space<hbm>> -> memref<1000x32xf32, #tpu.memory_space<hbm>>
    %dma_wait3A_230 = arith.constant 0 : i32
    %dma_wait3A_231 = tpu.memref_slice %arg4[%add3A_206, %dma_wait3A_230] : memref<320000x32xf32, #tpu.memory_space<hbm>> -> memref<1000x32xf32, #tpu.memory_space<hbm>>
    %dma_wait3A_232 = arith.constant 0 : i32
    %dma_wait3A_233 = arith.constant 0 : i32
    %dma_wait3A_234 = tpu.memref_slice %arg6[%dma_wait3A_223, %dma_wait3A_232, %dma_wait3A_233] : memref<2x1000x32xf32, #tpu.memory_space<vmem>> -> memref<1x1000x32xf32, #tpu.memory_space<vmem>>
    %dma_wait3A_235 = tpu.memref_squeeze %dma_wait3A_234 : memref<1x1000x32xf32, #tpu.memory_space<vmem>> -> memref<1000x32xf32, #tpu.memory_space<vmem>>
    tpu.wait_dma2 semaphore(%arg8 : memref<!tpu.dma_semaphore, #tpu.memory_space<semaphore_mem>>) src(%dma_wait3A_235 : memref<1000x32xf32, #tpu.memory_space<vmem>>) dst(%dma_wait3A_231 : memref<1000x32xf32, #tpu.memory_space<hbm>>)
    %dma_start3A_236 = arith.constant 1 : i32
    %dma_start3A_237 = arith.constant 1 : i32
    %dma_start3A_238 = arith.constant 0 : i32
    %dma_start3A_239 = arith.constant 0 : i32
    %dma_start3A_240 = tpu.memref_slice %arg6[%dma_start3A_237, %dma_start3A_238, %dma_start3A_239] : memref<2x1000x32xf32, #tpu.memory_space<vmem>> -> memref<1x1000x32xf32, #tpu.memory_space<vmem>>
    %dma_start3A_241 = tpu.memref_squeeze %dma_start3A_240 : memref<1x1000x32xf32, #tpu.memory_space<vmem>> -> memref<1000x32xf32, #tpu.memory_space<vmem>>
    %dma_start3A_242 = arith.constant 0 : i32
    %dma_start3A_243 = tpu.memref_slice %arg5[%dma_start3A_236, %dma_start3A_242] : memref<2x1000xi32, #tpu.memory_space<vmem>> -> memref<1x1000xi32, #tpu.memory_space<vmem>>
    %dma_start3A_244 = tpu.memref_squeeze %dma_start3A_243 : memref<1x1000xi32, #tpu.memory_space<vmem>> -> memref<1000xi32, #tpu.memory_space<vmem>>
    %dma_start3A_245 = arith.constant 0 : i32
    %dma_start3A_246 = arith.constant 0 : i32
    %dma_start3A_247 = tpu.memref_slice %arg2[%dma_start3A_245, %dma_start3A_246] : memref<20000x32xf32, #tpu.memory_space<hbm>> -> memref<20000x32xf32, #tpu.memory_space<hbm>>
    tpu.enqueue_indirect_dma source(%dma_start3A_247 : memref<20000x32xf32, #tpu.memory_space<hbm>>) target(%dma_start3A_241 : memref<1000x32xf32, #tpu.memory_space<vmem>>) offsets(%dma_start3A_244 : memref<1000xi32, #tpu.memory_space<vmem>>) semaphore(%arg7 : memref<!tpu.dma_semaphore, #tpu.memory_space<semaphore_mem>>)
    %dma_wait3A_248 = arith.constant 0 : i32
    %dma_wait3A_249 = arith.constant 0 : i32
    %dma_wait3A_250 = arith.constant 0 : i32
    %dma_wait3A_251 = arith.constant 0 : i32
    %dma_wait3A_252 = tpu.memref_slice %arg6[%dma_wait3A_249, %dma_wait3A_250, %dma_wait3A_251] : memref<2x1000x32xf32, #tpu.memory_space<vmem>> -> memref<1x1000x32xf32, #tpu.memory_space<vmem>>
    %dma_wait3A_253 = tpu.memref_squeeze %dma_wait3A_252 : memref<1x1000x32xf32, #tpu.memory_space<vmem>> -> memref<1000x32xf32, #tpu.memory_space<vmem>>
    %dma_wait3A_254 = arith.constant 0 : i32
    %dma_wait3A_255 = tpu.memref_slice %arg5[%dma_wait3A_248, %dma_wait3A_254] : memref<2x1000xi32, #tpu.memory_space<vmem>> -> memref<1x1000xi32, #tpu.memory_space<vmem>>
    %dma_wait3A_256 = tpu.memref_squeeze %dma_wait3A_255 : memref<1x1000xi32, #tpu.memory_space<vmem>> -> memref<1000xi32, #tpu.memory_space<vmem>>
    %dma_wait3A_257 = arith.constant 0 : i32
    %dma_wait3A_258 = arith.constant 0 : i32
    %dma_wait3A_259 = tpu.memref_slice %arg2[%dma_wait3A_257, %dma_wait3A_258] : memref<20000x32xf32, #tpu.memory_space<hbm>> -> memref<20000x32xf32, #tpu.memory_space<hbm>>
    tpu.wait_indirect_dma semaphore(%arg7 : memref<!tpu.dma_semaphore, #tpu.memory_space<semaphore_mem>>) src(%dma_wait3A_259 : memref<20000x32xf32, #tpu.memory_space<hbm>>) dst(%dma_wait3A_253 : memref<1000x32xf32, #tpu.memory_space<vmem>>)
    %add3A_260 = arith.constant 4000 : i32
    %add3A_261 = arith.addi %mul3A_2, %add3A_260 : i32
    %dma_start3A_262 = arith.constant 0 : i32
    %dma_start3A_263 = arith.constant 0 : i32
    %dma_start3A_264 = arith.constant 0 : i32
    %dma_start3A_265 = tpu.memref_slice %arg6[%dma_start3A_262, %dma_start3A_263, %dma_start3A_264] : memref<2x1000x32xf32, #tpu.memory_space<vmem>> -> memref<1x1000x32xf32, #tpu.memory_space<vmem>>
    %dma_start3A_266 = tpu.memref_squeeze %dma_start3A_265 : memref<1x1000x32xf32, #tpu.memory_space<vmem>> -> memref<1000x32xf32, #tpu.memory_space<vmem>>
    %dma_start3A_267 = arith.constant 0 : i32
    %dma_start3A_268 = tpu.memref_slice %arg4[%add3A_261, %dma_start3A_267] : memref<320000x32xf32, #tpu.memory_space<hbm>> -> memref<1000x32xf32, #tpu.memory_space<hbm>>
    %dma_start3A_269 = arith.constant 0 : i32
    %dma_start3A_270 = tpu.memref_slice %arg4[%add3A_261, %dma_start3A_269] : memref<320000x32xf32, #tpu.memory_space<hbm>> -> memref<1000x32xf32, #tpu.memory_space<hbm>>
    %dma_start3A_271 = arith.constant 0 : i32
    %dma_start3A_272 = arith.constant 0 : i32
    %dma_start3A_273 = tpu.memref_slice %arg6[%dma_start3A_262, %dma_start3A_271, %dma_start3A_272] : memref<2x1000x32xf32, #tpu.memory_space<vmem>> -> memref<1x1000x32xf32, #tpu.memory_space<vmem>>
    %dma_start3A_274 = tpu.memref_squeeze %dma_start3A_273 : memref<1x1000x32xf32, #tpu.memory_space<vmem>> -> memref<1000x32xf32, #tpu.memory_space<vmem>>
    tpu.enqueue_dma source(%dma_start3A_274 : memref<1000x32xf32, #tpu.memory_space<vmem>>) target(%dma_start3A_270 : memref<1000x32xf32, #tpu.memory_space<hbm>>) target_semaphore(%arg8 : memref<!tpu.dma_semaphore, #tpu.memory_space<semaphore_mem>>)
    %add3A_275 = arith.constant 6000 : i32
    %add3A_276 = arith.addi %mul3A_2, %add3A_275 : i32
    %run_scoped3A_277 = arith.constant 0 : i32
    "tpu.region"() ({
      %run_scoped3A_548 = tpu.sem_alloc : memref<!tpu.dma_semaphore, #tpu.memory_space<semaphore_mem>>
      %dma_start3A_549 = arith.constant 0 : i32
      %dma_start3A_550 = tpu.memref_slice %arg5[%run_scoped3A_277, %dma_start3A_549] : memref<2x1000xi32, #tpu.memory_space<vmem>> -> memref<1x1000xi32, #tpu.memory_space<vmem>>
      %dma_start3A_551 = tpu.memref_squeeze %dma_start3A_550 : memref<1x1000xi32, #tpu.memory_space<vmem>> -> memref<1000xi32, #tpu.memory_space<vmem>>
      %dma_start3A_552 = tpu.memref_slice %arg3[%add3A_276] : memref<320000xi32, #tpu.memory_space<hbm>> -> memref<1000xi32, #tpu.memory_space<hbm>>
      %dma_start3A_553 = arith.constant 0 : i32
      %dma_start3A_554 = tpu.memref_slice %arg5[%run_scoped3A_277, %dma_start3A_553] : memref<2x1000xi32, #tpu.memory_space<vmem>> -> memref<1x1000xi32, #tpu.memory_space<vmem>>
      %dma_start3A_555 = tpu.memref_squeeze %dma_start3A_554 : memref<1x1000xi32, #tpu.memory_space<vmem>> -> memref<1000xi32, #tpu.memory_space<vmem>>
      %dma_start3A_556 = tpu.memref_slice %arg3[%add3A_276] : memref<320000xi32, #tpu.memory_space<hbm>> -> memref<1000xi32, #tpu.memory_space<hbm>>
      tpu.enqueue_dma source(%dma_start3A_556 : memref<1000xi32, #tpu.memory_space<hbm>>) target(%dma_start3A_555 : memref<1000xi32, #tpu.memory_space<vmem>>) target_semaphore(%run_scoped3A_548 : memref<!tpu.dma_semaphore, #tpu.memory_space<semaphore_mem>>)
      %dma_wait3A_557 = arith.constant 0 : i32
      %dma_wait3A_558 = tpu.memref_slice %arg5[%run_scoped3A_277, %dma_wait3A_557] : memref<2x1000xi32, #tpu.memory_space<vmem>> -> memref<1x1000xi32, #tpu.memory_space<vmem>>
      %dma_wait3A_559 = tpu.memref_squeeze %dma_wait3A_558 : memref<1x1000xi32, #tpu.memory_space<vmem>> -> memref<1000xi32, #tpu.memory_space<vmem>>
      %dma_wait3A_560 = tpu.memref_slice %arg3[%add3A_276] : memref<320000xi32, #tpu.memory_space<hbm>> -> memref<1000xi32, #tpu.memory_space<hbm>>
      %dma_wait3A_561 = arith.constant 0 : i32
      %dma_wait3A_562 = tpu.memref_slice %arg5[%run_scoped3A_277, %dma_wait3A_561] : memref<2x1000xi32, #tpu.memory_space<vmem>> -> memref<1x1000xi32, #tpu.memory_space<vmem>>
      %dma_wait3A_563 = tpu.memref_squeeze %dma_wait3A_562 : memref<1x1000xi32, #tpu.memory_space<vmem>> -> memref<1000xi32, #tpu.memory_space<vmem>>
      %dma_wait3A_564 = tpu.memref_slice %arg3[%add3A_276] : memref<320000xi32, #tpu.memory_space<hbm>> -> memref<1000xi32, #tpu.memory_space<hbm>>
      tpu.wait_dma2 semaphore(%run_scoped3A_548 : memref<!tpu.dma_semaphore, #tpu.memory_space<semaphore_mem>>) src(%dma_wait3A_564 : memref<1000xi32, #tpu.memory_space<hbm>>) dst(%dma_wait3A_563 : memref<1000xi32, #tpu.memory_space<vmem>>)
      tpu.yield
    }) : () -> ()
    %dma_wait3A_278 = arith.constant 0 : i32
    %dma_wait3A_279 = arith.constant 0 : i32
    %dma_wait3A_280 = arith.constant 0 : i32
    %dma_wait3A_281 = tpu.memref_slice %arg6[%dma_wait3A_278, %dma_wait3A_279, %dma_wait3A_280] : memref<2x1000x32xf32, #tpu.memory_space<vmem>> -> memref<1x1000x32xf32, #tpu.memory_space<vmem>>
    %dma_wait3A_282 = tpu.memref_squeeze %dma_wait3A_281 : memref<1x1000x32xf32, #tpu.memory_space<vmem>> -> memref<1000x32xf32, #tpu.memory_space<vmem>>
    %dma_wait3A_283 = arith.constant 0 : i32
    %dma_wait3A_284 = tpu.memref_slice %arg4[%add3A_261, %dma_wait3A_283] : memref<320000x32xf32, #tpu.memory_space<hbm>> -> memref<1000x32xf32, #tpu.memory_space<hbm>>
    %dma_wait3A_285 = arith.constant 0 : i32
    %dma_wait3A_286 = tpu.memref_slice %arg4[%add3A_261, %dma_wait3A_285] : memref<320000x32xf32, #tpu.memory_space<hbm>> -> memref<1000x32xf32, #tpu.memory_space<hbm>>
    %dma_wait3A_287 = arith.constant 0 : i32
    %dma_wait3A_288 = arith.constant 0 : i32
    %dma_wait3A_289 = tpu.memref_slice %arg6[%dma_wait3A_278, %dma_wait3A_287, %dma_wait3A_288] : memref<2x1000x32xf32, #tpu.memory_space<vmem>> -> memref<1x1000x32xf32, #tpu.memory_space<vmem>>
    %dma_wait3A_290 = tpu.memref_squeeze %dma_wait3A_289 : memref<1x1000x32xf32, #tpu.memory_space<vmem>> -> memref<1000x32xf32, #tpu.memory_space<vmem>>
    tpu.wait_dma2 semaphore(%arg8 : memref<!tpu.dma_semaphore, #tpu.memory_space<semaphore_mem>>) src(%dma_wait3A_290 : memref<1000x32xf32, #tpu.memory_space<vmem>>) dst(%dma_wait3A_286 : memref<1000x32xf32, #tpu.memory_space<hbm>>)
    %dma_start3A_291 = arith.constant 0 : i32
    %dma_start3A_292 = arith.constant 0 : i32
    %dma_start3A_293 = arith.constant 0 : i32
    %dma_start3A_294 = arith.constant 0 : i32
    %dma_start3A_295 = tpu.memref_slice %arg6[%dma_start3A_292, %dma_start3A_293, %dma_start3A_294] : memref<2x1000x32xf32, #tpu.memory_space<vmem>> -> memref<1x1000x32xf32, #tpu.memory_space<vmem>>
    %dma_start3A_296 = tpu.memref_squeeze %dma_start3A_295 : memref<1x1000x32xf32, #tpu.memory_space<vmem>> -> memref<1000x32xf32, #tpu.memory_space<vmem>>
    %dma_start3A_297 = arith.constant 0 : i32
    %dma_start3A_298 = tpu.memref_slice %arg5[%dma_start3A_291, %dma_start3A_297] : memref<2x1000xi32, #tpu.memory_space<vmem>> -> memref<1x1000xi32, #tpu.memory_space<vmem>>
    %dma_start3A_299 = tpu.memref_squeeze %dma_start3A_298 : memref<1x1000xi32, #tpu.memory_space<vmem>> -> memref<1000xi32, #tpu.memory_space<vmem>>
    %dma_start3A_300 = arith.constant 0 : i32
    %dma_start3A_301 = arith.constant 0 : i32
    %dma_start3A_302 = tpu.memref_slice %arg2[%dma_start3A_300, %dma_start3A_301] : memref<20000x32xf32, #tpu.memory_space<hbm>> -> memref<20000x32xf32, #tpu.memory_space<hbm>>
    tpu.enqueue_indirect_dma source(%dma_start3A_302 : memref<20000x32xf32, #tpu.memory_space<hbm>>) target(%dma_start3A_296 : memref<1000x32xf32, #tpu.memory_space<vmem>>) offsets(%dma_start3A_299 : memref<1000xi32, #tpu.memory_space<vmem>>) semaphore(%arg7 : memref<!tpu.dma_semaphore, #tpu.memory_space<semaphore_mem>>)
    %dma_wait3A_303 = arith.constant 1 : i32
    %dma_wait3A_304 = arith.constant 1 : i32
    %dma_wait3A_305 = arith.constant 0 : i32
    %dma_wait3A_306 = arith.constant 0 : i32
    %dma_wait3A_307 = tpu.memref_slice %arg6[%dma_wait3A_304, %dma_wait3A_305, %dma_wait3A_306] : memref<2x1000x32xf32, #tpu.memory_space<vmem>> -> memref<1x1000x32xf32, #tpu.memory_space<vmem>>
    %dma_wait3A_308 = tpu.memref_squeeze %dma_wait3A_307 : memref<1x1000x32xf32, #tpu.memory_space<vmem>> -> memref<1000x32xf32, #tpu.memory_space<vmem>>
    %dma_wait3A_309 = arith.constant 0 : i32
    %dma_wait3A_310 = tpu.memref_slice %arg5[%dma_wait3A_303, %dma_wait3A_309] : memref<2x1000xi32, #tpu.memory_space<vmem>> -> memref<1x1000xi32, #tpu.memory_space<vmem>>
    %dma_wait3A_311 = tpu.memref_squeeze %dma_wait3A_310 : memref<1x1000xi32, #tpu.memory_space<vmem>> -> memref<1000xi32, #tpu.memory_space<vmem>>
    %dma_wait3A_312 = arith.constant 0 : i32
    %dma_wait3A_313 = arith.constant 0 : i32
    %dma_wait3A_314 = tpu.memref_slice %arg2[%dma_wait3A_312, %dma_wait3A_313] : memref<20000x32xf32, #tpu.memory_space<hbm>> -> memref<20000x32xf32, #tpu.memory_space<hbm>>
    tpu.wait_indirect_dma semaphore(%arg7 : memref<!tpu.dma_semaphore, #tpu.memory_space<semaphore_mem>>) src(%dma_wait3A_314 : memref<20000x32xf32, #tpu.memory_space<hbm>>) dst(%dma_wait3A_308 : memref<1000x32xf32, #tpu.memory_space<vmem>>)
    %add3A_315 = arith.constant 5000 : i32
    %add3A_316 = arith.addi %mul3A_2, %add3A_315 : i32
    %dma_start3A_317 = arith.constant 1 : i32
    %dma_start3A_318 = arith.constant 0 : i32
    %dma_start3A_319 = arith.constant 0 : i32
    %dma_start3A_320 = tpu.memref_slice %arg6[%dma_start3A_317, %dma_start3A_318, %dma_start3A_319] : memref<2x1000x32xf32, #tpu.memory_space<vmem>> -> memref<1x1000x32xf32, #tpu.memory_space<vmem>>
    %dma_start3A_321 = tpu.memref_squeeze %dma_start3A_320 : memref<1x1000x32xf32, #tpu.memory_space<vmem>> -> memref<1000x32xf32, #tpu.memory_space<vmem>>
    %dma_start3A_322 = arith.constant 0 : i32
    %dma_start3A_323 = tpu.memref_slice %arg4[%add3A_316, %dma_start3A_322] : memref<320000x32xf32, #tpu.memory_space<hbm>> -> memref<1000x32xf32, #tpu.memory_space<hbm>>
    %dma_start3A_324 = arith.constant 0 : i32
    %dma_start3A_325 = tpu.memref_slice %arg4[%add3A_316, %dma_start3A_324] : memref<320000x32xf32, #tpu.memory_space<hbm>> -> memref<1000x32xf32, #tpu.memory_space<hbm>>
    %dma_start3A_326 = arith.constant 0 : i32
    %dma_start3A_327 = arith.constant 0 : i32
    %dma_start3A_328 = tpu.memref_slice %arg6[%dma_start3A_317, %dma_start3A_326, %dma_start3A_327] : memref<2x1000x32xf32, #tpu.memory_space<vmem>> -> memref<1x1000x32xf32, #tpu.memory_space<vmem>>
    %dma_start3A_329 = tpu.memref_squeeze %dma_start3A_328 : memref<1x1000x32xf32, #tpu.memory_space<vmem>> -> memref<1000x32xf32, #tpu.memory_space<vmem>>
    tpu.enqueue_dma source(%dma_start3A_329 : memref<1000x32xf32, #tpu.memory_space<vmem>>) target(%dma_start3A_325 : memref<1000x32xf32, #tpu.memory_space<hbm>>) target_semaphore(%arg8 : memref<!tpu.dma_semaphore, #tpu.memory_space<semaphore_mem>>)
    %add3A_330 = arith.constant 7000 : i32
    %add3A_331 = arith.addi %mul3A_2, %add3A_330 : i32
    %run_scoped3A_332 = arith.constant 1 : i32
    "tpu.region"() ({
      %run_scoped3A_548 = tpu.sem_alloc : memref<!tpu.dma_semaphore, #tpu.memory_space<semaphore_mem>>
      %dma_start3A_549 = arith.constant 0 : i32
      %dma_start3A_550 = tpu.memref_slice %arg5[%run_scoped3A_332, %dma_start3A_549] : memref<2x1000xi32, #tpu.memory_space<vmem>> -> memref<1x1000xi32, #tpu.memory_space<vmem>>
      %dma_start3A_551 = tpu.memref_squeeze %dma_start3A_550 : memref<1x1000xi32, #tpu.memory_space<vmem>> -> memref<1000xi32, #tpu.memory_space<vmem>>
      %dma_start3A_552 = tpu.memref_slice %arg3[%add3A_331] : memref<320000xi32, #tpu.memory_space<hbm>> -> memref<1000xi32, #tpu.memory_space<hbm>>
      %dma_start3A_553 = arith.constant 0 : i32
      %dma_start3A_554 = tpu.memref_slice %arg5[%run_scoped3A_332, %dma_start3A_553] : memref<2x1000xi32, #tpu.memory_space<vmem>> -> memref<1x1000xi32, #tpu.memory_space<vmem>>
      %dma_start3A_555 = tpu.memref_squeeze %dma_start3A_554 : memref<1x1000xi32, #tpu.memory_space<vmem>> -> memref<1000xi32, #tpu.memory_space<vmem>>
      %dma_start3A_556 = tpu.memref_slice %arg3[%add3A_331] : memref<320000xi32, #tpu.memory_space<hbm>> -> memref<1000xi32, #tpu.memory_space<hbm>>
      tpu.enqueue_dma source(%dma_start3A_556 : memref<1000xi32, #tpu.memory_space<hbm>>) target(%dma_start3A_555 : memref<1000xi32, #tpu.memory_space<vmem>>) target_semaphore(%run_scoped3A_548 : memref<!tpu.dma_semaphore, #tpu.memory_space<semaphore_mem>>)
      %dma_wait3A_557 = arith.constant 0 : i32
      %dma_wait3A_558 = tpu.memref_slice %arg5[%run_scoped3A_332, %dma_wait3A_557] : memref<2x1000xi32, #tpu.memory_space<vmem>> -> memref<1x1000xi32, #tpu.memory_space<vmem>>
      %dma_wait3A_559 = tpu.memref_squeeze %dma_wait3A_558 : memref<1x1000xi32, #tpu.memory_space<vmem>> -> memref<1000xi32, #tpu.memory_space<vmem>>
      %dma_wait3A_560 = tpu.memref_slice %arg3[%add3A_331] : memref<320000xi32, #tpu.memory_space<hbm>> -> memref<1000xi32, #tpu.memory_space<hbm>>
      %dma_wait3A_561 = arith.constant 0 : i32
      %dma_wait3A_562 = tpu.memref_slice %arg5[%run_scoped3A_332, %dma_wait3A_561] : memref<2x1000xi32, #tpu.memory_space<vmem>> -> memref<1x1000xi32, #tpu.memory_space<vmem>>
      %dma_wait3A_563 = tpu.memref_squeeze %dma_wait3A_562 : memref<1x1000xi32, #tpu.memory_space<vmem>> -> memref<1000xi32, #tpu.memory_space<vmem>>
      %dma_wait3A_564 = tpu.memref_slice %arg3[%add3A_331] : memref<320000xi32, #tpu.memory_space<hbm>> -> memref<1000xi32, #tpu.memory_space<hbm>>
      tpu.wait_dma2 semaphore(%run_scoped3A_548 : memref<!tpu.dma_semaphore, #tpu.memory_space<semaphore_mem>>) src(%dma_wait3A_564 : memref<1000xi32, #tpu.memory_space<hbm>>) dst(%dma_wait3A_563 : memref<1000xi32, #tpu.memory_space<vmem>>)
      tpu.yield
    }) : () -> ()
    %dma_wait3A_333 = arith.constant 1 : i32
    %dma_wait3A_334 = arith.constant 0 : i32
    %dma_wait3A_335 = arith.constant 0 : i32
    %dma_wait3A_336 = tpu.memref_slice %arg6[%dma_wait3A_333, %dma_wait3A_334, %dma_wait3A_335] : memref<2x1000x32xf32, #tpu.memory_space<vmem>> -> memref<1x1000x32xf32, #tpu.memory_space<vmem>>
    %dma_wait3A_337 = tpu.memref_squeeze %dma_wait3A_336 : memref<1x1000x32xf32, #tpu.memory_space<vmem>> -> memref<1000x32xf32, #tpu.memory_space<vmem>>
    %dma_wait3A_338 = arith.constant 0 : i32
    %dma_wait3A_339 = tpu.memref_slice %arg4[%add3A_316, %dma_wait3A_338] : memref<320000x32xf32, #tpu.memory_space<hbm>> -> memref<1000x32xf32, #tpu.memory_space<hbm>>
    %dma_wait3A_340 = arith.constant 0 : i32
    %dma_wait3A_341 = tpu.memref_slice %arg4[%add3A_316, %dma_wait3A_340] : memref<320000x32xf32, #tpu.memory_space<hbm>> -> memref<1000x32xf32, #tpu.memory_space<hbm>>
    %dma_wait3A_342 = arith.constant 0 : i32
    %dma_wait3A_343 = arith.constant 0 : i32
    %dma_wait3A_344 = tpu.memref_slice %arg6[%dma_wait3A_333, %dma_wait3A_342, %dma_wait3A_343] : memref<2x1000x32xf32, #tpu.memory_space<vmem>> -> memref<1x1000x32xf32, #tpu.memory_space<vmem>>
    %dma_wait3A_345 = tpu.memref_squeeze %dma_wait3A_344 : memref<1x1000x32xf32, #tpu.memory_space<vmem>> -> memref<1000x32xf32, #tpu.memory_space<vmem>>
    tpu.wait_dma2 semaphore(%arg8 : memref<!tpu.dma_semaphore, #tpu.memory_space<semaphore_mem>>) src(%dma_wait3A_345 : memref<1000x32xf32, #tpu.memory_space<vmem>>) dst(%dma_wait3A_341 : memref<1000x32xf32, #tpu.memory_space<hbm>>)
    %dma_start3A_346 = arith.constant 1 : i32
    %dma_start3A_347 = arith.constant 1 : i32
    %dma_start3A_348 = arith.constant 0 : i32
    %dma_start3A_349 = arith.constant 0 : i32
    %dma_start3A_350 = tpu.memref_slice %arg6[%dma_start3A_347, %dma_start3A_348, %dma_start3A_349] : memref<2x1000x32xf32, #tpu.memory_space<vmem>> -> memref<1x1000x32xf32, #tpu.memory_space<vmem>>
    %dma_start3A_351 = tpu.memref_squeeze %dma_start3A_350 : memref<1x1000x32xf32, #tpu.memory_space<vmem>> -> memref<1000x32xf32, #tpu.memory_space<vmem>>
    %dma_start3A_352 = arith.constant 0 : i32
    %dma_start3A_353 = tpu.memref_slice %arg5[%dma_start3A_346, %dma_start3A_352] : memref<2x1000xi32, #tpu.memory_space<vmem>> -> memref<1x1000xi32, #tpu.memory_space<vmem>>
    %dma_start3A_354 = tpu.memref_squeeze %dma_start3A_353 : memref<1x1000xi32, #tpu.memory_space<vmem>> -> memref<1000xi32, #tpu.memory_space<vmem>>
    %dma_start3A_355 = arith.constant 0 : i32
    %dma_start3A_356 = arith.constant 0 : i32
    %dma_start3A_357 = tpu.memref_slice %arg2[%dma_start3A_355, %dma_start3A_356] : memref<20000x32xf32, #tpu.memory_space<hbm>> -> memref<20000x32xf32, #tpu.memory_space<hbm>>
    tpu.enqueue_indirect_dma source(%dma_start3A_357 : memref<20000x32xf32, #tpu.memory_space<hbm>>) target(%dma_start3A_351 : memref<1000x32xf32, #tpu.memory_space<vmem>>) offsets(%dma_start3A_354 : memref<1000xi32, #tpu.memory_space<vmem>>) semaphore(%arg7 : memref<!tpu.dma_semaphore, #tpu.memory_space<semaphore_mem>>)
    %dma_wait3A_358 = arith.constant 0 : i32
    %dma_wait3A_359 = arith.constant 0 : i32
    %dma_wait3A_360 = arith.constant 0 : i32
    %dma_wait3A_361 = arith.constant 0 : i32
    %dma_wait3A_362 = tpu.memref_slice %arg6[%dma_wait3A_359, %dma_wait3A_360, %dma_wait3A_361] : memref<2x1000x32xf32, #tpu.memory_space<vmem>> -> memref<1x1000x32xf32, #tpu.memory_space<vmem>>
    %dma_wait3A_363 = tpu.memref_squeeze %dma_wait3A_362 : memref<1x1000x32xf32, #tpu.memory_space<vmem>> -> memref<1000x32xf32, #tpu.memory_space<vmem>>
    %dma_wait3A_364 = arith.constant 0 : i32
    %dma_wait3A_365 = tpu.memref_slice %arg5[%dma_wait3A_358, %dma_wait3A_364] : memref<2x1000xi32, #tpu.memory_space<vmem>> -> memref<1x1000xi32, #tpu.memory_space<vmem>>
    %dma_wait3A_366 = tpu.memref_squeeze %dma_wait3A_365 : memref<1x1000xi32, #tpu.memory_space<vmem>> -> memref<1000xi32, #tpu.memory_space<vmem>>
    %dma_wait3A_367 = arith.constant 0 : i32
    %dma_wait3A_368 = arith.constant 0 : i32
    %dma_wait3A_369 = tpu.memref_slice %arg2[%dma_wait3A_367, %dma_wait3A_368] : memref<20000x32xf32, #tpu.memory_space<hbm>> -> memref<20000x32xf32, #tpu.memory_space<hbm>>
    tpu.wait_indirect_dma semaphore(%arg7 : memref<!tpu.dma_semaphore, #tpu.memory_space<semaphore_mem>>) src(%dma_wait3A_369 : memref<20000x32xf32, #tpu.memory_space<hbm>>) dst(%dma_wait3A_363 : memref<1000x32xf32, #tpu.memory_space<vmem>>)
    %add3A_370 = arith.constant 6000 : i32
    %add3A_371 = arith.addi %mul3A_2, %add3A_370 : i32
    %dma_start3A_372 = arith.constant 0 : i32
    %dma_start3A_373 = arith.constant 0 : i32
    %dma_start3A_374 = arith.constant 0 : i32
    %dma_start3A_375 = tpu.memref_slice %arg6[%dma_start3A_372, %dma_start3A_373, %dma_start3A_374] : memref<2x1000x32xf32, #tpu.memory_space<vmem>> -> memref<1x1000x32xf32, #tpu.memory_space<vmem>>
    %dma_start3A_376 = tpu.memref_squeeze %dma_start3A_375 : memref<1x1000x32xf32, #tpu.memory_space<vmem>> -> memref<1000x32xf32, #tpu.memory_space<vmem>>
    %dma_start3A_377 = arith.constant 0 : i32
    %dma_start3A_378 = tpu.memref_slice %arg4[%add3A_371, %dma_start3A_377] : memref<320000x32xf32, #tpu.memory_space<hbm>> -> memref<1000x32xf32, #tpu.memory_space<hbm>>
    %dma_start3A_379 = arith.constant 0 : i32
    %dma_start3A_380 = tpu.memref_slice %arg4[%add3A_371, %dma_start3A_379] : memref<320000x32xf32, #tpu.memory_space<hbm>> -> memref<1000x32xf32, #tpu.memory_space<hbm>>
    %dma_start3A_381 = arith.constant 0 : i32
    %dma_start3A_382 = arith.constant 0 : i32
    %dma_start3A_383 = tpu.memref_slice %arg6[%dma_start3A_372, %dma_start3A_381, %dma_start3A_382] : memref<2x1000x32xf32, #tpu.memory_space<vmem>> -> memref<1x1000x32xf32, #tpu.memory_space<vmem>>
    %dma_start3A_384 = tpu.memref_squeeze %dma_start3A_383 : memref<1x1000x32xf32, #tpu.memory_space<vmem>> -> memref<1000x32xf32, #tpu.memory_space<vmem>>
    tpu.enqueue_dma source(%dma_start3A_384 : memref<1000x32xf32, #tpu.memory_space<vmem>>) target(%dma_start3A_380 : memref<1000x32xf32, #tpu.memory_space<hbm>>) target_semaphore(%arg8 : memref<!tpu.dma_semaphore, #tpu.memory_space<semaphore_mem>>)
    %add3A_385 = arith.constant 8000 : i32
    %add3A_386 = arith.addi %mul3A_2, %add3A_385 : i32
    %run_scoped3A_387 = arith.constant 0 : i32
    "tpu.region"() ({
      %run_scoped3A_548 = tpu.sem_alloc : memref<!tpu.dma_semaphore, #tpu.memory_space<semaphore_mem>>
      %dma_start3A_549 = arith.constant 0 : i32
      %dma_start3A_550 = tpu.memref_slice %arg5[%run_scoped3A_387, %dma_start3A_549] : memref<2x1000xi32, #tpu.memory_space<vmem>> -> memref<1x1000xi32, #tpu.memory_space<vmem>>
      %dma_start3A_551 = tpu.memref_squeeze %dma_start3A_550 : memref<1x1000xi32, #tpu.memory_space<vmem>> -> memref<1000xi32, #tpu.memory_space<vmem>>
      %dma_start3A_552 = tpu.memref_slice %arg3[%add3A_386] : memref<320000xi32, #tpu.memory_space<hbm>> -> memref<1000xi32, #tpu.memory_space<hbm>>
      %dma_start3A_553 = arith.constant 0 : i32
      %dma_start3A_554 = tpu.memref_slice %arg5[%run_scoped3A_387, %dma_start3A_553] : memref<2x1000xi32, #tpu.memory_space<vmem>> -> memref<1x1000xi32, #tpu.memory_space<vmem>>
      %dma_start3A_555 = tpu.memref_squeeze %dma_start3A_554 : memref<1x1000xi32, #tpu.memory_space<vmem>> -> memref<1000xi32, #tpu.memory_space<vmem>>
      %dma_start3A_556 = tpu.memref_slice %arg3[%add3A_386] : memref<320000xi32, #tpu.memory_space<hbm>> -> memref<1000xi32, #tpu.memory_space<hbm>>
      tpu.enqueue_dma source(%dma_start3A_556 : memref<1000xi32, #tpu.memory_space<hbm>>) target(%dma_start3A_555 : memref<1000xi32, #tpu.memory_space<vmem>>) target_semaphore(%run_scoped3A_548 : memref<!tpu.dma_semaphore, #tpu.memory_space<semaphore_mem>>)
      %dma_wait3A_557 = arith.constant 0 : i32
      %dma_wait3A_558 = tpu.memref_slice %arg5[%run_scoped3A_387, %dma_wait3A_557] : memref<2x1000xi32, #tpu.memory_space<vmem>> -> memref<1x1000xi32, #tpu.memory_space<vmem>>
      %dma_wait3A_559 = tpu.memref_squeeze %dma_wait3A_558 : memref<1x1000xi32, #tpu.memory_space<vmem>> -> memref<1000xi32, #tpu.memory_space<vmem>>
      %dma_wait3A_560 = tpu.memref_slice %arg3[%add3A_386] : memref<320000xi32, #tpu.memory_space<hbm>> -> memref<1000xi32, #tpu.memory_space<hbm>>
      %dma_wait3A_561 = arith.constant 0 : i32
      %dma_wait3A_562 = tpu.memref_slice %arg5[%run_scoped3A_387, %dma_wait3A_561] : memref<2x1000xi32, #tpu.memory_space<vmem>> -> memref<1x1000xi32, #tpu.memory_space<vmem>>
      %dma_wait3A_563 = tpu.memref_squeeze %dma_wait3A_562 : memref<1x1000xi32, #tpu.memory_space<vmem>> -> memref<1000xi32, #tpu.memory_space<vmem>>
      %dma_wait3A_564 = tpu.memref_slice %arg3[%add3A_386] : memref<320000xi32, #tpu.memory_space<hbm>> -> memref<1000xi32, #tpu.memory_space<hbm>>
      tpu.wait_dma2 semaphore(%run_scoped3A_548 : memref<!tpu.dma_semaphore, #tpu.memory_space<semaphore_mem>>) src(%dma_wait3A_564 : memref<1000xi32, #tpu.memory_space<hbm>>) dst(%dma_wait3A_563 : memref<1000xi32, #tpu.memory_space<vmem>>)
      tpu.yield
    }) : () -> ()
    %dma_wait3A_388 = arith.constant 0 : i32
    %dma_wait3A_389 = arith.constant 0 : i32
    %dma_wait3A_390 = arith.constant 0 : i32
    %dma_wait3A_391 = tpu.memref_slice %arg6[%dma_wait3A_388, %dma_wait3A_389, %dma_wait3A_390] : memref<2x1000x32xf32, #tpu.memory_space<vmem>> -> memref<1x1000x32xf32, #tpu.memory_space<vmem>>
    %dma_wait3A_392 = tpu.memref_squeeze %dma_wait3A_391 : memref<1x1000x32xf32, #tpu.memory_space<vmem>> -> memref<1000x32xf32, #tpu.memory_space<vmem>>
    %dma_wait3A_393 = arith.constant 0 : i32
    %dma_wait3A_394 = tpu.memref_slice %arg4[%add3A_371, %dma_wait3A_393] : memref<320000x32xf32, #tpu.memory_space<hbm>> -> memref<1000x32xf32, #tpu.memory_space<hbm>>
    %dma_wait3A_395 = arith.constant 0 : i32
    %dma_wait3A_396 = tpu.memref_slice %arg4[%add3A_371, %dma_wait3A_395] : memref<320000x32xf32, #tpu.memory_space<hbm>> -> memref<1000x32xf32, #tpu.memory_space<hbm>>
    %dma_wait3A_397 = arith.constant 0 : i32
    %dma_wait3A_398 = arith.constant 0 : i32
    %dma_wait3A_399 = tpu.memref_slice %arg6[%dma_wait3A_388, %dma_wait3A_397, %dma_wait3A_398] : memref<2x1000x32xf32, #tpu.memory_space<vmem>> -> memref<1x1000x32xf32, #tpu.memory_space<vmem>>
    %dma_wait3A_400 = tpu.memref_squeeze %dma_wait3A_399 : memref<1x1000x32xf32, #tpu.memory_space<vmem>> -> memref<1000x32xf32, #tpu.memory_space<vmem>>
    tpu.wait_dma2 semaphore(%arg8 : memref<!tpu.dma_semaphore, #tpu.memory_space<semaphore_mem>>) src(%dma_wait3A_400 : memref<1000x32xf32, #tpu.memory_space<vmem>>) dst(%dma_wait3A_396 : memref<1000x32xf32, #tpu.memory_space<hbm>>)
    %dma_start3A_401 = arith.constant 0 : i32
    %dma_start3A_402 = arith.constant 0 : i32
    %dma_start3A_403 = arith.constant 0 : i32
    %dma_start3A_404 = arith.constant 0 : i32
    %dma_start3A_405 = tpu.memref_slice %arg6[%dma_start3A_402, %dma_start3A_403, %dma_start3A_404] : memref<2x1000x32xf32, #tpu.memory_space<vmem>> -> memref<1x1000x32xf32, #tpu.memory_space<vmem>>
    %dma_start3A_406 = tpu.memref_squeeze %dma_start3A_405 : memref<1x1000x32xf32, #tpu.memory_space<vmem>> -> memref<1000x32xf32, #tpu.memory_space<vmem>>
    %dma_start3A_407 = arith.constant 0 : i32
    %dma_start3A_408 = tpu.memref_slice %arg5[%dma_start3A_401, %dma_start3A_407] : memref<2x1000xi32, #tpu.memory_space<vmem>> -> memref<1x1000xi32, #tpu.memory_space<vmem>>
    %dma_start3A_409 = tpu.memref_squeeze %dma_start3A_408 : memref<1x1000xi32, #tpu.memory_space<vmem>> -> memref<1000xi32, #tpu.memory_space<vmem>>
    %dma_start3A_410 = arith.constant 0 : i32
    %dma_start3A_411 = arith.constant 0 : i32
    %dma_start3A_412 = tpu.memref_slice %arg2[%dma_start3A_410, %dma_start3A_411] : memref<20000x32xf32, #tpu.memory_space<hbm>> -> memref<20000x32xf32, #tpu.memory_space<hbm>>
    tpu.enqueue_indirect_dma source(%dma_start3A_412 : memref<20000x32xf32, #tpu.memory_space<hbm>>) target(%dma_start3A_406 : memref<1000x32xf32, #tpu.memory_space<vmem>>) offsets(%dma_start3A_409 : memref<1000xi32, #tpu.memory_space<vmem>>) semaphore(%arg7 : memref<!tpu.dma_semaphore, #tpu.memory_space<semaphore_mem>>)
    %dma_wait3A_413 = arith.constant 1 : i32
    %dma_wait3A_414 = arith.constant 1 : i32
    %dma_wait3A_415 = arith.constant 0 : i32
    %dma_wait3A_416 = arith.constant 0 : i32
    %dma_wait3A_417 = tpu.memref_slice %arg6[%dma_wait3A_414, %dma_wait3A_415, %dma_wait3A_416] : memref<2x1000x32xf32, #tpu.memory_space<vmem>> -> memref<1x1000x32xf32, #tpu.memory_space<vmem>>
    %dma_wait3A_418 = tpu.memref_squeeze %dma_wait3A_417 : memref<1x1000x32xf32, #tpu.memory_space<vmem>> -> memref<1000x32xf32, #tpu.memory_space<vmem>>
    %dma_wait3A_419 = arith.constant 0 : i32
    %dma_wait3A_420 = tpu.memref_slice %arg5[%dma_wait3A_413, %dma_wait3A_419] : memref<2x1000xi32, #tpu.memory_space<vmem>> -> memref<1x1000xi32, #tpu.memory_space<vmem>>
    %dma_wait3A_421 = tpu.memref_squeeze %dma_wait3A_420 : memref<1x1000xi32, #tpu.memory_space<vmem>> -> memref<1000xi32, #tpu.memory_space<vmem>>
    %dma_wait3A_422 = arith.constant 0 : i32
    %dma_wait3A_423 = arith.constant 0 : i32
    %dma_wait3A_424 = tpu.memref_slice %arg2[%dma_wait3A_422, %dma_wait3A_423] : memref<20000x32xf32, #tpu.memory_space<hbm>> -> memref<20000x32xf32, #tpu.memory_space<hbm>>
    tpu.wait_indirect_dma semaphore(%arg7 : memref<!tpu.dma_semaphore, #tpu.memory_space<semaphore_mem>>) src(%dma_wait3A_424 : memref<20000x32xf32, #tpu.memory_space<hbm>>) dst(%dma_wait3A_418 : memref<1000x32xf32, #tpu.memory_space<vmem>>)
    %add3A_425 = arith.constant 7000 : i32
    %add3A_426 = arith.addi %mul3A_2, %add3A_425 : i32
    %dma_start3A_427 = arith.constant 1 : i32
    %dma_start3A_428 = arith.constant 0 : i32
    %dma_start3A_429 = arith.constant 0 : i32
    %dma_start3A_430 = tpu.memref_slice %arg6[%dma_start3A_427, %dma_start3A_428, %dma_start3A_429] : memref<2x1000x32xf32, #tpu.memory_space<vmem>> -> memref<1x1000x32xf32, #tpu.memory_space<vmem>>
    %dma_start3A_431 = tpu.memref_squeeze %dma_start3A_430 : memref<1x1000x32xf32, #tpu.memory_space<vmem>> -> memref<1000x32xf32, #tpu.memory_space<vmem>>
    %dma_start3A_432 = arith.constant 0 : i32
    %dma_start3A_433 = tpu.memref_slice %arg4[%add3A_426, %dma_start3A_432] : memref<320000x32xf32, #tpu.memory_space<hbm>> -> memref<1000x32xf32, #tpu.memory_space<hbm>>
    %dma_start3A_434 = arith.constant 0 : i32
    %dma_start3A_435 = tpu.memref_slice %arg4[%add3A_426, %dma_start3A_434] : memref<320000x32xf32, #tpu.memory_space<hbm>> -> memref<1000x32xf32, #tpu.memory_space<hbm>>
    %dma_start3A_436 = arith.constant 0 : i32
    %dma_start3A_437 = arith.constant 0 : i32
    %dma_start3A_438 = tpu.memref_slice %arg6[%dma_start3A_427, %dma_start3A_436, %dma_start3A_437] : memref<2x1000x32xf32, #tpu.memory_space<vmem>> -> memref<1x1000x32xf32, #tpu.memory_space<vmem>>
    %dma_start3A_439 = tpu.memref_squeeze %dma_start3A_438 : memref<1x1000x32xf32, #tpu.memory_space<vmem>> -> memref<1000x32xf32, #tpu.memory_space<vmem>>
    tpu.enqueue_dma source(%dma_start3A_439 : memref<1000x32xf32, #tpu.memory_space<vmem>>) target(%dma_start3A_435 : memref<1000x32xf32, #tpu.memory_space<hbm>>) target_semaphore(%arg8 : memref<!tpu.dma_semaphore, #tpu.memory_space<semaphore_mem>>)
    %add3A_440 = arith.constant 9000 : i32
    %add3A_441 = arith.addi %mul3A_2, %add3A_440 : i32
    %run_scoped3A_442 = arith.constant 1 : i32
    "tpu.region"() ({
      %run_scoped3A_548 = tpu.sem_alloc : memref<!tpu.dma_semaphore, #tpu.memory_space<semaphore_mem>>
      %dma_start3A_549 = arith.constant 0 : i32
      %dma_start3A_550 = tpu.memref_slice %arg5[%run_scoped3A_442, %dma_start3A_549] : memref<2x1000xi32, #tpu.memory_space<vmem>> -> memref<1x1000xi32, #tpu.memory_space<vmem>>
      %dma_start3A_551 = tpu.memref_squeeze %dma_start3A_550 : memref<1x1000xi32, #tpu.memory_space<vmem>> -> memref<1000xi32, #tpu.memory_space<vmem>>
      %dma_start3A_552 = tpu.memref_slice %arg3[%add3A_441] : memref<320000xi32, #tpu.memory_space<hbm>> -> memref<1000xi32, #tpu.memory_space<hbm>>
      %dma_start3A_553 = arith.constant 0 : i32
      %dma_start3A_554 = tpu.memref_slice %arg5[%run_scoped3A_442, %dma_start3A_553] : memref<2x1000xi32, #tpu.memory_space<vmem>> -> memref<1x1000xi32, #tpu.memory_space<vmem>>
      %dma_start3A_555 = tpu.memref_squeeze %dma_start3A_554 : memref<1x1000xi32, #tpu.memory_space<vmem>> -> memref<1000xi32, #tpu.memory_space<vmem>>
      %dma_start3A_556 = tpu.memref_slice %arg3[%add3A_441] : memref<320000xi32, #tpu.memory_space<hbm>> -> memref<1000xi32, #tpu.memory_space<hbm>>
      tpu.enqueue_dma source(%dma_start3A_556 : memref<1000xi32, #tpu.memory_space<hbm>>) target(%dma_start3A_555 : memref<1000xi32, #tpu.memory_space<vmem>>) target_semaphore(%run_scoped3A_548 : memref<!tpu.dma_semaphore, #tpu.memory_space<semaphore_mem>>)
      %dma_wait3A_557 = arith.constant 0 : i32
      %dma_wait3A_558 = tpu.memref_slice %arg5[%run_scoped3A_442, %dma_wait3A_557] : memref<2x1000xi32, #tpu.memory_space<vmem>> -> memref<1x1000xi32, #tpu.memory_space<vmem>>
      %dma_wait3A_559 = tpu.memref_squeeze %dma_wait3A_558 : memref<1x1000xi32, #tpu.memory_space<vmem>> -> memref<1000xi32, #tpu.memory_space<vmem>>
      %dma_wait3A_560 = tpu.memref_slice %arg3[%add3A_441] : memref<320000xi32, #tpu.memory_space<hbm>> -> memref<1000xi32, #tpu.memory_space<hbm>>
      %dma_wait3A_561 = arith.constant 0 : i32
      %dma_wait3A_562 = tpu.memref_slice %arg5[%run_scoped3A_442, %dma_wait3A_561] : memref<2x1000xi32, #tpu.memory_space<vmem>> -> memref<1x1000xi32, #tpu.memory_space<vmem>>
      %dma_wait3A_563 = tpu.memref_squeeze %dma_wait3A_562 : memref<1x1000xi32, #tpu.memory_space<vmem>> -> memref<1000xi32, #tpu.memory_space<vmem>>
      %dma_wait3A_564 = tpu.memref_slice %arg3[%add3A_441] : memref<320000xi32, #tpu.memory_space<hbm>> -> memref<1000xi32, #tpu.memory_space<hbm>>
      tpu.wait_dma2 semaphore(%run_scoped3A_548 : memref<!tpu.dma_semaphore, #tpu.memory_space<semaphore_mem>>) src(%dma_wait3A_564 : memref<1000xi32, #tpu.memory_space<hbm>>) dst(%dma_wait3A_563 : memref<1000xi32, #tpu.memory_space<vmem>>)
      tpu.yield
    }) : () -> ()
    %dma_wait3A_443 = arith.constant 1 : i32
    %dma_wait3A_444 = arith.constant 0 : i32
    %dma_wait3A_445 = arith.constant 0 : i32
    %dma_wait3A_446 = tpu.memref_slice %arg6[%dma_wait3A_443, %dma_wait3A_444, %dma_wait3A_445] : memref<2x1000x32xf32, #tpu.memory_space<vmem>> -> memref<1x1000x32xf32, #tpu.memory_space<vmem>>
    %dma_wait3A_447 = tpu.memref_squeeze %dma_wait3A_446 : memref<1x1000x32xf32, #tpu.memory_space<vmem>> -> memref<1000x32xf32, #tpu.memory_space<vmem>>
    %dma_wait3A_448 = arith.constant 0 : i32
    %dma_wait3A_449 = tpu.memref_slice %arg4[%add3A_426, %dma_wait3A_448] : memref<320000x32xf32, #tpu.memory_space<hbm>> -> memref<1000x32xf32, #tpu.memory_space<hbm>>
    %dma_wait3A_450 = arith.constant 0 : i32
    %dma_wait3A_451 = tpu.memref_slice %arg4[%add3A_426, %dma_wait3A_450] : memref<320000x32xf32, #tpu.memory_space<hbm>> -> memref<1000x32xf32, #tpu.memory_space<hbm>>
    %dma_wait3A_452 = arith.constant 0 : i32
    %dma_wait3A_453 = arith.constant 0 : i32
    %dma_wait3A_454 = tpu.memref_slice %arg6[%dma_wait3A_443, %dma_wait3A_452, %dma_wait3A_453] : memref<2x1000x32xf32, #tpu.memory_space<vmem>> -> memref<1x1000x32xf32, #tpu.memory_space<vmem>>
    %dma_wait3A_455 = tpu.memref_squeeze %dma_wait3A_454 : memref<1x1000x32xf32, #tpu.memory_space<vmem>> -> memref<1000x32xf32, #tpu.memory_space<vmem>>
    tpu.wait_dma2 semaphore(%arg8 : memref<!tpu.dma_semaphore, #tpu.memory_space<semaphore_mem>>) src(%dma_wait3A_455 : memref<1000x32xf32, #tpu.memory_space<vmem>>) dst(%dma_wait3A_451 : memref<1000x32xf32, #tpu.memory_space<hbm>>)
    %dma_start3A_456 = arith.constant 1 : i32
    %dma_start3A_457 = arith.constant 1 : i32
    %dma_start3A_458 = arith.constant 0 : i32
    %dma_start3A_459 = arith.constant 0 : i32
    %dma_start3A_460 = tpu.memref_slice %arg6[%dma_start3A_457, %dma_start3A_458, %dma_start3A_459] : memref<2x1000x32xf32, #tpu.memory_space<vmem>> -> memref<1x1000x32xf32, #tpu.memory_space<vmem>>
    %dma_start3A_461 = tpu.memref_squeeze %dma_start3A_460 : memref<1x1000x32xf32, #tpu.memory_space<vmem>> -> memref<1000x32xf32, #tpu.memory_space<vmem>>
    %dma_start3A_462 = arith.constant 0 : i32
    %dma_start3A_463 = tpu.memref_slice %arg5[%dma_start3A_456, %dma_start3A_462] : memref<2x1000xi32, #tpu.memory_space<vmem>> -> memref<1x1000xi32, #tpu.memory_space<vmem>>
    %dma_start3A_464 = tpu.memref_squeeze %dma_start3A_463 : memref<1x1000xi32, #tpu.memory_space<vmem>> -> memref<1000xi32, #tpu.memory_space<vmem>>
    %dma_start3A_465 = arith.constant 0 : i32
    %dma_start3A_466 = arith.constant 0 : i32
    %dma_start3A_467 = tpu.memref_slice %arg2[%dma_start3A_465, %dma_start3A_466] : memref<20000x32xf32, #tpu.memory_space<hbm>> -> memref<20000x32xf32, #tpu.memory_space<hbm>>
    tpu.enqueue_indirect_dma source(%dma_start3A_467 : memref<20000x32xf32, #tpu.memory_space<hbm>>) target(%dma_start3A_461 : memref<1000x32xf32, #tpu.memory_space<vmem>>) offsets(%dma_start3A_464 : memref<1000xi32, #tpu.memory_space<vmem>>) semaphore(%arg7 : memref<!tpu.dma_semaphore, #tpu.memory_space<semaphore_mem>>)
    %dma_wait3A_468 = arith.constant 0 : i32
    %dma_wait3A_469 = arith.constant 0 : i32
    %dma_wait3A_470 = arith.constant 0 : i32
    %dma_wait3A_471 = arith.constant 0 : i32
    %dma_wait3A_472 = tpu.memref_slice %arg6[%dma_wait3A_469, %dma_wait3A_470, %dma_wait3A_471] : memref<2x1000x32xf32, #tpu.memory_space<vmem>> -> memref<1x1000x32xf32, #tpu.memory_space<vmem>>
    %dma_wait3A_473 = tpu.memref_squeeze %dma_wait3A_472 : memref<1x1000x32xf32, #tpu.memory_space<vmem>> -> memref<1000x32xf32, #tpu.memory_space<vmem>>
    %dma_wait3A_474 = arith.constant 0 : i32
    %dma_wait3A_475 = tpu.memref_slice %arg5[%dma_wait3A_468, %dma_wait3A_474] : memref<2x1000xi32, #tpu.memory_space<vmem>> -> memref<1x1000xi32, #tpu.memory_space<vmem>>
    %dma_wait3A_476 = tpu.memref_squeeze %dma_wait3A_475 : memref<1x1000xi32, #tpu.memory_space<vmem>> -> memref<1000xi32, #tpu.memory_space<vmem>>
    %dma_wait3A_477 = arith.constant 0 : i32
    %dma_wait3A_478 = arith.constant 0 : i32
    %dma_wait3A_479 = tpu.memref_slice %arg2[%dma_wait3A_477, %dma_wait3A_478] : memref<20000x32xf32, #tpu.memory_space<hbm>> -> memref<20000x32xf32, #tpu.memory_space<hbm>>
    tpu.wait_indirect_dma semaphore(%arg7 : memref<!tpu.dma_semaphore, #tpu.memory_space<semaphore_mem>>) src(%dma_wait3A_479 : memref<20000x32xf32, #tpu.memory_space<hbm>>) dst(%dma_wait3A_473 : memref<1000x32xf32, #tpu.memory_space<vmem>>)
    %add3A_480 = arith.constant 8000 : i32
    %add3A_481 = arith.addi %mul3A_2, %add3A_480 : i32
    %dma_start3A_482 = arith.constant 0 : i32
    %dma_start3A_483 = arith.constant 0 : i32
    %dma_start3A_484 = arith.constant 0 : i32
    %dma_start3A_485 = tpu.memref_slice %arg6[%dma_start3A_482, %dma_start3A_483, %dma_start3A_484] : memref<2x1000x32xf32, #tpu.memory_space<vmem>> -> memref<1x1000x32xf32, #tpu.memory_space<vmem>>
    %dma_start3A_486 = tpu.memref_squeeze %dma_start3A_485 : memref<1x1000x32xf32, #tpu.memory_space<vmem>> -> memref<1000x32xf32, #tpu.memory_space<vmem>>
    %dma_start3A_487 = arith.constant 0 : i32
    %dma_start3A_488 = tpu.memref_slice %arg4[%add3A_481, %dma_start3A_487] : memref<320000x32xf32, #tpu.memory_space<hbm>> -> memref<1000x32xf32, #tpu.memory_space<hbm>>
    %dma_start3A_489 = arith.constant 0 : i32
    %dma_start3A_490 = tpu.memref_slice %arg4[%add3A_481, %dma_start3A_489] : memref<320000x32xf32, #tpu.memory_space<hbm>> -> memref<1000x32xf32, #tpu.memory_space<hbm>>
    %dma_start3A_491 = arith.constant 0 : i32
    %dma_start3A_492 = arith.constant 0 : i32
    %dma_start3A_493 = tpu.memref_slice %arg6[%dma_start3A_482, %dma_start3A_491, %dma_start3A_492] : memref<2x1000x32xf32, #tpu.memory_space<vmem>> -> memref<1x1000x32xf32, #tpu.memory_space<vmem>>
    %dma_start3A_494 = tpu.memref_squeeze %dma_start3A_493 : memref<1x1000x32xf32, #tpu.memory_space<vmem>> -> memref<1000x32xf32, #tpu.memory_space<vmem>>
    tpu.enqueue_dma source(%dma_start3A_494 : memref<1000x32xf32, #tpu.memory_space<vmem>>) target(%dma_start3A_490 : memref<1000x32xf32, #tpu.memory_space<hbm>>) target_semaphore(%arg8 : memref<!tpu.dma_semaphore, #tpu.memory_space<semaphore_mem>>)
    %dma_wait3A_495 = arith.constant 1 : i32
    %dma_wait3A_496 = arith.constant 1 : i32
    %dma_wait3A_497 = arith.constant 0 : i32
    %dma_wait3A_498 = arith.constant 0 : i32
    %dma_wait3A_499 = tpu.memref_slice %arg6[%dma_wait3A_496, %dma_wait3A_497, %dma_wait3A_498] : memref<2x1000x32xf32, #tpu.memory_space<vmem>> -> memref<1x1000x32xf32, #tpu.memory_space<vmem>>
    %dma_wait3A_500 = tpu.memref_squeeze %dma_wait3A_499 : memref<1x1000x32xf32, #tpu.memory_space<vmem>> -> memref<1000x32xf32, #tpu.memory_space<vmem>>
    %dma_wait3A_501 = arith.constant 0 : i32
    %dma_wait3A_502 = tpu.memref_slice %arg5[%dma_wait3A_495, %dma_wait3A_501] : memref<2x1000xi32, #tpu.memory_space<vmem>> -> memref<1x1000xi32, #tpu.memory_space<vmem>>
    %dma_wait3A_503 = tpu.memref_squeeze %dma_wait3A_502 : memref<1x1000xi32, #tpu.memory_space<vmem>> -> memref<1000xi32, #tpu.memory_space<vmem>>
    %dma_wait3A_504 = arith.constant 0 : i32
    %dma_wait3A_505 = arith.constant 0 : i32
    %dma_wait3A_506 = tpu.memref_slice %arg2[%dma_wait3A_504, %dma_wait3A_505] : memref<20000x32xf32, #tpu.memory_space<hbm>> -> memref<20000x32xf32, #tpu.memory_space<hbm>>
    tpu.wait_indirect_dma semaphore(%arg7 : memref<!tpu.dma_semaphore, #tpu.memory_space<semaphore_mem>>) src(%dma_wait3A_506 : memref<20000x32xf32, #tpu.memory_space<hbm>>) dst(%dma_wait3A_500 : memref<1000x32xf32, #tpu.memory_space<vmem>>)
    %add3A_507 = arith.constant 9000 : i32
    %add3A_508 = arith.addi %mul3A_2, %add3A_507 : i32
    %dma_start3A_509 = arith.constant 1 : i32
    %dma_start3A_510 = arith.constant 0 : i32
    %dma_start3A_511 = arith.constant 0 : i32
    %dma_start3A_512 = tpu.memref_slice %arg6[%dma_start3A_509, %dma_start3A_510, %dma_start3A_511] : memref<2x1000x32xf32, #tpu.memory_space<vmem>> -> memref<1x1000x32xf32, #tpu.memory_space<vmem>>
    %dma_start3A_513 = tpu.memref_squeeze %dma_start3A_512 : memref<1x1000x32xf32, #tpu.memory_space<vmem>> -> memref<1000x32xf32, #tpu.memory_space<vmem>>
    %dma_start3A_514 = arith.constant 0 : i32
    %dma_start3A_515 = tpu.memref_slice %arg4[%add3A_508, %dma_start3A_514] : memref<320000x32xf32, #tpu.memory_space<hbm>> -> memref<1000x32xf32, #tpu.memory_space<hbm>>
    %dma_start3A_516 = arith.constant 0 : i32
    %dma_start3A_517 = tpu.memref_slice %arg4[%add3A_508, %dma_start3A_516] : memref<320000x32xf32, #tpu.memory_space<hbm>> -> memref<1000x32xf32, #tpu.memory_space<hbm>>
    %dma_start3A_518 = arith.constant 0 : i32
    %dma_start3A_519 = arith.constant 0 : i32
    %dma_start3A_520 = tpu.memref_slice %arg6[%dma_start3A_509, %dma_start3A_518, %dma_start3A_519] : memref<2x1000x32xf32, #tpu.memory_space<vmem>> -> memref<1x1000x32xf32, #tpu.memory_space<vmem>>
    %dma_start3A_521 = tpu.memref_squeeze %dma_start3A_520 : memref<1x1000x32xf32, #tpu.memory_space<vmem>> -> memref<1000x32xf32, #tpu.memory_space<vmem>>
    tpu.enqueue_dma source(%dma_start3A_521 : memref<1000x32xf32, #tpu.memory_space<vmem>>) target(%dma_start3A_517 : memref<1000x32xf32, #tpu.memory_space<hbm>>) target_semaphore(%arg8 : memref<!tpu.dma_semaphore, #tpu.memory_space<semaphore_mem>>)
    %dma_wait3A_522 = arith.constant 0 : i32
    %dma_wait3A_523 = arith.constant 0 : i32
    %dma_wait3A_524 = arith.constant 0 : i32
    %dma_wait3A_525 = tpu.memref_slice %arg6[%dma_wait3A_522, %dma_wait3A_523, %dma_wait3A_524] : memref<2x1000x32xf32, #tpu.memory_space<vmem>> -> memref<1x1000x32xf32, #tpu.memory_space<vmem>>
    %dma_wait3A_526 = tpu.memref_squeeze %dma_wait3A_525 : memref<1x1000x32xf32, #tpu.memory_space<vmem>> -> memref<1000x32xf32, #tpu.memory_space<vmem>>
    %dma_wait3A_527 = arith.constant 0 : i32
    %dma_wait3A_528 = tpu.memref_slice %arg4[%add3A_481, %dma_wait3A_527] : memref<320000x32xf32, #tpu.memory_space<hbm>> -> memref<1000x32xf32, #tpu.memory_space<hbm>>
    %dma_wait3A_529 = arith.constant 0 : i32
    %dma_wait3A_530 = tpu.memref_slice %arg4[%add3A_481, %dma_wait3A_529] : memref<320000x32xf32, #tpu.memory_space<hbm>> -> memref<1000x32xf32, #tpu.memory_space<hbm>>
    %dma_wait3A_531 = arith.constant 0 : i32
    %dma_wait3A_532 = arith.constant 0 : i32
    %dma_wait3A_533 = tpu.memref_slice %arg6[%dma_wait3A_522, %dma_wait3A_531, %dma_wait3A_532] : memref<2x1000x32xf32, #tpu.memory_space<vmem>> -> memref<1x1000x32xf32, #tpu.memory_space<vmem>>
    %dma_wait3A_534 = tpu.memref_squeeze %dma_wait3A_533 : memref<1x1000x32xf32, #tpu.memory_space<vmem>> -> memref<1000x32xf32, #tpu.memory_space<vmem>>
    tpu.wait_dma2 semaphore(%arg8 : memref<!tpu.dma_semaphore, #tpu.memory_space<semaphore_mem>>) src(%dma_wait3A_534 : memref<1000x32xf32, #tpu.memory_space<vmem>>) dst(%dma_wait3A_530 : memref<1000x32xf32, #tpu.memory_space<hbm>>)
    %dma_wait3A_535 = arith.constant 1 : i32
    %dma_wait3A_536 = arith.constant 0 : i32
    %dma_wait3A_537 = arith.constant 0 : i32
    %dma_wait3A_538 = tpu.memref_slice %arg6[%dma_wait3A_535, %dma_wait3A_536, %dma_wait3A_537] : memref<2x1000x32xf32, #tpu.memory_space<vmem>> -> memref<1x1000x32xf32, #tpu.memory_space<vmem>>
    %dma_wait3A_539 = tpu.memref_squeeze %dma_wait3A_538 : memref<1x1000x32xf32, #tpu.memory_space<vmem>> -> memref<1000x32xf32, #tpu.memory_space<vmem>>
    %dma_wait3A_540 = arith.constant 0 : i32
    %dma_wait3A_541 = tpu.memref_slice %arg4[%add3A_508, %dma_wait3A_540] : memref<320000x32xf32, #tpu.memory_space<hbm>> -> memref<1000x32xf32, #tpu.memory_space<hbm>>
    %dma_wait3A_542 = arith.constant 0 : i32
    %dma_wait3A_543 = tpu.memref_slice %arg4[%add3A_508, %dma_wait3A_542] : memref<320000x32xf32, #tpu.memory_space<hbm>> -> memref<1000x32xf32, #tpu.memory_space<hbm>>
    %dma_wait3A_544 = arith.constant 0 : i32
    %dma_wait3A_545 = arith.constant 0 : i32
    %dma_wait3A_546 = tpu.memref_slice %arg6[%dma_wait3A_535, %dma_wait3A_544, %dma_wait3A_545] : memref<2x1000x32xf32, #tpu.memory_space<vmem>> -> memref<1x1000x32xf32, #tpu.memory_space<vmem>>
    %dma_wait3A_547 = tpu.memref_squeeze %dma_wait3A_546 : memref<1x1000x32xf32, #tpu.memory_space<vmem>> -> memref<1000x32xf32, #tpu.memory_space<vmem>>
    tpu.wait_dma2 semaphore(%arg8 : memref<!tpu.dma_semaphore, #tpu.memory_space<semaphore_mem>>) src(%dma_wait3A_547 : memref<1000x32xf32, #tpu.memory_space<vmem>>) dst(%dma_wait3A_543 : memref<1000x32xf32, #tpu.memory_space<hbm>>)
    return
  }
}

module attributes {stable_mosaic.version = 14 : i64} {
  func.func @body(%arg0: i32, %arg1: memref<2000x1xf32, #tpu.memory_space<vmem>>, %arg2: memref<1x32xf32, #tpu.memory_space<vmem>>, %arg3: memref<1x32xf32, #tpu.memory_space<vmem>>, %arg4: memref<2000x32xf32, #tpu.memory_space<vmem>>) attributes {dimension_semantics = [#tpu.dimension_semantics<arbitrary>], iteration_bounds = array<i64: 10>, scalar_prefetch = 0 : i64, scratch_operands = 0 : i64, tpu.core_type = #tpu.core_type<tc>, window_params = [{transform_indices = @transform_0, window_bounds = array<i64: 2000, 1>}, {pipeline_mode = #tpu.pipeline_mode<synchronous>, transform_indices = @transform_1, window_bounds = array<i64: 1, 32>}, {pipeline_mode = #tpu.pipeline_mode<synchronous>, transform_indices = @transform_2, window_bounds = array<i64: 1, 32>}, {transform_indices = @transform_3, window_bounds = array<i64: 2000, 32>}]} {
    %get3A = arith.constant 0 : index
    %get3A_0 = arith.constant 0 : index
    %get3A_1 = vector.load %arg1[%get3A, %get3A_0] : memref<2000x1xf32, #tpu.memory_space<vmem>>, vector<2000x1xf32>
    %get3A_2 = arith.constant 0 : index
    %get3A_3 = arith.constant 0 : index
    %get3A_4 = vector.load %arg2[%get3A_2, %get3A_3] : memref<1x32xf32, #tpu.memory_space<vmem>>, vector<1x32xf32>
    %mul3A = vector.broadcast %get3A_1 : vector<2000x1xf32> to vector<2000x32xf32>
    %mul3A_5 = vector.broadcast %get3A_4 : vector<1x32xf32> to vector<2000x32xf32>
    %mul3A_6 = arith.mulf %mul3A, %mul3A_5 : vector<2000x32xf32>
    %get3A_7 = arith.constant 0 : index
    %get3A_8 = arith.constant 0 : index
    %get3A_9 = vector.load %arg3[%get3A_7, %get3A_8] : memref<1x32xf32, #tpu.memory_space<vmem>>, vector<1x32xf32>
    %add3A = vector.broadcast %get3A_9 : vector<1x32xf32> to vector<2000x32xf32>
    %add3A_10 = arith.addf %mul3A_6, %add3A : vector<2000x32xf32>
    %swap3A = arith.constant 0 : index
    %swap3A_11 = arith.constant 0 : index
    %swap3A_12 = vector.load %arg4[%swap3A, %swap3A_11] : memref<2000x32xf32, #tpu.memory_space<vmem>>, vector<2000x32xf32>
    tpu.vector_store %arg4[%swap3A, %swap3A_11], %add3A_10 {strides = array<i32>} : memref<2000x32xf32, #tpu.memory_space<vmem>>, vector<2000x32xf32>,
    return
  }
  func.func @transform_0(%arg0: i32) -> (i32, i32) {
    %c0_i32 = arith.constant 0 : i32
    %c0_i32_0 = arith.constant 0 : i32
    return %arg0, %c0_i32 : i32, i32
  }
  func.func @transform_1(%arg0: i32) -> (i32, i32) {
    %c0_i32 = arith.constant 0 : i32
    %c0_i32_0 = arith.constant 0 : i32
    %c0_i32_1 = arith.constant 0 : i32
    return %c0_i32, %c0_i32_0 : i32, i32
  }
  func.func @transform_2(%arg0: i32) -> (i32, i32) {
    %c0_i32 = arith.constant 0 : i32
    %c0_i32_0 = arith.constant 0 : i32
    %c0_i32_1 = arith.constant 0 : i32
    return %c0_i32, %c0_i32_0 : i32, i32
  }
  func.func @transform_3(%arg0: i32) -> (i32, i32) {
    %c0_i32 = arith.constant 0 : i32
    %c0_i32_0 = arith.constant 0 : i32
    return %arg0, %c0_i32 : i32, i32
  }
}

module attributes {stable_mosaic.version = 14 : i64} {
  func.func @body(%arg0: i32, %arg1: i32, %arg2: memref<4x800x128xf32, #tpu.memory_space<vmem>>, %arg3: memref<2x800x128xbf16, #tpu.memory_space<vmem>>, %arg4: memref<800x32xf32, #tpu.memory_space<vmem>>, %arg5: memref<32x128xf32, #tpu.memory_space<vmem>>, %arg6: memref<32x128xf32, #tpu.memory_space<vmem>>, %arg7: memref<1x128xf32, #tpu.memory_space<vmem>>, %arg8: memref<1x128xf32, #tpu.memory_space<vmem>>, %arg9: memref<128x128xf32, #tpu.memory_space<vmem>>, %arg10: memref<128x128xf32, #tpu.memory_space<vmem>>, %arg11: memref<128x128xbf16, #tpu.memory_space<vmem>>, %arg12: memref<128x128xbf16, #tpu.memory_space<vmem>>, %arg13: memref<128x128xbf16, #tpu.memory_space<vmem>>, %arg14: memref<128x128xbf16, #tpu.memory_space<vmem>>, %arg15: memref<1x128xf32, #tpu.memory_space<vmem>>, %arg16: memref<1x128xf32, #tpu.memory_space<vmem>>, %arg17: memref<1x128xf32, #tpu.memory_space<vmem>>, %arg18: memref<1x128xf32, #tpu.memory_space<vmem>>, %arg19: memref<1x32xf32, #tpu.memory_space<vmem>>, %arg20: memref<1x32xf32, #tpu.memory_space<vmem>>, %arg21: memref<128x128xf32, #tpu.memory_space<vmem>>, %arg22: memref<128x32xf32, #tpu.memory_space<vmem>>, %arg23: memref<800x32xf32, #tpu.memory_space<vmem>>, %arg24: memref<8x20000x128xbf16, #tpu.memory_space<vmem>>, %arg25: memref<4x128xf32, #tpu.memory_space<vmem>>, %arg26: memref<20000x32xf32, #tpu.memory_space<vmem>>, %arg27: memref<2x32xf32, #tpu.memory_space<vmem>>) attributes {dimension_semantics = [#tpu.dimension_semantics<arbitrary>, #tpu.dimension_semantics<arbitrary>], iteration_bounds = array<i64: 3, 25>, scalar_prefetch = 0 : i64, scratch_operands = 4 : i64, tpu.core_type = #tpu.core_type<tc>, window_params = [{transform_indices = @transform_0, window_bounds = array<i64: 4, 800, 128>}, {transform_indices = @transform_1, window_bounds = array<i64: 2, 800, 128>}, {transform_indices = @transform_2, window_bounds = array<i64: 800, 32>}, {pipeline_mode = #tpu.pipeline_mode<synchronous>, transform_indices = @transform_3, window_bounds = array<i64: 32, 128>}, {pipeline_mode = #tpu.pipeline_mode<synchronous>, transform_indices = @transform_4, window_bounds = array<i64: 32, 128>}, {pipeline_mode = #tpu.pipeline_mode<synchronous>, transform_indices = @transform_5, window_bounds = array<i64: 1, 128>}, {pipeline_mode = #tpu.pipeline_mode<synchronous>, transform_indices = @transform_6, window_bounds = array<i64: 1, 128>}, {pipeline_mode = #tpu.pipeline_mode<synchronous>, transform_indices = @transform_7, window_bounds = array<i64: 128, 128>}, {pipeline_mode = #tpu.pipeline_mode<synchronous>, transform_indices = @transform_8, window_bounds = array<i64: 128, 128>}, {pipeline_mode = #tpu.pipeline_mode<synchronous>, transform_indices = @transform_9, window_bounds = array<i64: 128, 128>}, {pipeline_mode = #tpu.pipeline_mode<synchronous>, transform_indices = @transform_10, window_bounds = array<i64: 128, 128>}, {pipeline_mode = #tpu.pipeline_mode<synchronous>, transform_indices = @transform_11, window_bounds = array<i64: 128, 128>}, {pipeline_mode = #tpu.pipeline_mode<synchronous>, transform_indices = @transform_12, window_bounds = array<i64: 128, 128>}, {pipeline_mode = #tpu.pipeline_mode<synchronous>, transform_indices = @transform_13, window_bounds = array<i64: 1, 128>}, {pipeline_mode = #tpu.pipeline_mode<synchronous>, transform_indices = @transform_14, window_bounds = array<i64: 1, 128>}, {pipeline_mode = #tpu.pipeline_mode<synchronous>, transform_indices = @transform_15, window_bounds = array<i64: 1, 128>}, {pipeline_mode = #tpu.pipeline_mode<synchronous>, transform_indices = @transform_16, window_bounds = array<i64: 1, 128>}, {pipeline_mode = #tpu.pipeline_mode<synchronous>, transform_indices = @transform_17, window_bounds = array<i64: 1, 32>}, {pipeline_mode = #tpu.pipeline_mode<synchronous>, transform_indices = @transform_18, window_bounds = array<i64: 1, 32>}, {pipeline_mode = #tpu.pipeline_mode<synchronous>, transform_indices = @transform_19, window_bounds = array<i64: 128, 128>}, {pipeline_mode = #tpu.pipeline_mode<synchronous>, transform_indices = @transform_20, window_bounds = array<i64: 128, 32>}, {transform_indices = @transform_21, window_bounds = array<i64: 800, 32>}]} {
    %eq3A = arith.constant 0 : i32
    %eq3A_0 = arith.cmpi eq, %arg0, %eq3A : i32
    %convert_element_type3A = arith.extui %eq3A_0 : i1 to i32
    %cond3A = arith.constant 0 : i32
    %cond3A_1 = arith.cmpi ne, %convert_element_type3A, %cond3A : i32
    scf.if %cond3A_1 {
      %get3A = arith.constant 0 : index
      %get3A_12 = arith.constant 0 : index
      %get3A_13 = vector.load %arg4[%get3A, %get3A_12] : memref<800x32xf32, #tpu.memory_space<vmem>>, vector<800x32xf32>
      %get3A_14 = arith.constant 0 : index
      %get3A_15 = arith.constant 0 : index
      %get3A_16 = vector.load %arg5[%get3A_14, %get3A_15] : memref<32x128xf32, #tpu.memory_space<vmem>>, vector<32x128xf32>
      %dot_general3A = arith.constant dense<0.000000e+00> : vector<800x128xf32>
      %dot_general3A_17 = tpu.matmul %get3A_13, %get3A_16, %dot_general3A {dimension_numbers = #tpu.dot_dimension_numbers<[1], [0], [0], [1], [0, 0, 1, 1], [], []>, precision = #tpu.contract_precision<fp32>, transpose_lhs_hint = false} : vector<800x32xf32>, vector<32x128xf32>, vector<800x128xf32> -> vector<800x128xf32>
      %get3A_18 = arith.constant 0 : index
      %get3A_19 = arith.constant 0 : index
      %get3A_20 = vector.load %arg7[%get3A_18, %get3A_19] : memref<1x128xf32, #tpu.memory_space<vmem>>, vector<1x128xf32>
      %add3A = vector.broadcast %get3A_20 : vector<1x128xf32> to vector<800x128xf32>
      %add3A_21 = arith.addf %dot_general3A_17, %add3A : vector<800x128xf32>
      %get3A_22 = arith.constant 0 : index
      %get3A_23 = arith.constant 0 : index
      %get3A_24 = vector.load %arg6[%get3A_22, %get3A_23] : memref<32x128xf32, #tpu.memory_space<vmem>>, vector<32x128xf32>
      %dot_general3A_25 = arith.constant dense<0.000000e+00> : vector<800x128xf32>
      %dot_general3A_26 = tpu.matmul %get3A_13, %get3A_24, %dot_general3A_25 {dimension_numbers = #tpu.dot_dimension_numbers<[1], [0], [0], [1], [0, 0, 1, 1], [], []>, precision = #tpu.contract_precision<fp32>, transpose_lhs_hint = false} : vector<800x32xf32>, vector<32x128xf32>, vector<800x128xf32> -> vector<800x128xf32>
      %get3A_27 = arith.constant 0 : index
      %get3A_28 = arith.constant 0 : index
      %get3A_29 = vector.load %arg8[%get3A_27, %get3A_28] : memref<1x128xf32, #tpu.memory_space<vmem>>, vector<1x128xf32>
      %add3A_30 = vector.broadcast %get3A_29 : vector<1x128xf32> to vector<800x128xf32>
      %add3A_31 = arith.addf %dot_general3A_26, %add3A_30 : vector<800x128xf32>
      %get3A_32 = arith.constant 0 : index
      %get3A_33 = arith.constant 0 : index
      %get3A_34 = arith.constant 0 : index
      %get3A_35 = vector.load %arg3[%get3A_32, %get3A_33, %get3A_34] : memref<2x800x128xbf16, #tpu.memory_space<vmem>>, vector<1x800x128xbf16>
      %get3A_36 = vector.shape_cast %get3A_35 : vector<1x800x128xbf16> to vector<800x128xbf16>
      %get3A_37 = arith.constant 1 : index
      %get3A_38 = arith.constant 0 : index
      %get3A_39 = arith.constant 0 : index
      %get3A_40 = vector.load %arg3[%get3A_37, %get3A_38, %get3A_39] : memref<2x800x128xbf16, #tpu.memory_space<vmem>>, vector<1x800x128xbf16>
      %get3A_41 = vector.shape_cast %get3A_40 : vector<1x800x128xbf16> to vector<800x128xbf16>
      %get3A_42 = arith.constant 0 : index
      %get3A_43 = arith.constant 0 : index
      %get3A_44 = vector.load %arg11[%get3A_42, %get3A_43] : memref<128x128xbf16, #tpu.memory_space<vmem>>, vector<128x128xbf16>
      %get3A_45 = arith.constant 0 : index
      %get3A_46 = arith.constant 0 : index
      %get3A_47 = vector.load %arg12[%get3A_45, %get3A_46] : memref<128x128xbf16, #tpu.memory_space<vmem>>, vector<128x128xbf16>
      %get3A_48 = arith.constant 0 : index
      %get3A_49 = arith.constant 0 : index
      %get3A_50 = vector.load %arg13[%get3A_48, %get3A_49] : memref<128x128xbf16, #tpu.memory_space<vmem>>, vector<128x128xbf16>
      %get3A_51 = arith.constant 0 : index
      %get3A_52 = arith.constant 0 : index
      %get3A_53 = vector.load %arg14[%get3A_51, %get3A_52] : memref<128x128xbf16, #tpu.memory_space<vmem>>, vector<128x128xbf16>
      %get3A_54 = arith.constant 0 : index
      %get3A_55 = arith.constant 0 : index
      %get3A_56 = vector.load %arg9[%get3A_54, %get3A_55] : memref<128x128xf32, #tpu.memory_space<vmem>>, vector<128x128xf32>
      %get3A_57 = arith.constant 0 : index
      %get3A_58 = arith.constant 0 : index
      %get3A_59 = vector.load %arg10[%get3A_57, %get3A_58] : memref<128x128xf32, #tpu.memory_space<vmem>>, vector<128x128xf32>
      %get3A_60 = arith.constant 0 : index
      %get3A_61 = arith.constant 0 : index
      %get3A_62 = arith.constant 0 : index
      %get3A_63 = vector.load %arg2[%get3A_60, %get3A_61, %get3A_62] : memref<4x800x128xf32, #tpu.memory_space<vmem>>, vector<1x800x128xf32>
      %get3A_64 = vector.shape_cast %get3A_63 : vector<1x800x128xf32> to vector<800x128xf32>
      %dot_general3A_65 = arith.constant dense<0.000000e+00> : vector<800x128xf32>
      %dot_general3A_66 = tpu.matmul %get3A_64, %get3A_56, %dot_general3A_65 {dimension_numbers = #tpu.dot_dimension_numbers<[1], [0], [0], [1], [0, 0, 1, 1], [], []>, precision = #tpu.contract_precision<fp32>, transpose_lhs_hint = false} : vector<800x128xf32>, vector<128x128xf32>, vector<800x128xf32> -> vector<800x128xf32>
      %dot_general3A_67 = arith.constant dense<0.000000e+00> : vector<800x128xf32>
      %dot_general3A_68 = tpu.matmul %get3A_36, %get3A_44, %dot_general3A_67 {dimension_numbers = #tpu.dot_dimension_numbers<[1], [0], [0], [1], [0, 0, 1, 1], [], []>, transpose_lhs_hint = false} : vector<800x128xbf16>, vector<128x128xbf16>, vector<800x128xf32> -> vector<800x128xf32>
      %add3A_69 = arith.addf %dot_general3A_66, %dot_general3A_68 : vector<800x128xf32>
      %add3A_70 = arith.addf %add3A_69, %add3A_21 : vector<800x128xf32>
      %dot_general3A_71 = arith.constant dense<0.000000e+00> : vector<800x128xf32>
      %dot_general3A_72 = tpu.matmul %get3A_64, %get3A_59, %dot_general3A_71 {dimension_numbers = #tpu.dot_dimension_numbers<[1], [0], [0], [1], [0, 0, 1, 1], [], []>, precision = #tpu.contract_precision<fp32>, transpose_lhs_hint = false} : vector<800x128xf32>, vector<128x128xf32>, vector<800x128xf32> -> vector<800x128xf32>
      %dot_general3A_73 = arith.constant dense<0.000000e+00> : vector<800x128xf32>
      %dot_general3A_74 = tpu.matmul %get3A_36, %get3A_50, %dot_general3A_73 {dimension_numbers = #tpu.dot_dimension_numbers<[1], [0], [0], [1], [0, 0, 1, 1], [], []>, transpose_lhs_hint = false} : vector<800x128xbf16>, vector<128x128xbf16>, vector<800x128xf32> -> vector<800x128xf32>
      %add3A_75 = arith.addf %dot_general3A_72, %dot_general3A_74 : vector<800x128xf32>
      %add3A_76 = arith.addf %add3A_75, %add3A_31 : vector<800x128xf32>
      %get3A_77 = arith.constant 1 : index
      %get3A_78 = arith.constant 0 : index
      %get3A_79 = arith.constant 0 : index
      %get3A_80 = vector.load %arg2[%get3A_77, %get3A_78, %get3A_79] : memref<4x800x128xf32, #tpu.memory_space<vmem>>, vector<1x800x128xf32>
      %get3A_81 = vector.shape_cast %get3A_80 : vector<1x800x128xf32> to vector<800x128xf32>
      %dot_general3A_82 = arith.constant dense<0.000000e+00> : vector<800x128xf32>
      %dot_general3A_83 = tpu.matmul %get3A_81, %get3A_56, %dot_general3A_82 {dimension_numbers = #tpu.dot_dimension_numbers<[1], [0], [0], [1], [0, 0, 1, 1], [], []>, precision = #tpu.contract_precision<fp32>, transpose_lhs_hint = false} : vector<800x128xf32>, vector<128x128xf32>, vector<800x128xf32> -> vector<800x128xf32>
      %dot_general3A_84 = arith.constant dense<0.000000e+00> : vector<800x128xf32>
      %dot_general3A_85 = tpu.matmul %get3A_36, %get3A_47, %dot_general3A_84 {dimension_numbers = #tpu.dot_dimension_numbers<[1], [0], [0], [1], [0, 0, 1, 1], [], []>, transpose_lhs_hint = false} : vector<800x128xbf16>, vector<128x128xbf16>, vector<800x128xf32> -> vector<800x128xf32>
      %add3A_86 = arith.addf %dot_general3A_83, %dot_general3A_85 : vector<800x128xf32>
      %add3A_87 = arith.addf %add3A_86, %add3A_21 : vector<800x128xf32>
      %dot_general3A_88 = arith.constant dense<0.000000e+00> : vector<800x128xf32>
      %dot_general3A_89 = tpu.matmul %get3A_81, %get3A_59, %dot_general3A_88 {dimension_numbers = #tpu.dot_dimension_numbers<[1], [0], [0], [1], [0, 0, 1, 1], [], []>, precision = #tpu.contract_precision<fp32>, transpose_lhs_hint = false} : vector<800x128xf32>, vector<128x128xf32>, vector<800x128xf32> -> vector<800x128xf32>
      %dot_general3A_90 = arith.constant dense<0.000000e+00> : vector<800x128xf32>
      %dot_general3A_91 = tpu.matmul %get3A_36, %get3A_53, %dot_general3A_90 {dimension_numbers = #tpu.dot_dimension_numbers<[1], [0], [0], [1], [0, 0, 1, 1], [], []>, transpose_lhs_hint = false} : vector<800x128xbf16>, vector<128x128xbf16>, vector<800x128xf32> -> vector<800x128xf32>
      %add3A_92 = arith.addf %dot_general3A_89, %dot_general3A_91 : vector<800x128xf32>
      %add3A_93 = arith.addf %add3A_92, %add3A_31 : vector<800x128xf32>
      %get3A_94 = arith.constant 2 : index
      %get3A_95 = arith.constant 0 : index
      %get3A_96 = arith.constant 0 : index
      %get3A_97 = vector.load %arg2[%get3A_94, %get3A_95, %get3A_96] : memref<4x800x128xf32, #tpu.memory_space<vmem>>, vector<1x800x128xf32>
      %get3A_98 = vector.shape_cast %get3A_97 : vector<1x800x128xf32> to vector<800x128xf32>
      %dot_general3A_99 = arith.constant dense<0.000000e+00> : vector<800x128xf32>
      %dot_general3A_100 = tpu.matmul %get3A_98, %get3A_56, %dot_general3A_99 {dimension_numbers = #tpu.dot_dimension_numbers<[1], [0], [0], [1], [0, 0, 1, 1], [], []>, precision = #tpu.contract_precision<fp32>, transpose_lhs_hint = false} : vector<800x128xf32>, vector<128x128xf32>, vector<800x128xf32> -> vector<800x128xf32>
      %dot_general3A_101 = arith.constant dense<0.000000e+00> : vector<800x128xf32>
      %dot_general3A_102 = tpu.matmul %get3A_41, %get3A_44, %dot_general3A_101 {dimension_numbers = #tpu.dot_dimension_numbers<[1], [0], [0], [1], [0, 0, 1, 1], [], []>, transpose_lhs_hint = false} : vector<800x128xbf16>, vector<128x128xbf16>, vector<800x128xf32> -> vector<800x128xf32>
      %add3A_103 = arith.addf %dot_general3A_100, %dot_general3A_102 : vector<800x128xf32>
      %add3A_104 = arith.addf %add3A_103, %add3A_21 : vector<800x128xf32>
      %dot_general3A_105 = arith.constant dense<0.000000e+00> : vector<800x128xf32>
      %dot_general3A_106 = tpu.matmul %get3A_98, %get3A_59, %dot_general3A_105 {dimension_numbers = #tpu.dot_dimension_numbers<[1], [0], [0], [1], [0, 0, 1, 1], [], []>, precision = #tpu.contract_precision<fp32>, transpose_lhs_hint = false} : vector<800x128xf32>, vector<128x128xf32>, vector<800x128xf32> -> vector<800x128xf32>
      %dot_general3A_107 = arith.constant dense<0.000000e+00> : vector<800x128xf32>
      %dot_general3A_108 = tpu.matmul %get3A_41, %get3A_50, %dot_general3A_107 {dimension_numbers = #tpu.dot_dimension_numbers<[1], [0], [0], [1], [0, 0, 1, 1], [], []>, transpose_lhs_hint = false} : vector<800x128xbf16>, vector<128x128xbf16>, vector<800x128xf32> -> vector<800x128xf32>
      %add3A_109 = arith.addf %dot_general3A_106, %dot_general3A_108 : vector<800x128xf32>
      %add3A_110 = arith.addf %add3A_109, %add3A_31 : vector<800x128xf32>
      %get3A_111 = arith.constant 3 : index
      %get3A_112 = arith.constant 0 : index
      %get3A_113 = arith.constant 0 : index
      %get3A_114 = vector.load %arg2[%get3A_111, %get3A_112, %get3A_113] : memref<4x800x128xf32, #tpu.memory_space<vmem>>, vector<1x800x128xf32>
      %get3A_115 = vector.shape_cast %get3A_114 : vector<1x800x128xf32> to vector<800x128xf32>
      %dot_general3A_116 = arith.constant dense<0.000000e+00> : vector<800x128xf32>
      %dot_general3A_117 = tpu.matmul %get3A_115, %get3A_56, %dot_general3A_116 {dimension_numbers = #tpu.dot_dimension_numbers<[1], [0], [0], [1], [0, 0, 1, 1], [], []>, precision = #tpu.contract_precision<fp32>, transpose_lhs_hint = false} : vector<800x128xf32>, vector<128x128xf32>, vector<800x128xf32> -> vector<800x128xf32>
      %dot_general3A_118 = arith.constant dense<0.000000e+00> : vector<800x128xf32>
      %dot_general3A_119 = tpu.matmul %get3A_41, %get3A_47, %dot_general3A_118 {dimension_numbers = #tpu.dot_dimension_numbers<[1], [0], [0], [1], [0, 0, 1, 1], [], []>, transpose_lhs_hint = false} : vector<800x128xbf16>, vector<128x128xbf16>, vector<800x128xf32> -> vector<800x128xf32>
      %add3A_120 = arith.addf %dot_general3A_117, %dot_general3A_119 : vector<800x128xf32>
      %add3A_121 = arith.addf %add3A_120, %add3A_21 : vector<800x128xf32>
      %dot_general3A_122 = arith.constant dense<0.000000e+00> : vector<800x128xf32>
      %dot_general3A_123 = tpu.matmul %get3A_115, %get3A_59, %dot_general3A_122 {dimension_numbers = #tpu.dot_dimension_numbers<[1], [0], [0], [1], [0, 0, 1, 1], [], []>, precision = #tpu.contract_precision<fp32>, transpose_lhs_hint = false} : vector<800x128xf32>, vector<128x128xf32>, vector<800x128xf32> -> vector<800x128xf32>
      %dot_general3A_124 = arith.constant dense<0.000000e+00> : vector<800x128xf32>
      %dot_general3A_125 = tpu.matmul %get3A_41, %get3A_53, %dot_general3A_124 {dimension_numbers = #tpu.dot_dimension_numbers<[1], [0], [0], [1], [0, 0, 1, 1], [], []>, transpose_lhs_hint = false} : vector<800x128xbf16>, vector<128x128xbf16>, vector<800x128xf32> -> vector<800x128xf32>
      %add3A_126 = arith.addf %dot_general3A_123, %dot_general3A_125 : vector<800x128xf32>
      %add3A_127 = arith.addf %add3A_126, %add3A_31 : vector<800x128xf32>
      %convert_element_type3A_128 = arith.truncf %add3A_70 : vector<800x128xf32> to vector<800x128xbf16>
      %mul3A = arith.constant 800 : i32
      %mul3A_129 = arith.muli %arg1, %mul3A : i32
      %swap3A = arith.constant 0 : index
      %swap3A_130 = arith.index_cast %mul3A_129 : i32 to index
      %swap3A_131 = arith.constant 0 : index
      %swap3A_132 = vector.load %arg24[%swap3A, %swap3A_130, %swap3A_131] : memref<8x20000x128xbf16, #tpu.memory_space<vmem>>, vector<1x800x128xbf16>
      %swap3A_133 = vector.shape_cast %swap3A_132 : vector<1x800x128xbf16> to vector<800x128xbf16>
      %swap3A_134 = vector.shape_cast %convert_element_type3A_128 : vector<800x128xbf16> to vector<1x800x128xbf16>
      tpu.vector_store %arg24[%swap3A, %swap3A_130, %swap3A_131], %swap3A_134 {strides = array<i32>} : memref<8x20000x128xbf16, #tpu.memory_space<vmem>>, vector<1x800x128xbf16>,
      %convert_element_type3A_135 = arith.truncf %add3A_76 : vector<800x128xf32> to vector<800x128xbf16>
      %mul3A_136 = arith.constant 800 : i32
      %mul3A_137 = arith.muli %arg1, %mul3A_136 : i32
      %swap3A_138 = arith.constant 4 : index
      %swap3A_139 = arith.index_cast %mul3A_137 : i32 to index
      %swap3A_140 = arith.constant 0 : index
      %swap3A_141 = vector.load %arg24[%swap3A_138, %swap3A_139, %swap3A_140] : memref<8x20000x128xbf16, #tpu.memory_space<vmem>>, vector<1x800x128xbf16>
      %swap3A_142 = vector.shape_cast %swap3A_141 : vector<1x800x128xbf16> to vector<800x128xbf16>
      %swap3A_143 = vector.shape_cast %convert_element_type3A_135 : vector<800x128xbf16> to vector<1x800x128xbf16>
      tpu.vector_store %arg24[%swap3A_138, %swap3A_139, %swap3A_140], %swap3A_143 {strides = array<i32>} : memref<8x20000x128xbf16, #tpu.memory_space<vmem>>, vector<1x800x128xbf16>,
      %reduce_sum3A = arith.constant dense<0.000000e+00> : vector<128xf32>
      %reduce_sum3A_144 = vector.multi_reduction <add>, %add3A_70, %reduce_sum3A [0] : vector<800x128xf32> to vector<128xf32>
      %broadcast_in_dim3A = vector.shape_cast %reduce_sum3A_144 : vector<128xf32> to vector<1x128xf32>
      %mul3A_145 = arith.mulf %add3A_70, %add3A_70 : vector<800x128xf32>
      %reduce_sum3A_146 = arith.constant dense<0.000000e+00> : vector<128xf32>
      %reduce_sum3A_147 = vector.multi_reduction <add>, %mul3A_145, %reduce_sum3A_146 [0] : vector<800x128xf32> to vector<128xf32>
      %broadcast_in_dim3A_148 = vector.shape_cast %reduce_sum3A_147 : vector<128xf32> to vector<1x128xf32>
      %reduce_sum3A_149 = arith.constant dense<0.000000e+00> : vector<128xf32>
      %reduce_sum3A_150 = vector.multi_reduction <add>, %add3A_76, %reduce_sum3A_149 [0] : vector<800x128xf32> to vector<128xf32>
      %broadcast_in_dim3A_151 = vector.shape_cast %reduce_sum3A_150 : vector<128xf32> to vector<1x128xf32>
      %mul3A_152 = arith.mulf %add3A_76, %add3A_76 : vector<800x128xf32>
      %reduce_sum3A_153 = arith.constant dense<0.000000e+00> : vector<128xf32>
      %reduce_sum3A_154 = vector.multi_reduction <add>, %mul3A_152, %reduce_sum3A_153 [0] : vector<800x128xf32> to vector<128xf32>
      %broadcast_in_dim3A_155 = vector.shape_cast %reduce_sum3A_154 : vector<128xf32> to vector<1x128xf32>
      %convert_element_type3A_156 = arith.truncf %add3A_87 : vector<800x128xf32> to vector<800x128xbf16>
      %mul3A_157 = arith.constant 800 : i32
      %mul3A_158 = arith.muli %arg1, %mul3A_157 : i32
      %swap3A_159 = arith.constant 1 : index
      %swap3A_160 = arith.index_cast %mul3A_158 : i32 to index
      %swap3A_161 = arith.constant 0 : index
      %swap3A_162 = vector.load %arg24[%swap3A_159, %swap3A_160, %swap3A_161] : memref<8x20000x128xbf16, #tpu.memory_space<vmem>>, vector<1x800x128xbf16>
      %swap3A_163 = vector.shape_cast %swap3A_162 : vector<1x800x128xbf16> to vector<800x128xbf16>
      %swap3A_164 = vector.shape_cast %convert_element_type3A_156 : vector<800x128xbf16> to vector<1x800x128xbf16>
      tpu.vector_store %arg24[%swap3A_159, %swap3A_160, %swap3A_161], %swap3A_164 {strides = array<i32>} : memref<8x20000x128xbf16, #tpu.memory_space<vmem>>, vector<1x800x128xbf16>,
      %convert_element_type3A_165 = arith.truncf %add3A_93 : vector<800x128xf32> to vector<800x128xbf16>
      %mul3A_166 = arith.constant 800 : i32
      %mul3A_167 = arith.muli %arg1, %mul3A_166 : i32
      %swap3A_168 = arith.constant 5 : index
      %swap3A_169 = arith.index_cast %mul3A_167 : i32 to index
      %swap3A_170 = arith.constant 0 : index
      %swap3A_171 = vector.load %arg24[%swap3A_168, %swap3A_169, %swap3A_170] : memref<8x20000x128xbf16, #tpu.memory_space<vmem>>, vector<1x800x128xbf16>
      %swap3A_172 = vector.shape_cast %swap3A_171 : vector<1x800x128xbf16> to vector<800x128xbf16>
      %swap3A_173 = vector.shape_cast %convert_element_type3A_165 : vector<800x128xbf16> to vector<1x800x128xbf16>
      tpu.vector_store %arg24[%swap3A_168, %swap3A_169, %swap3A_170], %swap3A_173 {strides = array<i32>} : memref<8x20000x128xbf16, #tpu.memory_space<vmem>>, vector<1x800x128xbf16>,
      %reduce_sum3A_174 = arith.constant dense<0.000000e+00> : vector<128xf32>
      %reduce_sum3A_175 = vector.multi_reduction <add>, %add3A_87, %reduce_sum3A_174 [0] : vector<800x128xf32> to vector<128xf32>
      %broadcast_in_dim3A_176 = vector.shape_cast %reduce_sum3A_175 : vector<128xf32> to vector<1x128xf32>
      %mul3A_177 = arith.mulf %add3A_87, %add3A_87 : vector<800x128xf32>
      %reduce_sum3A_178 = arith.constant dense<0.000000e+00> : vector<128xf32>
      %reduce_sum3A_179 = vector.multi_reduction <add>, %mul3A_177, %reduce_sum3A_178 [0] : vector<800x128xf32> to vector<128xf32>
      %broadcast_in_dim3A_180 = vector.shape_cast %reduce_sum3A_179 : vector<128xf32> to vector<1x128xf32>
      %reduce_sum3A_181 = arith.constant dense<0.000000e+00> : vector<128xf32>
      %reduce_sum3A_182 = vector.multi_reduction <add>, %add3A_93, %reduce_sum3A_181 [0] : vector<800x128xf32> to vector<128xf32>
      %broadcast_in_dim3A_183 = vector.shape_cast %reduce_sum3A_182 : vector<128xf32> to vector<1x128xf32>
      %mul3A_184 = arith.mulf %add3A_93, %add3A_93 : vector<800x128xf32>
      %reduce_sum3A_185 = arith.constant dense<0.000000e+00> : vector<128xf32>
      %reduce_sum3A_186 = vector.multi_reduction <add>, %mul3A_184, %reduce_sum3A_185 [0] : vector<800x128xf32> to vector<128xf32>
      %broadcast_in_dim3A_187 = vector.shape_cast %reduce_sum3A_186 : vector<128xf32> to vector<1x128xf32>
      %add3A_188 = arith.addf %broadcast_in_dim3A, %broadcast_in_dim3A_176 : vector<1x128xf32>
      %add3A_189 = arith.addf %broadcast_in_dim3A_148, %broadcast_in_dim3A_180 : vector<1x128xf32>
      %add3A_190 = arith.addf %broadcast_in_dim3A_151, %broadcast_in_dim3A_183 : vector<1x128xf32>
      %add3A_191 = arith.addf %broadcast_in_dim3A_155, %broadcast_in_dim3A_187 : vector<1x128xf32>
      %convert_element_type3A_192 = arith.truncf %add3A_104 : vector<800x128xf32> to vector<800x128xbf16>
      %mul3A_193 = arith.constant 800 : i32
      %mul3A_194 = arith.muli %arg1, %mul3A_193 : i32
      %swap3A_195 = arith.constant 2 : index
      %swap3A_196 = arith.index_cast %mul3A_194 : i32 to index
      %swap3A_197 = arith.constant 0 : index
      %swap3A_198 = vector.load %arg24[%swap3A_195, %swap3A_196, %swap3A_197] : memref<8x20000x128xbf16, #tpu.memory_space<vmem>>, vector<1x800x128xbf16>
      %swap3A_199 = vector.shape_cast %swap3A_198 : vector<1x800x128xbf16> to vector<800x128xbf16>
      %swap3A_200 = vector.shape_cast %convert_element_type3A_192 : vector<800x128xbf16> to vector<1x800x128xbf16>
      tpu.vector_store %arg24[%swap3A_195, %swap3A_196, %swap3A_197], %swap3A_200 {strides = array<i32>} : memref<8x20000x128xbf16, #tpu.memory_space<vmem>>, vector<1x800x128xbf16>,
      %convert_element_type3A_201 = arith.truncf %add3A_110 : vector<800x128xf32> to vector<800x128xbf16>
      %mul3A_202 = arith.constant 800 : i32
      %mul3A_203 = arith.muli %arg1, %mul3A_202 : i32
      %swap3A_204 = arith.constant 6 : index
      %swap3A_205 = arith.index_cast %mul3A_203 : i32 to index
      %swap3A_206 = arith.constant 0 : index
      %swap3A_207 = vector.load %arg24[%swap3A_204, %swap3A_205, %swap3A_206] : memref<8x20000x128xbf16, #tpu.memory_space<vmem>>, vector<1x800x128xbf16>
      %swap3A_208 = vector.shape_cast %swap3A_207 : vector<1x800x128xbf16> to vector<800x128xbf16>
      %swap3A_209 = vector.shape_cast %convert_element_type3A_201 : vector<800x128xbf16> to vector<1x800x128xbf16>
      tpu.vector_store %arg24[%swap3A_204, %swap3A_205, %swap3A_206], %swap3A_209 {strides = array<i32>} : memref<8x20000x128xbf16, #tpu.memory_space<vmem>>, vector<1x800x128xbf16>,
      %reduce_sum3A_210 = arith.constant dense<0.000000e+00> : vector<128xf32>
      %reduce_sum3A_211 = vector.multi_reduction <add>, %add3A_104, %reduce_sum3A_210 [0] : vector<800x128xf32> to vector<128xf32>
      %broadcast_in_dim3A_212 = vector.shape_cast %reduce_sum3A_211 : vector<128xf32> to vector<1x128xf32>
      %mul3A_213 = arith.mulf %add3A_104, %add3A_104 : vector<800x128xf32>
      %reduce_sum3A_214 = arith.constant dense<0.000000e+00> : vector<128xf32>
      %reduce_sum3A_215 = vector.multi_reduction <add>, %mul3A_213, %reduce_sum3A_214 [0] : vector<800x128xf32> to vector<128xf32>
      %broadcast_in_dim3A_216 = vector.shape_cast %reduce_sum3A_215 : vector<128xf32> to vector<1x128xf32>
      %reduce_sum3A_217 = arith.constant dense<0.000000e+00> : vector<128xf32>
      %reduce_sum3A_218 = vector.multi_reduction <add>, %add3A_110, %reduce_sum3A_217 [0] : vector<800x128xf32> to vector<128xf32>
      %broadcast_in_dim3A_219 = vector.shape_cast %reduce_sum3A_218 : vector<128xf32> to vector<1x128xf32>
      %mul3A_220 = arith.mulf %add3A_110, %add3A_110 : vector<800x128xf32>
      %reduce_sum3A_221 = arith.constant dense<0.000000e+00> : vector<128xf32>
      %reduce_sum3A_222 = vector.multi_reduction <add>, %mul3A_220, %reduce_sum3A_221 [0] : vector<800x128xf32> to vector<128xf32>
      %broadcast_in_dim3A_223 = vector.shape_cast %reduce_sum3A_222 : vector<128xf32> to vector<1x128xf32>
      %add3A_224 = arith.addf %add3A_188, %broadcast_in_dim3A_212 : vector<1x128xf32>
      %add3A_225 = arith.addf %add3A_189, %broadcast_in_dim3A_216 : vector<1x128xf32>
      %add3A_226 = arith.addf %add3A_190, %broadcast_in_dim3A_219 : vector<1x128xf32>
      %add3A_227 = arith.addf %add3A_191, %broadcast_in_dim3A_223 : vector<1x128xf32>
      %convert_element_type3A_228 = arith.truncf %add3A_121 : vector<800x128xf32> to vector<800x128xbf16>
      %mul3A_229 = arith.constant 800 : i32
      %mul3A_230 = arith.muli %arg1, %mul3A_229 : i32
      %swap3A_231 = arith.constant 3 : index
      %swap3A_232 = arith.index_cast %mul3A_230 : i32 to index
      %swap3A_233 = arith.constant 0 : index
      %swap3A_234 = vector.load %arg24[%swap3A_231, %swap3A_232, %swap3A_233] : memref<8x20000x128xbf16, #tpu.memory_space<vmem>>, vector<1x800x128xbf16>
      %swap3A_235 = vector.shape_cast %swap3A_234 : vector<1x800x128xbf16> to vector<800x128xbf16>
      %swap3A_236 = vector.shape_cast %convert_element_type3A_228 : vector<800x128xbf16> to vector<1x800x128xbf16>
      tpu.vector_store %arg24[%swap3A_231, %swap3A_232, %swap3A_233], %swap3A_236 {strides = array<i32>} : memref<8x20000x128xbf16, #tpu.memory_space<vmem>>, vector<1x800x128xbf16>,
      %convert_element_type3A_237 = arith.truncf %add3A_127 : vector<800x128xf32> to vector<800x128xbf16>
      %mul3A_238 = arith.constant 800 : i32
      %mul3A_239 = arith.muli %arg1, %mul3A_238 : i32
      %swap3A_240 = arith.constant 7 : index
      %swap3A_241 = arith.index_cast %mul3A_239 : i32 to index
      %swap3A_242 = arith.constant 0 : index
      %swap3A_243 = vector.load %arg24[%swap3A_240, %swap3A_241, %swap3A_242] : memref<8x20000x128xbf16, #tpu.memory_space<vmem>>, vector<1x800x128xbf16>
      %swap3A_244 = vector.shape_cast %swap3A_243 : vector<1x800x128xbf16> to vector<800x128xbf16>
      %swap3A_245 = vector.shape_cast %convert_element_type3A_237 : vector<800x128xbf16> to vector<1x800x128xbf16>
      tpu.vector_store %arg24[%swap3A_240, %swap3A_241, %swap3A_242], %swap3A_245 {strides = array<i32>} : memref<8x20000x128xbf16, #tpu.memory_space<vmem>>, vector<1x800x128xbf16>,
      %reduce_sum3A_246 = arith.constant dense<0.000000e+00> : vector<128xf32>
      %reduce_sum3A_247 = vector.multi_reduction <add>, %add3A_121, %reduce_sum3A_246 [0] : vector<800x128xf32> to vector<128xf32>
      %broadcast_in_dim3A_248 = vector.shape_cast %reduce_sum3A_247 : vector<128xf32> to vector<1x128xf32>
      %mul3A_249 = arith.mulf %add3A_121, %add3A_121 : vector<800x128xf32>
      %reduce_sum3A_250 = arith.constant dense<0.000000e+00> : vector<128xf32>
      %reduce_sum3A_251 = vector.multi_reduction <add>, %mul3A_249, %reduce_sum3A_250 [0] : vector<800x128xf32> to vector<128xf32>
      %broadcast_in_dim3A_252 = vector.shape_cast %reduce_sum3A_251 : vector<128xf32> to vector<1x128xf32>
      %reduce_sum3A_253 = arith.constant dense<0.000000e+00> : vector<128xf32>
      %reduce_sum3A_254 = vector.multi_reduction <add>, %add3A_127, %reduce_sum3A_253 [0] : vector<800x128xf32> to vector<128xf32>
      %broadcast_in_dim3A_255 = vector.shape_cast %reduce_sum3A_254 : vector<128xf32> to vector<1x128xf32>
      %mul3A_256 = arith.mulf %add3A_127, %add3A_127 : vector<800x128xf32>
      %reduce_sum3A_257 = arith.constant dense<0.000000e+00> : vector<128xf32>
      %reduce_sum3A_258 = vector.multi_reduction <add>, %mul3A_256, %reduce_sum3A_257 [0] : vector<800x128xf32> to vector<128xf32>
      %broadcast_in_dim3A_259 = vector.shape_cast %reduce_sum3A_258 : vector<128xf32> to vector<1x128xf32>
      %add3A_260 = arith.addf %add3A_224, %broadcast_in_dim3A_248 : vector<1x128xf32>
      %add3A_261 = arith.addf %add3A_225, %broadcast_in_dim3A_252 : vector<1x128xf32>
      %add3A_262 = arith.addf %add3A_226, %broadcast_in_dim3A_255 : vector<1x128xf32>
      %add3A_263 = arith.addf %add3A_227, %broadcast_in_dim3A_259 : vector<1x128xf32>
      %concatenate3A = tpu.concatenate %add3A_260, %add3A_261, %add3A_262, %add3A_263 in 0 : vector<1x128xf32>, vector<1x128xf32>, vector<1x128xf32>, vector<1x128xf32> -> vector<4x128xf32>
      %eq3A_264 = arith.constant 0 : i32
      %eq3A_265 = arith.cmpi eq, %arg1, %eq3A_264 : i32
      %convert_element_type3A_266 = arith.extui %eq3A_265 : i1 to i32
      %cond3A_267 = arith.constant 0 : i32
      %cond3A_268 = arith.cmpi ne, %convert_element_type3A_266, %cond3A_267 : i32
      scf.if %cond3A_268 {
        %broadcast_in_dim3A_276 = arith.constant 0.000000e+00 : f32
        %broadcast_in_dim3A_277 = vector.broadcast %broadcast_in_dim3A_276 : f32 to vector<4x128xf32>
        %swap3A_278 = arith.constant 0 : index
        %swap3A_279 = arith.constant 0 : index
        %swap3A_280 = vector.load %arg25[%swap3A_278, %swap3A_279] : memref<4x128xf32, #tpu.memory_space<vmem>>, vector<4x128xf32>
        tpu.vector_store %arg25[%swap3A_278, %swap3A_279], %broadcast_in_dim3A_277 {strides = array<i32>} : memref<4x128xf32, #tpu.memory_space<vmem>>, vector<4x128xf32>,
      } else {
      }
      %get3A_269 = arith.constant 0 : index
      %get3A_270 = arith.constant 0 : index
      %get3A_271 = vector.load %arg25[%get3A_269, %get3A_270] : memref<4x128xf32, #tpu.memory_space<vmem>>, vector<4x128xf32>
      %add3A_272 = arith.addf %get3A_271, %concatenate3A : vector<4x128xf32>
      %swap3A_273 = arith.constant 0 : index
      %swap3A_274 = arith.constant 0 : index
      %swap3A_275 = vector.load %arg25[%swap3A_273, %swap3A_274] : memref<4x128xf32, #tpu.memory_space<vmem>>, vector<4x128xf32>
      tpu.vector_store %arg25[%swap3A_273, %swap3A_274], %add3A_272 {strides = array<i32>} : memref<4x128xf32, #tpu.memory_space<vmem>>, vector<4x128xf32>,
    } else {
    }
    %eq3A_2 = arith.constant 1 : i32
    %eq3A_3 = arith.cmpi eq, %arg0, %eq3A_2 : i32
    %convert_element_type3A_4 = arith.extui %eq3A_3 : i1 to i32
    %cond3A_5 = arith.constant 0 : i32
    %cond3A_6 = arith.cmpi ne, %convert_element_type3A_4, %cond3A_5 : i32
    scf.if %cond3A_6 {
      %get3A = arith.constant 0 : index
      %get3A_12 = arith.constant 0 : index
      %get3A_13 = vector.load %arg25[%get3A, %get3A_12] : memref<4x128xf32, #tpu.memory_space<vmem>>, vector<4x128xf32>
      %get3A_14 = arith.constant 0 : index
      %get3A_15 = arith.constant 0 : index
      %get3A_16 = vector.load %arg21[%get3A_14, %get3A_15] : memref<128x128xf32, #tpu.memory_space<vmem>>, vector<128x128xf32>
      %dot_general3A = arith.constant dense<0.000000e+00> : vector<4x128xf32>
      %dot_general3A_17 = tpu.matmul %get3A_13, %get3A_16, %dot_general3A {dimension_numbers = #tpu.dot_dimension_numbers<[1], [0], [0], [1], [0, 0, 1, 1], [], []>, transpose_lhs_hint = false} : vector<4x128xf32>, vector<128x128xf32>, vector<4x128xf32> -> vector<4x128xf32>
      %slice3A = vector.extract_strided_slice %dot_general3A_17 {offsets = [0, 0], sizes = [1, 128], strides = [1, 1]} : vector<4x128xf32> to vector<1x128xf32>
      %div3A = arith.constant 3.200000e+05 : f32
      %div3A_18 = vector.broadcast %div3A : f32 to vector<1x128xf32>
      %div3A_19 = arith.divf %slice3A, %div3A_18 : vector<1x128xf32>
      %slice3A_20 = vector.extract_strided_slice %dot_general3A_17 {offsets = [1, 0], sizes = [1, 128], strides = [1, 1]} : vector<4x128xf32> to vector<1x128xf32>
      %div3A_21 = arith.constant 3.200000e+05 : f32
      %div3A_22 = vector.broadcast %div3A_21 : f32 to vector<1x128xf32>
      %div3A_23 = arith.divf %slice3A_20, %div3A_22 : vector<1x128xf32>
      %mul3A = arith.mulf %div3A_19, %div3A_19 : vector<1x128xf32>
      %sub3A = arith.subf %div3A_23, %mul3A : vector<1x128xf32>
      %get3A_24 = arith.constant 0 : index
      %get3A_25 = arith.constant 0 : index
      %get3A_26 = vector.load %arg15[%get3A_24, %get3A_25] : memref<1x128xf32, #tpu.memory_space<vmem>>, vector<1x128xf32>
      %add3A = arith.constant 9.99999974E-6 : f32
      %add3A_27 = vector.broadcast %add3A : f32 to vector<1x128xf32>
      %add3A_28 = arith.addf %sub3A, %add3A_27 : vector<1x128xf32>
      %rsqrt3A = math.rsqrt %add3A_28 : vector<1x128xf32>
      %mul3A_29 = arith.mulf %get3A_26, %rsqrt3A : vector<1x128xf32>
      %get3A_30 = arith.constant 0 : index
      %get3A_31 = arith.constant 0 : index
      %get3A_32 = vector.load %arg16[%get3A_30, %get3A_31] : memref<1x128xf32, #tpu.memory_space<vmem>>, vector<1x128xf32>
      %mul3A_33 = arith.mulf %div3A_19, %mul3A_29 : vector<1x128xf32>
      %sub3A_34 = arith.subf %get3A_32, %mul3A_33 : vector<1x128xf32>
      %slice3A_35 = vector.extract_strided_slice %dot_general3A_17 {offsets = [2, 0], sizes = [1, 128], strides = [1, 1]} : vector<4x128xf32> to vector<1x128xf32>
      %div3A_36 = arith.constant 3.200000e+05 : f32
      %div3A_37 = vector.broadcast %div3A_36 : f32 to vector<1x128xf32>
      %div3A_38 = arith.divf %slice3A_35, %div3A_37 : vector<1x128xf32>
      %slice3A_39 = vector.extract_strided_slice %dot_general3A_17 {offsets = [3, 0], sizes = [1, 128], strides = [1, 1]} : vector<4x128xf32> to vector<1x128xf32>
      %div3A_40 = arith.constant 3.200000e+05 : f32
      %div3A_41 = vector.broadcast %div3A_40 : f32 to vector<1x128xf32>
      %div3A_42 = arith.divf %slice3A_39, %div3A_41 : vector<1x128xf32>
      %mul3A_43 = arith.mulf %div3A_38, %div3A_38 : vector<1x128xf32>
      %sub3A_44 = arith.subf %div3A_42, %mul3A_43 : vector<1x128xf32>
      %get3A_45 = arith.constant 0 : index
      %get3A_46 = arith.constant 0 : index
      %get3A_47 = vector.load %arg17[%get3A_45, %get3A_46] : memref<1x128xf32, #tpu.memory_space<vmem>>, vector<1x128xf32>
      %add3A_48 = arith.constant 9.99999974E-6 : f32
      %add3A_49 = vector.broadcast %add3A_48 : f32 to vector<1x128xf32>
      %add3A_50 = arith.addf %sub3A_44, %add3A_49 : vector<1x128xf32>
      %rsqrt3A_51 = math.rsqrt %add3A_50 : vector<1x128xf32>
      %mul3A_52 = arith.mulf %get3A_47, %rsqrt3A_51 : vector<1x128xf32>
      %get3A_53 = arith.constant 0 : index
      %get3A_54 = arith.constant 0 : index
      %get3A_55 = vector.load %arg18[%get3A_53, %get3A_54] : memref<1x128xf32, #tpu.memory_space<vmem>>, vector<1x128xf32>
      %mul3A_56 = arith.mulf %div3A_38, %mul3A_52 : vector<1x128xf32>
      %sub3A_57 = arith.subf %get3A_55, %mul3A_56 : vector<1x128xf32>
      %mul3A_58 = arith.constant 800 : i32
      %mul3A_59 = arith.muli %arg1, %mul3A_58 : i32
      %get3A_60 = arith.constant 0 : index
      %get3A_61 = arith.index_cast %mul3A_59 : i32 to index
      %get3A_62 = arith.constant 0 : index
      %get3A_63 = vector.load %arg24[%get3A_60, %get3A_61, %get3A_62] : memref<8x20000x128xbf16, #tpu.memory_space<vmem>>, vector<1x800x128xbf16>
      %get3A_64 = vector.shape_cast %get3A_63 : vector<1x800x128xbf16> to vector<800x128xbf16>
      %mul3A_65 = arith.constant 800 : i32
      %mul3A_66 = arith.muli %arg1, %mul3A_65 : i32
      %get3A_67 = arith.constant 4 : index
      %get3A_68 = arith.index_cast %mul3A_66 : i32 to index
      %get3A_69 = arith.constant 0 : index
      %get3A_70 = vector.load %arg24[%get3A_67, %get3A_68, %get3A_69] : memref<8x20000x128xbf16, #tpu.memory_space<vmem>>, vector<1x800x128xbf16>
      %get3A_71 = vector.shape_cast %get3A_70 : vector<1x800x128xbf16> to vector<800x128xbf16>
      %convert_element_type3A_72 = arith.extf %get3A_64 : vector<800x128xbf16> to vector<800x128xf32>
      %mul3A_73 = vector.broadcast %mul3A_29 : vector<1x128xf32> to vector<800x128xf32>
      %mul3A_74 = arith.mulf %convert_element_type3A_72, %mul3A_73 : vector<800x128xf32>
      %add3A_75 = vector.broadcast %sub3A_34 : vector<1x128xf32> to vector<800x128xf32>
      %add3A_76 = arith.addf %mul3A_74, %add3A_75 : vector<800x128xf32>
      %logistic3A = arith.negf %add3A_76 : vector<800x128xf32>
      %logistic3A_77 = math.exp %logistic3A : vector<800x128xf32>
      %logistic3A_78 = arith.constant 1.000000e+00 : f32
      %logistic3A_79 = vector.broadcast %logistic3A_78 : f32 to vector<800x128xf32>
      %logistic3A_80 = arith.addf %logistic3A_79, %logistic3A_77 : vector<800x128xf32>
      %logistic3A_81 = arith.divf %logistic3A_79, %logistic3A_80 : vector<800x128xf32>
      %convert_element_type3A_82 = arith.extf %get3A_71 : vector<800x128xbf16> to vector<800x128xf32>
      %mul3A_83 = vector.broadcast %mul3A_52 : vector<1x128xf32> to vector<800x128xf32>
      %mul3A_84 = arith.mulf %convert_element_type3A_82, %mul3A_83 : vector<800x128xf32>
      %add3A_85 = vector.broadcast %sub3A_57 : vector<1x128xf32> to vector<800x128xf32>
      %add3A_86 = arith.addf %mul3A_84, %add3A_85 : vector<800x128xf32>
      %max3A = arith.constant 0.000000e+00 : f32
      %max3A_87 = vector.broadcast %max3A : f32 to vector<800x128xf32>
      %max3A_88 = arith.maximumf %add3A_86, %max3A_87 : vector<800x128xf32>
      %mul3A_89 = arith.mulf %logistic3A_81, %max3A_88 : vector<800x128xf32>
      %mul3A_90 = arith.constant 800 : i32
      %mul3A_91 = arith.muli %arg1, %mul3A_90 : i32
      %get3A_92 = arith.constant 1 : index
      %get3A_93 = arith.index_cast %mul3A_91 : i32 to index
      %get3A_94 = arith.constant 0 : index
      %get3A_95 = vector.load %arg24[%get3A_92, %get3A_93, %get3A_94] : memref<8x20000x128xbf16, #tpu.memory_space<vmem>>, vector<1x800x128xbf16>
      %get3A_96 = vector.shape_cast %get3A_95 : vector<1x800x128xbf16> to vector<800x128xbf16>
      %mul3A_97 = arith.constant 800 : i32
      %mul3A_98 = arith.muli %arg1, %mul3A_97 : i32
      %get3A_99 = arith.constant 5 : index
      %get3A_100 = arith.index_cast %mul3A_98 : i32 to index
      %get3A_101 = arith.constant 0 : index
      %get3A_102 = vector.load %arg24[%get3A_99, %get3A_100, %get3A_101] : memref<8x20000x128xbf16, #tpu.memory_space<vmem>>, vector<1x800x128xbf16>
      %get3A_103 = vector.shape_cast %get3A_102 : vector<1x800x128xbf16> to vector<800x128xbf16>
      %convert_element_type3A_104 = arith.extf %get3A_96 : vector<800x128xbf16> to vector<800x128xf32>
      %mul3A_105 = vector.broadcast %mul3A_29 : vector<1x128xf32> to vector<800x128xf32>
      %mul3A_106 = arith.mulf %convert_element_type3A_104, %mul3A_105 : vector<800x128xf32>
      %add3A_107 = vector.broadcast %sub3A_34 : vector<1x128xf32> to vector<800x128xf32>
      %add3A_108 = arith.addf %mul3A_106, %add3A_107 : vector<800x128xf32>
      %logistic3A_109 = arith.negf %add3A_108 : vector<800x128xf32>
      %logistic3A_110 = math.exp %logistic3A_109 : vector<800x128xf32>
      %logistic3A_111 = arith.constant 1.000000e+00 : f32
      %logistic3A_112 = vector.broadcast %logistic3A_111 : f32 to vector<800x128xf32>
      %logistic3A_113 = arith.addf %logistic3A_112, %logistic3A_110 : vector<800x128xf32>
      %logistic3A_114 = arith.divf %logistic3A_112, %logistic3A_113 : vector<800x128xf32>
      %convert_element_type3A_115 = arith.extf %get3A_103 : vector<800x128xbf16> to vector<800x128xf32>
      %mul3A_116 = vector.broadcast %mul3A_52 : vector<1x128xf32> to vector<800x128xf32>
      %mul3A_117 = arith.mulf %convert_element_type3A_115, %mul3A_116 : vector<800x128xf32>
      %add3A_118 = vector.broadcast %sub3A_57 : vector<1x128xf32> to vector<800x128xf32>
      %add3A_119 = arith.addf %mul3A_117, %add3A_118 : vector<800x128xf32>
      %max3A_120 = arith.constant 0.000000e+00 : f32
      %max3A_121 = vector.broadcast %max3A_120 : f32 to vector<800x128xf32>
      %max3A_122 = arith.maximumf %add3A_119, %max3A_121 : vector<800x128xf32>
      %mul3A_123 = arith.mulf %logistic3A_114, %max3A_122 : vector<800x128xf32>
      %add3A_124 = arith.addf %mul3A_89, %mul3A_123 : vector<800x128xf32>
      %mul3A_125 = arith.constant 800 : i32
      %mul3A_126 = arith.muli %arg1, %mul3A_125 : i32
      %get3A_127 = arith.constant 2 : index
      %get3A_128 = arith.index_cast %mul3A_126 : i32 to index
      %get3A_129 = arith.constant 0 : index
      %get3A_130 = vector.load %arg24[%get3A_127, %get3A_128, %get3A_129] : memref<8x20000x128xbf16, #tpu.memory_space<vmem>>, vector<1x800x128xbf16>
      %get3A_131 = vector.shape_cast %get3A_130 : vector<1x800x128xbf16> to vector<800x128xbf16>
      %mul3A_132 = arith.constant 800 : i32
      %mul3A_133 = arith.muli %arg1, %mul3A_132 : i32
      %get3A_134 = arith.constant 6 : index
      %get3A_135 = arith.index_cast %mul3A_133 : i32 to index
      %get3A_136 = arith.constant 0 : index
      %get3A_137 = vector.load %arg24[%get3A_134, %get3A_135, %get3A_136] : memref<8x20000x128xbf16, #tpu.memory_space<vmem>>, vector<1x800x128xbf16>
      %get3A_138 = vector.shape_cast %get3A_137 : vector<1x800x128xbf16> to vector<800x128xbf16>
      %convert_element_type3A_139 = arith.extf %get3A_131 : vector<800x128xbf16> to vector<800x128xf32>
      %mul3A_140 = vector.broadcast %mul3A_29 : vector<1x128xf32> to vector<800x128xf32>
      %mul3A_141 = arith.mulf %convert_element_type3A_139, %mul3A_140 : vector<800x128xf32>
      %add3A_142 = vector.broadcast %sub3A_34 : vector<1x128xf32> to vector<800x128xf32>
      %add3A_143 = arith.addf %mul3A_141, %add3A_142 : vector<800x128xf32>
      %logistic3A_144 = arith.negf %add3A_143 : vector<800x128xf32>
      %logistic3A_145 = math.exp %logistic3A_144 : vector<800x128xf32>
      %logistic3A_146 = arith.constant 1.000000e+00 : f32
      %logistic3A_147 = vector.broadcast %logistic3A_146 : f32 to vector<800x128xf32>
      %logistic3A_148 = arith.addf %logistic3A_147, %logistic3A_145 : vector<800x128xf32>
      %logistic3A_149 = arith.divf %logistic3A_147, %logistic3A_148 : vector<800x128xf32>
      %convert_element_type3A_150 = arith.extf %get3A_138 : vector<800x128xbf16> to vector<800x128xf32>
      %mul3A_151 = vector.broadcast %mul3A_52 : vector<1x128xf32> to vector<800x128xf32>
      %mul3A_152 = arith.mulf %convert_element_type3A_150, %mul3A_151 : vector<800x128xf32>
      %add3A_153 = vector.broadcast %sub3A_57 : vector<1x128xf32> to vector<800x128xf32>
      %add3A_154 = arith.addf %mul3A_152, %add3A_153 : vector<800x128xf32>
      %max3A_155 = arith.constant 0.000000e+00 : f32
      %max3A_156 = vector.broadcast %max3A_155 : f32 to vector<800x128xf32>
      %max3A_157 = arith.maximumf %add3A_154, %max3A_156 : vector<800x128xf32>
      %mul3A_158 = arith.mulf %logistic3A_149, %max3A_157 : vector<800x128xf32>
      %add3A_159 = arith.addf %add3A_124, %mul3A_158 : vector<800x128xf32>
      %mul3A_160 = arith.constant 800 : i32
      %mul3A_161 = arith.muli %arg1, %mul3A_160 : i32
      %get3A_162 = arith.constant 3 : index
      %get3A_163 = arith.index_cast %mul3A_161 : i32 to index
      %get3A_164 = arith.constant 0 : index
      %get3A_165 = vector.load %arg24[%get3A_162, %get3A_163, %get3A_164] : memref<8x20000x128xbf16, #tpu.memory_space<vmem>>, vector<1x800x128xbf16>
      %get3A_166 = vector.shape_cast %get3A_165 : vector<1x800x128xbf16> to vector<800x128xbf16>
      %mul3A_167 = arith.constant 800 : i32
      %mul3A_168 = arith.muli %arg1, %mul3A_167 : i32
      %get3A_169 = arith.constant 7 : index
      %get3A_170 = arith.index_cast %mul3A_168 : i32 to index
      %get3A_171 = arith.constant 0 : index
      %get3A_172 = vector.load %arg24[%get3A_169, %get3A_170, %get3A_171] : memref<8x20000x128xbf16, #tpu.memory_space<vmem>>, vector<1x800x128xbf16>
      %get3A_173 = vector.shape_cast %get3A_172 : vector<1x800x128xbf16> to vector<800x128xbf16>
      %convert_element_type3A_174 = arith.extf %get3A_166 : vector<800x128xbf16> to vector<800x128xf32>
      %mul3A_175 = vector.broadcast %mul3A_29 : vector<1x128xf32> to vector<800x128xf32>
      %mul3A_176 = arith.mulf %convert_element_type3A_174, %mul3A_175 : vector<800x128xf32>
      %add3A_177 = vector.broadcast %sub3A_34 : vector<1x128xf32> to vector<800x128xf32>
      %add3A_178 = arith.addf %mul3A_176, %add3A_177 : vector<800x128xf32>
      %logistic3A_179 = arith.negf %add3A_178 : vector<800x128xf32>
      %logistic3A_180 = math.exp %logistic3A_179 : vector<800x128xf32>
      %logistic3A_181 = arith.constant 1.000000e+00 : f32
      %logistic3A_182 = vector.broadcast %logistic3A_181 : f32 to vector<800x128xf32>
      %logistic3A_183 = arith.addf %logistic3A_182, %logistic3A_180 : vector<800x128xf32>
      %logistic3A_184 = arith.divf %logistic3A_182, %logistic3A_183 : vector<800x128xf32>
      %convert_element_type3A_185 = arith.extf %get3A_173 : vector<800x128xbf16> to vector<800x128xf32>
      %mul3A_186 = vector.broadcast %mul3A_52 : vector<1x128xf32> to vector<800x128xf32>
      %mul3A_187 = arith.mulf %convert_element_type3A_185, %mul3A_186 : vector<800x128xf32>
      %add3A_188 = vector.broadcast %sub3A_57 : vector<1x128xf32> to vector<800x128xf32>
      %add3A_189 = arith.addf %mul3A_187, %add3A_188 : vector<800x128xf32>
      %max3A_190 = arith.constant 0.000000e+00 : f32
      %max3A_191 = vector.broadcast %max3A_190 : f32 to vector<800x128xf32>
      %max3A_192 = arith.maximumf %add3A_189, %max3A_191 : vector<800x128xf32>
      %mul3A_193 = arith.mulf %logistic3A_184, %max3A_192 : vector<800x128xf32>
      %add3A_194 = arith.addf %add3A_159, %mul3A_193 : vector<800x128xf32>
      %get3A_195 = arith.constant 0 : index
      %get3A_196 = arith.constant 0 : index
      %get3A_197 = vector.load %arg22[%get3A_195, %get3A_196] : memref<128x32xf32, #tpu.memory_space<vmem>>, vector<128x32xf32>
      %dot_general3A_198 = arith.constant dense<0.000000e+00> : vector<800x32xf32>
      %dot_general3A_199 = tpu.matmul %add3A_194, %get3A_197, %dot_general3A_198 {dimension_numbers = #tpu.dot_dimension_numbers<[1], [0], [0], [1], [0, 0, 1, 1], [], []>, transpose_lhs_hint = false} : vector<800x128xf32>, vector<128x32xf32>, vector<800x32xf32> -> vector<800x32xf32>
      %mul3A_200 = arith.constant 800 : i32
      %mul3A_201 = arith.muli %arg1, %mul3A_200 : i32
      %swap3A = arith.index_cast %mul3A_201 : i32 to index
      %swap3A_202 = arith.constant 0 : index
      %swap3A_203 = vector.load %arg26[%swap3A, %swap3A_202] : memref<20000x32xf32, #tpu.memory_space<vmem>>, vector<800x32xf32>
      tpu.vector_store %arg26[%swap3A, %swap3A_202], %dot_general3A_199 {strides = array<i32>} : memref<20000x32xf32, #tpu.memory_space<vmem>>, vector<800x32xf32>,
      %reduce_sum3A = arith.constant dense<0.000000e+00> : vector<32xf32>
      %reduce_sum3A_204 = vector.multi_reduction <add>, %dot_general3A_199, %reduce_sum3A [0] : vector<800x32xf32> to vector<32xf32>
      %broadcast_in_dim3A = vector.shape_cast %reduce_sum3A_204 : vector<32xf32> to vector<1x32xf32>
      %mul3A_205 = arith.mulf %dot_general3A_199, %dot_general3A_199 : vector<800x32xf32>
      %reduce_sum3A_206 = arith.constant dense<0.000000e+00> : vector<32xf32>
      %reduce_sum3A_207 = vector.multi_reduction <add>, %mul3A_205, %reduce_sum3A_206 [0] : vector<800x32xf32> to vector<32xf32>
      %broadcast_in_dim3A_208 = vector.shape_cast %reduce_sum3A_207 : vector<32xf32> to vector<1x32xf32>
      %eq3A_209 = arith.constant 0 : i32
      %eq3A_210 = arith.cmpi eq, %arg1, %eq3A_209 : i32
      %convert_element_type3A_211 = arith.extui %eq3A_210 : i1 to i32
      %cond3A_212 = arith.constant 0 : i32
      %cond3A_213 = arith.cmpi ne, %convert_element_type3A_211, %cond3A_212 : i32
      scf.if %cond3A_213 {
        %broadcast_in_dim3A_221 = arith.constant 0.000000e+00 : f32
        %broadcast_in_dim3A_222 = vector.broadcast %broadcast_in_dim3A_221 : f32 to vector<2x32xf32>
        %swap3A_223 = arith.constant 0 : index
        %swap3A_224 = arith.constant 0 : index
        %swap3A_225 = vector.load %arg27[%swap3A_223, %swap3A_224] : memref<2x32xf32, #tpu.memory_space<vmem>>, vector<2x32xf32>
        tpu.vector_store %arg27[%swap3A_223, %swap3A_224], %broadcast_in_dim3A_222 {strides = array<i32>} : memref<2x32xf32, #tpu.memory_space<vmem>>, vector<2x32xf32>,
      } else {
      }
      %get3A_214 = arith.constant 0 : index
      %get3A_215 = arith.constant 0 : index
      %get3A_216 = vector.load %arg27[%get3A_214, %get3A_215] : memref<2x32xf32, #tpu.memory_space<vmem>>, vector<2x32xf32>
      %concatenate3A = tpu.concatenate %broadcast_in_dim3A, %broadcast_in_dim3A_208 in 0 : vector<1x32xf32>, vector<1x32xf32> -> vector<2x32xf32>
      %add3A_217 = arith.addf %get3A_216, %concatenate3A : vector<2x32xf32>
      %swap3A_218 = arith.constant 0 : index
      %swap3A_219 = arith.constant 0 : index
      %swap3A_220 = vector.load %arg27[%swap3A_218, %swap3A_219] : memref<2x32xf32, #tpu.memory_space<vmem>>, vector<2x32xf32>
      tpu.vector_store %arg27[%swap3A_218, %swap3A_219], %add3A_217 {strides = array<i32>} : memref<2x32xf32, #tpu.memory_space<vmem>>, vector<2x32xf32>,
    } else {
    }
    %eq3A_7 = arith.constant 2 : i32
    %eq3A_8 = arith.cmpi eq, %arg0, %eq3A_7 : i32
    %convert_element_type3A_9 = arith.extui %eq3A_8 : i1 to i32
    %cond3A_10 = arith.constant 0 : i32
    %cond3A_11 = arith.cmpi ne, %convert_element_type3A_9, %cond3A_10 : i32
    scf.if %cond3A_11 {
      %get3A = arith.constant 0 : index
      %get3A_12 = arith.constant 0 : index
      %get3A_13 = vector.load %arg27[%get3A, %get3A_12] : memref<2x32xf32, #tpu.memory_space<vmem>>, vector<2x32xf32>
      %slice3A = vector.extract_strided_slice %get3A_13 {offsets = [0, 0], sizes = [1, 32], strides = [1, 1]} : vector<2x32xf32> to vector<1x32xf32>
      %div3A = arith.constant 2.000000e+04 : f32
      %div3A_14 = vector.broadcast %div3A : f32 to vector<1x32xf32>
      %div3A_15 = arith.divf %slice3A, %div3A_14 : vector<1x32xf32>
      %slice3A_16 = vector.extract_strided_slice %get3A_13 {offsets = [1, 0], sizes = [1, 32], strides = [1, 1]} : vector<2x32xf32> to vector<1x32xf32>
      %div3A_17 = arith.constant 2.000000e+04 : f32
      %div3A_18 = vector.broadcast %div3A_17 : f32 to vector<1x32xf32>
      %div3A_19 = arith.divf %slice3A_16, %div3A_18 : vector<1x32xf32>
      %mul3A = arith.mulf %div3A_15, %div3A_15 : vector<1x32xf32>
      %sub3A = arith.subf %div3A_19, %mul3A : vector<1x32xf32>
      %get3A_20 = arith.constant 0 : index
      %get3A_21 = arith.constant 0 : index
      %get3A_22 = vector.load %arg19[%get3A_20, %get3A_21] : memref<1x32xf32, #tpu.memory_space<vmem>>, vector<1x32xf32>
      %add3A = arith.constant 9.99999974E-6 : f32
      %add3A_23 = vector.broadcast %add3A : f32 to vector<1x32xf32>
      %add3A_24 = arith.addf %sub3A, %add3A_23 : vector<1x32xf32>
      %rsqrt3A = math.rsqrt %add3A_24 : vector<1x32xf32>
      %mul3A_25 = arith.mulf %get3A_22, %rsqrt3A : vector<1x32xf32>
      %get3A_26 = arith.constant 0 : index
      %get3A_27 = arith.constant 0 : index
      %get3A_28 = vector.load %arg20[%get3A_26, %get3A_27] : memref<1x32xf32, #tpu.memory_space<vmem>>, vector<1x32xf32>
      %mul3A_29 = arith.mulf %div3A_15, %mul3A_25 : vector<1x32xf32>
      %sub3A_30 = arith.subf %get3A_28, %mul3A_29 : vector<1x32xf32>
      %mul3A_31 = arith.constant 800 : i32
      %mul3A_32 = arith.muli %arg1, %mul3A_31 : i32
      %get3A_33 = arith.index_cast %mul3A_32 : i32 to index
      %get3A_34 = arith.constant 0 : index
      %get3A_35 = vector.load %arg26[%get3A_33, %get3A_34] : memref<20000x32xf32, #tpu.memory_space<vmem>>, vector<800x32xf32>
      %get3A_36 = arith.constant 0 : index
      %get3A_37 = arith.constant 0 : index
      %get3A_38 = vector.load %arg4[%get3A_36, %get3A_37] : memref<800x32xf32, #tpu.memory_space<vmem>>, vector<800x32xf32>
      %mul3A_39 = vector.broadcast %mul3A_25 : vector<1x32xf32> to vector<800x32xf32>
      %mul3A_40 = arith.mulf %mul3A_39, %get3A_35 : vector<800x32xf32>
      %add3A_41 = arith.addf %get3A_38, %mul3A_40 : vector<800x32xf32>
      %add3A_42 = vector.broadcast %sub3A_30 : vector<1x32xf32> to vector<800x32xf32>
      %add3A_43 = arith.addf %add3A_41, %add3A_42 : vector<800x32xf32>
      %max3A = arith.constant 0.000000e+00 : f32
      %max3A_44 = vector.broadcast %max3A : f32 to vector<800x32xf32>
      %max3A_45 = arith.maximumf %add3A_43, %max3A_44 : vector<800x32xf32>
      %swap3A = arith.constant 0 : index
      %swap3A_46 = arith.constant 0 : index
      %swap3A_47 = vector.load %arg23[%swap3A, %swap3A_46] : memref<800x32xf32, #tpu.memory_space<vmem>>, vector<800x32xf32>
      tpu.vector_store %arg23[%swap3A, %swap3A_46], %max3A_45 {strides = array<i32>} : memref<800x32xf32, #tpu.memory_space<vmem>>, vector<800x32xf32>,
    } else {
    }
    return
  }
  func.func @transform_0(%arg0: i32, %arg1: i32) -> (i32, i32, i32) {
    %eq3A = arith.constant 0 : i32
    %eq3A_0 = arith.cmpi eq, %arg0, %eq3A : i32
    %jit3A = arith.constant 0 : i32
    %select_n3A = arith.select %eq3A_0, %arg1, %jit3A : i32
    %c0_i32 = arith.constant 0 : i32
    %c0_i32_1 = arith.constant 0 : i32
    %c0_i32_2 = arith.constant 0 : i32
    return %c0_i32, %select_n3A, %c0_i32_1 : i32, i32, i32
  }
  func.func @transform_1(%arg0: i32, %arg1: i32) -> (i32, i32, i32) {
    %eq3A = arith.constant 0 : i32
    %eq3A_0 = arith.cmpi eq, %arg0, %eq3A : i32
    %jit3A = arith.constant 0 : i32
    %select_n3A = arith.select %eq3A_0, %arg1, %jit3A : i32
    %c0_i32 = arith.constant 0 : i32
    %c0_i32_1 = arith.constant 0 : i32
    %c0_i32_2 = arith.constant 0 : i32
    return %c0_i32, %select_n3A, %c0_i32_1 : i32, i32, i32
  }
  func.func @transform_2(%arg0: i32, %arg1: i32) -> (i32, i32) {
    %c0_i32 = arith.constant 0 : i32
    %c0_i32_0 = arith.constant 0 : i32
    return %arg1, %c0_i32 : i32, i32
  }
  func.func @transform_3(%arg0: i32, %arg1: i32) -> (i32, i32) {
    %c0_i32 = arith.constant 0 : i32
    %c0_i32_0 = arith.constant 0 : i32
    %c0_i32_1 = arith.constant 0 : i32
    return %c0_i32, %c0_i32_0 : i32, i32
  }
  func.func @transform_4(%arg0: i32, %arg1: i32) -> (i32, i32) {
    %c0_i32 = arith.constant 0 : i32
    %c0_i32_0 = arith.constant 0 : i32
    %c0_i32_1 = arith.constant 0 : i32
    return %c0_i32, %c0_i32_0 : i32, i32
  }
  func.func @transform_5(%arg0: i32, %arg1: i32) -> (i32, i32) {
    %c0_i32 = arith.constant 0 : i32
    %c0_i32_0 = arith.constant 0 : i32
    %c0_i32_1 = arith.constant 0 : i32
    return %c0_i32, %c0_i32_0 : i32, i32
  }
  func.func @transform_6(%arg0: i32, %arg1: i32) -> (i32, i32) {
    %c0_i32 = arith.constant 0 : i32
    %c0_i32_0 = arith.constant 0 : i32
    %c0_i32_1 = arith.constant 0 : i32
    return %c0_i32, %c0_i32_0 : i32, i32
  }
  func.func @transform_7(%arg0: i32, %arg1: i32) -> (i32, i32) {
    %c0_i32 = arith.constant 0 : i32
    %c0_i32_0 = arith.constant 0 : i32
    %c0_i32_1 = arith.constant 0 : i32
    return %c0_i32, %c0_i32_0 : i32, i32
  }
  func.func @transform_8(%arg0: i32, %arg1: i32) -> (i32, i32) {
    %c0_i32 = arith.constant 0 : i32
    %c0_i32_0 = arith.constant 0 : i32
    %c0_i32_1 = arith.constant 0 : i32
    return %c0_i32, %c0_i32_0 : i32, i32
  }
  func.func @transform_9(%arg0: i32, %arg1: i32) -> (i32, i32) {
    %c0_i32 = arith.constant 0 : i32
    %c0_i32_0 = arith.constant 0 : i32
    %c0_i32_1 = arith.constant 0 : i32
    return %c0_i32, %c0_i32_0 : i32, i32
  }
  func.func @transform_10(%arg0: i32, %arg1: i32) -> (i32, i32) {
    %c0_i32 = arith.constant 0 : i32
    %c0_i32_0 = arith.constant 0 : i32
    %c0_i32_1 = arith.constant 0 : i32
    return %c0_i32, %c0_i32_0 : i32, i32
  }
  func.func @transform_11(%arg0: i32, %arg1: i32) -> (i32, i32) {
    %c0_i32 = arith.constant 0 : i32
    %c0_i32_0 = arith.constant 0 : i32
    %c0_i32_1 = arith.constant 0 : i32
    return %c0_i32, %c0_i32_0 : i32, i32
  }
  func.func @transform_12(%arg0: i32, %arg1: i32) -> (i32, i32) {
    %c0_i32 = arith.constant 0 : i32
    %c0_i32_0 = arith.constant 0 : i32
    %c0_i32_1 = arith.constant 0 : i32
    return %c0_i32, %c0_i32_0 : i32, i32
  }
  func.func @transform_13(%arg0: i32, %arg1: i32) -> (i32, i32) {
    %c0_i32 = arith.constant 0 : i32
    %c0_i32_0 = arith.constant 0 : i32
    %c0_i32_1 = arith.constant 0 : i32
    return %c0_i32, %c0_i32_0 : i32, i32
  }
  func.func @transform_14(%arg0: i32, %arg1: i32) -> (i32, i32) {
    %c0_i32 = arith.constant 0 : i32
    %c0_i32_0 = arith.constant 0 : i32
    %c0_i32_1 = arith.constant 0 : i32
    return %c0_i32, %c0_i32_0 : i32, i32
  }
  func.func @transform_15(%arg0: i32, %arg1: i32) -> (i32, i32) {
    %c0_i32 = arith.constant 0 : i32
    %c0_i32_0 = arith.constant 0 : i32
    %c0_i32_1 = arith.constant 0 : i32
    return %c0_i32, %c0_i32_0 : i32, i32
  }
  func.func @transform_16(%arg0: i32, %arg1: i32) -> (i32, i32) {
    %c0_i32 = arith.constant 0 : i32
    %c0_i32_0 = arith.constant 0 : i32
    %c0_i32_1 = arith.constant 0 : i32
    return %c0_i32, %c0_i32_0 : i32, i32
  }
  func.func @transform_17(%arg0: i32, %arg1: i32) -> (i32, i32) {
    %c0_i32 = arith.constant 0 : i32
    %c0_i32_0 = arith.constant 0 : i32
    %c0_i32_1 = arith.constant 0 : i32
    return %c0_i32, %c0_i32_0 : i32, i32
  }
  func.func @transform_18(%arg0: i32, %arg1: i32) -> (i32, i32) {
    %c0_i32 = arith.constant 0 : i32
    %c0_i32_0 = arith.constant 0 : i32
    %c0_i32_1 = arith.constant 0 : i32
    return %c0_i32, %c0_i32_0 : i32, i32
  }
  func.func @transform_19(%arg0: i32, %arg1: i32) -> (i32, i32) {
    %c0_i32 = arith.constant 0 : i32
    %c0_i32_0 = arith.constant 0 : i32
    %c0_i32_1 = arith.constant 0 : i32
    return %c0_i32, %c0_i32_0 : i32, i32
  }
  func.func @transform_20(%arg0: i32, %arg1: i32) -> (i32, i32) {
    %c0_i32 = arith.constant 0 : i32
    %c0_i32_0 = arith.constant 0 : i32
    %c0_i32_1 = arith.constant 0 : i32
    return %c0_i32, %c0_i32_0 : i32, i32
  }
  func.func @transform_21(%arg0: i32, %arg1: i32) -> (i32, i32) {
    %eq3A = arith.constant 2 : i32
    %eq3A_0 = arith.cmpi eq, %arg0, %eq3A : i32
    %jit3A = arith.constant 0 : i32
    %select_n3A = arith.select %eq3A_0, %arg1, %jit3A : i32
    %c0_i32 = arith.constant 0 : i32
    %c0_i32_1 = arith.constant 0 : i32
    return %select_n3A, %c0_i32 : i32, i32
  }
}

module attributes {stable_mosaic.version = 14 : i64} {
  func.func @body(%arg0: i32, %arg1: i32, %arg2: memref<4x800x128xf32, #tpu.memory_space<vmem>>, %arg3: memref<2x800x128xbf16, #tpu.memory_space<vmem>>, %arg4: memref<800x32xf32, #tpu.memory_space<vmem>>, %arg5: memref<32x128xf32, #tpu.memory_space<vmem>>, %arg6: memref<32x128xf32, #tpu.memory_space<vmem>>, %arg7: memref<1x128xf32, #tpu.memory_space<vmem>>, %arg8: memref<1x128xf32, #tpu.memory_space<vmem>>, %arg9: memref<128x128xf32, #tpu.memory_space<vmem>>, %arg10: memref<128x128xf32, #tpu.memory_space<vmem>>, %arg11: memref<128x128xbf16, #tpu.memory_space<vmem>>, %arg12: memref<128x128xbf16, #tpu.memory_space<vmem>>, %arg13: memref<128x128xbf16, #tpu.memory_space<vmem>>, %arg14: memref<128x128xbf16, #tpu.memory_space<vmem>>, %arg15: memref<1x128xf32, #tpu.memory_space<vmem>>, %arg16: memref<1x128xf32, #tpu.memory_space<vmem>>, %arg17: memref<1x128xf32, #tpu.memory_space<vmem>>, %arg18: memref<1x128xf32, #tpu.memory_space<vmem>>, %arg19: memref<1x32xf32, #tpu.memory_space<vmem>>, %arg20: memref<1x32xf32, #tpu.memory_space<vmem>>, %arg21: memref<128x128xf32, #tpu.memory_space<vmem>>, %arg22: memref<128x32xf32, #tpu.memory_space<vmem>>, %arg23: memref<1x32xf32, #tpu.memory_space<vmem>>, %arg24: memref<1x1xf32, #tpu.memory_space<vmem>>, %arg25: memref<1x1xf32, #tpu.memory_space<vmem>>, %arg26: memref<8x20000x128xbf16, #tpu.memory_space<vmem>>, %arg27: memref<4x128xf32, #tpu.memory_space<vmem>>, %arg28: memref<20000x32xf32, #tpu.memory_space<vmem>>, %arg29: memref<2x32xf32, #tpu.memory_space<vmem>>) attributes {dimension_semantics = [#tpu.dimension_semantics<arbitrary>, #tpu.dimension_semantics<arbitrary>], iteration_bounds = array<i64: 3, 25>, scalar_prefetch = 0 : i64, scratch_operands = 4 : i64, tpu.core_type = #tpu.core_type<tc>, window_params = [{transform_indices = @transform_0, window_bounds = array<i64: 4, 800, 128>}, {transform_indices = @transform_1, window_bounds = array<i64: 2, 800, 128>}, {transform_indices = @transform_2, window_bounds = array<i64: 800, 32>}, {pipeline_mode = #tpu.pipeline_mode<synchronous>, transform_indices = @transform_3, window_bounds = array<i64: 32, 128>}, {pipeline_mode = #tpu.pipeline_mode<synchronous>, transform_indices = @transform_4, window_bounds = array<i64: 32, 128>}, {pipeline_mode = #tpu.pipeline_mode<synchronous>, transform_indices = @transform_5, window_bounds = array<i64: 1, 128>}, {pipeline_mode = #tpu.pipeline_mode<synchronous>, transform_indices = @transform_6, window_bounds = array<i64: 1, 128>}, {pipeline_mode = #tpu.pipeline_mode<synchronous>, transform_indices = @transform_7, window_bounds = array<i64: 128, 128>}, {pipeline_mode = #tpu.pipeline_mode<synchronous>, transform_indices = @transform_8, window_bounds = array<i64: 128, 128>}, {pipeline_mode = #tpu.pipeline_mode<synchronous>, transform_indices = @transform_9, window_bounds = array<i64: 128, 128>}, {pipeline_mode = #tpu.pipeline_mode<synchronous>, transform_indices = @transform_10, window_bounds = array<i64: 128, 128>}, {pipeline_mode = #tpu.pipeline_mode<synchronous>, transform_indices = @transform_11, window_bounds = array<i64: 128, 128>}, {pipeline_mode = #tpu.pipeline_mode<synchronous>, transform_indices = @transform_12, window_bounds = array<i64: 128, 128>}, {pipeline_mode = #tpu.pipeline_mode<synchronous>, transform_indices = @transform_13, window_bounds = array<i64: 1, 128>}, {pipeline_mode = #tpu.pipeline_mode<synchronous>, transform_indices = @transform_14, window_bounds = array<i64: 1, 128>}, {pipeline_mode = #tpu.pipeline_mode<synchronous>, transform_indices = @transform_15, window_bounds = array<i64: 1, 128>}, {pipeline_mode = #tpu.pipeline_mode<synchronous>, transform_indices = @transform_16, window_bounds = array<i64: 1, 128>}, {pipeline_mode = #tpu.pipeline_mode<synchronous>, transform_indices = @transform_17, window_bounds = array<i64: 1, 32>}, {pipeline_mode = #tpu.pipeline_mode<synchronous>, transform_indices = @transform_18, window_bounds = array<i64: 1, 32>}, {pipeline_mode = #tpu.pipeline_mode<synchronous>, transform_indices = @transform_19, window_bounds = array<i64: 128, 128>}, {pipeline_mode = #tpu.pipeline_mode<synchronous>, transform_indices = @transform_20, window_bounds = array<i64: 128, 32>}, {pipeline_mode = #tpu.pipeline_mode<synchronous>, transform_indices = @transform_21, window_bounds = array<i64: 1, 32>}, {pipeline_mode = #tpu.pipeline_mode<synchronous>, transform_indices = @transform_22, window_bounds = array<i64: 1, 1>}, {pipeline_mode = #tpu.pipeline_mode<synchronous>, transform_indices = @transform_23, window_bounds = array<i64: 1, 1>}]} {
    %eq3A = arith.constant 0 : i32
    %eq3A_0 = arith.cmpi eq, %arg0, %eq3A : i32
    %convert_element_type3A = arith.extui %eq3A_0 : i1 to i32
    %cond3A = arith.constant 0 : i32
    %cond3A_1 = arith.cmpi ne, %convert_element_type3A, %cond3A : i32
    scf.if %cond3A_1 {
      %get3A = arith.constant 0 : index
      %get3A_12 = arith.constant 0 : index
      %get3A_13 = vector.load %arg4[%get3A, %get3A_12] : memref<800x32xf32, #tpu.memory_space<vmem>>, vector<800x32xf32>
      %get3A_14 = arith.constant 0 : index
      %get3A_15 = arith.constant 0 : index
      %get3A_16 = vector.load %arg5[%get3A_14, %get3A_15] : memref<32x128xf32, #tpu.memory_space<vmem>>, vector<32x128xf32>
      %dot_general3A = arith.constant dense<0.000000e+00> : vector<800x128xf32>
      %dot_general3A_17 = tpu.matmul %get3A_13, %get3A_16, %dot_general3A {dimension_numbers = #tpu.dot_dimension_numbers<[1], [0], [0], [1], [0, 0, 1, 1], [], []>, precision = #tpu.contract_precision<fp32>, transpose_lhs_hint = false} : vector<800x32xf32>, vector<32x128xf32>, vector<800x128xf32> -> vector<800x128xf32>
      %get3A_18 = arith.constant 0 : index
      %get3A_19 = arith.constant 0 : index
      %get3A_20 = vector.load %arg7[%get3A_18, %get3A_19] : memref<1x128xf32, #tpu.memory_space<vmem>>, vector<1x128xf32>
      %add3A = vector.broadcast %get3A_20 : vector<1x128xf32> to vector<800x128xf32>
      %add3A_21 = arith.addf %dot_general3A_17, %add3A : vector<800x128xf32>
      %get3A_22 = arith.constant 0 : index
      %get3A_23 = arith.constant 0 : index
      %get3A_24 = vector.load %arg6[%get3A_22, %get3A_23] : memref<32x128xf32, #tpu.memory_space<vmem>>, vector<32x128xf32>
      %dot_general3A_25 = arith.constant dense<0.000000e+00> : vector<800x128xf32>
      %dot_general3A_26 = tpu.matmul %get3A_13, %get3A_24, %dot_general3A_25 {dimension_numbers = #tpu.dot_dimension_numbers<[1], [0], [0], [1], [0, 0, 1, 1], [], []>, precision = #tpu.contract_precision<fp32>, transpose_lhs_hint = false} : vector<800x32xf32>, vector<32x128xf32>, vector<800x128xf32> -> vector<800x128xf32>
      %get3A_27 = arith.constant 0 : index
      %get3A_28 = arith.constant 0 : index
      %get3A_29 = vector.load %arg8[%get3A_27, %get3A_28] : memref<1x128xf32, #tpu.memory_space<vmem>>, vector<1x128xf32>
      %add3A_30 = vector.broadcast %get3A_29 : vector<1x128xf32> to vector<800x128xf32>
      %add3A_31 = arith.addf %dot_general3A_26, %add3A_30 : vector<800x128xf32>
      %get3A_32 = arith.constant 0 : index
      %get3A_33 = arith.constant 0 : index
      %get3A_34 = arith.constant 0 : index
      %get3A_35 = vector.load %arg3[%get3A_32, %get3A_33, %get3A_34] : memref<2x800x128xbf16, #tpu.memory_space<vmem>>, vector<1x800x128xbf16>
      %get3A_36 = vector.shape_cast %get3A_35 : vector<1x800x128xbf16> to vector<800x128xbf16>
      %get3A_37 = arith.constant 1 : index
      %get3A_38 = arith.constant 0 : index
      %get3A_39 = arith.constant 0 : index
      %get3A_40 = vector.load %arg3[%get3A_37, %get3A_38, %get3A_39] : memref<2x800x128xbf16, #tpu.memory_space<vmem>>, vector<1x800x128xbf16>
      %get3A_41 = vector.shape_cast %get3A_40 : vector<1x800x128xbf16> to vector<800x128xbf16>
      %get3A_42 = arith.constant 0 : index
      %get3A_43 = arith.constant 0 : index
      %get3A_44 = vector.load %arg11[%get3A_42, %get3A_43] : memref<128x128xbf16, #tpu.memory_space<vmem>>, vector<128x128xbf16>
      %get3A_45 = arith.constant 0 : index
      %get3A_46 = arith.constant 0 : index
      %get3A_47 = vector.load %arg12[%get3A_45, %get3A_46] : memref<128x128xbf16, #tpu.memory_space<vmem>>, vector<128x128xbf16>
      %get3A_48 = arith.constant 0 : index
      %get3A_49 = arith.constant 0 : index
      %get3A_50 = vector.load %arg13[%get3A_48, %get3A_49] : memref<128x128xbf16, #tpu.memory_space<vmem>>, vector<128x128xbf16>
      %get3A_51 = arith.constant 0 : index
      %get3A_52 = arith.constant 0 : index
      %get3A_53 = vector.load %arg14[%get3A_51, %get3A_52] : memref<128x128xbf16, #tpu.memory_space<vmem>>, vector<128x128xbf16>
      %get3A_54 = arith.constant 0 : index
      %get3A_55 = arith.constant 0 : index
      %get3A_56 = vector.load %arg9[%get3A_54, %get3A_55] : memref<128x128xf32, #tpu.memory_space<vmem>>, vector<128x128xf32>
      %get3A_57 = arith.constant 0 : index
      %get3A_58 = arith.constant 0 : index
      %get3A_59 = vector.load %arg10[%get3A_57, %get3A_58] : memref<128x128xf32, #tpu.memory_space<vmem>>, vector<128x128xf32>
      %get3A_60 = arith.constant 0 : index
      %get3A_61 = arith.constant 0 : index
      %get3A_62 = arith.constant 0 : index
      %get3A_63 = vector.load %arg2[%get3A_60, %get3A_61, %get3A_62] : memref<4x800x128xf32, #tpu.memory_space<vmem>>, vector<1x800x128xf32>
      %get3A_64 = vector.shape_cast %get3A_63 : vector<1x800x128xf32> to vector<800x128xf32>
      %dot_general3A_65 = arith.constant dense<0.000000e+00> : vector<800x128xf32>
      %dot_general3A_66 = tpu.matmul %get3A_64, %get3A_56, %dot_general3A_65 {dimension_numbers = #tpu.dot_dimension_numbers<[1], [0], [0], [1], [0, 0, 1, 1], [], []>, precision = #tpu.contract_precision<fp32>, transpose_lhs_hint = false} : vector<800x128xf32>, vector<128x128xf32>, vector<800x128xf32> -> vector<800x128xf32>
      %dot_general3A_67 = arith.constant dense<0.000000e+00> : vector<800x128xf32>
      %dot_general3A_68 = tpu.matmul %get3A_36, %get3A_44, %dot_general3A_67 {dimension_numbers = #tpu.dot_dimension_numbers<[1], [0], [0], [1], [0, 0, 1, 1], [], []>, transpose_lhs_hint = false} : vector<800x128xbf16>, vector<128x128xbf16>, vector<800x128xf32> -> vector<800x128xf32>
      %add3A_69 = arith.addf %dot_general3A_66, %dot_general3A_68 : vector<800x128xf32>
      %add3A_70 = arith.addf %add3A_69, %add3A_21 : vector<800x128xf32>
      %dot_general3A_71 = arith.constant dense<0.000000e+00> : vector<800x128xf32>
      %dot_general3A_72 = tpu.matmul %get3A_64, %get3A_59, %dot_general3A_71 {dimension_numbers = #tpu.dot_dimension_numbers<[1], [0], [0], [1], [0, 0, 1, 1], [], []>, precision = #tpu.contract_precision<fp32>, transpose_lhs_hint = false} : vector<800x128xf32>, vector<128x128xf32>, vector<800x128xf32> -> vector<800x128xf32>
      %dot_general3A_73 = arith.constant dense<0.000000e+00> : vector<800x128xf32>
      %dot_general3A_74 = tpu.matmul %get3A_36, %get3A_50, %dot_general3A_73 {dimension_numbers = #tpu.dot_dimension_numbers<[1], [0], [0], [1], [0, 0, 1, 1], [], []>, transpose_lhs_hint = false} : vector<800x128xbf16>, vector<128x128xbf16>, vector<800x128xf32> -> vector<800x128xf32>
      %add3A_75 = arith.addf %dot_general3A_72, %dot_general3A_74 : vector<800x128xf32>
      %add3A_76 = arith.addf %add3A_75, %add3A_31 : vector<800x128xf32>
      %get3A_77 = arith.constant 1 : index
      %get3A_78 = arith.constant 0 : index
      %get3A_79 = arith.constant 0 : index
      %get3A_80 = vector.load %arg2[%get3A_77, %get3A_78, %get3A_79] : memref<4x800x128xf32, #tpu.memory_space<vmem>>, vector<1x800x128xf32>
      %get3A_81 = vector.shape_cast %get3A_80 : vector<1x800x128xf32> to vector<800x128xf32>
      %dot_general3A_82 = arith.constant dense<0.000000e+00> : vector<800x128xf32>
      %dot_general3A_83 = tpu.matmul %get3A_81, %get3A_56, %dot_general3A_82 {dimension_numbers = #tpu.dot_dimension_numbers<[1], [0], [0], [1], [0, 0, 1, 1], [], []>, precision = #tpu.contract_precision<fp32>, transpose_lhs_hint = false} : vector<800x128xf32>, vector<128x128xf32>, vector<800x128xf32> -> vector<800x128xf32>
      %dot_general3A_84 = arith.constant dense<0.000000e+00> : vector<800x128xf32>
      %dot_general3A_85 = tpu.matmul %get3A_36, %get3A_47, %dot_general3A_84 {dimension_numbers = #tpu.dot_dimension_numbers<[1], [0], [0], [1], [0, 0, 1, 1], [], []>, transpose_lhs_hint = false} : vector<800x128xbf16>, vector<128x128xbf16>, vector<800x128xf32> -> vector<800x128xf32>
      %add3A_86 = arith.addf %dot_general3A_83, %dot_general3A_85 : vector<800x128xf32>
      %add3A_87 = arith.addf %add3A_86, %add3A_21 : vector<800x128xf32>
      %dot_general3A_88 = arith.constant dense<0.000000e+00> : vector<800x128xf32>
      %dot_general3A_89 = tpu.matmul %get3A_81, %get3A_59, %dot_general3A_88 {dimension_numbers = #tpu.dot_dimension_numbers<[1], [0], [0], [1], [0, 0, 1, 1], [], []>, precision = #tpu.contract_precision<fp32>, transpose_lhs_hint = false} : vector<800x128xf32>, vector<128x128xf32>, vector<800x128xf32> -> vector<800x128xf32>
      %dot_general3A_90 = arith.constant dense<0.000000e+00> : vector<800x128xf32>
      %dot_general3A_91 = tpu.matmul %get3A_36, %get3A_53, %dot_general3A_90 {dimension_numbers = #tpu.dot_dimension_numbers<[1], [0], [0], [1], [0, 0, 1, 1], [], []>, transpose_lhs_hint = false} : vector<800x128xbf16>, vector<128x128xbf16>, vector<800x128xf32> -> vector<800x128xf32>
      %add3A_92 = arith.addf %dot_general3A_89, %dot_general3A_91 : vector<800x128xf32>
      %add3A_93 = arith.addf %add3A_92, %add3A_31 : vector<800x128xf32>
      %get3A_94 = arith.constant 2 : index
      %get3A_95 = arith.constant 0 : index
      %get3A_96 = arith.constant 0 : index
      %get3A_97 = vector.load %arg2[%get3A_94, %get3A_95, %get3A_96] : memref<4x800x128xf32, #tpu.memory_space<vmem>>, vector<1x800x128xf32>
      %get3A_98 = vector.shape_cast %get3A_97 : vector<1x800x128xf32> to vector<800x128xf32>
      %dot_general3A_99 = arith.constant dense<0.000000e+00> : vector<800x128xf32>
      %dot_general3A_100 = tpu.matmul %get3A_98, %get3A_56, %dot_general3A_99 {dimension_numbers = #tpu.dot_dimension_numbers<[1], [0], [0], [1], [0, 0, 1, 1], [], []>, precision = #tpu.contract_precision<fp32>, transpose_lhs_hint = false} : vector<800x128xf32>, vector<128x128xf32>, vector<800x128xf32> -> vector<800x128xf32>
      %dot_general3A_101 = arith.constant dense<0.000000e+00> : vector<800x128xf32>
      %dot_general3A_102 = tpu.matmul %get3A_41, %get3A_44, %dot_general3A_101 {dimension_numbers = #tpu.dot_dimension_numbers<[1], [0], [0], [1], [0, 0, 1, 1], [], []>, transpose_lhs_hint = false} : vector<800x128xbf16>, vector<128x128xbf16>, vector<800x128xf32> -> vector<800x128xf32>
      %add3A_103 = arith.addf %dot_general3A_100, %dot_general3A_102 : vector<800x128xf32>
      %add3A_104 = arith.addf %add3A_103, %add3A_21 : vector<800x128xf32>
      %dot_general3A_105 = arith.constant dense<0.000000e+00> : vector<800x128xf32>
      %dot_general3A_106 = tpu.matmul %get3A_98, %get3A_59, %dot_general3A_105 {dimension_numbers = #tpu.dot_dimension_numbers<[1], [0], [0], [1], [0, 0, 1, 1], [], []>, precision = #tpu.contract_precision<fp32>, transpose_lhs_hint = false} : vector<800x128xf32>, vector<128x128xf32>, vector<800x128xf32> -> vector<800x128xf32>
      %dot_general3A_107 = arith.constant dense<0.000000e+00> : vector<800x128xf32>
      %dot_general3A_108 = tpu.matmul %get3A_41, %get3A_50, %dot_general3A_107 {dimension_numbers = #tpu.dot_dimension_numbers<[1], [0], [0], [1], [0, 0, 1, 1], [], []>, transpose_lhs_hint = false} : vector<800x128xbf16>, vector<128x128xbf16>, vector<800x128xf32> -> vector<800x128xf32>
      %add3A_109 = arith.addf %dot_general3A_106, %dot_general3A_108 : vector<800x128xf32>
      %add3A_110 = arith.addf %add3A_109, %add3A_31 : vector<800x128xf32>
      %get3A_111 = arith.constant 3 : index
      %get3A_112 = arith.constant 0 : index
      %get3A_113 = arith.constant 0 : index
      %get3A_114 = vector.load %arg2[%get3A_111, %get3A_112, %get3A_113] : memref<4x800x128xf32, #tpu.memory_space<vmem>>, vector<1x800x128xf32>
      %get3A_115 = vector.shape_cast %get3A_114 : vector<1x800x128xf32> to vector<800x128xf32>
      %dot_general3A_116 = arith.constant dense<0.000000e+00> : vector<800x128xf32>
      %dot_general3A_117 = tpu.matmul %get3A_115, %get3A_56, %dot_general3A_116 {dimension_numbers = #tpu.dot_dimension_numbers<[1], [0], [0], [1], [0, 0, 1, 1], [], []>, precision = #tpu.contract_precision<fp32>, transpose_lhs_hint = false} : vector<800x128xf32>, vector<128x128xf32>, vector<800x128xf32> -> vector<800x128xf32>
      %dot_general3A_118 = arith.constant dense<0.000000e+00> : vector<800x128xf32>
      %dot_general3A_119 = tpu.matmul %get3A_41, %get3A_47, %dot_general3A_118 {dimension_numbers = #tpu.dot_dimension_numbers<[1], [0], [0], [1], [0, 0, 1, 1], [], []>, transpose_lhs_hint = false} : vector<800x128xbf16>, vector<128x128xbf16>, vector<800x128xf32> -> vector<800x128xf32>
      %add3A_120 = arith.addf %dot_general3A_117, %dot_general3A_119 : vector<800x128xf32>
      %add3A_121 = arith.addf %add3A_120, %add3A_21 : vector<800x128xf32>
      %dot_general3A_122 = arith.constant dense<0.000000e+00> : vector<800x128xf32>
      %dot_general3A_123 = tpu.matmul %get3A_115, %get3A_59, %dot_general3A_122 {dimension_numbers = #tpu.dot_dimension_numbers<[1], [0], [0], [1], [0, 0, 1, 1], [], []>, precision = #tpu.contract_precision<fp32>, transpose_lhs_hint = false} : vector<800x128xf32>, vector<128x128xf32>, vector<800x128xf32> -> vector<800x128xf32>
      %dot_general3A_124 = arith.constant dense<0.000000e+00> : vector<800x128xf32>
      %dot_general3A_125 = tpu.matmul %get3A_41, %get3A_53, %dot_general3A_124 {dimension_numbers = #tpu.dot_dimension_numbers<[1], [0], [0], [1], [0, 0, 1, 1], [], []>, transpose_lhs_hint = false} : vector<800x128xbf16>, vector<128x128xbf16>, vector<800x128xf32> -> vector<800x128xf32>
      %add3A_126 = arith.addf %dot_general3A_123, %dot_general3A_125 : vector<800x128xf32>
      %add3A_127 = arith.addf %add3A_126, %add3A_31 : vector<800x128xf32>
      %convert_element_type3A_128 = arith.truncf %add3A_70 : vector<800x128xf32> to vector<800x128xbf16>
      %mul3A = arith.constant 800 : i32
      %mul3A_129 = arith.muli %arg1, %mul3A : i32
      %swap3A = arith.constant 0 : index
      %swap3A_130 = arith.index_cast %mul3A_129 : i32 to index
      %swap3A_131 = arith.constant 0 : index
      %swap3A_132 = vector.load %arg26[%swap3A, %swap3A_130, %swap3A_131] : memref<8x20000x128xbf16, #tpu.memory_space<vmem>>, vector<1x800x128xbf16>
      %swap3A_133 = vector.shape_cast %swap3A_132 : vector<1x800x128xbf16> to vector<800x128xbf16>
      %swap3A_134 = vector.shape_cast %convert_element_type3A_128 : vector<800x128xbf16> to vector<1x800x128xbf16>
      tpu.vector_store %arg26[%swap3A, %swap3A_130, %swap3A_131], %swap3A_134 {strides = array<i32>} : memref<8x20000x128xbf16, #tpu.memory_space<vmem>>, vector<1x800x128xbf16>,
      %convert_element_type3A_135 = arith.truncf %add3A_76 : vector<800x128xf32> to vector<800x128xbf16>
      %mul3A_136 = arith.constant 800 : i32
      %mul3A_137 = arith.muli %arg1, %mul3A_136 : i32
      %swap3A_138 = arith.constant 4 : index
      %swap3A_139 = arith.index_cast %mul3A_137 : i32 to index
      %swap3A_140 = arith.constant 0 : index
      %swap3A_141 = vector.load %arg26[%swap3A_138, %swap3A_139, %swap3A_140] : memref<8x20000x128xbf16, #tpu.memory_space<vmem>>, vector<1x800x128xbf16>
      %swap3A_142 = vector.shape_cast %swap3A_141 : vector<1x800x128xbf16> to vector<800x128xbf16>
      %swap3A_143 = vector.shape_cast %convert_element_type3A_135 : vector<800x128xbf16> to vector<1x800x128xbf16>
      tpu.vector_store %arg26[%swap3A_138, %swap3A_139, %swap3A_140], %swap3A_143 {strides = array<i32>} : memref<8x20000x128xbf16, #tpu.memory_space<vmem>>, vector<1x800x128xbf16>,
      %reduce_sum3A = arith.constant dense<0.000000e+00> : vector<128xf32>
      %reduce_sum3A_144 = vector.multi_reduction <add>, %add3A_70, %reduce_sum3A [0] : vector<800x128xf32> to vector<128xf32>
      %broadcast_in_dim3A = vector.shape_cast %reduce_sum3A_144 : vector<128xf32> to vector<1x128xf32>
      %mul3A_145 = arith.mulf %add3A_70, %add3A_70 : vector<800x128xf32>
      %reduce_sum3A_146 = arith.constant dense<0.000000e+00> : vector<128xf32>
      %reduce_sum3A_147 = vector.multi_reduction <add>, %mul3A_145, %reduce_sum3A_146 [0] : vector<800x128xf32> to vector<128xf32>
      %broadcast_in_dim3A_148 = vector.shape_cast %reduce_sum3A_147 : vector<128xf32> to vector<1x128xf32>
      %reduce_sum3A_149 = arith.constant dense<0.000000e+00> : vector<128xf32>
      %reduce_sum3A_150 = vector.multi_reduction <add>, %add3A_76, %reduce_sum3A_149 [0] : vector<800x128xf32> to vector<128xf32>
      %broadcast_in_dim3A_151 = vector.shape_cast %reduce_sum3A_150 : vector<128xf32> to vector<1x128xf32>
      %mul3A_152 = arith.mulf %add3A_76, %add3A_76 : vector<800x128xf32>
      %reduce_sum3A_153 = arith.constant dense<0.000000e+00> : vector<128xf32>
      %reduce_sum3A_154 = vector.multi_reduction <add>, %mul3A_152, %reduce_sum3A_153 [0] : vector<800x128xf32> to vector<128xf32>
      %broadcast_in_dim3A_155 = vector.shape_cast %reduce_sum3A_154 : vector<128xf32> to vector<1x128xf32>
      %convert_element_type3A_156 = arith.truncf %add3A_87 : vector<800x128xf32> to vector<800x128xbf16>
      %mul3A_157 = arith.constant 800 : i32
      %mul3A_158 = arith.muli %arg1, %mul3A_157 : i32
      %swap3A_159 = arith.constant 1 : index
      %swap3A_160 = arith.index_cast %mul3A_158 : i32 to index
      %swap3A_161 = arith.constant 0 : index
      %swap3A_162 = vector.load %arg26[%swap3A_159, %swap3A_160, %swap3A_161] : memref<8x20000x128xbf16, #tpu.memory_space<vmem>>, vector<1x800x128xbf16>
      %swap3A_163 = vector.shape_cast %swap3A_162 : vector<1x800x128xbf16> to vector<800x128xbf16>
      %swap3A_164 = vector.shape_cast %convert_element_type3A_156 : vector<800x128xbf16> to vector<1x800x128xbf16>
      tpu.vector_store %arg26[%swap3A_159, %swap3A_160, %swap3A_161], %swap3A_164 {strides = array<i32>} : memref<8x20000x128xbf16, #tpu.memory_space<vmem>>, vector<1x800x128xbf16>,
      %convert_element_type3A_165 = arith.truncf %add3A_93 : vector<800x128xf32> to vector<800x128xbf16>
      %mul3A_166 = arith.constant 800 : i32
      %mul3A_167 = arith.muli %arg1, %mul3A_166 : i32
      %swap3A_168 = arith.constant 5 : index
      %swap3A_169 = arith.index_cast %mul3A_167 : i32 to index
      %swap3A_170 = arith.constant 0 : index
      %swap3A_171 = vector.load %arg26[%swap3A_168, %swap3A_169, %swap3A_170] : memref<8x20000x128xbf16, #tpu.memory_space<vmem>>, vector<1x800x128xbf16>
      %swap3A_172 = vector.shape_cast %swap3A_171 : vector<1x800x128xbf16> to vector<800x128xbf16>
      %swap3A_173 = vector.shape_cast %convert_element_type3A_165 : vector<800x128xbf16> to vector<1x800x128xbf16>
      tpu.vector_store %arg26[%swap3A_168, %swap3A_169, %swap3A_170], %swap3A_173 {strides = array<i32>} : memref<8x20000x128xbf16, #tpu.memory_space<vmem>>, vector<1x800x128xbf16>,
      %reduce_sum3A_174 = arith.constant dense<0.000000e+00> : vector<128xf32>
      %reduce_sum3A_175 = vector.multi_reduction <add>, %add3A_87, %reduce_sum3A_174 [0] : vector<800x128xf32> to vector<128xf32>
      %broadcast_in_dim3A_176 = vector.shape_cast %reduce_sum3A_175 : vector<128xf32> to vector<1x128xf32>
      %mul3A_177 = arith.mulf %add3A_87, %add3A_87 : vector<800x128xf32>
      %reduce_sum3A_178 = arith.constant dense<0.000000e+00> : vector<128xf32>
      %reduce_sum3A_179 = vector.multi_reduction <add>, %mul3A_177, %reduce_sum3A_178 [0] : vector<800x128xf32> to vector<128xf32>
      %broadcast_in_dim3A_180 = vector.shape_cast %reduce_sum3A_179 : vector<128xf32> to vector<1x128xf32>
      %reduce_sum3A_181 = arith.constant dense<0.000000e+00> : vector<128xf32>
      %reduce_sum3A_182 = vector.multi_reduction <add>, %add3A_93, %reduce_sum3A_181 [0] : vector<800x128xf32> to vector<128xf32>
      %broadcast_in_dim3A_183 = vector.shape_cast %reduce_sum3A_182 : vector<128xf32> to vector<1x128xf32>
      %mul3A_184 = arith.mulf %add3A_93, %add3A_93 : vector<800x128xf32>
      %reduce_sum3A_185 = arith.constant dense<0.000000e+00> : vector<128xf32>
      %reduce_sum3A_186 = vector.multi_reduction <add>, %mul3A_184, %reduce_sum3A_185 [0] : vector<800x128xf32> to vector<128xf32>
      %broadcast_in_dim3A_187 = vector.shape_cast %reduce_sum3A_186 : vector<128xf32> to vector<1x128xf32>
      %add3A_188 = arith.addf %broadcast_in_dim3A, %broadcast_in_dim3A_176 : vector<1x128xf32>
      %add3A_189 = arith.addf %broadcast_in_dim3A_148, %broadcast_in_dim3A_180 : vector<1x128xf32>
      %add3A_190 = arith.addf %broadcast_in_dim3A_151, %broadcast_in_dim3A_183 : vector<1x128xf32>
      %add3A_191 = arith.addf %broadcast_in_dim3A_155, %broadcast_in_dim3A_187 : vector<1x128xf32>
      %convert_element_type3A_192 = arith.truncf %add3A_104 : vector<800x128xf32> to vector<800x128xbf16>
      %mul3A_193 = arith.constant 800 : i32
      %mul3A_194 = arith.muli %arg1, %mul3A_193 : i32
      %swap3A_195 = arith.constant 2 : index
      %swap3A_196 = arith.index_cast %mul3A_194 : i32 to index
      %swap3A_197 = arith.constant 0 : index
      %swap3A_198 = vector.load %arg26[%swap3A_195, %swap3A_196, %swap3A_197] : memref<8x20000x128xbf16, #tpu.memory_space<vmem>>, vector<1x800x128xbf16>
      %swap3A_199 = vector.shape_cast %swap3A_198 : vector<1x800x128xbf16> to vector<800x128xbf16>
      %swap3A_200 = vector.shape_cast %convert_element_type3A_192 : vector<800x128xbf16> to vector<1x800x128xbf16>
      tpu.vector_store %arg26[%swap3A_195, %swap3A_196, %swap3A_197], %swap3A_200 {strides = array<i32>} : memref<8x20000x128xbf16, #tpu.memory_space<vmem>>, vector<1x800x128xbf16>,
      %convert_element_type3A_201 = arith.truncf %add3A_110 : vector<800x128xf32> to vector<800x128xbf16>
      %mul3A_202 = arith.constant 800 : i32
      %mul3A_203 = arith.muli %arg1, %mul3A_202 : i32
      %swap3A_204 = arith.constant 6 : index
      %swap3A_205 = arith.index_cast %mul3A_203 : i32 to index
      %swap3A_206 = arith.constant 0 : index
      %swap3A_207 = vector.load %arg26[%swap3A_204, %swap3A_205, %swap3A_206] : memref<8x20000x128xbf16, #tpu.memory_space<vmem>>, vector<1x800x128xbf16>
      %swap3A_208 = vector.shape_cast %swap3A_207 : vector<1x800x128xbf16> to vector<800x128xbf16>
      %swap3A_209 = vector.shape_cast %convert_element_type3A_201 : vector<800x128xbf16> to vector<1x800x128xbf16>
      tpu.vector_store %arg26[%swap3A_204, %swap3A_205, %swap3A_206], %swap3A_209 {strides = array<i32>} : memref<8x20000x128xbf16, #tpu.memory_space<vmem>>, vector<1x800x128xbf16>,
      %reduce_sum3A_210 = arith.constant dense<0.000000e+00> : vector<128xf32>
      %reduce_sum3A_211 = vector.multi_reduction <add>, %add3A_104, %reduce_sum3A_210 [0] : vector<800x128xf32> to vector<128xf32>
      %broadcast_in_dim3A_212 = vector.shape_cast %reduce_sum3A_211 : vector<128xf32> to vector<1x128xf32>
      %mul3A_213 = arith.mulf %add3A_104, %add3A_104 : vector<800x128xf32>
      %reduce_sum3A_214 = arith.constant dense<0.000000e+00> : vector<128xf32>
      %reduce_sum3A_215 = vector.multi_reduction <add>, %mul3A_213, %reduce_sum3A_214 [0] : vector<800x128xf32> to vector<128xf32>
      %broadcast_in_dim3A_216 = vector.shape_cast %reduce_sum3A_215 : vector<128xf32> to vector<1x128xf32>
      %reduce_sum3A_217 = arith.constant dense<0.000000e+00> : vector<128xf32>
      %reduce_sum3A_218 = vector.multi_reduction <add>, %add3A_110, %reduce_sum3A_217 [0] : vector<800x128xf32> to vector<128xf32>
      %broadcast_in_dim3A_219 = vector.shape_cast %reduce_sum3A_218 : vector<128xf32> to vector<1x128xf32>
      %mul3A_220 = arith.mulf %add3A_110, %add3A_110 : vector<800x128xf32>
      %reduce_sum3A_221 = arith.constant dense<0.000000e+00> : vector<128xf32>
      %reduce_sum3A_222 = vector.multi_reduction <add>, %mul3A_220, %reduce_sum3A_221 [0] : vector<800x128xf32> to vector<128xf32>
      %broadcast_in_dim3A_223 = vector.shape_cast %reduce_sum3A_222 : vector<128xf32> to vector<1x128xf32>
      %add3A_224 = arith.addf %add3A_188, %broadcast_in_dim3A_212 : vector<1x128xf32>
      %add3A_225 = arith.addf %add3A_189, %broadcast_in_dim3A_216 : vector<1x128xf32>
      %add3A_226 = arith.addf %add3A_190, %broadcast_in_dim3A_219 : vector<1x128xf32>
      %add3A_227 = arith.addf %add3A_191, %broadcast_in_dim3A_223 : vector<1x128xf32>
      %convert_element_type3A_228 = arith.truncf %add3A_121 : vector<800x128xf32> to vector<800x128xbf16>
      %mul3A_229 = arith.constant 800 : i32
      %mul3A_230 = arith.muli %arg1, %mul3A_229 : i32
      %swap3A_231 = arith.constant 3 : index
      %swap3A_232 = arith.index_cast %mul3A_230 : i32 to index
      %swap3A_233 = arith.constant 0 : index
      %swap3A_234 = vector.load %arg26[%swap3A_231, %swap3A_232, %swap3A_233] : memref<8x20000x128xbf16, #tpu.memory_space<vmem>>, vector<1x800x128xbf16>
      %swap3A_235 = vector.shape_cast %swap3A_234 : vector<1x800x128xbf16> to vector<800x128xbf16>
      %swap3A_236 = vector.shape_cast %convert_element_type3A_228 : vector<800x128xbf16> to vector<1x800x128xbf16>
      tpu.vector_store %arg26[%swap3A_231, %swap3A_232, %swap3A_233], %swap3A_236 {strides = array<i32>} : memref<8x20000x128xbf16, #tpu.memory_space<vmem>>, vector<1x800x128xbf16>,
      %convert_element_type3A_237 = arith.truncf %add3A_127 : vector<800x128xf32> to vector<800x128xbf16>
      %mul3A_238 = arith.constant 800 : i32
      %mul3A_239 = arith.muli %arg1, %mul3A_238 : i32
      %swap3A_240 = arith.constant 7 : index
      %swap3A_241 = arith.index_cast %mul3A_239 : i32 to index
      %swap3A_242 = arith.constant 0 : index
      %swap3A_243 = vector.load %arg26[%swap3A_240, %swap3A_241, %swap3A_242] : memref<8x20000x128xbf16, #tpu.memory_space<vmem>>, vector<1x800x128xbf16>
      %swap3A_244 = vector.shape_cast %swap3A_243 : vector<1x800x128xbf16> to vector<800x128xbf16>
      %swap3A_245 = vector.shape_cast %convert_element_type3A_237 : vector<800x128xbf16> to vector<1x800x128xbf16>
      tpu.vector_store %arg26[%swap3A_240, %swap3A_241, %swap3A_242], %swap3A_245 {strides = array<i32>} : memref<8x20000x128xbf16, #tpu.memory_space<vmem>>, vector<1x800x128xbf16>,
      %reduce_sum3A_246 = arith.constant dense<0.000000e+00> : vector<128xf32>
      %reduce_sum3A_247 = vector.multi_reduction <add>, %add3A_121, %reduce_sum3A_246 [0] : vector<800x128xf32> to vector<128xf32>
      %broadcast_in_dim3A_248 = vector.shape_cast %reduce_sum3A_247 : vector<128xf32> to vector<1x128xf32>
      %mul3A_249 = arith.mulf %add3A_121, %add3A_121 : vector<800x128xf32>
      %reduce_sum3A_250 = arith.constant dense<0.000000e+00> : vector<128xf32>
      %reduce_sum3A_251 = vector.multi_reduction <add>, %mul3A_249, %reduce_sum3A_250 [0] : vector<800x128xf32> to vector<128xf32>
      %broadcast_in_dim3A_252 = vector.shape_cast %reduce_sum3A_251 : vector<128xf32> to vector<1x128xf32>
      %reduce_sum3A_253 = arith.constant dense<0.000000e+00> : vector<128xf32>
      %reduce_sum3A_254 = vector.multi_reduction <add>, %add3A_127, %reduce_sum3A_253 [0] : vector<800x128xf32> to vector<128xf32>
      %broadcast_in_dim3A_255 = vector.shape_cast %reduce_sum3A_254 : vector<128xf32> to vector<1x128xf32>
      %mul3A_256 = arith.mulf %add3A_127, %add3A_127 : vector<800x128xf32>
      %reduce_sum3A_257 = arith.constant dense<0.000000e+00> : vector<128xf32>
      %reduce_sum3A_258 = vector.multi_reduction <add>, %mul3A_256, %reduce_sum3A_257 [0] : vector<800x128xf32> to vector<128xf32>
      %broadcast_in_dim3A_259 = vector.shape_cast %reduce_sum3A_258 : vector<128xf32> to vector<1x128xf32>
      %add3A_260 = arith.addf %add3A_224, %broadcast_in_dim3A_248 : vector<1x128xf32>
      %add3A_261 = arith.addf %add3A_225, %broadcast_in_dim3A_252 : vector<1x128xf32>
      %add3A_262 = arith.addf %add3A_226, %broadcast_in_dim3A_255 : vector<1x128xf32>
      %add3A_263 = arith.addf %add3A_227, %broadcast_in_dim3A_259 : vector<1x128xf32>
      %concatenate3A = tpu.concatenate %add3A_260, %add3A_261, %add3A_262, %add3A_263 in 0 : vector<1x128xf32>, vector<1x128xf32>, vector<1x128xf32>, vector<1x128xf32> -> vector<4x128xf32>
      %eq3A_264 = arith.constant 0 : i32
      %eq3A_265 = arith.cmpi eq, %arg1, %eq3A_264 : i32
      %convert_element_type3A_266 = arith.extui %eq3A_265 : i1 to i32
      %cond3A_267 = arith.constant 0 : i32
      %cond3A_268 = arith.cmpi ne, %convert_element_type3A_266, %cond3A_267 : i32
      scf.if %cond3A_268 {
        %broadcast_in_dim3A_276 = arith.constant 0.000000e+00 : f32
        %broadcast_in_dim3A_277 = vector.broadcast %broadcast_in_dim3A_276 : f32 to vector<4x128xf32>
        %swap3A_278 = arith.constant 0 : index
        %swap3A_279 = arith.constant 0 : index
        %swap3A_280 = vector.load %arg27[%swap3A_278, %swap3A_279] : memref<4x128xf32, #tpu.memory_space<vmem>>, vector<4x128xf32>
        tpu.vector_store %arg27[%swap3A_278, %swap3A_279], %broadcast_in_dim3A_277 {strides = array<i32>} : memref<4x128xf32, #tpu.memory_space<vmem>>, vector<4x128xf32>,
      } else {
      }
      %get3A_269 = arith.constant 0 : index
      %get3A_270 = arith.constant 0 : index
      %get3A_271 = vector.load %arg27[%get3A_269, %get3A_270] : memref<4x128xf32, #tpu.memory_space<vmem>>, vector<4x128xf32>
      %add3A_272 = arith.addf %get3A_271, %concatenate3A : vector<4x128xf32>
      %swap3A_273 = arith.constant 0 : index
      %swap3A_274 = arith.constant 0 : index
      %swap3A_275 = vector.load %arg27[%swap3A_273, %swap3A_274] : memref<4x128xf32, #tpu.memory_space<vmem>>, vector<4x128xf32>
      tpu.vector_store %arg27[%swap3A_273, %swap3A_274], %add3A_272 {strides = array<i32>} : memref<4x128xf32, #tpu.memory_space<vmem>>, vector<4x128xf32>,
    } else {
    }
    %eq3A_2 = arith.constant 1 : i32
    %eq3A_3 = arith.cmpi eq, %arg0, %eq3A_2 : i32
    %convert_element_type3A_4 = arith.extui %eq3A_3 : i1 to i32
    %cond3A_5 = arith.constant 0 : i32
    %cond3A_6 = arith.cmpi ne, %convert_element_type3A_4, %cond3A_5 : i32
    scf.if %cond3A_6 {
      %get3A = arith.constant 0 : index
      %get3A_12 = arith.constant 0 : index
      %get3A_13 = vector.load %arg27[%get3A, %get3A_12] : memref<4x128xf32, #tpu.memory_space<vmem>>, vector<4x128xf32>
      %get3A_14 = arith.constant 0 : index
      %get3A_15 = arith.constant 0 : index
      %get3A_16 = vector.load %arg21[%get3A_14, %get3A_15] : memref<128x128xf32, #tpu.memory_space<vmem>>, vector<128x128xf32>
      %dot_general3A = arith.constant dense<0.000000e+00> : vector<4x128xf32>
      %dot_general3A_17 = tpu.matmul %get3A_13, %get3A_16, %dot_general3A {dimension_numbers = #tpu.dot_dimension_numbers<[1], [0], [0], [1], [0, 0, 1, 1], [], []>, transpose_lhs_hint = false} : vector<4x128xf32>, vector<128x128xf32>, vector<4x128xf32> -> vector<4x128xf32>
      %slice3A = vector.extract_strided_slice %dot_general3A_17 {offsets = [0, 0], sizes = [1, 128], strides = [1, 1]} : vector<4x128xf32> to vector<1x128xf32>
      %div3A = arith.constant 3.200000e+05 : f32
      %div3A_18 = vector.broadcast %div3A : f32 to vector<1x128xf32>
      %div3A_19 = arith.divf %slice3A, %div3A_18 : vector<1x128xf32>
      %slice3A_20 = vector.extract_strided_slice %dot_general3A_17 {offsets = [1, 0], sizes = [1, 128], strides = [1, 1]} : vector<4x128xf32> to vector<1x128xf32>
      %div3A_21 = arith.constant 3.200000e+05 : f32
      %div3A_22 = vector.broadcast %div3A_21 : f32 to vector<1x128xf32>
      %div3A_23 = arith.divf %slice3A_20, %div3A_22 : vector<1x128xf32>
      %mul3A = arith.mulf %div3A_19, %div3A_19 : vector<1x128xf32>
      %sub3A = arith.subf %div3A_23, %mul3A : vector<1x128xf32>
      %get3A_24 = arith.constant 0 : index
      %get3A_25 = arith.constant 0 : index
      %get3A_26 = vector.load %arg15[%get3A_24, %get3A_25] : memref<1x128xf32, #tpu.memory_space<vmem>>, vector<1x128xf32>
      %add3A = arith.constant 9.99999974E-6 : f32
      %add3A_27 = vector.broadcast %add3A : f32 to vector<1x128xf32>
      %add3A_28 = arith.addf %sub3A, %add3A_27 : vector<1x128xf32>
      %rsqrt3A = math.rsqrt %add3A_28 : vector<1x128xf32>
      %mul3A_29 = arith.mulf %get3A_26, %rsqrt3A : vector<1x128xf32>
      %get3A_30 = arith.constant 0 : index
      %get3A_31 = arith.constant 0 : index
      %get3A_32 = vector.load %arg16[%get3A_30, %get3A_31] : memref<1x128xf32, #tpu.memory_space<vmem>>, vector<1x128xf32>
      %mul3A_33 = arith.mulf %div3A_19, %mul3A_29 : vector<1x128xf32>
      %sub3A_34 = arith.subf %get3A_32, %mul3A_33 : vector<1x128xf32>
      %slice3A_35 = vector.extract_strided_slice %dot_general3A_17 {offsets = [2, 0], sizes = [1, 128], strides = [1, 1]} : vector<4x128xf32> to vector<1x128xf32>
      %div3A_36 = arith.constant 3.200000e+05 : f32
      %div3A_37 = vector.broadcast %div3A_36 : f32 to vector<1x128xf32>
      %div3A_38 = arith.divf %slice3A_35, %div3A_37 : vector<1x128xf32>
      %slice3A_39 = vector.extract_strided_slice %dot_general3A_17 {offsets = [3, 0], sizes = [1, 128], strides = [1, 1]} : vector<4x128xf32> to vector<1x128xf32>
      %div3A_40 = arith.constant 3.200000e+05 : f32
      %div3A_41 = vector.broadcast %div3A_40 : f32 to vector<1x128xf32>
      %div3A_42 = arith.divf %slice3A_39, %div3A_41 : vector<1x128xf32>
      %mul3A_43 = arith.mulf %div3A_38, %div3A_38 : vector<1x128xf32>
      %sub3A_44 = arith.subf %div3A_42, %mul3A_43 : vector<1x128xf32>
      %get3A_45 = arith.constant 0 : index
      %get3A_46 = arith.constant 0 : index
      %get3A_47 = vector.load %arg17[%get3A_45, %get3A_46] : memref<1x128xf32, #tpu.memory_space<vmem>>, vector<1x128xf32>
      %add3A_48 = arith.constant 9.99999974E-6 : f32
      %add3A_49 = vector.broadcast %add3A_48 : f32 to vector<1x128xf32>
      %add3A_50 = arith.addf %sub3A_44, %add3A_49 : vector<1x128xf32>
      %rsqrt3A_51 = math.rsqrt %add3A_50 : vector<1x128xf32>
      %mul3A_52 = arith.mulf %get3A_47, %rsqrt3A_51 : vector<1x128xf32>
      %get3A_53 = arith.constant 0 : index
      %get3A_54 = arith.constant 0 : index
      %get3A_55 = vector.load %arg18[%get3A_53, %get3A_54] : memref<1x128xf32, #tpu.memory_space<vmem>>, vector<1x128xf32>
      %mul3A_56 = arith.mulf %div3A_38, %mul3A_52 : vector<1x128xf32>
      %sub3A_57 = arith.subf %get3A_55, %mul3A_56 : vector<1x128xf32>
      %mul3A_58 = arith.constant 800 : i32
      %mul3A_59 = arith.muli %arg1, %mul3A_58 : i32
      %get3A_60 = arith.constant 0 : index
      %get3A_61 = arith.index_cast %mul3A_59 : i32 to index
      %get3A_62 = arith.constant 0 : index
      %get3A_63 = vector.load %arg26[%get3A_60, %get3A_61, %get3A_62] : memref<8x20000x128xbf16, #tpu.memory_space<vmem>>, vector<1x800x128xbf16>
      %get3A_64 = vector.shape_cast %get3A_63 : vector<1x800x128xbf16> to vector<800x128xbf16>
      %mul3A_65 = arith.constant 800 : i32
      %mul3A_66 = arith.muli %arg1, %mul3A_65 : i32
      %get3A_67 = arith.constant 4 : index
      %get3A_68 = arith.index_cast %mul3A_66 : i32 to index
      %get3A_69 = arith.constant 0 : index
      %get3A_70 = vector.load %arg26[%get3A_67, %get3A_68, %get3A_69] : memref<8x20000x128xbf16, #tpu.memory_space<vmem>>, vector<1x800x128xbf16>
      %get3A_71 = vector.shape_cast %get3A_70 : vector<1x800x128xbf16> to vector<800x128xbf16>
      %convert_element_type3A_72 = arith.extf %get3A_64 : vector<800x128xbf16> to vector<800x128xf32>
      %mul3A_73 = vector.broadcast %mul3A_29 : vector<1x128xf32> to vector<800x128xf32>
      %mul3A_74 = arith.mulf %convert_element_type3A_72, %mul3A_73 : vector<800x128xf32>
      %add3A_75 = vector.broadcast %sub3A_34 : vector<1x128xf32> to vector<800x128xf32>
      %add3A_76 = arith.addf %mul3A_74, %add3A_75 : vector<800x128xf32>
      %logistic3A = arith.negf %add3A_76 : vector<800x128xf32>
      %logistic3A_77 = math.exp %logistic3A : vector<800x128xf32>
      %logistic3A_78 = arith.constant 1.000000e+00 : f32
      %logistic3A_79 = vector.broadcast %logistic3A_78 : f32 to vector<800x128xf32>
      %logistic3A_80 = arith.addf %logistic3A_79, %logistic3A_77 : vector<800x128xf32>
      %logistic3A_81 = arith.divf %logistic3A_79, %logistic3A_80 : vector<800x128xf32>
      %convert_element_type3A_82 = arith.extf %get3A_71 : vector<800x128xbf16> to vector<800x128xf32>
      %mul3A_83 = vector.broadcast %mul3A_52 : vector<1x128xf32> to vector<800x128xf32>
      %mul3A_84 = arith.mulf %convert_element_type3A_82, %mul3A_83 : vector<800x128xf32>
      %add3A_85 = vector.broadcast %sub3A_57 : vector<1x128xf32> to vector<800x128xf32>
      %add3A_86 = arith.addf %mul3A_84, %add3A_85 : vector<800x128xf32>
      %max3A = arith.constant 0.000000e+00 : f32
      %max3A_87 = vector.broadcast %max3A : f32 to vector<800x128xf32>
      %max3A_88 = arith.maximumf %add3A_86, %max3A_87 : vector<800x128xf32>
      %mul3A_89 = arith.mulf %logistic3A_81, %max3A_88 : vector<800x128xf32>
      %mul3A_90 = arith.constant 800 : i32
      %mul3A_91 = arith.muli %arg1, %mul3A_90 : i32
      %get3A_92 = arith.constant 1 : index
      %get3A_93 = arith.index_cast %mul3A_91 : i32 to index
      %get3A_94 = arith.constant 0 : index
      %get3A_95 = vector.load %arg26[%get3A_92, %get3A_93, %get3A_94] : memref<8x20000x128xbf16, #tpu.memory_space<vmem>>, vector<1x800x128xbf16>
      %get3A_96 = vector.shape_cast %get3A_95 : vector<1x800x128xbf16> to vector<800x128xbf16>
      %mul3A_97 = arith.constant 800 : i32
      %mul3A_98 = arith.muli %arg1, %mul3A_97 : i32
      %get3A_99 = arith.constant 5 : index
      %get3A_100 = arith.index_cast %mul3A_98 : i32 to index
      %get3A_101 = arith.constant 0 : index
      %get3A_102 = vector.load %arg26[%get3A_99, %get3A_100, %get3A_101] : memref<8x20000x128xbf16, #tpu.memory_space<vmem>>, vector<1x800x128xbf16>
      %get3A_103 = vector.shape_cast %get3A_102 : vector<1x800x128xbf16> to vector<800x128xbf16>
      %convert_element_type3A_104 = arith.extf %get3A_96 : vector<800x128xbf16> to vector<800x128xf32>
      %mul3A_105 = vector.broadcast %mul3A_29 : vector<1x128xf32> to vector<800x128xf32>
      %mul3A_106 = arith.mulf %convert_element_type3A_104, %mul3A_105 : vector<800x128xf32>
      %add3A_107 = vector.broadcast %sub3A_34 : vector<1x128xf32> to vector<800x128xf32>
      %add3A_108 = arith.addf %mul3A_106, %add3A_107 : vector<800x128xf32>
      %logistic3A_109 = arith.negf %add3A_108 : vector<800x128xf32>
      %logistic3A_110 = math.exp %logistic3A_109 : vector<800x128xf32>
      %logistic3A_111 = arith.constant 1.000000e+00 : f32
      %logistic3A_112 = vector.broadcast %logistic3A_111 : f32 to vector<800x128xf32>
      %logistic3A_113 = arith.addf %logistic3A_112, %logistic3A_110 : vector<800x128xf32>
      %logistic3A_114 = arith.divf %logistic3A_112, %logistic3A_113 : vector<800x128xf32>
      %convert_element_type3A_115 = arith.extf %get3A_103 : vector<800x128xbf16> to vector<800x128xf32>
      %mul3A_116 = vector.broadcast %mul3A_52 : vector<1x128xf32> to vector<800x128xf32>
      %mul3A_117 = arith.mulf %convert_element_type3A_115, %mul3A_116 : vector<800x128xf32>
      %add3A_118 = vector.broadcast %sub3A_57 : vector<1x128xf32> to vector<800x128xf32>
      %add3A_119 = arith.addf %mul3A_117, %add3A_118 : vector<800x128xf32>
      %max3A_120 = arith.constant 0.000000e+00 : f32
      %max3A_121 = vector.broadcast %max3A_120 : f32 to vector<800x128xf32>
      %max3A_122 = arith.maximumf %add3A_119, %max3A_121 : vector<800x128xf32>
      %mul3A_123 = arith.mulf %logistic3A_114, %max3A_122 : vector<800x128xf32>
      %add3A_124 = arith.addf %mul3A_89, %mul3A_123 : vector<800x128xf32>
      %mul3A_125 = arith.constant 800 : i32
      %mul3A_126 = arith.muli %arg1, %mul3A_125 : i32
      %get3A_127 = arith.constant 2 : index
      %get3A_128 = arith.index_cast %mul3A_126 : i32 to index
      %get3A_129 = arith.constant 0 : index
      %get3A_130 = vector.load %arg26[%get3A_127, %get3A_128, %get3A_129] : memref<8x20000x128xbf16, #tpu.memory_space<vmem>>, vector<1x800x128xbf16>
      %get3A_131 = vector.shape_cast %get3A_130 : vector<1x800x128xbf16> to vector<800x128xbf16>
      %mul3A_132 = arith.constant 800 : i32
      %mul3A_133 = arith.muli %arg1, %mul3A_132 : i32
      %get3A_134 = arith.constant 6 : index
      %get3A_135 = arith.index_cast %mul3A_133 : i32 to index
      %get3A_136 = arith.constant 0 : index
      %get3A_137 = vector.load %arg26[%get3A_134, %get3A_135, %get3A_136] : memref<8x20000x128xbf16, #tpu.memory_space<vmem>>, vector<1x800x128xbf16>
      %get3A_138 = vector.shape_cast %get3A_137 : vector<1x800x128xbf16> to vector<800x128xbf16>
      %convert_element_type3A_139 = arith.extf %get3A_131 : vector<800x128xbf16> to vector<800x128xf32>
      %mul3A_140 = vector.broadcast %mul3A_29 : vector<1x128xf32> to vector<800x128xf32>
      %mul3A_141 = arith.mulf %convert_element_type3A_139, %mul3A_140 : vector<800x128xf32>
      %add3A_142 = vector.broadcast %sub3A_34 : vector<1x128xf32> to vector<800x128xf32>
      %add3A_143 = arith.addf %mul3A_141, %add3A_142 : vector<800x128xf32>
      %logistic3A_144 = arith.negf %add3A_143 : vector<800x128xf32>
      %logistic3A_145 = math.exp %logistic3A_144 : vector<800x128xf32>
      %logistic3A_146 = arith.constant 1.000000e+00 : f32
      %logistic3A_147 = vector.broadcast %logistic3A_146 : f32 to vector<800x128xf32>
      %logistic3A_148 = arith.addf %logistic3A_147, %logistic3A_145 : vector<800x128xf32>
      %logistic3A_149 = arith.divf %logistic3A_147, %logistic3A_148 : vector<800x128xf32>
      %convert_element_type3A_150 = arith.extf %get3A_138 : vector<800x128xbf16> to vector<800x128xf32>
      %mul3A_151 = vector.broadcast %mul3A_52 : vector<1x128xf32> to vector<800x128xf32>
      %mul3A_152 = arith.mulf %convert_element_type3A_150, %mul3A_151 : vector<800x128xf32>
      %add3A_153 = vector.broadcast %sub3A_57 : vector<1x128xf32> to vector<800x128xf32>
      %add3A_154 = arith.addf %mul3A_152, %add3A_153 : vector<800x128xf32>
      %max3A_155 = arith.constant 0.000000e+00 : f32
      %max3A_156 = vector.broadcast %max3A_155 : f32 to vector<800x128xf32>
      %max3A_157 = arith.maximumf %add3A_154, %max3A_156 : vector<800x128xf32>
      %mul3A_158 = arith.mulf %logistic3A_149, %max3A_157 : vector<800x128xf32>
      %add3A_159 = arith.addf %add3A_124, %mul3A_158 : vector<800x128xf32>
      %mul3A_160 = arith.constant 800 : i32
      %mul3A_161 = arith.muli %arg1, %mul3A_160 : i32
      %get3A_162 = arith.constant 3 : index
      %get3A_163 = arith.index_cast %mul3A_161 : i32 to index
      %get3A_164 = arith.constant 0 : index
      %get3A_165 = vector.load %arg26[%get3A_162, %get3A_163, %get3A_164] : memref<8x20000x128xbf16, #tpu.memory_space<vmem>>, vector<1x800x128xbf16>
      %get3A_166 = vector.shape_cast %get3A_165 : vector<1x800x128xbf16> to vector<800x128xbf16>
      %mul3A_167 = arith.constant 800 : i32
      %mul3A_168 = arith.muli %arg1, %mul3A_167 : i32
      %get3A_169 = arith.constant 7 : index
      %get3A_170 = arith.index_cast %mul3A_168 : i32 to index
      %get3A_171 = arith.constant 0 : index
      %get3A_172 = vector.load %arg26[%get3A_169, %get3A_170, %get3A_171] : memref<8x20000x128xbf16, #tpu.memory_space<vmem>>, vector<1x800x128xbf16>
      %get3A_173 = vector.shape_cast %get3A_172 : vector<1x800x128xbf16> to vector<800x128xbf16>
      %convert_element_type3A_174 = arith.extf %get3A_166 : vector<800x128xbf16> to vector<800x128xf32>
      %mul3A_175 = vector.broadcast %mul3A_29 : vector<1x128xf32> to vector<800x128xf32>
      %mul3A_176 = arith.mulf %convert_element_type3A_174, %mul3A_175 : vector<800x128xf32>
      %add3A_177 = vector.broadcast %sub3A_34 : vector<1x128xf32> to vector<800x128xf32>
      %add3A_178 = arith.addf %mul3A_176, %add3A_177 : vector<800x128xf32>
      %logistic3A_179 = arith.negf %add3A_178 : vector<800x128xf32>
      %logistic3A_180 = math.exp %logistic3A_179 : vector<800x128xf32>
      %logistic3A_181 = arith.constant 1.000000e+00 : f32
      %logistic3A_182 = vector.broadcast %logistic3A_181 : f32 to vector<800x128xf32>
      %logistic3A_183 = arith.addf %logistic3A_182, %logistic3A_180 : vector<800x128xf32>
      %logistic3A_184 = arith.divf %logistic3A_182, %logistic3A_183 : vector<800x128xf32>
      %convert_element_type3A_185 = arith.extf %get3A_173 : vector<800x128xbf16> to vector<800x128xf32>
      %mul3A_186 = vector.broadcast %mul3A_52 : vector<1x128xf32> to vector<800x128xf32>
      %mul3A_187 = arith.mulf %convert_element_type3A_185, %mul3A_186 : vector<800x128xf32>
      %add3A_188 = vector.broadcast %sub3A_57 : vector<1x128xf32> to vector<800x128xf32>
      %add3A_189 = arith.addf %mul3A_187, %add3A_188 : vector<800x128xf32>
      %max3A_190 = arith.constant 0.000000e+00 : f32
      %max3A_191 = vector.broadcast %max3A_190 : f32 to vector<800x128xf32>
      %max3A_192 = arith.maximumf %add3A_189, %max3A_191 : vector<800x128xf32>
      %mul3A_193 = arith.mulf %logistic3A_184, %max3A_192 : vector<800x128xf32>
      %add3A_194 = arith.addf %add3A_159, %mul3A_193 : vector<800x128xf32>
      %get3A_195 = arith.constant 0 : index
      %get3A_196 = arith.constant 0 : index
      %get3A_197 = vector.load %arg22[%get3A_195, %get3A_196] : memref<128x32xf32, #tpu.memory_space<vmem>>, vector<128x32xf32>
      %dot_general3A_198 = arith.constant dense<0.000000e+00> : vector<800x32xf32>
      %dot_general3A_199 = tpu.matmul %add3A_194, %get3A_197, %dot_general3A_198 {dimension_numbers = #tpu.dot_dimension_numbers<[1], [0], [0], [1], [0, 0, 1, 1], [], []>, transpose_lhs_hint = false} : vector<800x128xf32>, vector<128x32xf32>, vector<800x32xf32> -> vector<800x32xf32>
      %mul3A_200 = arith.constant 800 : i32
      %mul3A_201 = arith.muli %arg1, %mul3A_200 : i32
      %swap3A = arith.index_cast %mul3A_201 : i32 to index
      %swap3A_202 = arith.constant 0 : index
      %swap3A_203 = vector.load %arg28[%swap3A, %swap3A_202] : memref<20000x32xf32, #tpu.memory_space<vmem>>, vector<800x32xf32>
      tpu.vector_store %arg28[%swap3A, %swap3A_202], %dot_general3A_199 {strides = array<i32>} : memref<20000x32xf32, #tpu.memory_space<vmem>>, vector<800x32xf32>,
      %reduce_sum3A = arith.constant dense<0.000000e+00> : vector<32xf32>
      %reduce_sum3A_204 = vector.multi_reduction <add>, %dot_general3A_199, %reduce_sum3A [0] : vector<800x32xf32> to vector<32xf32>
      %broadcast_in_dim3A = vector.shape_cast %reduce_sum3A_204 : vector<32xf32> to vector<1x32xf32>
      %mul3A_205 = arith.mulf %dot_general3A_199, %dot_general3A_199 : vector<800x32xf32>
      %reduce_sum3A_206 = arith.constant dense<0.000000e+00> : vector<32xf32>
      %reduce_sum3A_207 = vector.multi_reduction <add>, %mul3A_205, %reduce_sum3A_206 [0] : vector<800x32xf32> to vector<32xf32>
      %broadcast_in_dim3A_208 = vector.shape_cast %reduce_sum3A_207 : vector<32xf32> to vector<1x32xf32>
      %eq3A_209 = arith.constant 0 : i32
      %eq3A_210 = arith.cmpi eq, %arg1, %eq3A_209 : i32
      %convert_element_type3A_211 = arith.extui %eq3A_210 : i1 to i32
      %cond3A_212 = arith.constant 0 : i32
      %cond3A_213 = arith.cmpi ne, %convert_element_type3A_211, %cond3A_212 : i32
      scf.if %cond3A_213 {
        %broadcast_in_dim3A_221 = arith.constant 0.000000e+00 : f32
        %broadcast_in_dim3A_222 = vector.broadcast %broadcast_in_dim3A_221 : f32 to vector<2x32xf32>
        %swap3A_223 = arith.constant 0 : index
        %swap3A_224 = arith.constant 0 : index
        %swap3A_225 = vector.load %arg29[%swap3A_223, %swap3A_224] : memref<2x32xf32, #tpu.memory_space<vmem>>, vector<2x32xf32>
        tpu.vector_store %arg29[%swap3A_223, %swap3A_224], %broadcast_in_dim3A_222 {strides = array<i32>} : memref<2x32xf32, #tpu.memory_space<vmem>>, vector<2x32xf32>,
      } else {
      }
      %get3A_214 = arith.constant 0 : index
      %get3A_215 = arith.constant 0 : index
      %get3A_216 = vector.load %arg29[%get3A_214, %get3A_215] : memref<2x32xf32, #tpu.memory_space<vmem>>, vector<2x32xf32>
      %concatenate3A = tpu.concatenate %broadcast_in_dim3A, %broadcast_in_dim3A_208 in 0 : vector<1x32xf32>, vector<1x32xf32> -> vector<2x32xf32>
      %add3A_217 = arith.addf %get3A_216, %concatenate3A : vector<2x32xf32>
      %swap3A_218 = arith.constant 0 : index
      %swap3A_219 = arith.constant 0 : index
      %swap3A_220 = vector.load %arg29[%swap3A_218, %swap3A_219] : memref<2x32xf32, #tpu.memory_space<vmem>>, vector<2x32xf32>
      tpu.vector_store %arg29[%swap3A_218, %swap3A_219], %add3A_217 {strides = array<i32>} : memref<2x32xf32, #tpu.memory_space<vmem>>, vector<2x32xf32>,
    } else {
    }
    %eq3A_7 = arith.constant 2 : i32
    %eq3A_8 = arith.cmpi eq, %arg0, %eq3A_7 : i32
    %convert_element_type3A_9 = arith.extui %eq3A_8 : i1 to i32
    %cond3A_10 = arith.constant 0 : i32
    %cond3A_11 = arith.cmpi ne, %convert_element_type3A_9, %cond3A_10 : i32
    scf.if %cond3A_11 {
      %get3A = arith.constant 0 : index
      %get3A_12 = arith.constant 0 : index
      %get3A_13 = vector.load %arg29[%get3A, %get3A_12] : memref<2x32xf32, #tpu.memory_space<vmem>>, vector<2x32xf32>
      %slice3A = vector.extract_strided_slice %get3A_13 {offsets = [0, 0], sizes = [1, 32], strides = [1, 1]} : vector<2x32xf32> to vector<1x32xf32>
      %div3A = arith.constant 2.000000e+04 : f32
      %div3A_14 = vector.broadcast %div3A : f32 to vector<1x32xf32>
      %div3A_15 = arith.divf %slice3A, %div3A_14 : vector<1x32xf32>
      %slice3A_16 = vector.extract_strided_slice %get3A_13 {offsets = [1, 0], sizes = [1, 32], strides = [1, 1]} : vector<2x32xf32> to vector<1x32xf32>
      %div3A_17 = arith.constant 2.000000e+04 : f32
      %div3A_18 = vector.broadcast %div3A_17 : f32 to vector<1x32xf32>
      %div3A_19 = arith.divf %slice3A_16, %div3A_18 : vector<1x32xf32>
      %mul3A = arith.mulf %div3A_15, %div3A_15 : vector<1x32xf32>
      %sub3A = arith.subf %div3A_19, %mul3A : vector<1x32xf32>
      %get3A_20 = arith.constant 0 : index
      %get3A_21 = arith.constant 0 : index
      %get3A_22 = vector.load %arg19[%get3A_20, %get3A_21] : memref<1x32xf32, #tpu.memory_space<vmem>>, vector<1x32xf32>
      %add3A = arith.constant 9.99999974E-6 : f32
      %add3A_23 = vector.broadcast %add3A : f32 to vector<1x32xf32>
      %add3A_24 = arith.addf %sub3A, %add3A_23 : vector<1x32xf32>
      %rsqrt3A = math.rsqrt %add3A_24 : vector<1x32xf32>
      %mul3A_25 = arith.mulf %get3A_22, %rsqrt3A : vector<1x32xf32>
      %get3A_26 = arith.constant 0 : index
      %get3A_27 = arith.constant 0 : index
      %get3A_28 = vector.load %arg20[%get3A_26, %get3A_27] : memref<1x32xf32, #tpu.memory_space<vmem>>, vector<1x32xf32>
      %mul3A_29 = arith.mulf %div3A_15, %mul3A_25 : vector<1x32xf32>
      %sub3A_30 = arith.subf %get3A_28, %mul3A_29 : vector<1x32xf32>
      %mul3A_31 = arith.constant 800 : i32
      %mul3A_32 = arith.muli %arg1, %mul3A_31 : i32
      %get3A_33 = arith.index_cast %mul3A_32 : i32 to index
      %get3A_34 = arith.constant 0 : index
      %get3A_35 = vector.load %arg28[%get3A_33, %get3A_34] : memref<20000x32xf32, #tpu.memory_space<vmem>>, vector<800x32xf32>
      %get3A_36 = arith.constant 0 : index
      %get3A_37 = arith.constant 0 : index
      %get3A_38 = vector.load %arg4[%get3A_36, %get3A_37] : memref<800x32xf32, #tpu.memory_space<vmem>>, vector<800x32xf32>
      %mul3A_39 = vector.broadcast %mul3A_25 : vector<1x32xf32> to vector<800x32xf32>
      %mul3A_40 = arith.mulf %mul3A_39, %get3A_35 : vector<800x32xf32>
      %add3A_41 = arith.addf %get3A_38, %mul3A_40 : vector<800x32xf32>
      %add3A_42 = vector.broadcast %sub3A_30 : vector<1x32xf32> to vector<800x32xf32>
      %add3A_43 = arith.addf %add3A_41, %add3A_42 : vector<800x32xf32>
      %max3A = arith.constant 0.000000e+00 : f32
      %max3A_44 = vector.broadcast %max3A : f32 to vector<800x32xf32>
      %max3A_45 = arith.maximumf %add3A_43, %max3A_44 : vector<800x32xf32>
      %get3A_46 = arith.constant 0 : index
      %get3A_47 = arith.constant 0 : index
      %get3A_48 = vector.load %arg23[%get3A_46, %get3A_47] : memref<1x32xf32, #tpu.memory_space<vmem>>, vector<1x32xf32>
      %mul3A_49 = vector.broadcast %get3A_48 : vector<1x32xf32> to vector<800x32xf32>
      %mul3A_50 = arith.mulf %max3A_45, %mul3A_49 : vector<800x32xf32>
      %reduce_sum3A = vector.shape_cast %mul3A_50 : vector<800x32xf32> to vector<1x800x32xf32>
      %reduce_sum3A_51 = arith.constant dense<0.000000e+00> : vector<1xf32>
      %reduce_sum3A_52 = vector.multi_reduction <add>, %reduce_sum3A, %reduce_sum3A_51 [1, 2] : vector<1x800x32xf32> to vector<1xf32>
      %reduce_sum3A_53 = vector.shape_cast %reduce_sum3A_52 : vector<1xf32> to vector<1x1x1xf32>
      %reduce_sum3A_54 = vector.extract %reduce_sum3A_53[0, 0, 0] : f32 from vector<1x1x1xf32>
      %eq3A_55 = arith.constant 0 : i32
      %eq3A_56 = arith.cmpi eq, %arg1, %eq3A_55 : i32
      %convert_element_type3A_57 = arith.extui %eq3A_56 : i1 to i32
      %cond3A_58 = arith.constant 0 : i32
      %cond3A_59 = arith.cmpi ne, %convert_element_type3A_57, %cond3A_58 : i32
      scf.if %cond3A_59 {
        %get3A_66 = arith.constant 0 : index
        %get3A_67 = arith.constant 0 : index
        %get3A_68 = vector.load %arg24[%get3A_66, %get3A_67] : memref<1x1xf32, #tpu.memory_space<vmem>>, vector<1x1xf32>
        %mul3A_69 = arith.constant 2.000000e+04 : f32
        %mul3A_70 = vector.broadcast %mul3A_69 : f32 to vector<1x1xf32>
        %mul3A_71 = arith.mulf %mul3A_70, %get3A_68 : vector<1x1xf32>
        %swap3A_72 = arith.constant 0 : index
        %swap3A_73 = arith.constant 0 : index
        %swap3A_74 = vector.load %arg25[%swap3A_72, %swap3A_73] : memref<1x1xf32, #tpu.memory_space<vmem>>, vector<1x1xf32>
        tpu.vector_store %arg25[%swap3A_72, %swap3A_73], %mul3A_71 {strides = array<i32>} : memref<1x1xf32, #tpu.memory_space<vmem>>, vector<1x1xf32>,
      } else {
      }
      %get3A_60 = arith.constant 0 : index
      %get3A_61 = arith.constant 0 : index
      %get3A_62 = vector.load %arg25[%get3A_60, %get3A_61] : memref<1x1xf32, #tpu.memory_space<vmem>>, vector<1x1xf32>
      %reshape3A = vector.broadcast %reduce_sum3A_54 : f32 to vector<1x1xf32>
      %add3A_63 = arith.addf %get3A_62, %reshape3A : vector<1x1xf32>
      %swap3A = arith.constant 0 : index
      %swap3A_64 = arith.constant 0 : index
      %swap3A_65 = vector.load %arg25[%swap3A, %swap3A_64] : memref<1x1xf32, #tpu.memory_space<vmem>>, vector<1x1xf32>
      tpu.vector_store %arg25[%swap3A, %swap3A_64], %add3A_63 {strides = array<i32>} : memref<1x1xf32, #tpu.memory_space<vmem>>, vector<1x1xf32>,
    } else {
    }
    return
  }
  func.func @transform_0(%arg0: i32, %arg1: i32) -> (i32, i32, i32) {
    %eq3A = arith.constant 0 : i32
    %eq3A_0 = arith.cmpi eq, %arg0, %eq3A : i32
    %jit3A = arith.constant 0 : i32
    %select_n3A = arith.select %eq3A_0, %arg1, %jit3A : i32
    %c0_i32 = arith.constant 0 : i32
    %c0_i32_1 = arith.constant 0 : i32
    %c0_i32_2 = arith.constant 0 : i32
    return %c0_i32, %select_n3A, %c0_i32_1 : i32, i32, i32
  }
  func.func @transform_1(%arg0: i32, %arg1: i32) -> (i32, i32, i32) {
    %eq3A = arith.constant 0 : i32
    %eq3A_0 = arith.cmpi eq, %arg0, %eq3A : i32
    %jit3A = arith.constant 0 : i32
    %select_n3A = arith.select %eq3A_0, %arg1, %jit3A : i32
    %c0_i32 = arith.constant 0 : i32
    %c0_i32_1 = arith.constant 0 : i32
    %c0_i32_2 = arith.constant 0 : i32
    return %c0_i32, %select_n3A, %c0_i32_1 : i32, i32, i32
  }
  func.func @transform_2(%arg0: i32, %arg1: i32) -> (i32, i32) {
    %c0_i32 = arith.constant 0 : i32
    %c0_i32_0 = arith.constant 0 : i32
    return %arg1, %c0_i32 : i32, i32
  }
  func.func @transform_3(%arg0: i32, %arg1: i32) -> (i32, i32) {
    %c0_i32 = arith.constant 0 : i32
    %c0_i32_0 = arith.constant 0 : i32
    %c0_i32_1 = arith.constant 0 : i32
    return %c0_i32, %c0_i32_0 : i32, i32
  }
  func.func @transform_4(%arg0: i32, %arg1: i32) -> (i32, i32) {
    %c0_i32 = arith.constant 0 : i32
    %c0_i32_0 = arith.constant 0 : i32
    %c0_i32_1 = arith.constant 0 : i32
    return %c0_i32, %c0_i32_0 : i32, i32
  }
  func.func @transform_5(%arg0: i32, %arg1: i32) -> (i32, i32) {
    %c0_i32 = arith.constant 0 : i32
    %c0_i32_0 = arith.constant 0 : i32
    %c0_i32_1 = arith.constant 0 : i32
    return %c0_i32, %c0_i32_0 : i32, i32
  }
  func.func @transform_6(%arg0: i32, %arg1: i32) -> (i32, i32) {
    %c0_i32 = arith.constant 0 : i32
    %c0_i32_0 = arith.constant 0 : i32
    %c0_i32_1 = arith.constant 0 : i32
    return %c0_i32, %c0_i32_0 : i32, i32
  }
  func.func @transform_7(%arg0: i32, %arg1: i32) -> (i32, i32) {
    %c0_i32 = arith.constant 0 : i32
    %c0_i32_0 = arith.constant 0 : i32
    %c0_i32_1 = arith.constant 0 : i32
    return %c0_i32, %c0_i32_0 : i32, i32
  }
  func.func @transform_8(%arg0: i32, %arg1: i32) -> (i32, i32) {
    %c0_i32 = arith.constant 0 : i32
    %c0_i32_0 = arith.constant 0 : i32
    %c0_i32_1 = arith.constant 0 : i32
    return %c0_i32, %c0_i32_0 : i32, i32
  }
  func.func @transform_9(%arg0: i32, %arg1: i32) -> (i32, i32) {
    %c0_i32 = arith.constant 0 : i32
    %c0_i32_0 = arith.constant 0 : i32
    %c0_i32_1 = arith.constant 0 : i32
    return %c0_i32, %c0_i32_0 : i32, i32
  }
  func.func @transform_10(%arg0: i32, %arg1: i32) -> (i32, i32) {
    %c0_i32 = arith.constant 0 : i32
    %c0_i32_0 = arith.constant 0 : i32
    %c0_i32_1 = arith.constant 0 : i32
    return %c0_i32, %c0_i32_0 : i32, i32
  }
  func.func @transform_11(%arg0: i32, %arg1: i32) -> (i32, i32) {
    %c0_i32 = arith.constant 0 : i32
    %c0_i32_0 = arith.constant 0 : i32
    %c0_i32_1 = arith.constant 0 : i32
    return %c0_i32, %c0_i32_0 : i32, i32
  }
  func.func @transform_12(%arg0: i32, %arg1: i32) -> (i32, i32) {
    %c0_i32 = arith.constant 0 : i32
    %c0_i32_0 = arith.constant 0 : i32
    %c0_i32_1 = arith.constant 0 : i32
    return %c0_i32, %c0_i32_0 : i32, i32
  }
  func.func @transform_13(%arg0: i32, %arg1: i32) -> (i32, i32) {
    %c0_i32 = arith.constant 0 : i32
    %c0_i32_0 = arith.constant 0 : i32
    %c0_i32_1 = arith.constant 0 : i32
    return %c0_i32, %c0_i32_0 : i32, i32
  }
  func.func @transform_14(%arg0: i32, %arg1: i32) -> (i32, i32) {
    %c0_i32 = arith.constant 0 : i32
    %c0_i32_0 = arith.constant 0 : i32
    %c0_i32_1 = arith.constant 0 : i32
    return %c0_i32, %c0_i32_0 : i32, i32
  }
  func.func @transform_15(%arg0: i32, %arg1: i32) -> (i32, i32) {
    %c0_i32 = arith.constant 0 : i32
    %c0_i32_0 = arith.constant 0 : i32
    %c0_i32_1 = arith.constant 0 : i32
    return %c0_i32, %c0_i32_0 : i32, i32
  }
  func.func @transform_16(%arg0: i32, %arg1: i32) -> (i32, i32) {
    %c0_i32 = arith.constant 0 : i32
    %c0_i32_0 = arith.constant 0 : i32
    %c0_i32_1 = arith.constant 0 : i32
    return %c0_i32, %c0_i32_0 : i32, i32
  }
  func.func @transform_17(%arg0: i32, %arg1: i32) -> (i32, i32) {
    %c0_i32 = arith.constant 0 : i32
    %c0_i32_0 = arith.constant 0 : i32
    %c0_i32_1 = arith.constant 0 : i32
    return %c0_i32, %c0_i32_0 : i32, i32
  }
  func.func @transform_18(%arg0: i32, %arg1: i32) -> (i32, i32) {
    %c0_i32 = arith.constant 0 : i32
    %c0_i32_0 = arith.constant 0 : i32
    %c0_i32_1 = arith.constant 0 : i32
    return %c0_i32, %c0_i32_0 : i32, i32
  }
  func.func @transform_19(%arg0: i32, %arg1: i32) -> (i32, i32) {
    %c0_i32 = arith.constant 0 : i32
    %c0_i32_0 = arith.constant 0 : i32
    %c0_i32_1 = arith.constant 0 : i32
    return %c0_i32, %c0_i32_0 : i32, i32
  }
  func.func @transform_20(%arg0: i32, %arg1: i32) -> (i32, i32) {
    %c0_i32 = arith.constant 0 : i32
    %c0_i32_0 = arith.constant 0 : i32
    %c0_i32_1 = arith.constant 0 : i32
    return %c0_i32, %c0_i32_0 : i32, i32
  }
  func.func @transform_21(%arg0: i32, %arg1: i32) -> (i32, i32) {
    %c0_i32 = arith.constant 0 : i32
    %c0_i32_0 = arith.constant 0 : i32
    %c0_i32_1 = arith.constant 0 : i32
    return %c0_i32, %c0_i32_0 : i32, i32
  }
  func.func @transform_22(%arg0: i32, %arg1: i32) -> (i32, i32) {
    %c0_i32 = arith.constant 0 : i32
    %c0_i32_0 = arith.constant 0 : i32
    %c0_i32_1 = arith.constant 0 : i32
    return %c0_i32, %c0_i32_0 : i32, i32
  }
  func.func @transform_23(%arg0: i32, %arg1: i32) -> (i32, i32) {
    %c0_i32 = arith.constant 0 : i32
    %c0_i32_0 = arith.constant 0 : i32
    %c0_i32_1 = arith.constant 0 : i32
    return %c0_i32, %c0_i32_0 : i32, i32
  }
}

</mosaic_0001>

<sc_bundles>
// kernel: kernel.12.cloned.1.call-start
scs
__scs_entry_jumppad:
0x0: {  	(pc) =	sbr.rel $0x88, $3  }
0x1: {  	(tag) =	ssettag $0x0;
	lr =	simm.s32 $0x1  }
0x2: {  	[smem:$0x3F94] =	sst lr;
	_ =	strace $0xD0000000  }
0x3: {  	_ = 	snop  }
0x4: {  	_ = 	snop  }
0x5: {  	_ = 	snop  }
0x6: {  	_ = 	snop  }
0x7: {  	_ = 	snop  }
__scs_overlays_trampoline_lowered:
0x8: {  	[smem:$0x3FA3] =	sst s0  }
0x9: {  	[smem:$0x3FA4] =	sst s1  }
0xa: {  	[smem:$0x3FA5] =	sst s2  }
0xb: {  	[smem:$0x3FA6] =	sst s3  }
0xc: {  	[smem:$0x3FA7] =	sst s4  }
0xd: {  	[smem:$0x3FA8] =	sst s5  }
0xe: {  	[smem:$0x3FA9] =	sst s6  }
0xf: {  	[smem:$0x3FAA] =	sst s7  }
0x10: {  	[smem:$0x3FAB] =	sst s8  }
0x11: {  	[smem:$0x3FAC] =	sst s9;
	s0 =	simm.s32 @!p0 $0x0  }
0x12: {  	s1 =	sld [smem:$0x3F92];
	s0 =	simm.s32 @p0 $0x1  }
0x13: {  	[smem:$0x3FAD] =	sst s0;
	s0 =	simm.s32 @!p1 $0x0  }
0x14: {  	s2 =	sld [smem:$0x3F91];
	s0 =	simm.s32 @p1 $0x1  }
0x15: {  	[smem:$0x3FAE] =	sst s0;
	s0 =	simm.s32 @!p2 $0x0  }
0x16: {  	s3 =	sld [smem:$0x3FDB];
	s0 =	simm.s32 @p2 $0x1  }
0x17: {  	s4 =	simm.s32 $0x1BF5;
	[smem:$0x3FB0] =	sst s0  }
0x18: {  	s0 =	sld [smem:$0x3F93];
	_ =	swait.ge [sflag:s4], $0x0  }
0x19: {  	s7 =	sld [smem:$0x3F94]  }
0x1a: {  	s8 =	sadd.s32 $0xFFFFE003, lr  }
0x1b: {  	s9 =	sadd.s32 $0xFFFFFEF7, lr;
	s5 =	simm.s32 $0xFFFFFFFF;
	p2 =	slt.u32 s8, $0xFFFFF086  }
0x1c: {  	p1 =	slt.u32 s9, $0xF7A;
	s5 =	simm.s32 @!p2 $0x0  }
0x1d: {  	s5 =	simm.s32 @p1 $0x1;
	p0 =	seq.s32 s7, s2  }
0x1e: {  	s7 =	smul.u32 @!p0 $0xF7A, s2;
	p2 =	seq.s32 @!p0 s5, $0x0  }
0x1f: {  	s9 =	smul.u32 $0xF7A, s1;
	s8 =	simm.s32 @!p0 $0x1BF5;
	p2 =	por !p2, p0  }
0x20: {  	[sflag:s8] =	ssyncset.s32 @!p0 $0xFFFFF086;
	s6 =	sadd.s32 @!p0 s3, s7;
	s7 =	simm.s32 @!p0 $0x108  }
0x21: {  	s3 =	sadd.s32 s3, s9;
	s6 =	sadd.s32 @!p0 $0x88, s6;
	s7 =	simm.s32 @p2 $0x1082  }
0x22: {  	[simem:s7], [sflag:s8] =	dma.local @!p0 [hbm:s6], $0xF7A  }
0x23: {  	s9 =	sor.u32 $0xD0000000, s2;
	s6 =	simm.s32 $0x108;
	_ =	swait.ge @!p0 [sflag:s8], $0x0  }
0x24: {  	s3 =	sadd.s32 $0x88, s3;
	s6 =	simm.s32 @!p1 $0x1082;
	[sflag:s4] =	ssyncset.s32 $0xFFFFF086  }
0x25: {  	[simem:s6], [sflag:s4] =	dma.local [hbm:s3], $0xF7A  }
0x26: {  	[smem:$0x3F94] =	sst s1;
	(tag) =	ssettag s2;
	_ =	strace s9  }
0x27: {  	s1 =	sld [smem:$0x3FA4]  }
0x28: {  	s2 =	sld [smem:$0x3FA5]  }
0x29: {  	s4 =	sld [smem:$0x3FA7]  }
0x2a: {  	p0 =	seq.s32 s5, $0x0;
	s5 =	sld [smem:$0x3FA8]  }
0x2b: {  	s6 =	sld [smem:$0x3FA9]  }
0x2c: {  	s7 =	sld [smem:$0x3FAA]  }
0x2d: {  	s3 =	simm.s32 $0x108;
	s8 =	sld [smem:$0x3FAB]  }
0x2e: {  	s3 =	simm.s32 @!p0 $0x1082;
	s9 =	sld [smem:$0x3FAC]  }
0x2f: {  	lr =	sadd.s32 s0, s3;
	s0 =	sld [smem:$0x3FA3]  }
0x30: {  	s3 =	sld [smem:$0x3FA6]  }
0x31: {  	[smem:$0x3FAF] =	sst s10  }
0x32: {  	s10 =	sld [smem:$0x3FAD];
	_ =	sdelay $0x3  }
0x33: {  	p0 =	seq.s32 s10, $0x1;
	s10 =	sld [smem:$0x3FAF];
	_ =	sdelay $0x3  }
0x34: {  	[smem:$0x3FAF] =	sst s10  }
0x35: {  	s10 =	sld [smem:$0x3FAE];
	_ =	sdelay $0x3  }
0x36: {  	p1 =	seq.s32 s10, $0x1;
	s10 =	sld [smem:$0x3FAF];
	_ =	sdelay $0x3  }
0x37: {  	[smem:$0x3FAF] =	sst s10  }
0x38: {  	s10 =	sld [smem:$0x3FB0]  }
0x39: {  	_ = 	snop;
	(pc) =	sbr.ind lr, $3  }
0x3a: {  	_ = 	snop  }
0x3b: {  	_ = 	snop  }
0x3c: {  	p2 =	seq.s32 s10, $0x1;
	s10 =	sld [smem:$0x3FAF]  }
0x3d: {  	_ =	shalt  }
0x3e: {  	_ =	shalt  }
0x3f: {  	_ =	shalt  }
0x40: {  	_ =	shalt  }
0x41: {  	_ =	shalt  }
0x42: {  	_ =	shalt  }
0x43: {  	_ =	shalt  }
0x44: {  	_ =	shalt  }
0x45: {  	_ =	shalt  }
0x46: {  	_ =	shalt  }
0x47: {  	_ =	shalt  }
0x48: {  	_ =	shalt  }
0x49: {  	_ =	shalt  }
0x4a: {  	_ =	shalt  }
0x4b: {  	_ =	shalt  }
0x4c: {  	_ =	shalt  }
0x4d: {  	_ =	shalt  }
0x4e: {  	_ =	shalt  }
0x4f: {  	_ =	shalt  }
0x50: {  	_ =	shalt  }
0x51: {  	_ =	shalt  }
0x52: {  	_ =	shalt  }
0x53: {  	_ =	shalt  }
0x54: {  	_ =	shalt  }
0x55: {  	_ =	shalt  }
0x56: {  	_ =	shalt  }
0x57: {  	_ =	shalt  }
0x58: {  	_ =	shalt  }
0x59: {  	_ =	shalt  }
0x5a: {  	_ =	shalt  }
0x5b: {  	_ =	shalt  }
0x5c: {  	_ =	shalt  }
0x5d: {  	_ =	shalt  }
0x5e: {  	_ =	shalt  }
0x5f: {  	_ =	shalt  }
0x60: {  	_ =	shalt  }
0x61: {  	_ =	shalt  }
0x62: {  	_ =	shalt  }
0x63: {  	_ =	shalt  }
0x64: {  	_ =	shalt  }
0x65: {  	_ =	shalt  }
0x66: {  	_ =	shalt  }
0x67: {  	_ =	shalt  }
0x68: {  	_ =	shalt  }
0x69: {  	_ =	shalt  }
0x6a: {  	_ =	shalt  }
0x6b: {  	_ =	shalt  }
0x6c: {  	_ =	shalt  }
0x6d: {  	_ =	shalt  }
0x6e: {  	_ =	shalt  }
0x6f: {  	_ =	shalt  }
0x70: {  	_ =	shalt  }
0x71: {  	_ =	shalt  }
0x72: {  	_ =	shalt  }
0x73: {  	_ =	shalt  }
0x74: {  	_ =	shalt  }
0x75: {  	_ =	shalt  }
0x76: {  	_ =	shalt  }
0x77: {  	_ =	shalt  }
0x78: {  	_ =	shalt  }
0x79: {  	_ =	shalt  }
0x7a: {  	_ =	shalt  }
0x7b: {  	_ =	shalt  }
0x7c: {  	_ =	shalt  }
0x7d: {  	_ =	shalt  }
0x7e: {  	_ =	shalt  }
0x7f: {  	_ =	shalt  }
0x80: {  	_ =	shalt  }
0x81: {  	_ =	shalt  }
0x82: {  	_ =	shalt  }
0x83: {  	_ =	shalt  }
0x84: {  	_ =	shalt  }
0x85: {  	_ =	shalt  }
0x86: {  	_ =	shalt  }
0x87: {  	_ =	shalt  }
.Lfunc_end0:
.L_simem_size_0:
called_computation.1_lowered:
.L_overlay_start_0:
0x88: {  	s2 =	sld [smem:$0x3FD9]  }
0x89: {  	s3 =	sld [smem:$0x3FFE];
	_ =	sdelay $0x1  }
0x8a: {  	s1 =	srdreg.scid  }
0x8b: {  	s0 =	sand.u32 $0x1, s1  }
0x8c: {  	s16 =	sshll.u32 s0, $0xA;
	s2 =	sadd.s32 s3, s2  }
0x8d: {  	s2 =	sadd.s32 s2, s16  }
0x8e: {  	[smem:$0x3FBB] =	sst s2  }
0x8f: {  	_ = 	snop  }
0x90: {  	(tm) =	ssettm $0x1  }
0x91: {  	s17 =	sld [smem:$0x3FFB];
	_ =	sdelay $0x3  }
0x92: {  	_ =	strace s17  }
0x93: {  	s2 =	sld [smem:$0x3FFC];
	_ =	sdelay $0x3  }
0x94: {  	_ =	strace s2  }
0x95: {  	s2 =	sld [smem:$0x3FFD];
	_ =	sdelay $0x3  }
0x96: {  	_ =	strace s2  }
0x97: {  	_ =	strace $0x8FFFFFFF  }
0x98: {  	s18 =	sld [smem:$0x3FDB];
	_ =	sdelay $0x1  }
0x99: {  	s19 =	simm.s32 $_scs_section_size  }
0x9a: {  	s4 =	simm.s32 $_size__tile_overlayer_lowered;
	s5 =	simm.s32 $_tile_overlayer_lowered  }
0x9b: {  	s22 =	simm.s32 $0x1BFF;
	s21 =	sshll.u32 s5, $0x1;
	s2 =	sadd.s32 s19, s18  }
0x9c: {  	s6 =	simm.s32 $0x0;
	s20 =	sshll.u32 s4, $0x1;
	s4 =	sadd.s32 s21, s2  }
0x9d: {  	[timem:s6], [sflag:s22] =	dma.local [hbm:s4], s20  }
0x9e: {  	_ =	swait.ge [sflag:s22], s20  }
0x9f: {  	s3 =	ssub.s32 $0x0, s20;
	[sflag:s22] =	ssyncset.done $0x0  }
0xa0: {  	[sflag:s22] =	ssyncadd.s32 s3;
	_ =	sdelay $0x1  }
0xa1: {  	s23 =	simm.s32 $0x1B8B  }
0xa2: {  	_ =	swait.ge [sflag:s23], $0x1  }
0xa3: {  	[sflag:s23] =	ssyncset.done $0x0  }
0xa4: {  	s25 =	simm.s32 $0x1B8E;
	s24 =	sld [smem:$0x3FFE];
	[sflag:s23] =	ssyncadd.s32 $0xFFFFFFFF  }
0xa5: {  	s26 =	simm.s32 $execute0_lowered;
	[smem:$0x3FD2] =	sst s25  }
0xa6: {  	s4 =	sshll.u32 s26, $0x1;
	_ =	strace $0x80000049;
	[dreg:$0x1] =	wrdreg $0xFFFFFFFF  }
0xa7: {  	s28 =	simm.s32 $_size_execute0_lowered;
	s2 =	sadd.s32 s2, s4;
	[dreg:$0x0] =	wrdreg $0x0  }
0xa8: {  	s4 =	sshll.u32 s28, $0x1;
	[dreg:$0x2] =	wrdreg s2  }
0xa9: {  	[dreg:$0x3] =	wrdreg s4  }
0xaa: {  	[dreg:$0x4] =	wrdreg $0xC0  }
0xab: {  	_ =	task [dreg:s6], $0x5FFFF  }
0xac: {  	[dreg:$0x1] =	wrdreg $0xFFFFFFFF  }
0xad: {  	[dreg:$0x0] =	wrdreg $0x60  }
0xae: {  	[dreg:$0x2] =	wrdreg s24  }
0xaf: {  	[dreg:$0x3] =	wrdreg $0x9  }
0xb0: {  	_ =	task.clear_ibuf [dreg:s6], $0x4FFFF;
	_ =	strace $0x90000049  }
0xb1: {  	s29 =	simm.s32 $0x9;
	_ =	strace $0x8000004B  }
0xb2: {  	_ =	swait.ge [sflag:s29], $0x1  }
0xb3: {  	[sflag:s29] =	ssyncadd.s32 $0xFFFFFFFF  }
0xb4: {  	_ =	strace $0x9000004B  }
0xb5: {  	_ =	sfence  }
0xb6: {  	s30 =	sld [smem:$0x0];
	_ =	sdelay $0x2  }
0xb7: {  	s31 =	sshll.u32 s1, $0xD;
	s1 =	sshrl.u32 s1, $0x2  }
0xb8: {  	s3 =	sand.u32 $0x4000, s31;
	s1 =	sadd.s32 s1, s30  }
0xb9: {  	s0 =	sor.u32 s3, s0;
	s1 =	sshll.u32 s1, $0x11  }
0xba: {  	s0 =	sor.u32 s1, s0  }
0xbb: {  	s0 =	sadd.s32 $0x8F2B, s0  }
0xbc: {  	[sflag:s0] =	ssyncadd.remote.s32 $0x1  }
0xbd: {  	_ =	sfence.sel $0xFFFF  }
0xbe: {  	[dreg:$0x0] =	wrdreg $0xFFFFFFFF;
	(pc) =	sbr.abs _section_cstart, $3  }
0xbf: {  	[dreg:$0x1] =	wrdreg $0xFFFFFFFF  }
0xc0: {  	_ =	task.clear_ibuf [dreg:s6], $0x2FFFF;
	_ =	strace $0x9FFFFFFF  }
0xc1: {  	(tm) =	ssettm $0x7FFFFFFF  }
tec
execute0_lowered:
.L_overlay_start_1:
0x0: {  	(tag) =	ssettag $0x1  }
0x1: {  	s1 =	srdreg.scid;
	s0 =	stileid.u32  }
0x2: {  	s31 =	sand.u32 $0x1, s1;
	s25 =	sshll.u32 s0, $0x1  }
0x3: {  	s11 =	sor.u32 s31, s25  }
0x4: {  	s29 =	smul.u32 $0x2710, s11  }
0x5: {  	s12 =	rddreg [dreg:$0x0];
	s2 =	simm.s32 $0x0  }
0x6: {  	[smem:$0x7FF] =	sst s2;
	s28 =	sadd.s32 $0x1A4200, s12;
	s3 =	sshrl.u32 s29, $0x3  }
0x7: {  	s4 =	simm.s32 $0x3;
	_ =	strace $0x8000004A;
	s3 =	sadd.s32 s28, s3  }
0x8: {  	[tilespmem:s2], [sflag:$0x3] =	stream.linear.gather [hbm4b:s3+s2], $0x3E8, $0x38;
	[tilespmem:$0x101D0] =	vst v63  }
0x9: {  	s6 =	simm.s32 $0x3E8;
	_ =	swait.ge [sflag:s4], $0x3E8  }
0xa: {  	s7 =	simm.s32 $0x7D0;
	s14 =	sadd.s32 $0x3E8, s29;
	[sflag:s4] =	ssyncset.done $0x0  }
0xb: {  	s5 =	sadd.s32 $0x9E00, s12;
	s8 =	sshrl.u32 s14, $0x3;
	[sflag:s4] =	ssyncadd.s32 $0xFFFFFC18  }
0xc: {  	[tilespmem:s7], [sflag:$0x1] =	stream.indirect.gather [hbm4b:s5+s6], $0x20, s2, s6, $0xb8;
	[tilespmem:$0x101D0] =	vst v63  }
0xd: {  	s8 =	sadd.s32 s28, s8  }
0xe: {  	[tilespmem:s6], [sflag:$0x3] =	stream.linear.gather [hbm4b:s8+s2], $0x3E8, $0x38;
	[tilespmem:$0x101D0] =	vst v63  }
0xf: {  	_ =	swait.ge [sflag:s4], $0x3E8  }
0x10: {  	[sflag:s4] =	ssyncset.done $0x0  }
0x11: {  	s9 =	simm.s32 $0x84D0;
	s10 =	simm.s32 $0x1;
	[sflag:s4] =	ssyncadd.s32 $0xFFFFFC18  }
0x12: {  	[tilespmem:s9], [sflag:$0x1] =	stream.indirect.gather [hbm4b:s5+s6], $0x20, s6, s6, $0xb8;
	[tilespmem:$0x101D0] =	vst v63  }
0x13: {  	s11 =	smul.u32 $0x9C40, s11;
	_ =	swait.ge [sflag:s10], $0x7D00  }
0x14: {  	s30 =	sadd.s32 $0x1D800, s12;
	s16 =	sadd.s32 $0x7D0, s29;
	[sflag:s10] =	ssyncset.done $0x0  }
0x15: {  	s11 =	sadd.s32 s30, s11;
	s26 =	sshrl.u32 s16, $0x3;
	[sflag:s10] =	ssyncadd.s32 $0xFFFF8300  }
0x16: {  	[hbm4b:s11+s2] =	stream.linear.scatter [tilespmem:s7], [sflag:$0x2], $0x7D00, $0x38;
	[tilespmem:$0x101D0] =	vst v63  }
0x17: {  	s12 =	sadd.s32 s28, s26  }
0x18: {  	[tilespmem:s2], [sflag:$0x3] =	stream.linear.gather [hbm4b:s12+s2], $0x3E8, $0x38;
	[tilespmem:$0x101D0] =	vst v63  }
0x19: {  	_ =	swait.ge [sflag:s4], $0x3E8  }
0x1a: {  	[sflag:s4] =	ssyncset.done $0x0  }
0x1b: {  	s13 =	simm.s32 $0x2;
	[sflag:s4] =	ssyncadd.s32 $0xFFFFFC18  }
0x1c: {  	_ =	swait.ge [sflag:s13], $0x7D00  }
0x1d: {  	[sflag:s13] =	ssyncset.done $0x0  }
0x1e: {  	[sflag:s13] =	ssyncadd.s32 $0xFFFF8300  }
0x1f: {  	[tilespmem:s7], [sflag:$0x1] =	stream.indirect.gather [hbm4b:s5+s6], $0x20, s2, s6, $0xb8;
	[tilespmem:$0x101D0] =	vst v63  }
0x20: {  	_ =	swait.ge [sflag:s10], $0x7D00  }
0x21: {  	s18 =	sadd.s32 $0xBB8, s29;
	s14 =	sshll.u32 s14, $0x2;
	[sflag:s10] =	ssyncset.done $0x0  }
0x22: {  	s15 =	sshrl.u32 s18, $0x3;
	s14 =	sadd.s32 s30, s14;
	[sflag:s10] =	ssyncadd.s32 $0xFFFF8300  }
0x23: {  	[hbm4b:s14+s2] =	stream.linear.scatter [tilespmem:s9], [sflag:$0x2], $0x7D00, $0x38;
	[tilespmem:$0x101D0] =	vst v63  }
0x24: {  	s15 =	sadd.s32 s28, s15  }
0x25: {  	[tilespmem:s6], [sflag:$0x3] =	stream.linear.gather [hbm4b:s15+s2], $0x3E8, $0x38;
	[tilespmem:$0x101D0] =	vst v63  }
0x26: {  	_ =	swait.ge [sflag:s4], $0x3E8  }
0x27: {  	[sflag:s4] =	ssyncset.done $0x0  }
0x28: {  	[sflag:s4] =	ssyncadd.s32 $0xFFFFFC18  }
0x29: {  	_ =	swait.ge [sflag:s13], $0x7D00  }
0x2a: {  	[sflag:s13] =	ssyncset.done $0x0  }
0x2b: {  	[sflag:s13] =	ssyncadd.s32 $0xFFFF8300  }
0x2c: {  	[tilespmem:s9], [sflag:$0x1] =	stream.indirect.gather [hbm4b:s5+s6], $0x20, s6, s6, $0xb8;
	[tilespmem:$0x101D0] =	vst v63  }
0x2d: {  	_ =	swait.ge [sflag:s10], $0x7D00  }
0x2e: {  	s20 =	sadd.s32 $0xFA0, s29;
	s16 =	sshll.u32 s16, $0x2;
	[sflag:s10] =	ssyncset.done $0x0  }
0x2f: {  	s17 =	sshrl.u32 s20, $0x3;
	s16 =	sadd.s32 s30, s16;
	[sflag:s10] =	ssyncadd.s32 $0xFFFF8300  }
0x30: {  	[hbm4b:s16+s2] =	stream.linear.scatter [tilespmem:s7], [sflag:$0x2], $0x7D00, $0x38;
	[tilespmem:$0x101D0] =	vst v63  }
0x31: {  	s17 =	sadd.s32 s28, s17  }
0x32: {  	[tilespmem:s2], [sflag:$0x3] =	stream.linear.gather [hbm4b:s17+s2], $0x3E8, $0x38;
	[tilespmem:$0x101D0] =	vst v63  }
0x33: {  	_ =	swait.ge [sflag:s4], $0x3E8  }
0x34: {  	[sflag:s4] =	ssyncset.done $0x0  }
0x35: {  	[sflag:s4] =	ssyncadd.s32 $0xFFFFFC18  }
0x36: {  	_ =	swait.ge [sflag:s13], $0x7D00  }
0x37: {  	[sflag:s13] =	ssyncset.done $0x0  }
0x38: {  	[sflag:s13] =	ssyncadd.s32 $0xFFFF8300  }
0x39: {  	[tilespmem:s7], [sflag:$0x1] =	stream.indirect.gather [hbm4b:s5+s6], $0x20, s2, s6, $0xb8;
	[tilespmem:$0x101D0] =	vst v63  }
0x3a: {  	_ =	swait.ge [sflag:s10], $0x7D00  }
0x3b: {  	s22 =	sadd.s32 $0x1388, s29;
	s18 =	sshll.u32 s18, $0x2;
	[sflag:s10] =	ssyncset.done $0x0  }
0x3c: {  	s19 =	sshrl.u32 s22, $0x3;
	s18 =	sadd.s32 s30, s18;
	[sflag:s10] =	ssyncadd.s32 $0xFFFF8300  }
0x3d: {  	[hbm4b:s18+s2] =	stream.linear.scatter [tilespmem:s9], [sflag:$0x2], $0x7D00, $0x38;
	[tilespmem:$0x101D0] =	vst v63  }
0x3e: {  	s19 =	sadd.s32 s28, s19  }
0x3f: {  	[tilespmem:s6], [sflag:$0x3] =	stream.linear.gather [hbm4b:s19+s2], $0x3E8, $0x38;
	[tilespmem:$0x101D0] =	vst v63  }
0x40: {  	_ =	swait.ge [sflag:s4], $0x3E8  }
0x41: {  	[sflag:s4] =	ssyncset.done $0x0  }
0x42: {  	[sflag:s4] =	ssyncadd.s32 $0xFFFFFC18  }
0x43: {  	_ =	swait.ge [sflag:s13], $0x7D00  }
0x44: {  	[sflag:s13] =	ssyncset.done $0x0  }
0x45: {  	[sflag:s13] =	ssyncadd.s32 $0xFFFF8300  }
0x46: {  	[tilespmem:s9], [sflag:$0x1] =	stream.indirect.gather [hbm4b:s5+s6], $0x20, s6, s6, $0xb8;
	[tilespmem:$0x101D0] =	vst v63  }
0x47: {  	_ =	swait.ge [sflag:s10], $0x7D00  }
0x48: {  	s24 =	sadd.s32 $0x1770, s29;
	s20 =	sshll.u32 s20, $0x2;
	[sflag:s10] =	ssyncset.done $0x0  }
0x49: {  	s21 =	sshrl.u32 s24, $0x3;
	s20 =	sadd.s32 s30, s20;
	[sflag:s10] =	ssyncadd.s32 $0xFFFF8300  }
0x4a: {  	[hbm4b:s20+s2] =	stream.linear.scatter [tilespmem:s7], [sflag:$0x2], $0x7D00, $0x38;
	[tilespmem:$0x101D0] =	vst v63  }
0x4b: {  	s21 =	sadd.s32 s28, s21  }
0x4c: {  	[tilespmem:s2], [sflag:$0x3] =	stream.linear.gather [hbm4b:s21+s2], $0x3E8, $0x38;
	[tilespmem:$0x101D0] =	vst v63  }
0x4d: {  	_ =	swait.ge [sflag:s4], $0x3E8  }
0x4e: {  	[sflag:s4] =	ssyncset.done $0x0  }
0x4f: {  	[sflag:s4] =	ssyncadd.s32 $0xFFFFFC18  }
0x50: {  	_ =	swait.ge [sflag:s13], $0x7D00  }
0x51: {  	[sflag:s13] =	ssyncset.done $0x0  }
0x52: {  	[sflag:s13] =	ssyncadd.s32 $0xFFFF8300  }
0x53: {  	[tilespmem:s7], [sflag:$0x1] =	stream.indirect.gather [hbm4b:s5+s6], $0x20, s2, s6, $0xb8;
	[tilespmem:$0x101D0] =	vst v63  }
0x54: {  	_ =	swait.ge [sflag:s10], $0x7D00  }
0x55: {  	s22 =	sshll.u32 s22, $0x2;
	s26 =	sadd.s32 $0x1B58, s29;
	[sflag:s10] =	ssyncset.done $0x0  }
0x56: {  	s22 =	sadd.s32 s30, s22;
	s23 =	sshrl.u32 s26, $0x3;
	[sflag:s10] =	ssyncadd.s32 $0xFFFF8300  }
0x57: {  	[hbm4b:s22+s2] =	stream.linear.scatter [tilespmem:s9], [sflag:$0x2], $0x7D00, $0x38;
	[tilespmem:$0x101D0] =	vst v63  }
0x58: {  	s23 =	sadd.s32 s28, s23  }
0x59: {  	[tilespmem:s6], [sflag:$0x3] =	stream.linear.gather [hbm4b:s23+s2], $0x3E8, $0x38;
	[tilespmem:$0x101D0] =	vst v63  }
0x5a: {  	_ =	swait.ge [sflag:s4], $0x3E8  }
0x5b: {  	[sflag:s4] =	ssyncset.done $0x0  }
0x5c: {  	[sflag:s4] =	ssyncadd.s32 $0xFFFFFC18  }
0x5d: {  	_ =	swait.ge [sflag:s13], $0x7D00  }
0x5e: {  	[sflag:s13] =	ssyncset.done $0x0  }
0x5f: {  	[sflag:s13] =	ssyncadd.s32 $0xFFFF8300  }
0x60: {  	[tilespmem:s9], [sflag:$0x1] =	stream.indirect.gather [hbm4b:s5+s6], $0x20, s6, s6, $0xb8;
	[tilespmem:$0x101D0] =	vst v63  }
0x61: {  	_ =	swait.ge [sflag:s10], $0x7D00  }
0x62: {  	s1 =	sadd.s32 $0x1F40, s29;
	s24 =	sshll.u32 s24, $0x2;
	[sflag:s10] =	ssyncset.done $0x0  }
0x63: {  	s25 =	sshrl.u32 s1, $0x3;
	s24 =	sadd.s32 s30, s24;
	[sflag:s10] =	ssyncadd.s32 $0xFFFF8300  }
0x64: {  	[hbm4b:s24+s2] =	stream.linear.scatter [tilespmem:s7], [sflag:$0x2], $0x7D00, $0x38;
	[tilespmem:$0x101D0] =	vst v63  }
0x65: {  	s25 =	sadd.s32 s28, s25  }
0x66: {  	[tilespmem:s2], [sflag:$0x3] =	stream.linear.gather [hbm4b:s25+s2], $0x3E8, $0x38;
	[tilespmem:$0x101D0] =	vst v63  }
0x67: {  	_ =	swait.ge [sflag:s4], $0x3E8  }
0x68: {  	[sflag:s4] =	ssyncset.done $0x0  }
0x69: {  	[sflag:s4] =	ssyncadd.s32 $0xFFFFFC18  }
0x6a: {  	_ =	swait.ge [sflag:s13], $0x7D00  }
0x6b: {  	[sflag:s13] =	ssyncset.done $0x0  }
0x6c: {  	[sflag:s13] =	ssyncadd.s32 $0xFFFF8300  }
0x6d: {  	[tilespmem:s7], [sflag:$0x1] =	stream.indirect.gather [hbm4b:s5+s6], $0x20, s2, s6, $0xb8;
	[tilespmem:$0x101D0] =	vst v63  }
0x6e: {  	_ =	swait.ge [sflag:s10], $0x7D00  }
0x6f: {  	s0 =	sadd.s32 $0x2328, s29;
	s26 =	sshll.u32 s26, $0x2;
	[sflag:s10] =	ssyncset.done $0x0  }
0x70: {  	s29 =	sshrl.u32 s0, $0x3;
	s26 =	sadd.s32 s30, s26;
	[sflag:s10] =	ssyncadd.s32 $0xFFFF8300  }
0x71: {  	[hbm4b:s26+s2] =	stream.linear.scatter [tilespmem:s9], [sflag:$0x2], $0x7D00, $0x38;
	[tilespmem:$0x101D0] =	vst v63  }
0x72: {  	s28 =	sadd.s32 s28, s29  }
0x73: {  	[tilespmem:s6], [sflag:$0x3] =	stream.linear.gather [hbm4b:s28+s2], $0x3E8, $0x38;
	[tilespmem:$0x101D0] =	vst v63  }
0x74: {  	_ =	swait.ge [sflag:s4], $0x3E8  }
0x75: {  	[sflag:s4] =	ssyncset.done $0x0  }
0x76: {  	[sflag:s4] =	ssyncadd.s32 $0xFFFFFC18  }
0x77: {  	_ =	swait.ge [sflag:s13], $0x7D00  }
0x78: {  	[sflag:s13] =	ssyncset.done $0x0  }
0x79: {  	s1 =	sshll.u32 s1, $0x2;
	[sflag:s13] =	ssyncadd.s32 $0xFFFF8300  }
0x7a: {  	[tilespmem:s9], [sflag:$0x1] =	stream.indirect.gather [hbm4b:s5+s6], $0x20, s6, s6, $0xb8;
	[tilespmem:$0x101D0] =	vst v63  }
0x7b: {  	s0 =	sshll.u32 s0, $0x2;
	s29 =	sadd.s32 s30, s1;
	_ =	swait.ge [sflag:s10], $0x7D00  }
0x7c: {  	s30 =	sadd.s32 s30, s0;
	s0 =	ssub.s32 $0x2, s31;
	[sflag:s10] =	ssyncset.done $0x0  }
0x7d: {  	s1 =	sshrl.u32 s0, $0x1;
	[sflag:s10] =	ssyncadd.s32 $0xFFFF8300  }
0x7e: {  	[hbm4b:s29+s2] =	stream.linear.scatter [tilespmem:s7], [sflag:$0x2], $0x7D00, $0x38;
	[tilespmem:$0x101D0] =	vst v63  }
0x7f: {  	s0 =	ssub.s32 s0, s1;
	_ =	swait.ge [sflag:s10], $0x7D00  }
0x80: {  	s0 =	smax.u32 s0, $0x1;
	[sflag:s10] =	ssyncset.done $0x0  }
0x81: {  	p0 =	sne.s32 s0, $0x1;
	[sflag:s10] =	ssyncadd.s32 $0xFFFF8300  }
0x82: {  	[hbm4b:s30+s2] =	stream.linear.scatter [tilespmem:s9], [sflag:$0x2], $0x7D00, $0x38;
	[tilespmem:$0x101D0] =	vst v63  }
.Ltmp0:
0x83: {  	_ =	swait.ge [sflag:s13], $0x7D00;
	(pc) =	sbr.rel @!p0 .LBB2_2-.Ltmp0, $4  }
0x84: {  	[sflag:s13] =	ssyncset.done $0x0  }
0x85: {  	[sflag:s13] =	ssyncadd.s32 $0xFFFF8300  }
0x86: {  	_ =	swait.ge [sflag:s13], $0x7D00  }
0x87: {  	s31 =	sadd.s32 $0xFFFFFFFF, s0;
	[sflag:s13] =	ssyncset.done $0x0  }
.LBB2_1:
0x88: {  	p0 =	sne.s32 s31, $0x1;
	s31 =	sadd.s32 $0xFFFFFFFF, s31;
	[sflag:s13] =	ssyncadd.s32 $0xFFFF8300  }
0x89: {  	[tilespmem:s2], [sflag:$0x3] =	stream.linear.gather [hbm4b:s3+s2], $0x3E8, $0x38;
	[tilespmem:$0x101D0] =	vst v63  }
0x8a: {  	_ =	swait.ge [sflag:s4], $0x3E8  }
0x8b: {  	[sflag:s4] =	ssyncset.done $0x0  }
0x8c: {  	[sflag:s4] =	ssyncadd.s32 $0xFFFFFC18  }
0x8d: {  	[tilespmem:s7], [sflag:$0x1] =	stream.indirect.gather [hbm4b:s5+s6], $0x20, s2, s6, $0xb8;
	[tilespmem:$0x101D0] =	vst v63  }
0x8e: {  	_ = 	snop  }
0x8f: {  	[tilespmem:s6], [sflag:$0x3] =	stream.linear.gather [hbm4b:s8+s2], $0x3E8, $0x38;
	[tilespmem:$0x101D0] =	vst v63  }
0x90: {  	_ =	swait.ge [sflag:s4], $0x3E8  }
0x91: {  	[sflag:s4] =	ssyncset.done $0x0  }
0x92: {  	[sflag:s4] =	ssyncadd.s32 $0xFFFFFC18  }
0x93: {  	[tilespmem:s9], [sflag:$0x1] =	stream.indirect.gather [hbm4b:s5+s6], $0x20, s6, s6, $0xb8;
	[tilespmem:$0x101D0] =	vst v63  }
0x94: {  	_ =	swait.ge [sflag:s10], $0x7D00  }
0x95: {  	[sflag:s10] =	ssyncset.done $0x0  }
0x96: {  	[sflag:s10] =	ssyncadd.s32 $0xFFFF8300  }
0x97: {  	[hbm4b:s11+s2] =	stream.linear.scatter [tilespmem:s7], [sflag:$0x2], $0x7D00, $0x38;
	[tilespmem:$0x101D0] =	vst v63  }
0x98: {  	_ = 	snop  }
0x99: {  	[tilespmem:s2], [sflag:$0x3] =	stream.linear.gather [hbm4b:s12+s2], $0x3E8, $0x38;
	[tilespmem:$0x101D0] =	vst v63  }
0x9a: {  	_ =	swait.ge [sflag:s4], $0x3E8  }
0x9b: {  	[sflag:s4] =	ssyncset.done $0x0  }
0x9c: {  	[sflag:s4] =	ssyncadd.s32 $0xFFFFFC18  }
0x9d: {  	_ =	swait.ge [sflag:s13], $0x7D00  }
0x9e: {  	[sflag:s13] =	ssyncset.done $0x0  }
0x9f: {  	[sflag:s13] =	ssyncadd.s32 $0xFFFF8300  }
0xa0: {  	[tilespmem:s7], [sflag:$0x1] =	stream.indirect.gather [hbm4b:s5+s6], $0x20, s2, s6, $0xb8;
	[tilespmem:$0x101D0] =	vst v63  }
0xa1: {  	_ =	swait.ge [sflag:s10], $0x7D00  }
0xa2: {  	[sflag:s10] =	ssyncset.done $0x0  }
0xa3: {  	[sflag:s10] =	ssyncadd.s32 $0xFFFF8300  }
0xa4: {  	[hbm4b:s14+s2] =	stream.linear.scatter [tilespmem:s9], [sflag:$0x2], $0x7D00, $0x38;
	[tilespmem:$0x101D0] =	vst v63  }
0xa5: {  	_ = 	snop  }
0xa6: {  	[tilespmem:s6], [sflag:$0x3] =	stream.linear.gather [hbm4b:s15+s2], $0x3E8, $0x38;
	[tilespmem:$0x101D0] =	vst v63  }
0xa7: {  	_ =	swait.ge [sflag:s4], $0x3E8  }
0xa8: {  	[sflag:s4] =	ssyncset.done $0x0  }
0xa9: {  	[sflag:s4] =	ssyncadd.s32 $0xFFFFFC18  }
0xaa: {  	_ =	swait.ge [sflag:s13], $0x7D00  }
0xab: {  	[sflag:s13] =	ssyncset.done $0x0  }
0xac: {  	[sflag:s13] =	ssyncadd.s32 $0xFFFF8300  }
0xad: {  	[tilespmem:s9], [sflag:$0x1] =	stream.indirect.gather [hbm4b:s5+s6], $0x20, s6, s6, $0xb8;
	[tilespmem:$0x101D0] =	vst v63  }
0xae: {  	_ =	swait.ge [sflag:s10], $0x7D00  }
0xaf: {  	[sflag:s10] =	ssyncset.done $0x0  }
0xb0: {  	[sflag:s10] =	ssyncadd.s32 $0xFFFF8300  }
0xb1: {  	[hbm4b:s16+s2] =	stream.linear.scatter [tilespmem:s7], [sflag:$0x2], $0x7D00, $0x38;
	[tilespmem:$0x101D0] =	vst v63  }
0xb2: {  	_ = 	snop  }
0xb3: {  	[tilespmem:s2], [sflag:$0x3] =	stream.linear.gather [hbm4b:s17+s2], $0x3E8, $0x38;
	[tilespmem:$0x101D0] =	vst v63  }
0xb4: {  	_ =	swait.ge [sflag:s4], $0x3E8  }
0xb5: {  	[sflag:s4] =	ssyncset.done $0x0  }
0xb6: {  	[sflag:s4] =	ssyncadd.s32 $0xFFFFFC18  }
0xb7: {  	_ =	swait.ge [sflag:s13], $0x7D00  }
0xb8: {  	[sflag:s13] =	ssyncset.done $0x0  }
0xb9: {  	[sflag:s13] =	ssyncadd.s32 $0xFFFF8300  }
0xba: {  	[tilespmem:s7], [sflag:$0x1] =	stream.indirect.gather [hbm4b:s5+s6], $0x20, s2, s6, $0xb8;
	[tilespmem:$0x101D0] =	vst v63  }
0xbb: {  	_ =	swait.ge [sflag:s10], $0x7D00  }
0xbc: {  	[sflag:s10] =	ssyncset.done $0x0  }
0xbd: {  	[sflag:s10] =	ssyncadd.s32 $0xFFFF8300  }
0xbe: {  	[hbm4b:s18+s2] =	stream.linear.scatter [tilespmem:s9], [sflag:$0x2], $0x7D00, $0x38;
	[tilespmem:$0x101D0] =	vst v63  }
0xbf: {  	_ = 	snop  }
0xc0: {  	[tilespmem:s6], [sflag:$0x3] =	stream.linear.gather [hbm4b:s19+s2], $0x3E8, $0x38;
	[tilespmem:$0x101D0] =	vst v63  }
0xc1: {  	_ =	swait.ge [sflag:s4], $0x3E8  }
0xc2: {  	[sflag:s4] =	ssyncset.done $0x0  }
0xc3: {  	[sflag:s4] =	ssyncadd.s32 $0xFFFFFC18  }
0xc4: {  	_ =	swait.ge [sflag:s13], $0x7D00  }
0xc5: {  	[sflag:s13] =	ssyncset.done $0x0  }
0xc6: {  	[sflag:s13] =	ssyncadd.s32 $0xFFFF8300  }
0xc7: {  	[tilespmem:s9], [sflag:$0x1] =	stream.indirect.gather [hbm4b:s5+s6], $0x20, s6, s6, $0xb8;
	[tilespmem:$0x101D0] =	vst v63  }
0xc8: {  	_ =	swait.ge [sflag:s10], $0x7D00  }
0xc9: {  	[sflag:s10] =	ssyncset.done $0x0  }
0xca: {  	[sflag:s10] =	ssyncadd.s32 $0xFFFF8300  }
0xcb: {  	[hbm4b:s20+s2] =	stream.linear.scatter [tilespmem:s7], [sflag:$0x2], $0x7D00, $0x38;
	[tilespmem:$0x101D0] =	vst v63  }
0xcc: {  	_ = 	snop  }
0xcd: {  	[tilespmem:s2], [sflag:$0x3] =	stream.linear.gather [hbm4b:s21+s2], $0x3E8, $0x38;
	[tilespmem:$0x101D0] =	vst v63  }
0xce: {  	_ =	swait.ge [sflag:s4], $0x3E8  }
0xcf: {  	[sflag:s4] =	ssyncset.done $0x0  }
0xd0: {  	[sflag:s4] =	ssyncadd.s32 $0xFFFFFC18  }
0xd1: {  	_ =	swait.ge [sflag:s13], $0x7D00  }
0xd2: {  	[sflag:s13] =	ssyncset.done $0x0  }
0xd3: {  	[sflag:s13] =	ssyncadd.s32 $0xFFFF8300  }
0xd4: {  	[tilespmem:s7], [sflag:$0x1] =	stream.indirect.gather [hbm4b:s5+s6], $0x20, s2, s6, $0xb8;
	[tilespmem:$0x101D0] =	vst v63  }
0xd5: {  	_ =	swait.ge [sflag:s10], $0x7D00  }
0xd6: {  	[sflag:s10] =	ssyncset.done $0x0  }
0xd7: {  	[sflag:s10] =	ssyncadd.s32 $0xFFFF8300  }
0xd8: {  	[hbm4b:s22+s2] =	stream.linear.scatter [tilespmem:s9], [sflag:$0x2], $0x7D00, $0x38;
	[tilespmem:$0x101D0] =	vst v63  }
0xd9: {  	_ = 	snop  }
0xda: {  	[tilespmem:s6], [sflag:$0x3] =	stream.linear.gather [hbm4b:s23+s2], $0x3E8, $0x38;
	[tilespmem:$0x101D0] =	vst v63  }
0xdb: {  	_ =	swait.ge [sflag:s4], $0x3E8  }
0xdc: {  	[sflag:s4] =	ssyncset.done $0x0  }
0xdd: {  	[sflag:s4] =	ssyncadd.s32 $0xFFFFFC18  }
0xde: {  	_ =	swait.ge [sflag:s13], $0x7D00  }
0xdf: {  	[sflag:s13] =	ssyncset.done $0x0  }
0xe0: {  	[sflag:s13] =	ssyncadd.s32 $0xFFFF8300  }
0xe1: {  	[tilespmem:s9], [sflag:$0x1] =	stream.indirect.gather [hbm4b:s5+s6], $0x20, s6, s6, $0xb8;
	[tilespmem:$0x101D0] =	vst v63  }
0xe2: {  	_ =	swait.ge [sflag:s10], $0x7D00  }
0xe3: {  	[sflag:s10] =	ssyncset.done $0x0  }
0xe4: {  	[sflag:s10] =	ssyncadd.s32 $0xFFFF8300  }
0xe5: {  	[hbm4b:s24+s2] =	stream.linear.scatter [tilespmem:s7], [sflag:$0x2], $0x7D00, $0x38;
	[tilespmem:$0x101D0] =	vst v63  }
0xe6: {  	_ = 	snop  }
0xe7: {  	[tilespmem:s2], [sflag:$0x3] =	stream.linear.gather [hbm4b:s25+s2], $0x3E8, $0x38;
	[tilespmem:$0x101D0] =	vst v63  }
0xe8: {  	_ =	swait.ge [sflag:s4], $0x3E8  }
0xe9: {  	[sflag:s4] =	ssyncset.done $0x0  }
0xea: {  	[sflag:s4] =	ssyncadd.s32 $0xFFFFFC18  }
0xeb: {  	_ =	swait.ge [sflag:s13], $0x7D00  }
0xec: {  	[sflag:s13] =	ssyncset.done $0x0  }
0xed: {  	[sflag:s13] =	ssyncadd.s32 $0xFFFF8300  }
0xee: {  	[tilespmem:s7], [sflag:$0x1] =	stream.indirect.gather [hbm4b:s5+s6], $0x20, s2, s6, $0xb8;
	[tilespmem:$0x101D0] =	vst v63  }
0xef: {  	_ =	swait.ge [sflag:s10], $0x7D00  }
0xf0: {  	[sflag:s10] =	ssyncset.done $0x0  }
0xf1: {  	[sflag:s10] =	ssyncadd.s32 $0xFFFF8300  }
0xf2: {  	[hbm4b:s26+s2] =	stream.linear.scatter [tilespmem:s9], [sflag:$0x2], $0x7D00, $0x38;
	[tilespmem:$0x101D0] =	vst v63  }
0xf3: {  	_ = 	snop  }
0xf4: {  	[tilespmem:s6], [sflag:$0x3] =	stream.linear.gather [hbm4b:s28+s2], $0x3E8, $0x38;
	[tilespmem:$0x101D0] =	vst v63  }
0xf5: {  	_ =	swait.ge [sflag:s4], $0x3E8  }
0xf6: {  	[sflag:s4] =	ssyncset.done $0x0  }
0xf7: {  	[sflag:s4] =	ssyncadd.s32 $0xFFFFFC18  }
0xf8: {  	_ =	swait.ge [sflag:s13], $0x7D00  }
0xf9: {  	[sflag:s13] =	ssyncset.done $0x0  }
0xfa: {  	[sflag:s13] =	ssyncadd.s32 $0xFFFF8300  }
0xfb: {  	[tilespmem:s9], [sflag:$0x1] =	stream.indirect.gather [hbm4b:s5+s6], $0x20, s6, s6, $0xb8;
	[tilespmem:$0x101D0] =	vst v63  }
0xfc: {  	_ =	swait.ge [sflag:s10], $0x7D00  }
0xfd: {  	[sflag:s10] =	ssyncset.done $0x0  }
0xfe: {  	[sflag:s10] =	ssyncadd.s32 $0xFFFF8300  }
0xff: {  	[hbm4b:s29+s2] =	stream.linear.scatter [tilespmem:s7], [sflag:$0x2], $0x7D00, $0x38;
	[tilespmem:$0x101D0] =	vst v63  }
0x100: {  	_ =	swait.ge [sflag:s10], $0x7D00  }
0x101: {  	[sflag:s10] =	ssyncset.done $0x0  }
0x102: {  	[sflag:s10] =	ssyncadd.s32 $0xFFFF8300  }
0x103: {  	[hbm4b:s30+s2] =	stream.linear.scatter [tilespmem:s9], [sflag:$0x2], $0x7D00, $0x38;
	[tilespmem:$0x101D0] =	vst v63  }
.Ltmp1:
0x104: {  	_ =	swait.ge [sflag:s13], $0x7D00;
	(pc) =	sbr.rel @p0 .LBB2_1-.Ltmp1, $4  }
0x105: {  	[sflag:s13] =	ssyncset.done $0x0  }
0x106: {  	[sflag:s13] =	ssyncadd.s32 $0xFFFF8300  }
0x107: {  	_ =	swait.ge [sflag:s13], $0x7D00  }
0x108: {  	[sflag:s13] =	ssyncset.done $0x0  }
.LBB2_2:
0x109: {  	[sflag:s13] =	ssyncadd.s32 $0xFFFF8300  }
0x10a: {  	_ =	sfence.sel $0x180000  }
0x10b: {  	[bflag:$0x0] =	sbarrier.arrive $0xFFFF  }
0x10c: {  	_ =	strace $0x9000004A  }
0x10d: {  	s0 =	stileid.u32;
	[bflag:$0x2] =	sbarrier.arrive $0xFFFF  }
0x10e: {  	p0 =	sne.s32 s0, $0x0;
	s0 =	rddreg [dreg:$0x1]  }
0x10f: {  	s0 =	sadd.s32 @!p0 $0x100000, s0  }
0x110: {  	[sflag:s0] =	ssyncadd.tile.s32 @!p0 $0x1;
	_ =	shalt  }
.Lfunc_end2:
_tile_overlayer_lowered:
.L_overlay_start_2:
0x111: {  	(tag) =	ssettag $0x2  }
0x112: {  	s0 =	rddreg [dreg:$0x0];
	s2 =	stileid.u32  }
0x113: {  	s1 =	rddreg [dreg:$0x1];
	p0 =	sne.s32 s2, $0x0  }
0x114: {  	s3 =	rddreg [dreg:$0x2];
	[bflag:$0x3] =	sbarrier.arrive $0xFFFF;
	s2 =	simm.s32 @!p0 $0x1C03  }
0x115: {  	[timem:s3], [sflag:s2] =	dma.local @!p0 [hbm:s0], s1  }
0x116: {  	s0 =	simm.s32 @!p0 $0x3  }
0x117: {  	_ =	swait.ge @!p0 [sflag:s0], s1  }
0x118: {  	s1 =	ssub.s32 @!p0 $0x0, s1;
	[sflag:s0] =	ssyncset.done @!p0 $0x0  }
0x119: {  	[sflag:s0] =	ssyncadd.s32 @!p0 s1  }
0x11a: {  	[bflag:$0x3] =	sbarrier.arrive $0xFFFF  }
0x11b: {  	_ =	shalt  }

// kernel: kernel.15.cloned.1.call-start
scs
__scs_entry_jumppad:
0x0: {  	(pc) =	sbr.rel $0x88, $3  }
0x1: {  	(tag) =	ssettag $0x0;
	lr =	simm.s32 $0x1  }
0x2: {  	[smem:$0x3F94] =	sst lr;
	_ =	strace $0xD0000000  }
0x3: {  	_ = 	snop  }
0x4: {  	_ = 	snop  }
0x5: {  	_ = 	snop  }
0x6: {  	_ = 	snop  }
0x7: {  	_ = 	snop  }
__scs_overlays_trampoline_lowered:
0x8: {  	[smem:$0x3FA3] =	sst s0  }
0x9: {  	[smem:$0x3FA4] =	sst s1  }
0xa: {  	[smem:$0x3FA5] =	sst s2  }
0xb: {  	[smem:$0x3FA6] =	sst s3  }
0xc: {  	[smem:$0x3FA7] =	sst s4  }
0xd: {  	[smem:$0x3FA8] =	sst s5  }
0xe: {  	[smem:$0x3FA9] =	sst s6  }
0xf: {  	[smem:$0x3FAA] =	sst s7  }
0x10: {  	[smem:$0x3FAB] =	sst s8  }
0x11: {  	[smem:$0x3FAC] =	sst s9;
	s0 =	simm.s32 @!p0 $0x0  }
0x12: {  	s1 =	sld [smem:$0x3F92];
	s0 =	simm.s32 @p0 $0x1  }
0x13: {  	[smem:$0x3FAD] =	sst s0;
	s0 =	simm.s32 @!p1 $0x0  }
0x14: {  	s2 =	sld [smem:$0x3F91];
	s0 =	simm.s32 @p1 $0x1  }
0x15: {  	[smem:$0x3FAE] =	sst s0;
	s0 =	simm.s32 @!p2 $0x0  }
0x16: {  	s3 =	sld [smem:$0x3FDB];
	s0 =	simm.s32 @p2 $0x1  }
0x17: {  	s4 =	simm.s32 $0x1BF5;
	[smem:$0x3FB0] =	sst s0  }
0x18: {  	s0 =	sld [smem:$0x3F93];
	_ =	swait.ge [sflag:s4], $0x0  }
0x19: {  	s7 =	sld [smem:$0x3F94]  }
0x1a: {  	s8 =	sadd.s32 $0xFFFFE003, lr  }
0x1b: {  	s9 =	sadd.s32 $0xFFFFFEF7, lr;
	s5 =	simm.s32 $0xFFFFFFFF;
	p2 =	slt.u32 s8, $0xFFFFF086  }
0x1c: {  	p1 =	slt.u32 s9, $0xF7A;
	s5 =	simm.s32 @!p2 $0x0  }
0x1d: {  	s5 =	simm.s32 @p1 $0x1;
	p0 =	seq.s32 s7, s2  }
0x1e: {  	s7 =	smul.u32 @!p0 $0xF7A, s2;
	p2 =	seq.s32 @!p0 s5, $0x0  }
0x1f: {  	s9 =	smul.u32 $0xF7A, s1;
	s8 =	simm.s32 @!p0 $0x1BF5;
	p2 =	por !p2, p0  }
0x20: {  	[sflag:s8] =	ssyncset.s32 @!p0 $0xFFFFF086;
	s6 =	sadd.s32 @!p0 s3, s7;
	s7 =	simm.s32 @!p0 $0x108  }
0x21: {  	s3 =	sadd.s32 s3, s9;
	s6 =	sadd.s32 @!p0 $0x88, s6;
	s7 =	simm.s32 @p2 $0x1082  }
0x22: {  	[simem:s7], [sflag:s8] =	dma.local @!p0 [hbm:s6], $0xF7A  }
0x23: {  	s9 =	sor.u32 $0xD0000000, s2;
	s6 =	simm.s32 $0x108;
	_ =	swait.ge @!p0 [sflag:s8], $0x0  }
0x24: {  	s3 =	sadd.s32 $0x88, s3;
	s6 =	simm.s32 @!p1 $0x1082;
	[sflag:s4] =	ssyncset.s32 $0xFFFFF086  }
0x25: {  	[simem:s6], [sflag:s4] =	dma.local [hbm:s3], $0xF7A  }
0x26: {  	[smem:$0x3F94] =	sst s1;
	(tag) =	ssettag s2;
	_ =	strace s9  }
0x27: {  	s1 =	sld [smem:$0x3FA4]  }
0x28: {  	s2 =	sld [smem:$0x3FA5]  }
0x29: {  	s4 =	sld [smem:$0x3FA7]  }
0x2a: {  	p0 =	seq.s32 s5, $0x0;
	s5 =	sld [smem:$0x3FA8]  }
0x2b: {  	s6 =	sld [smem:$0x3FA9]  }
0x2c: {  	s7 =	sld [smem:$0x3FAA]  }
0x2d: {  	s3 =	simm.s32 $0x108;
	s8 =	sld [smem:$0x3FAB]  }
0x2e: {  	s3 =	simm.s32 @!p0 $0x1082;
	s9 =	sld [smem:$0x3FAC]  }
0x2f: {  	lr =	sadd.s32 s0, s3;
	s0 =	sld [smem:$0x3FA3]  }
0x30: {  	s3 =	sld [smem:$0x3FA6]  }
0x31: {  	[smem:$0x3FAF] =	sst s10  }
0x32: {  	s10 =	sld [smem:$0x3FAD];
	_ =	sdelay $0x3  }
0x33: {  	p0 =	seq.s32 s10, $0x1;
	s10 =	sld [smem:$0x3FAF];
	_ =	sdelay $0x3  }
0x34: {  	[smem:$0x3FAF] =	sst s10  }
0x35: {  	s10 =	sld [smem:$0x3FAE];
	_ =	sdelay $0x3  }
0x36: {  	p1 =	seq.s32 s10, $0x1;
	s10 =	sld [smem:$0x3FAF];
	_ =	sdelay $0x3  }
0x37: {  	[smem:$0x3FAF] =	sst s10  }
0x38: {  	s10 =	sld [smem:$0x3FB0]  }
0x39: {  	_ = 	snop;
	(pc) =	sbr.ind lr, $3  }
0x3a: {  	_ = 	snop  }
0x3b: {  	_ = 	snop  }
0x3c: {  	p2 =	seq.s32 s10, $0x1;
	s10 =	sld [smem:$0x3FAF]  }
0x3d: {  	_ =	shalt  }
0x3e: {  	_ =	shalt  }
0x3f: {  	_ =	shalt  }
0x40: {  	_ =	shalt  }
0x41: {  	_ =	shalt  }
0x42: {  	_ =	shalt  }
0x43: {  	_ =	shalt  }
0x44: {  	_ =	shalt  }
0x45: {  	_ =	shalt  }
0x46: {  	_ =	shalt  }
0x47: {  	_ =	shalt  }
0x48: {  	_ =	shalt  }
0x49: {  	_ =	shalt  }
0x4a: {  	_ =	shalt  }
0x4b: {  	_ =	shalt  }
0x4c: {  	_ =	shalt  }
0x4d: {  	_ =	shalt  }
0x4e: {  	_ =	shalt  }
0x4f: {  	_ =	shalt  }
0x50: {  	_ =	shalt  }
0x51: {  	_ =	shalt  }
0x52: {  	_ =	shalt  }
0x53: {  	_ =	shalt  }
0x54: {  	_ =	shalt  }
0x55: {  	_ =	shalt  }
0x56: {  	_ =	shalt  }
0x57: {  	_ =	shalt  }
0x58: {  	_ =	shalt  }
0x59: {  	_ =	shalt  }
0x5a: {  	_ =	shalt  }
0x5b: {  	_ =	shalt  }
0x5c: {  	_ =	shalt  }
0x5d: {  	_ =	shalt  }
0x5e: {  	_ =	shalt  }
0x5f: {  	_ =	shalt  }
0x60: {  	_ =	shalt  }
0x61: {  	_ =	shalt  }
0x62: {  	_ =	shalt  }
0x63: {  	_ =	shalt  }
0x64: {  	_ =	shalt  }
0x65: {  	_ =	shalt  }
0x66: {  	_ =	shalt  }
0x67: {  	_ =	shalt  }
0x68: {  	_ =	shalt  }
0x69: {  	_ =	shalt  }
0x6a: {  	_ =	shalt  }
0x6b: {  	_ =	shalt  }
0x6c: {  	_ =	shalt  }
0x6d: {  	_ =	shalt  }
0x6e: {  	_ =	shalt  }
0x6f: {  	_ =	shalt  }
0x70: {  	_ =	shalt  }
0x71: {  	_ =	shalt  }
0x72: {  	_ =	shalt  }
0x73: {  	_ =	shalt  }
0x74: {  	_ =	shalt  }
0x75: {  	_ =	shalt  }
0x76: {  	_ =	shalt  }
0x77: {  	_ =	shalt  }
0x78: {  	_ =	shalt  }
0x79: {  	_ =	shalt  }
0x7a: {  	_ =	shalt  }
0x7b: {  	_ =	shalt  }
0x7c: {  	_ =	shalt  }
0x7d: {  	_ =	shalt  }
0x7e: {  	_ =	shalt  }
0x7f: {  	_ =	shalt  }
0x80: {  	_ =	shalt  }
0x81: {  	_ =	shalt  }
0x82: {  	_ =	shalt  }
0x83: {  	_ =	shalt  }
0x84: {  	_ =	shalt  }
0x85: {  	_ =	shalt  }
0x86: {  	_ =	shalt  }
0x87: {  	_ =	shalt  }
.Lfunc_end0:
.L_simem_size_0:
called_computation.2_lowered:
.L_overlay_start_0:
0x88: {  	s2 =	sld [smem:$0x3FD9]  }
0x89: {  	s3 =	sld [smem:$0x3FFE];
	_ =	sdelay $0x1  }
0x8a: {  	s1 =	srdreg.scid  }
0x8b: {  	s0 =	sand.u32 $0x1, s1  }
0x8c: {  	s16 =	sshll.u32 s0, $0xA;
	s2 =	sadd.s32 s3, s2  }
0x8d: {  	s2 =	sadd.s32 s2, s16  }
0x8e: {  	[smem:$0x3FBB] =	sst s2  }
0x8f: {  	_ = 	snop  }
0x90: {  	(tm) =	ssettm $0x1  }
0x91: {  	s17 =	sld [smem:$0x3FFB];
	_ =	sdelay $0x3  }
0x92: {  	_ =	strace s17  }
0x93: {  	s2 =	sld [smem:$0x3FFC];
	_ =	sdelay $0x3  }
0x94: {  	_ =	strace s2  }
0x95: {  	s2 =	sld [smem:$0x3FFD];
	_ =	sdelay $0x3  }
0x96: {  	_ =	strace s2  }
0x97: {  	_ =	strace $0x8FFFFFFF  }
0x98: {  	s18 =	sld [smem:$0x3FDB];
	_ =	sdelay $0x1  }
0x99: {  	s19 =	simm.s32 $_scs_section_size  }
0x9a: {  	s4 =	simm.s32 $_size__tile_overlayer_lowered;
	s5 =	simm.s32 $_tile_overlayer_lowered  }
0x9b: {  	s22 =	simm.s32 $0x1BFF;
	s21 =	sshll.u32 s5, $0x1;
	s2 =	sadd.s32 s19, s18  }
0x9c: {  	s6 =	simm.s32 $0x0;
	s20 =	sshll.u32 s4, $0x1;
	s4 =	sadd.s32 s21, s2  }
0x9d: {  	[timem:s6], [sflag:s22] =	dma.local [hbm:s4], s20  }
0x9e: {  	_ =	swait.ge [sflag:s22], s20  }
0x9f: {  	s3 =	ssub.s32 $0x0, s20;
	[sflag:s22] =	ssyncset.done $0x0  }
0xa0: {  	[sflag:s22] =	ssyncadd.s32 s3;
	_ =	sdelay $0x1  }
0xa1: {  	s23 =	simm.s32 $0x1B8B  }
0xa2: {  	_ =	swait.ge [sflag:s23], $0x1  }
0xa3: {  	[sflag:s23] =	ssyncset.done $0x0  }
0xa4: {  	s25 =	simm.s32 $0x1B8E;
	s24 =	sld [smem:$0x3FFE];
	[sflag:s23] =	ssyncadd.s32 $0xFFFFFFFF  }
0xa5: {  	s26 =	simm.s32 $execute0_lowered;
	[smem:$0x3FD2] =	sst s25  }
0xa6: {  	s4 =	sshll.u32 s26, $0x1;
	_ =	strace $0x8000004C;
	[dreg:$0x1] =	wrdreg $0xFFFFFFFF  }
0xa7: {  	s28 =	simm.s32 $_size_execute0_lowered;
	s2 =	sadd.s32 s2, s4;
	[dreg:$0x0] =	wrdreg $0x0  }
0xa8: {  	s4 =	sshll.u32 s28, $0x1;
	[dreg:$0x2] =	wrdreg s2  }
0xa9: {  	[dreg:$0x3] =	wrdreg s4  }
0xaa: {  	[dreg:$0x4] =	wrdreg $0xC0  }
0xab: {  	_ =	task [dreg:s6], $0x5FFFF  }
0xac: {  	[dreg:$0x1] =	wrdreg $0xFFFFFFFF  }
0xad: {  	[dreg:$0x0] =	wrdreg $0x60  }
0xae: {  	[dreg:$0x2] =	wrdreg s24  }
0xaf: {  	[dreg:$0x3] =	wrdreg $0x9  }
0xb0: {  	_ =	task.clear_ibuf [dreg:s6], $0x4FFFF;
	_ =	strace $0x9000004C  }
0xb1: {  	s29 =	simm.s32 $0x9;
	_ =	strace $0x8000004E  }
0xb2: {  	_ =	swait.ge [sflag:s29], $0x1  }
0xb3: {  	[sflag:s29] =	ssyncadd.s32 $0xFFFFFFFF  }
0xb4: {  	_ =	strace $0x9000004E  }
0xb5: {  	_ =	sfence  }
0xb6: {  	s30 =	sld [smem:$0x0];
	_ =	sdelay $0x2  }
0xb7: {  	s31 =	sshll.u32 s1, $0xD;
	s1 =	sshrl.u32 s1, $0x2  }
0xb8: {  	s3 =	sand.u32 $0x4000, s31;
	s1 =	sadd.s32 s1, s30  }
0xb9: {  	s0 =	sor.u32 s3, s0;
	s1 =	sshll.u32 s1, $0x11  }
0xba: {  	s0 =	sor.u32 s1, s0  }
0xbb: {  	s0 =	sadd.s32 $0x8F2B, s0  }
0xbc: {  	[sflag:s0] =	ssyncadd.remote.s32 $0x1  }
0xbd: {  	_ =	sfence.sel $0xFFFF  }
0xbe: {  	[dreg:$0x0] =	wrdreg $0xFFFFFFFF;
	(pc) =	sbr.abs _section_cstart, $3  }
0xbf: {  	[dreg:$0x1] =	wrdreg $0xFFFFFFFF  }
0xc0: {  	_ =	task.clear_ibuf [dreg:s6], $0x2FFFF;
	_ =	strace $0x9FFFFFFF  }
0xc1: {  	(tm) =	ssettm $0x7FFFFFFF  }
tec
execute0_lowered:
.L_overlay_start_1:
0x0: {  	(tag) =	ssettag $0x1  }
0x1: {  	s1 =	srdreg.scid;
	s0 =	stileid.u32  }
0x2: {  	s31 =	sand.u32 $0x1, s1;
	s25 =	sshll.u32 s0, $0x1  }
0x3: {  	s11 =	sor.u32 s31, s25  }
0x4: {  	s29 =	smul.u32 $0x2710, s11  }
0x5: {  	s12 =	rddreg [dreg:$0x0];
	s2 =	simm.s32 $0x0  }
0x6: {  	[smem:$0x7FF] =	sst s2;
	s28 =	sadd.s32 $0x1A4200, s12;
	s3 =	sshrl.u32 s29, $0x3  }
0x7: {  	s4 =	simm.s32 $0x3;
	_ =	strace $0x8000004D;
	s3 =	sadd.s32 s28, s3  }
0x8: {  	[tilespmem:s2], [sflag:$0x3] =	stream.linear.gather [hbm4b:s3+s2], $0x3E8, $0x38;
	[tilespmem:$0x101D0] =	vst v63  }
0x9: {  	s6 =	simm.s32 $0x3E8;
	_ =	swait.ge [sflag:s4], $0x3E8  }
0xa: {  	s7 =	simm.s32 $0x7D0;
	s14 =	sadd.s32 $0x3E8, s29;
	[sflag:s4] =	ssyncset.done $0x0  }
0xb: {  	s5 =	sadd.s32 $0x9E00, s12;
	s8 =	sshrl.u32 s14, $0x3;
	[sflag:s4] =	ssyncadd.s32 $0xFFFFFC18  }
0xc: {  	[tilespmem:s7], [sflag:$0x1] =	stream.indirect.gather [hbm4b:s5+s6], $0x20, s2, s6, $0xb8;
	[tilespmem:$0x101D0] =	vst v63  }
0xd: {  	s8 =	sadd.s32 s28, s8  }
0xe: {  	[tilespmem:s6], [sflag:$0x3] =	stream.linear.gather [hbm4b:s8+s2], $0x3E8, $0x38;
	[tilespmem:$0x101D0] =	vst v63  }
0xf: {  	_ =	swait.ge [sflag:s4], $0x3E8  }
0x10: {  	[sflag:s4] =	ssyncset.done $0x0  }
0x11: {  	s9 =	simm.s32 $0x84D0;
	s10 =	simm.s32 $0x1;
	[sflag:s4] =	ssyncadd.s32 $0xFFFFFC18  }
0x12: {  	[tilespmem:s9], [sflag:$0x1] =	stream.indirect.gather [hbm4b:s5+s6], $0x20, s6, s6, $0xb8;
	[tilespmem:$0x101D0] =	vst v63  }
0x13: {  	s11 =	smul.u32 $0x9C40, s11;
	_ =	swait.ge [sflag:s10], $0x7D00  }
0x14: {  	s30 =	sadd.s32 $0x1D800, s12;
	s16 =	sadd.s32 $0x7D0, s29;
	[sflag:s10] =	ssyncset.done $0x0  }
0x15: {  	s11 =	sadd.s32 s30, s11;
	s26 =	sshrl.u32 s16, $0x3;
	[sflag:s10] =	ssyncadd.s32 $0xFFFF8300  }
0x16: {  	[hbm4b:s11+s2] =	stream.linear.scatter [tilespmem:s7], [sflag:$0x2], $0x7D00, $0x38;
	[tilespmem:$0x101D0] =	vst v63  }
0x17: {  	s12 =	sadd.s32 s28, s26  }
0x18: {  	[tilespmem:s2], [sflag:$0x3] =	stream.linear.gather [hbm4b:s12+s2], $0x3E8, $0x38;
	[tilespmem:$0x101D0] =	vst v63  }
0x19: {  	_ =	swait.ge [sflag:s4], $0x3E8  }
0x1a: {  	[sflag:s4] =	ssyncset.done $0x0  }
0x1b: {  	s13 =	simm.s32 $0x2;
	[sflag:s4] =	ssyncadd.s32 $0xFFFFFC18  }
0x1c: {  	_ =	swait.ge [sflag:s13], $0x7D00  }
0x1d: {  	[sflag:s13] =	ssyncset.done $0x0  }
0x1e: {  	[sflag:s13] =	ssyncadd.s32 $0xFFFF8300  }
0x1f: {  	[tilespmem:s7], [sflag:$0x1] =	stream.indirect.gather [hbm4b:s5+s6], $0x20, s2, s6, $0xb8;
	[tilespmem:$0x101D0] =	vst v63  }
0x20: {  	_ =	swait.ge [sflag:s10], $0x7D00  }
0x21: {  	s18 =	sadd.s32 $0xBB8, s29;
	s14 =	sshll.u32 s14, $0x2;
	[sflag:s10] =	ssyncset.done $0x0  }
0x22: {  	s15 =	sshrl.u32 s18, $0x3;
	s14 =	sadd.s32 s30, s14;
	[sflag:s10] =	ssyncadd.s32 $0xFFFF8300  }
0x23: {  	[hbm4b:s14+s2] =	stream.linear.scatter [tilespmem:s9], [sflag:$0x2], $0x7D00, $0x38;
	[tilespmem:$0x101D0] =	vst v63  }
0x24: {  	s15 =	sadd.s32 s28, s15  }
0x25: {  	[tilespmem:s6], [sflag:$0x3] =	stream.linear.gather [hbm4b:s15+s2], $0x3E8, $0x38;
	[tilespmem:$0x101D0] =	vst v63  }
0x26: {  	_ =	swait.ge [sflag:s4], $0x3E8  }
0x27: {  	[sflag:s4] =	ssyncset.done $0x0  }
0x28: {  	[sflag:s4] =	ssyncadd.s32 $0xFFFFFC18  }
0x29: {  	_ =	swait.ge [sflag:s13], $0x7D00  }
0x2a: {  	[sflag:s13] =	ssyncset.done $0x0  }
0x2b: {  	[sflag:s13] =	ssyncadd.s32 $0xFFFF8300  }
0x2c: {  	[tilespmem:s9], [sflag:$0x1] =	stream.indirect.gather [hbm4b:s5+s6], $0x20, s6, s6, $0xb8;
	[tilespmem:$0x101D0] =	vst v63  }
0x2d: {  	_ =	swait.ge [sflag:s10], $0x7D00  }
0x2e: {  	s20 =	sadd.s32 $0xFA0, s29;
	s16 =	sshll.u32 s16, $0x2;
	[sflag:s10] =	ssyncset.done $0x0  }
0x2f: {  	s17 =	sshrl.u32 s20, $0x3;
	s16 =	sadd.s32 s30, s16;
	[sflag:s10] =	ssyncadd.s32 $0xFFFF8300  }
0x30: {  	[hbm4b:s16+s2] =	stream.linear.scatter [tilespmem:s7], [sflag:$0x2], $0x7D00, $0x38;
	[tilespmem:$0x101D0] =	vst v63  }
0x31: {  	s17 =	sadd.s32 s28, s17  }
0x32: {  	[tilespmem:s2], [sflag:$0x3] =	stream.linear.gather [hbm4b:s17+s2], $0x3E8, $0x38;
	[tilespmem:$0x101D0] =	vst v63  }
0x33: {  	_ =	swait.ge [sflag:s4], $0x3E8  }
0x34: {  	[sflag:s4] =	ssyncset.done $0x0  }
0x35: {  	[sflag:s4] =	ssyncadd.s32 $0xFFFFFC18  }
0x36: {  	_ =	swait.ge [sflag:s13], $0x7D00  }
0x37: {  	[sflag:s13] =	ssyncset.done $0x0  }
0x38: {  	[sflag:s13] =	ssyncadd.s32 $0xFFFF8300  }
0x39: {  	[tilespmem:s7], [sflag:$0x1] =	stream.indirect.gather [hbm4b:s5+s6], $0x20, s2, s6, $0xb8;
	[tilespmem:$0x101D0] =	vst v63  }
0x3a: {  	_ =	swait.ge [sflag:s10], $0x7D00  }
0x3b: {  	s22 =	sadd.s32 $0x1388, s29;
	s18 =	sshll.u32 s18, $0x2;
	[sflag:s10] =	ssyncset.done $0x0  }
0x3c: {  	s19 =	sshrl.u32 s22, $0x3;
	s18 =	sadd.s32 s30, s18;
	[sflag:s10] =	ssyncadd.s32 $0xFFFF8300  }
0x3d: {  	[hbm4b:s18+s2] =	stream.linear.scatter [tilespmem:s9], [sflag:$0x2], $0x7D00, $0x38;
	[tilespmem:$0x101D0] =	vst v63  }
0x3e: {  	s19 =	sadd.s32 s28, s19  }
0x3f: {  	[tilespmem:s6], [sflag:$0x3] =	stream.linear.gather [hbm4b:s19+s2], $0x3E8, $0x38;
	[tilespmem:$0x101D0] =	vst v63  }
0x40: {  	_ =	swait.ge [sflag:s4], $0x3E8  }
0x41: {  	[sflag:s4] =	ssyncset.done $0x0  }
0x42: {  	[sflag:s4] =	ssyncadd.s32 $0xFFFFFC18  }
0x43: {  	_ =	swait.ge [sflag:s13], $0x7D00  }
0x44: {  	[sflag:s13] =	ssyncset.done $0x0  }
0x45: {  	[sflag:s13] =	ssyncadd.s32 $0xFFFF8300  }
0x46: {  	[tilespmem:s9], [sflag:$0x1] =	stream.indirect.gather [hbm4b:s5+s6], $0x20, s6, s6, $0xb8;
	[tilespmem:$0x101D0] =	vst v63  }
0x47: {  	_ =	swait.ge [sflag:s10], $0x7D00  }
0x48: {  	s24 =	sadd.s32 $0x1770, s29;
	s20 =	sshll.u32 s20, $0x2;
	[sflag:s10] =	ssyncset.done $0x0  }
0x49: {  	s21 =	sshrl.u32 s24, $0x3;
	s20 =	sadd.s32 s30, s20;
	[sflag:s10] =	ssyncadd.s32 $0xFFFF8300  }
0x4a: {  	[hbm4b:s20+s2] =	stream.linear.scatter [tilespmem:s7], [sflag:$0x2], $0x7D00, $0x38;
	[tilespmem:$0x101D0] =	vst v63  }
0x4b: {  	s21 =	sadd.s32 s28, s21  }
0x4c: {  	[tilespmem:s2], [sflag:$0x3] =	stream.linear.gather [hbm4b:s21+s2], $0x3E8, $0x38;
	[tilespmem:$0x101D0] =	vst v63  }
0x4d: {  	_ =	swait.ge [sflag:s4], $0x3E8  }
0x4e: {  	[sflag:s4] =	ssyncset.done $0x0  }
0x4f: {  	[sflag:s4] =	ssyncadd.s32 $0xFFFFFC18  }
0x50: {  	_ =	swait.ge [sflag:s13], $0x7D00  }
0x51: {  	[sflag:s13] =	ssyncset.done $0x0  }
0x52: {  	[sflag:s13] =	ssyncadd.s32 $0xFFFF8300  }
0x53: {  	[tilespmem:s7], [sflag:$0x1] =	stream.indirect.gather [hbm4b:s5+s6], $0x20, s2, s6, $0xb8;
	[tilespmem:$0x101D0] =	vst v63  }
0x54: {  	_ =	swait.ge [sflag:s10], $0x7D00  }
0x55: {  	s22 =	sshll.u32 s22, $0x2;
	s26 =	sadd.s32 $0x1B58, s29;
	[sflag:s10] =	ssyncset.done $0x0  }
0x56: {  	s22 =	sadd.s32 s30, s22;
	s23 =	sshrl.u32 s26, $0x3;
	[sflag:s10] =	ssyncadd.s32 $0xFFFF8300  }
0x57: {  	[hbm4b:s22+s2] =	stream.linear.scatter [tilespmem:s9], [sflag:$0x2], $0x7D00, $0x38;
	[tilespmem:$0x101D0] =	vst v63  }
0x58: {  	s23 =	sadd.s32 s28, s23  }
0x59: {  	[tilespmem:s6], [sflag:$0x3] =	stream.linear.gather [hbm4b:s23+s2], $0x3E8, $0x38;
	[tilespmem:$0x101D0] =	vst v63  }
0x5a: {  	_ =	swait.ge [sflag:s4], $0x3E8  }
0x5b: {  	[sflag:s4] =	ssyncset.done $0x0  }
0x5c: {  	[sflag:s4] =	ssyncadd.s32 $0xFFFFFC18  }
0x5d: {  	_ =	swait.ge [sflag:s13], $0x7D00  }
0x5e: {  	[sflag:s13] =	ssyncset.done $0x0  }
0x5f: {  	[sflag:s13] =	ssyncadd.s32 $0xFFFF8300  }
0x60: {  	[tilespmem:s9], [sflag:$0x1] =	stream.indirect.gather [hbm4b:s5+s6], $0x20, s6, s6, $0xb8;
	[tilespmem:$0x101D0] =	vst v63  }
0x61: {  	_ =	swait.ge [sflag:s10], $0x7D00  }
0x62: {  	s1 =	sadd.s32 $0x1F40, s29;
	s24 =	sshll.u32 s24, $0x2;
	[sflag:s10] =	ssyncset.done $0x0  }
0x63: {  	s25 =	sshrl.u32 s1, $0x3;
	s24 =	sadd.s32 s30, s24;
	[sflag:s10] =	ssyncadd.s32 $0xFFFF8300  }
0x64: {  	[hbm4b:s24+s2] =	stream.linear.scatter [tilespmem:s7], [sflag:$0x2], $0x7D00, $0x38;
	[tilespmem:$0x101D0] =	vst v63  }
0x65: {  	s25 =	sadd.s32 s28, s25  }
0x66: {  	[tilespmem:s2], [sflag:$0x3] =	stream.linear.gather [hbm4b:s25+s2], $0x3E8, $0x38;
	[tilespmem:$0x101D0] =	vst v63  }
0x67: {  	_ =	swait.ge [sflag:s4], $0x3E8  }
0x68: {  	[sflag:s4] =	ssyncset.done $0x0  }
0x69: {  	[sflag:s4] =	ssyncadd.s32 $0xFFFFFC18  }
0x6a: {  	_ =	swait.ge [sflag:s13], $0x7D00  }
0x6b: {  	[sflag:s13] =	ssyncset.done $0x0  }
0x6c: {  	[sflag:s13] =	ssyncadd.s32 $0xFFFF8300  }
0x6d: {  	[tilespmem:s7], [sflag:$0x1] =	stream.indirect.gather [hbm4b:s5+s6], $0x20, s2, s6, $0xb8;
	[tilespmem:$0x101D0] =	vst v63  }
0x6e: {  	_ =	swait.ge [sflag:s10], $0x7D00  }
0x6f: {  	s0 =	sadd.s32 $0x2328, s29;
	s26 =	sshll.u32 s26, $0x2;
	[sflag:s10] =	ssyncset.done $0x0  }
0x70: {  	s29 =	sshrl.u32 s0, $0x3;
	s26 =	sadd.s32 s30, s26;
	[sflag:s10] =	ssyncadd.s32 $0xFFFF8300  }
0x71: {  	[hbm4b:s26+s2] =	stream.linear.scatter [tilespmem:s9], [sflag:$0x2], $0x7D00, $0x38;
	[tilespmem:$0x101D0] =	vst v63  }
0x72: {  	s28 =	sadd.s32 s28, s29  }
0x73: {  	[tilespmem:s6], [sflag:$0x3] =	stream.linear.gather [hbm4b:s28+s2], $0x3E8, $0x38;
	[tilespmem:$0x101D0] =	vst v63  }
0x74: {  	_ =	swait.ge [sflag:s4], $0x3E8  }
0x75: {  	[sflag:s4] =	ssyncset.done $0x0  }
0x76: {  	[sflag:s4] =	ssyncadd.s32 $0xFFFFFC18  }
0x77: {  	_ =	swait.ge [sflag:s13], $0x7D00  }
0x78: {  	[sflag:s13] =	ssyncset.done $0x0  }
0x79: {  	s1 =	sshll.u32 s1, $0x2;
	[sflag:s13] =	ssyncadd.s32 $0xFFFF8300  }
0x7a: {  	[tilespmem:s9], [sflag:$0x1] =	stream.indirect.gather [hbm4b:s5+s6], $0x20, s6, s6, $0xb8;
	[tilespmem:$0x101D0] =	vst v63  }
0x7b: {  	s0 =	sshll.u32 s0, $0x2;
	s29 =	sadd.s32 s30, s1;
	_ =	swait.ge [sflag:s10], $0x7D00  }
0x7c: {  	s30 =	sadd.s32 s30, s0;
	s0 =	ssub.s32 $0x2, s31;
	[sflag:s10] =	ssyncset.done $0x0  }
0x7d: {  	s1 =	sshrl.u32 s0, $0x1;
	[sflag:s10] =	ssyncadd.s32 $0xFFFF8300  }
0x7e: {  	[hbm4b:s29+s2] =	stream.linear.scatter [tilespmem:s7], [sflag:$0x2], $0x7D00, $0x38;
	[tilespmem:$0x101D0] =	vst v63  }
0x7f: {  	s0 =	ssub.s32 s0, s1;
	_ =	swait.ge [sflag:s10], $0x7D00  }
0x80: {  	s0 =	smax.u32 s0, $0x1;
	[sflag:s10] =	ssyncset.done $0x0  }
0x81: {  	p0 =	sne.s32 s0, $0x1;
	[sflag:s10] =	ssyncadd.s32 $0xFFFF8300  }
0x82: {  	[hbm4b:s30+s2] =	stream.linear.scatter [tilespmem:s9], [sflag:$0x2], $0x7D00, $0x38;
	[tilespmem:$0x101D0] =	vst v63  }
.Ltmp0:
0x83: {  	_ =	swait.ge [sflag:s13], $0x7D00;
	(pc) =	sbr.rel @!p0 .LBB2_2-.Ltmp0, $4  }
0x84: {  	[sflag:s13] =	ssyncset.done $0x0  }
0x85: {  	[sflag:s13] =	ssyncadd.s32 $0xFFFF8300  }
0x86: {  	_ =	swait.ge [sflag:s13], $0x7D00  }
0x87: {  	s31 =	sadd.s32 $0xFFFFFFFF, s0;
	[sflag:s13] =	ssyncset.done $0x0  }
.LBB2_1:
0x88: {  	p0 =	sne.s32 s31, $0x1;
	s31 =	sadd.s32 $0xFFFFFFFF, s31;
	[sflag:s13] =	ssyncadd.s32 $0xFFFF8300  }
0x89: {  	[tilespmem:s2], [sflag:$0x3] =	stream.linear.gather [hbm4b:s3+s2], $0x3E8, $0x38;
	[tilespmem:$0x101D0] =	vst v63  }
0x8a: {  	_ =	swait.ge [sflag:s4], $0x3E8  }
0x8b: {  	[sflag:s4] =	ssyncset.done $0x0  }
0x8c: {  	[sflag:s4] =	ssyncadd.s32 $0xFFFFFC18  }
0x8d: {  	[tilespmem:s7], [sflag:$0x1] =	stream.indirect.gather [hbm4b:s5+s6], $0x20, s2, s6, $0xb8;
	[tilespmem:$0x101D0] =	vst v63  }
0x8e: {  	_ = 	snop  }
0x8f: {  	[tilespmem:s6], [sflag:$0x3] =	stream.linear.gather [hbm4b:s8+s2], $0x3E8, $0x38;
	[tilespmem:$0x101D0] =	vst v63  }
0x90: {  	_ =	swait.ge [sflag:s4], $0x3E8  }
0x91: {  	[sflag:s4] =	ssyncset.done $0x0  }
0x92: {  	[sflag:s4] =	ssyncadd.s32 $0xFFFFFC18  }
0x93: {  	[tilespmem:s9], [sflag:$0x1] =	stream.indirect.gather [hbm4b:s5+s6], $0x20, s6, s6, $0xb8;
	[tilespmem:$0x101D0] =	vst v63  }
0x94: {  	_ =	swait.ge [sflag:s10], $0x7D00  }
0x95: {  	[sflag:s10] =	ssyncset.done $0x0  }
0x96: {  	[sflag:s10] =	ssyncadd.s32 $0xFFFF8300  }
0x97: {  	[hbm4b:s11+s2] =	stream.linear.scatter [tilespmem:s7], [sflag:$0x2], $0x7D00, $0x38;
	[tilespmem:$0x101D0] =	vst v63  }
0x98: {  	_ = 	snop  }
0x99: {  	[tilespmem:s2], [sflag:$0x3] =	stream.linear.gather [hbm4b:s12+s2], $0x3E8, $0x38;
	[tilespmem:$0x101D0] =	vst v63  }
0x9a: {  	_ =	swait.ge [sflag:s4], $0x3E8  }
0x9b: {  	[sflag:s4] =	ssyncset.done $0x0  }
0x9c: {  	[sflag:s4] =	ssyncadd.s32 $0xFFFFFC18  }
0x9d: {  	_ =	swait.ge [sflag:s13], $0x7D00  }
0x9e: {  	[sflag:s13] =	ssyncset.done $0x0  }
0x9f: {  	[sflag:s13] =	ssyncadd.s32 $0xFFFF8300  }
0xa0: {  	[tilespmem:s7], [sflag:$0x1] =	stream.indirect.gather [hbm4b:s5+s6], $0x20, s2, s6, $0xb8;
	[tilespmem:$0x101D0] =	vst v63  }
0xa1: {  	_ =	swait.ge [sflag:s10], $0x7D00  }
0xa2: {  	[sflag:s10] =	ssyncset.done $0x0  }
0xa3: {  	[sflag:s10] =	ssyncadd.s32 $0xFFFF8300  }
0xa4: {  	[hbm4b:s14+s2] =	stream.linear.scatter [tilespmem:s9], [sflag:$0x2], $0x7D00, $0x38;
	[tilespmem:$0x101D0] =	vst v63  }
0xa5: {  	_ = 	snop  }
0xa6: {  	[tilespmem:s6], [sflag:$0x3] =	stream.linear.gather [hbm4b:s15+s2], $0x3E8, $0x38;
	[tilespmem:$0x101D0] =	vst v63  }
0xa7: {  	_ =	swait.ge [sflag:s4], $0x3E8  }
0xa8: {  	[sflag:s4] =	ssyncset.done $0x0  }
0xa9: {  	[sflag:s4] =	ssyncadd.s32 $0xFFFFFC18  }
0xaa: {  	_ =	swait.ge [sflag:s13], $0x7D00  }
0xab: {  	[sflag:s13] =	ssyncset.done $0x0  }
0xac: {  	[sflag:s13] =	ssyncadd.s32 $0xFFFF8300  }
0xad: {  	[tilespmem:s9], [sflag:$0x1] =	stream.indirect.gather [hbm4b:s5+s6], $0x20, s6, s6, $0xb8;
	[tilespmem:$0x101D0] =	vst v63  }
0xae: {  	_ =	swait.ge [sflag:s10], $0x7D00  }
0xaf: {  	[sflag:s10] =	ssyncset.done $0x0  }
0xb0: {  	[sflag:s10] =	ssyncadd.s32 $0xFFFF8300  }
0xb1: {  	[hbm4b:s16+s2] =	stream.linear.scatter [tilespmem:s7], [sflag:$0x2], $0x7D00, $0x38;
	[tilespmem:$0x101D0] =	vst v63  }
0xb2: {  	_ = 	snop  }
0xb3: {  	[tilespmem:s2], [sflag:$0x3] =	stream.linear.gather [hbm4b:s17+s2], $0x3E8, $0x38;
	[tilespmem:$0x101D0] =	vst v63  }
0xb4: {  	_ =	swait.ge [sflag:s4], $0x3E8  }
0xb5: {  	[sflag:s4] =	ssyncset.done $0x0  }
0xb6: {  	[sflag:s4] =	ssyncadd.s32 $0xFFFFFC18  }
0xb7: {  	_ =	swait.ge [sflag:s13], $0x7D00  }
0xb8: {  	[sflag:s13] =	ssyncset.done $0x0  }
0xb9: {  	[sflag:s13] =	ssyncadd.s32 $0xFFFF8300  }
0xba: {  	[tilespmem:s7], [sflag:$0x1] =	stream.indirect.gather [hbm4b:s5+s6], $0x20, s2, s6, $0xb8;
	[tilespmem:$0x101D0] =	vst v63  }
0xbb: {  	_ =	swait.ge [sflag:s10], $0x7D00  }
0xbc: {  	[sflag:s10] =	ssyncset.done $0x0  }
0xbd: {  	[sflag:s10] =	ssyncadd.s32 $0xFFFF8300  }
0xbe: {  	[hbm4b:s18+s2] =	stream.linear.scatter [tilespmem:s9], [sflag:$0x2], $0x7D00, $0x38;
	[tilespmem:$0x101D0] =	vst v63  }
0xbf: {  	_ = 	snop  }
0xc0: {  	[tilespmem:s6], [sflag:$0x3] =	stream.linear.gather [hbm4b:s19+s2], $0x3E8, $0x38;
	[tilespmem:$0x101D0] =	vst v63  }
0xc1: {  	_ =	swait.ge [sflag:s4], $0x3E8  }
0xc2: {  	[sflag:s4] =	ssyncset.done $0x0  }
0xc3: {  	[sflag:s4] =	ssyncadd.s32 $0xFFFFFC18  }
0xc4: {  	_ =	swait.ge [sflag:s13], $0x7D00  }
0xc5: {  	[sflag:s13] =	ssyncset.done $0x0  }
0xc6: {  	[sflag:s13] =	ssyncadd.s32 $0xFFFF8300  }
0xc7: {  	[tilespmem:s9], [sflag:$0x1] =	stream.indirect.gather [hbm4b:s5+s6], $0x20, s6, s6, $0xb8;
	[tilespmem:$0x101D0] =	vst v63  }
0xc8: {  	_ =	swait.ge [sflag:s10], $0x7D00  }
0xc9: {  	[sflag:s10] =	ssyncset.done $0x0  }
0xca: {  	[sflag:s10] =	ssyncadd.s32 $0xFFFF8300  }
0xcb: {  	[hbm4b:s20+s2] =	stream.linear.scatter [tilespmem:s7], [sflag:$0x2], $0x7D00, $0x38;
	[tilespmem:$0x101D0] =	vst v63  }
0xcc: {  	_ = 	snop  }
0xcd: {  	[tilespmem:s2], [sflag:$0x3] =	stream.linear.gather [hbm4b:s21+s2], $0x3E8, $0x38;
	[tilespmem:$0x101D0] =	vst v63  }
0xce: {  	_ =	swait.ge [sflag:s4], $0x3E8  }
0xcf: {  	[sflag:s4] =	ssyncset.done $0x0  }
0xd0: {  	[sflag:s4] =	ssyncadd.s32 $0xFFFFFC18  }
0xd1: {  	_ =	swait.ge [sflag:s13], $0x7D00  }
0xd2: {  	[sflag:s13] =	ssyncset.done $0x0  }
0xd3: {  	[sflag:s13] =	ssyncadd.s32 $0xFFFF8300  }
0xd4: {  	[tilespmem:s7], [sflag:$0x1] =	stream.indirect.gather [hbm4b:s5+s6], $0x20, s2, s6, $0xb8;
	[tilespmem:$0x101D0] =	vst v63  }
0xd5: {  	_ =	swait.ge [sflag:s10], $0x7D00  }
0xd6: {  	[sflag:s10] =	ssyncset.done $0x0  }
0xd7: {  	[sflag:s10] =	ssyncadd.s32 $0xFFFF8300  }
0xd8: {  	[hbm4b:s22+s2] =	stream.linear.scatter [tilespmem:s9], [sflag:$0x2], $0x7D00, $0x38;
	[tilespmem:$0x101D0] =	vst v63  }
0xd9: {  	_ = 	snop  }
0xda: {  	[tilespmem:s6], [sflag:$0x3] =	stream.linear.gather [hbm4b:s23+s2], $0x3E8, $0x38;
	[tilespmem:$0x101D0] =	vst v63  }
0xdb: {  	_ =	swait.ge [sflag:s4], $0x3E8  }
0xdc: {  	[sflag:s4] =	ssyncset.done $0x0  }
0xdd: {  	[sflag:s4] =	ssyncadd.s32 $0xFFFFFC18  }
0xde: {  	_ =	swait.ge [sflag:s13], $0x7D00  }
0xdf: {  	[sflag:s13] =	ssyncset.done $0x0  }
0xe0: {  	[sflag:s13] =	ssyncadd.s32 $0xFFFF8300  }
0xe1: {  	[tilespmem:s9], [sflag:$0x1] =	stream.indirect.gather [hbm4b:s5+s6], $0x20, s6, s6, $0xb8;
	[tilespmem:$0x101D0] =	vst v63  }
0xe2: {  	_ =	swait.ge [sflag:s10], $0x7D00  }
0xe3: {  	[sflag:s10] =	ssyncset.done $0x0  }
0xe4: {  	[sflag:s10] =	ssyncadd.s32 $0xFFFF8300  }
0xe5: {  	[hbm4b:s24+s2] =	stream.linear.scatter [tilespmem:s7], [sflag:$0x2], $0x7D00, $0x38;
	[tilespmem:$0x101D0] =	vst v63  }
0xe6: {  	_ = 	snop  }
0xe7: {  	[tilespmem:s2], [sflag:$0x3] =	stream.linear.gather [hbm4b:s25+s2], $0x3E8, $0x38;
	[tilespmem:$0x101D0] =	vst v63  }
0xe8: {  	_ =	swait.ge [sflag:s4], $0x3E8  }
0xe9: {  	[sflag:s4] =	ssyncset.done $0x0  }
0xea: {  	[sflag:s4] =	ssyncadd.s32 $0xFFFFFC18  }
0xeb: {  	_ =	swait.ge [sflag:s13], $0x7D00  }
0xec: {  	[sflag:s13] =	ssyncset.done $0x0  }
0xed: {  	[sflag:s13] =	ssyncadd.s32 $0xFFFF8300  }
0xee: {  	[tilespmem:s7], [sflag:$0x1] =	stream.indirect.gather [hbm4b:s5+s6], $0x20, s2, s6, $0xb8;
	[tilespmem:$0x101D0] =	vst v63  }
0xef: {  	_ =	swait.ge [sflag:s10], $0x7D00  }
0xf0: {  	[sflag:s10] =	ssyncset.done $0x0  }
0xf1: {  	[sflag:s10] =	ssyncadd.s32 $0xFFFF8300  }
0xf2: {  	[hbm4b:s26+s2] =	stream.linear.scatter [tilespmem:s9], [sflag:$0x2], $0x7D00, $0x38;
	[tilespmem:$0x101D0] =	vst v63  }
0xf3: {  	_ = 	snop  }
0xf4: {  	[tilespmem:s6], [sflag:$0x3] =	stream.linear.gather [hbm4b:s28+s2], $0x3E8, $0x38;
	[tilespmem:$0x101D0] =	vst v63  }
0xf5: {  	_ =	swait.ge [sflag:s4], $0x3E8  }
0xf6: {  	[sflag:s4] =	ssyncset.done $0x0  }
0xf7: {  	[sflag:s4] =	ssyncadd.s32 $0xFFFFFC18  }
0xf8: {  	_ =	swait.ge [sflag:s13], $0x7D00  }
0xf9: {  	[sflag:s13] =	ssyncset.done $0x0  }
0xfa: {  	[sflag:s13] =	ssyncadd.s32 $0xFFFF8300  }
0xfb: {  	[tilespmem:s9], [sflag:$0x1] =	stream.indirect.gather [hbm4b:s5+s6], $0x20, s6, s6, $0xb8;
	[tilespmem:$0x101D0] =	vst v63  }
0xfc: {  	_ =	swait.ge [sflag:s10], $0x7D00  }
0xfd: {  	[sflag:s10] =	ssyncset.done $0x0  }
0xfe: {  	[sflag:s10] =	ssyncadd.s32 $0xFFFF8300  }
0xff: {  	[hbm4b:s29+s2] =	stream.linear.scatter [tilespmem:s7], [sflag:$0x2], $0x7D00, $0x38;
	[tilespmem:$0x101D0] =	vst v63  }
0x100: {  	_ =	swait.ge [sflag:s10], $0x7D00  }
0x101: {  	[sflag:s10] =	ssyncset.done $0x0  }
0x102: {  	[sflag:s10] =	ssyncadd.s32 $0xFFFF8300  }
0x103: {  	[hbm4b:s30+s2] =	stream.linear.scatter [tilespmem:s9], [sflag:$0x2], $0x7D00, $0x38;
	[tilespmem:$0x101D0] =	vst v63  }
.Ltmp1:
0x104: {  	_ =	swait.ge [sflag:s13], $0x7D00;
	(pc) =	sbr.rel @p0 .LBB2_1-.Ltmp1, $4  }
0x105: {  	[sflag:s13] =	ssyncset.done $0x0  }
0x106: {  	[sflag:s13] =	ssyncadd.s32 $0xFFFF8300  }
0x107: {  	_ =	swait.ge [sflag:s13], $0x7D00  }
0x108: {  	[sflag:s13] =	ssyncset.done $0x0  }
.LBB2_2:
0x109: {  	[sflag:s13] =	ssyncadd.s32 $0xFFFF8300  }
0x10a: {  	_ =	sfence.sel $0x180000  }
0x10b: {  	[bflag:$0x0] =	sbarrier.arrive $0xFFFF  }
0x10c: {  	_ =	strace $0x9000004D  }
0x10d: {  	s0 =	stileid.u32;
	[bflag:$0x2] =	sbarrier.arrive $0xFFFF  }
0x10e: {  	p0 =	sne.s32 s0, $0x0;
	s0 =	rddreg [dreg:$0x1]  }
0x10f: {  	s0 =	sadd.s32 @!p0 $0x100000, s0  }
0x110: {  	[sflag:s0] =	ssyncadd.tile.s32 @!p0 $0x1;
	_ =	shalt  }
.Lfunc_end2:
_tile_overlayer_lowered:
.L_overlay_start_2:
0x111: {  	(tag) =	ssettag $0x2  }
0x112: {  	s0 =	rddreg [dreg:$0x0];
	s2 =	stileid.u32  }
0x113: {  	s1 =	rddreg [dreg:$0x1];
	p0 =	sne.s32 s2, $0x0  }
0x114: {  	s3 =	rddreg [dreg:$0x2];
	[bflag:$0x3] =	sbarrier.arrive $0xFFFF;
	s2 =	simm.s32 @!p0 $0x1C03  }
0x115: {  	[timem:s3], [sflag:s2] =	dma.local @!p0 [hbm:s0], s1  }
0x116: {  	s0 =	simm.s32 @!p0 $0x3  }
0x117: {  	_ =	swait.ge @!p0 [sflag:s0], s1  }
0x118: {  	s1 =	ssub.s32 @!p0 $0x0, s1;
	[sflag:s0] =	ssyncset.done @!p0 $0x0  }
0x119: {  	[sflag:s0] =	ssyncadd.s32 @!p0 s1  }
0x11a: {  	[bflag:$0x3] =	sbarrier.arrive $0xFFFF  }
0x11b: {  	_ =	shalt  }

// kernel: kernel.9.cloned.1.call-start
scs
__scs_entry_jumppad:
0x0: {  	(pc) =	sbr.rel $0x88, $3  }
0x1: {  	(tag) =	ssettag $0x0;
	lr =	simm.s32 $0x1  }
0x2: {  	[smem:$0x3F94] =	sst lr;
	_ =	strace $0xD0000000  }
0x3: {  	_ = 	snop  }
0x4: {  	_ = 	snop  }
0x5: {  	_ = 	snop  }
0x6: {  	_ = 	snop  }
0x7: {  	_ = 	snop  }
__scs_overlays_trampoline_lowered:
0x8: {  	[smem:$0x3FA3] =	sst s0  }
0x9: {  	[smem:$0x3FA4] =	sst s1  }
0xa: {  	[smem:$0x3FA5] =	sst s2  }
0xb: {  	[smem:$0x3FA6] =	sst s3  }
0xc: {  	[smem:$0x3FA7] =	sst s4  }
0xd: {  	[smem:$0x3FA8] =	sst s5  }
0xe: {  	[smem:$0x3FA9] =	sst s6  }
0xf: {  	[smem:$0x3FAA] =	sst s7  }
0x10: {  	[smem:$0x3FAB] =	sst s8  }
0x11: {  	[smem:$0x3FAC] =	sst s9;
	s0 =	simm.s32 @!p0 $0x0  }
0x12: {  	s1 =	sld [smem:$0x3F92];
	s0 =	simm.s32 @p0 $0x1  }
0x13: {  	[smem:$0x3FAD] =	sst s0;
	s0 =	simm.s32 @!p1 $0x0  }
0x14: {  	s2 =	sld [smem:$0x3F91];
	s0 =	simm.s32 @p1 $0x1  }
0x15: {  	[smem:$0x3FAE] =	sst s0;
	s0 =	simm.s32 @!p2 $0x0  }
0x16: {  	s3 =	sld [smem:$0x3FDB];
	s0 =	simm.s32 @p2 $0x1  }
0x17: {  	s4 =	simm.s32 $0x1BF5;
	[smem:$0x3FB0] =	sst s0  }
0x18: {  	s0 =	sld [smem:$0x3F93];
	_ =	swait.ge [sflag:s4], $0x0  }
0x19: {  	s7 =	sld [smem:$0x3F94]  }
0x1a: {  	s8 =	sadd.s32 $0xFFFFE003, lr  }
0x1b: {  	s9 =	sadd.s32 $0xFFFFFEF7, lr;
	s5 =	simm.s32 $0xFFFFFFFF;
	p2 =	slt.u32 s8, $0xFFFFF086  }
0x1c: {  	p1 =	slt.u32 s9, $0xF7A;
	s5 =	simm.s32 @!p2 $0x0  }
0x1d: {  	s5 =	simm.s32 @p1 $0x1;
	p0 =	seq.s32 s7, s2  }
0x1e: {  	s7 =	smul.u32 @!p0 $0xF7A, s2;
	p2 =	seq.s32 @!p0 s5, $0x0  }
0x1f: {  	s9 =	smul.u32 $0xF7A, s1;
	s8 =	simm.s32 @!p0 $0x1BF5;
	p2 =	por !p2, p0  }
0x20: {  	[sflag:s8] =	ssyncset.s32 @!p0 $0xFFFFF086;
	s6 =	sadd.s32 @!p0 s3, s7;
	s7 =	simm.s32 @!p0 $0x108  }
0x21: {  	s3 =	sadd.s32 s3, s9;
	s6 =	sadd.s32 @!p0 $0x88, s6;
	s7 =	simm.s32 @p2 $0x1082  }
0x22: {  	[simem:s7], [sflag:s8] =	dma.local @!p0 [hbm:s6], $0xF7A  }
0x23: {  	s9 =	sor.u32 $0xD0000000, s2;
	s6 =	simm.s32 $0x108;
	_ =	swait.ge @!p0 [sflag:s8], $0x0  }
0x24: {  	s3 =	sadd.s32 $0x88, s3;
	s6 =	simm.s32 @!p1 $0x1082;
	[sflag:s4] =	ssyncset.s32 $0xFFFFF086  }
0x25: {  	[simem:s6], [sflag:s4] =	dma.local [hbm:s3], $0xF7A  }
0x26: {  	[smem:$0x3F94] =	sst s1;
	(tag) =	ssettag s2;
	_ =	strace s9  }
0x27: {  	s1 =	sld [smem:$0x3FA4]  }
0x28: {  	s2 =	sld [smem:$0x3FA5]  }
0x29: {  	s4 =	sld [smem:$0x3FA7]  }
0x2a: {  	p0 =	seq.s32 s5, $0x0;
	s5 =	sld [smem:$0x3FA8]  }
0x2b: {  	s6 =	sld [smem:$0x3FA9]  }
0x2c: {  	s7 =	sld [smem:$0x3FAA]  }
0x2d: {  	s3 =	simm.s32 $0x108;
	s8 =	sld [smem:$0x3FAB]  }
0x2e: {  	s3 =	simm.s32 @!p0 $0x1082;
	s9 =	sld [smem:$0x3FAC]  }
0x2f: {  	lr =	sadd.s32 s0, s3;
	s0 =	sld [smem:$0x3FA3]  }
0x30: {  	s3 =	sld [smem:$0x3FA6]  }
0x31: {  	[smem:$0x3FAF] =	sst s10  }
0x32: {  	s10 =	sld [smem:$0x3FAD];
	_ =	sdelay $0x3  }
0x33: {  	p0 =	seq.s32 s10, $0x1;
	s10 =	sld [smem:$0x3FAF];
	_ =	sdelay $0x3  }
0x34: {  	[smem:$0x3FAF] =	sst s10  }
0x35: {  	s10 =	sld [smem:$0x3FAE];
	_ =	sdelay $0x3  }
0x36: {  	p1 =	seq.s32 s10, $0x1;
	s10 =	sld [smem:$0x3FAF];
	_ =	sdelay $0x3  }
0x37: {  	[smem:$0x3FAF] =	sst s10  }
0x38: {  	s10 =	sld [smem:$0x3FB0]  }
0x39: {  	_ = 	snop;
	(pc) =	sbr.ind lr, $3  }
0x3a: {  	_ = 	snop  }
0x3b: {  	_ = 	snop  }
0x3c: {  	p2 =	seq.s32 s10, $0x1;
	s10 =	sld [smem:$0x3FAF]  }
0x3d: {  	_ =	shalt  }
0x3e: {  	_ =	shalt  }
0x3f: {  	_ =	shalt  }
0x40: {  	_ =	shalt  }
0x41: {  	_ =	shalt  }
0x42: {  	_ =	shalt  }
0x43: {  	_ =	shalt  }
0x44: {  	_ =	shalt  }
0x45: {  	_ =	shalt  }
0x46: {  	_ =	shalt  }
0x47: {  	_ =	shalt  }
0x48: {  	_ =	shalt  }
0x49: {  	_ =	shalt  }
0x4a: {  	_ =	shalt  }
0x4b: {  	_ =	shalt  }
0x4c: {  	_ =	shalt  }
0x4d: {  	_ =	shalt  }
0x4e: {  	_ =	shalt  }
0x4f: {  	_ =	shalt  }
0x50: {  	_ =	shalt  }
0x51: {  	_ =	shalt  }
0x52: {  	_ =	shalt  }
0x53: {  	_ =	shalt  }
0x54: {  	_ =	shalt  }
0x55: {  	_ =	shalt  }
0x56: {  	_ =	shalt  }
0x57: {  	_ =	shalt  }
0x58: {  	_ =	shalt  }
0x59: {  	_ =	shalt  }
0x5a: {  	_ =	shalt  }
0x5b: {  	_ =	shalt  }
0x5c: {  	_ =	shalt  }
0x5d: {  	_ =	shalt  }
0x5e: {  	_ =	shalt  }
0x5f: {  	_ =	shalt  }
0x60: {  	_ =	shalt  }
0x61: {  	_ =	shalt  }
0x62: {  	_ =	shalt  }
0x63: {  	_ =	shalt  }
0x64: {  	_ =	shalt  }
0x65: {  	_ =	shalt  }
0x66: {  	_ =	shalt  }
0x67: {  	_ =	shalt  }
0x68: {  	_ =	shalt  }
0x69: {  	_ =	shalt  }
0x6a: {  	_ =	shalt  }
0x6b: {  	_ =	shalt  }
0x6c: {  	_ =	shalt  }
0x6d: {  	_ =	shalt  }
0x6e: {  	_ =	shalt  }
0x6f: {  	_ =	shalt  }
0x70: {  	_ =	shalt  }
0x71: {  	_ =	shalt  }
0x72: {  	_ =	shalt  }
0x73: {  	_ =	shalt  }
0x74: {  	_ =	shalt  }
0x75: {  	_ =	shalt  }
0x76: {  	_ =	shalt  }
0x77: {  	_ =	shalt  }
0x78: {  	_ =	shalt  }
0x79: {  	_ =	shalt  }
0x7a: {  	_ =	shalt  }
0x7b: {  	_ =	shalt  }
0x7c: {  	_ =	shalt  }
0x7d: {  	_ =	shalt  }
0x7e: {  	_ =	shalt  }
0x7f: {  	_ =	shalt  }
0x80: {  	_ =	shalt  }
0x81: {  	_ =	shalt  }
0x82: {  	_ =	shalt  }
0x83: {  	_ =	shalt  }
0x84: {  	_ =	shalt  }
0x85: {  	_ =	shalt  }
0x86: {  	_ =	shalt  }
0x87: {  	_ =	shalt  }
.Lfunc_end0:
.L_simem_size_0:
called_computation_lowered:
.L_overlay_start_0:
0x88: {  	s2 =	sld [smem:$0x3FD9]  }
0x89: {  	s3 =	sld [smem:$0x3FFE];
	_ =	sdelay $0x1  }
0x8a: {  	s1 =	srdreg.scid  }
0x8b: {  	s0 =	sand.u32 $0x1, s1  }
0x8c: {  	s16 =	sshll.u32 s0, $0xA;
	s2 =	sadd.s32 s3, s2  }
0x8d: {  	s2 =	sadd.s32 s2, s16  }
0x8e: {  	[smem:$0x3FBB] =	sst s2  }
0x8f: {  	_ = 	snop  }
0x90: {  	(tm) =	ssettm $0x1  }
0x91: {  	s17 =	sld [smem:$0x3FFB];
	_ =	sdelay $0x3  }
0x92: {  	_ =	strace s17  }
0x93: {  	s2 =	sld [smem:$0x3FFC];
	_ =	sdelay $0x3  }
0x94: {  	_ =	strace s2  }
0x95: {  	s2 =	sld [smem:$0x3FFD];
	_ =	sdelay $0x3  }
0x96: {  	_ =	strace s2  }
0x97: {  	_ =	strace $0x8FFFFFFF  }
0x98: {  	s18 =	sld [smem:$0x3FDB];
	_ =	sdelay $0x1  }
0x99: {  	s19 =	simm.s32 $_scs_section_size  }
0x9a: {  	s4 =	simm.s32 $_size__tile_overlayer_lowered;
	s5 =	simm.s32 $_tile_overlayer_lowered  }
0x9b: {  	s22 =	simm.s32 $0x1BFF;
	s21 =	sshll.u32 s5, $0x1;
	s2 =	sadd.s32 s19, s18  }
0x9c: {  	s6 =	simm.s32 $0x0;
	s20 =	sshll.u32 s4, $0x1;
	s4 =	sadd.s32 s21, s2  }
0x9d: {  	[timem:s6], [sflag:s22] =	dma.local [hbm:s4], s20  }
0x9e: {  	_ =	swait.ge [sflag:s22], s20  }
0x9f: {  	s3 =	ssub.s32 $0x0, s20;
	[sflag:s22] =	ssyncset.done $0x0  }
0xa0: {  	[sflag:s22] =	ssyncadd.s32 s3;
	_ =	sdelay $0x1  }
0xa1: {  	s23 =	simm.s32 $0x1B8B  }
0xa2: {  	_ =	swait.ge [sflag:s23], $0x1  }
0xa3: {  	[sflag:s23] =	ssyncset.done $0x0  }
0xa4: {  	s25 =	simm.s32 $0x1B8E;
	s24 =	sld [smem:$0x3FFE];
	[sflag:s23] =	ssyncadd.s32 $0xFFFFFFFF  }
0xa5: {  	s26 =	simm.s32 $execute0_lowered;
	[smem:$0x3FD2] =	sst s25  }
0xa6: {  	s4 =	sshll.u32 s26, $0x1;
	_ =	strace $0x80000046;
	[dreg:$0x1] =	wrdreg $0xFFFFFFFF  }
0xa7: {  	s28 =	simm.s32 $_size_execute0_lowered;
	s2 =	sadd.s32 s2, s4;
	[dreg:$0x0] =	wrdreg $0x0  }
0xa8: {  	s4 =	sshll.u32 s28, $0x1;
	[dreg:$0x2] =	wrdreg s2  }
0xa9: {  	[dreg:$0x3] =	wrdreg s4  }
0xaa: {  	[dreg:$0x4] =	wrdreg $0xC0  }
0xab: {  	_ =	task [dreg:s6], $0x5FFFF  }
0xac: {  	[dreg:$0x1] =	wrdreg $0xFFFFFFFF  }
0xad: {  	[dreg:$0x0] =	wrdreg $0x60  }
0xae: {  	[dreg:$0x2] =	wrdreg s24  }
0xaf: {  	[dreg:$0x3] =	wrdreg $0x9  }
0xb0: {  	_ =	task.clear_ibuf [dreg:s6], $0x4FFFF;
	_ =	strace $0x90000046  }
0xb1: {  	s29 =	simm.s32 $0x9;
	_ =	strace $0x80000048  }
0xb2: {  	_ =	swait.ge [sflag:s29], $0x1  }
0xb3: {  	[sflag:s29] =	ssyncadd.s32 $0xFFFFFFFF  }
0xb4: {  	_ =	strace $0x90000048  }
0xb5: {  	_ =	sfence  }
0xb6: {  	s30 =	sld [smem:$0x0];
	_ =	sdelay $0x2  }
0xb7: {  	s31 =	sshll.u32 s1, $0xD;
	s1 =	sshrl.u32 s1, $0x2  }
0xb8: {  	s3 =	sand.u32 $0x4000, s31;
	s1 =	sadd.s32 s1, s30  }
0xb9: {  	s0 =	sor.u32 s3, s0;
	s1 =	sshll.u32 s1, $0x11  }
0xba: {  	s0 =	sor.u32 s1, s0  }
0xbb: {  	s0 =	sadd.s32 $0x8F2B, s0  }
0xbc: {  	[sflag:s0] =	ssyncadd.remote.s32 $0x1  }
0xbd: {  	_ =	sfence.sel $0xFFFF  }
0xbe: {  	[dreg:$0x0] =	wrdreg $0xFFFFFFFF;
	(pc) =	sbr.abs _section_cstart, $3  }
0xbf: {  	[dreg:$0x1] =	wrdreg $0xFFFFFFFF  }
0xc0: {  	_ =	task.clear_ibuf [dreg:s6], $0x2FFFF;
	_ =	strace $0x9FFFFFFF  }
0xc1: {  	(tm) =	ssettm $0x7FFFFFFF  }
tec
execute0_lowered:
.L_overlay_start_1:
0x0: {  	(tag) =	ssettag $0x1  }
0x1: {  	s1 =	srdreg.scid;
	s0 =	stileid.u32  }
0x2: {  	s31 =	sand.u32 $0x1, s1;
	s25 =	sshll.u32 s0, $0x1  }
0x3: {  	s11 =	sor.u32 s31, s25  }
0x4: {  	s29 =	smul.u32 $0x2710, s11  }
0x5: {  	s12 =	rddreg [dreg:$0x0];
	s2 =	simm.s32 $0x0  }
0x6: {  	[smem:$0x7FF] =	sst s2;
	s28 =	sadd.s32 $0x1A4200, s12;
	s3 =	sshrl.u32 s29, $0x3  }
0x7: {  	s4 =	simm.s32 $0x3;
	_ =	strace $0x80000047;
	s3 =	sadd.s32 s28, s3  }
0x8: {  	[tilespmem:s2], [sflag:$0x3] =	stream.linear.gather [hbm4b:s3+s2], $0x3E8, $0x38;
	[tilespmem:$0x101D0] =	vst v63  }
0x9: {  	s6 =	simm.s32 $0x3E8;
	_ =	swait.ge [sflag:s4], $0x3E8  }
0xa: {  	s7 =	simm.s32 $0x7D0;
	s14 =	sadd.s32 $0x3E8, s29;
	[sflag:s4] =	ssyncset.done $0x0  }
0xb: {  	s5 =	sadd.s32 $0x58000, s12;
	s8 =	sshrl.u32 s14, $0x3;
	[sflag:s4] =	ssyncadd.s32 $0xFFFFFC18  }
0xc: {  	[tilespmem:s7], [sflag:$0x1] =	stream.indirect.gather [hbm4b:s5+s6], $0x20, s2, s6, $0xb8;
	[tilespmem:$0x101D0] =	vst v63  }
0xd: {  	s8 =	sadd.s32 s28, s8  }
0xe: {  	[tilespmem:s6], [sflag:$0x3] =	stream.linear.gather [hbm4b:s8+s2], $0x3E8, $0x38;
	[tilespmem:$0x101D0] =	vst v63  }
0xf: {  	_ =	swait.ge [sflag:s4], $0x3E8  }
0x10: {  	[sflag:s4] =	ssyncset.done $0x0  }
0x11: {  	s9 =	simm.s32 $0x84D0;
	s10 =	simm.s32 $0x1;
	[sflag:s4] =	ssyncadd.s32 $0xFFFFFC18  }
0x12: {  	[tilespmem:s9], [sflag:$0x1] =	stream.indirect.gather [hbm4b:s5+s6], $0x20, s6, s6, $0xb8;
	[tilespmem:$0x101D0] =	vst v63  }
0x13: {  	s11 =	smul.u32 $0x9C40, s11;
	_ =	swait.ge [sflag:s10], $0x7D00  }
0x14: {  	s30 =	sadd.s32 $0x6BA00, s12;
	s16 =	sadd.s32 $0x7D0, s29;
	[sflag:s10] =	ssyncset.done $0x0  }
0x15: {  	s11 =	sadd.s32 s30, s11;
	s26 =	sshrl.u32 s16, $0x3;
	[sflag:s10] =	ssyncadd.s32 $0xFFFF8300  }
0x16: {  	[hbm4b:s11+s2] =	stream.linear.scatter [tilespmem:s7], [sflag:$0x2], $0x7D00, $0x38;
	[tilespmem:$0x101D0] =	vst v63  }
0x17: {  	s12 =	sadd.s32 s28, s26  }
0x18: {  	[tilespmem:s2], [sflag:$0x3] =	stream.linear.gather [hbm4b:s12+s2], $0x3E8, $0x38;
	[tilespmem:$0x101D0] =	vst v63  }
0x19: {  	_ =	swait.ge [sflag:s4], $0x3E8  }
0x1a: {  	[sflag:s4] =	ssyncset.done $0x0  }
0x1b: {  	s13 =	simm.s32 $0x2;
	[sflag:s4] =	ssyncadd.s32 $0xFFFFFC18  }
0x1c: {  	_ =	swait.ge [sflag:s13], $0x7D00  }
0x1d: {  	[sflag:s13] =	ssyncset.done $0x0  }
0x1e: {  	[sflag:s13] =	ssyncadd.s32 $0xFFFF8300  }
0x1f: {  	[tilespmem:s7], [sflag:$0x1] =	stream.indirect.gather [hbm4b:s5+s6], $0x20, s2, s6, $0xb8;
	[tilespmem:$0x101D0] =	vst v63  }
0x20: {  	_ =	swait.ge [sflag:s10], $0x7D00  }
0x21: {  	s18 =	sadd.s32 $0xBB8, s29;
	s14 =	sshll.u32 s14, $0x2;
	[sflag:s10] =	ssyncset.done $0x0  }
0x22: {  	s15 =	sshrl.u32 s18, $0x3;
	s14 =	sadd.s32 s30, s14;
	[sflag:s10] =	ssyncadd.s32 $0xFFFF8300  }
0x23: {  	[hbm4b:s14+s2] =	stream.linear.scatter [tilespmem:s9], [sflag:$0x2], $0x7D00, $0x38;
	[tilespmem:$0x101D0] =	vst v63  }
0x24: {  	s15 =	sadd.s32 s28, s15  }
0x25: {  	[tilespmem:s6], [sflag:$0x3] =	stream.linear.gather [hbm4b:s15+s2], $0x3E8, $0x38;
	[tilespmem:$0x101D0] =	vst v63  }
0x26: {  	_ =	swait.ge [sflag:s4], $0x3E8  }
0x27: {  	[sflag:s4] =	ssyncset.done $0x0  }
0x28: {  	[sflag:s4] =	ssyncadd.s32 $0xFFFFFC18  }
0x29: {  	_ =	swait.ge [sflag:s13], $0x7D00  }
0x2a: {  	[sflag:s13] =	ssyncset.done $0x0  }
0x2b: {  	[sflag:s13] =	ssyncadd.s32 $0xFFFF8300  }
0x2c: {  	[tilespmem:s9], [sflag:$0x1] =	stream.indirect.gather [hbm4b:s5+s6], $0x20, s6, s6, $0xb8;
	[tilespmem:$0x101D0] =	vst v63  }
0x2d: {  	_ =	swait.ge [sflag:s10], $0x7D00  }
0x2e: {  	s20 =	sadd.s32 $0xFA0, s29;
	s16 =	sshll.u32 s16, $0x2;
	[sflag:s10] =	ssyncset.done $0x0  }
0x2f: {  	s17 =	sshrl.u32 s20, $0x3;
	s16 =	sadd.s32 s30, s16;
	[sflag:s10] =	ssyncadd.s32 $0xFFFF8300  }
0x30: {  	[hbm4b:s16+s2] =	stream.linear.scatter [tilespmem:s7], [sflag:$0x2], $0x7D00, $0x38;
	[tilespmem:$0x101D0] =	vst v63  }
0x31: {  	s17 =	sadd.s32 s28, s17  }
0x32: {  	[tilespmem:s2], [sflag:$0x3] =	stream.linear.gather [hbm4b:s17+s2], $0x3E8, $0x38;
	[tilespmem:$0x101D0] =	vst v63  }
0x33: {  	_ =	swait.ge [sflag:s4], $0x3E8  }
0x34: {  	[sflag:s4] =	ssyncset.done $0x0  }
0x35: {  	[sflag:s4] =	ssyncadd.s32 $0xFFFFFC18  }
0x36: {  	_ =	swait.ge [sflag:s13], $0x7D00  }
0x37: {  	[sflag:s13] =	ssyncset.done $0x0  }
0x38: {  	[sflag:s13] =	ssyncadd.s32 $0xFFFF8300  }
0x39: {  	[tilespmem:s7], [sflag:$0x1] =	stream.indirect.gather [hbm4b:s5+s6], $0x20, s2, s6, $0xb8;
	[tilespmem:$0x101D0] =	vst v63  }
0x3a: {  	_ =	swait.ge [sflag:s10], $0x7D00  }
0x3b: {  	s22 =	sadd.s32 $0x1388, s29;
	s18 =	sshll.u32 s18, $0x2;
	[sflag:s10] =	ssyncset.done $0x0  }
0x3c: {  	s19 =	sshrl.u32 s22, $0x3;
	s18 =	sadd.s32 s30, s18;
	[sflag:s10] =	ssyncadd.s32 $0xFFFF8300  }
0x3d: {  	[hbm4b:s18+s2] =	stream.linear.scatter [tilespmem:s9], [sflag:$0x2], $0x7D00, $0x38;
	[tilespmem:$0x101D0] =	vst v63  }
0x3e: {  	s19 =	sadd.s32 s28, s19  }
0x3f: {  	[tilespmem:s6], [sflag:$0x3] =	stream.linear.gather [hbm4b:s19+s2], $0x3E8, $0x38;
	[tilespmem:$0x101D0] =	vst v63  }
0x40: {  	_ =	swait.ge [sflag:s4], $0x3E8  }
0x41: {  	[sflag:s4] =	ssyncset.done $0x0  }
0x42: {  	[sflag:s4] =	ssyncadd.s32 $0xFFFFFC18  }
0x43: {  	_ =	swait.ge [sflag:s13], $0x7D00  }
0x44: {  	[sflag:s13] =	ssyncset.done $0x0  }
0x45: {  	[sflag:s13] =	ssyncadd.s32 $0xFFFF8300  }
0x46: {  	[tilespmem:s9], [sflag:$0x1] =	stream.indirect.gather [hbm4b:s5+s6], $0x20, s6, s6, $0xb8;
	[tilespmem:$0x101D0] =	vst v63  }
0x47: {  	_ =	swait.ge [sflag:s10], $0x7D00  }
0x48: {  	s24 =	sadd.s32 $0x1770, s29;
	s20 =	sshll.u32 s20, $0x2;
	[sflag:s10] =	ssyncset.done $0x0  }
0x49: {  	s21 =	sshrl.u32 s24, $0x3;
	s20 =	sadd.s32 s30, s20;
	[sflag:s10] =	ssyncadd.s32 $0xFFFF8300  }
0x4a: {  	[hbm4b:s20+s2] =	stream.linear.scatter [tilespmem:s7], [sflag:$0x2], $0x7D00, $0x38;
	[tilespmem:$0x101D0] =	vst v63  }
0x4b: {  	s21 =	sadd.s32 s28, s21  }
0x4c: {  	[tilespmem:s2], [sflag:$0x3] =	stream.linear.gather [hbm4b:s21+s2], $0x3E8, $0x38;
	[tilespmem:$0x101D0] =	vst v63  }
0x4d: {  	_ =	swait.ge [sflag:s4], $0x3E8  }
0x4e: {  	[sflag:s4] =	ssyncset.done $0x0  }
0x4f: {  	[sflag:s4] =	ssyncadd.s32 $0xFFFFFC18  }
0x50: {  	_ =	swait.ge [sflag:s13], $0x7D00  }
0x51: {  	[sflag:s13] =	ssyncset.done $0x0  }
0x52: {  	[sflag:s13] =	ssyncadd.s32 $0xFFFF8300  }
0x53: {  	[tilespmem:s7], [sflag:$0x1] =	stream.indirect.gather [hbm4b:s5+s6], $0x20, s2, s6, $0xb8;
	[tilespmem:$0x101D0] =	vst v63  }
0x54: {  	_ =	swait.ge [sflag:s10], $0x7D00  }
0x55: {  	s22 =	sshll.u32 s22, $0x2;
	s26 =	sadd.s32 $0x1B58, s29;
	[sflag:s10] =	ssyncset.done $0x0  }
0x56: {  	s22 =	sadd.s32 s30, s22;
	s23 =	sshrl.u32 s26, $0x3;
	[sflag:s10] =	ssyncadd.s32 $0xFFFF8300  }
0x57: {  	[hbm4b:s22+s2] =	stream.linear.scatter [tilespmem:s9], [sflag:$0x2], $0x7D00, $0x38;
	[tilespmem:$0x101D0] =	vst v63  }
0x58: {  	s23 =	sadd.s32 s28, s23  }
0x59: {  	[tilespmem:s6], [sflag:$0x3] =	stream.linear.gather [hbm4b:s23+s2], $0x3E8, $0x38;
	[tilespmem:$0x101D0] =	vst v63  }
0x5a: {  	_ =	swait.ge [sflag:s4], $0x3E8  }
0x5b: {  	[sflag:s4] =	ssyncset.done $0x0  }
0x5c: {  	[sflag:s4] =	ssyncadd.s32 $0xFFFFFC18  }
0x5d: {  	_ =	swait.ge [sflag:s13], $0x7D00  }
0x5e: {  	[sflag:s13] =	ssyncset.done $0x0  }
0x5f: {  	[sflag:s13] =	ssyncadd.s32 $0xFFFF8300  }
0x60: {  	[tilespmem:s9], [sflag:$0x1] =	stream.indirect.gather [hbm4b:s5+s6], $0x20, s6, s6, $0xb8;
	[tilespmem:$0x101D0] =	vst v63  }
0x61: {  	_ =	swait.ge [sflag:s10], $0x7D00  }
0x62: {  	s1 =	sadd.s32 $0x1F40, s29;
	s24 =	sshll.u32 s24, $0x2;
	[sflag:s10] =	ssyncset.done $0x0  }
0x63: {  	s25 =	sshrl.u32 s1, $0x3;
	s24 =	sadd.s32 s30, s24;
	[sflag:s10] =	ssyncadd.s32 $0xFFFF8300  }
0x64: {  	[hbm4b:s24+s2] =	stream.linear.scatter [tilespmem:s7], [sflag:$0x2], $0x7D00, $0x38;
	[tilespmem:$0x101D0] =	vst v63  }
0x65: {  	s25 =	sadd.s32 s28, s25  }
0x66: {  	[tilespmem:s2], [sflag:$0x3] =	stream.linear.gather [hbm4b:s25+s2], $0x3E8, $0x38;
	[tilespmem:$0x101D0] =	vst v63  }
0x67: {  	_ =	swait.ge [sflag:s4], $0x3E8  }
0x68: {  	[sflag:s4] =	ssyncset.done $0x0  }
0x69: {  	[sflag:s4] =	ssyncadd.s32 $0xFFFFFC18  }
0x6a: {  	_ =	swait.ge [sflag:s13], $0x7D00  }
0x6b: {  	[sflag:s13] =	ssyncset.done $0x0  }
0x6c: {  	[sflag:s13] =	ssyncadd.s32 $0xFFFF8300  }
0x6d: {  	[tilespmem:s7], [sflag:$0x1] =	stream.indirect.gather [hbm4b:s5+s6], $0x20, s2, s6, $0xb8;
	[tilespmem:$0x101D0] =	vst v63  }
0x6e: {  	_ =	swait.ge [sflag:s10], $0x7D00  }
0x6f: {  	s0 =	sadd.s32 $0x2328, s29;
	s26 =	sshll.u32 s26, $0x2;
	[sflag:s10] =	ssyncset.done $0x0  }
0x70: {  	s29 =	sshrl.u32 s0, $0x3;
	s26 =	sadd.s32 s30, s26;
	[sflag:s10] =	ssyncadd.s32 $0xFFFF8300  }
0x71: {  	[hbm4b:s26+s2] =	stream.linear.scatter [tilespmem:s9], [sflag:$0x2], $0x7D00, $0x38;
	[tilespmem:$0x101D0] =	vst v63  }
0x72: {  	s28 =	sadd.s32 s28, s29  }
0x73: {  	[tilespmem:s6], [sflag:$0x3] =	stream.linear.gather [hbm4b:s28+s2], $0x3E8, $0x38;
	[tilespmem:$0x101D0] =	vst v63  }
0x74: {  	_ =	swait.ge [sflag:s4], $0x3E8  }
0x75: {  	[sflag:s4] =	ssyncset.done $0x0  }
0x76: {  	[sflag:s4] =	ssyncadd.s32 $0xFFFFFC18  }
0x77: {  	_ =	swait.ge [sflag:s13], $0x7D00  }
0x78: {  	[sflag:s13] =	ssyncset.done $0x0  }
0x79: {  	s1 =	sshll.u32 s1, $0x2;
	[sflag:s13] =	ssyncadd.s32 $0xFFFF8300  }
0x7a: {  	[tilespmem:s9], [sflag:$0x1] =	stream.indirect.gather [hbm4b:s5+s6], $0x20, s6, s6, $0xb8;
	[tilespmem:$0x101D0] =	vst v63  }
0x7b: {  	s0 =	sshll.u32 s0, $0x2;
	s29 =	sadd.s32 s30, s1;
	_ =	swait.ge [sflag:s10], $0x7D00  }
0x7c: {  	s30 =	sadd.s32 s30, s0;
	s0 =	ssub.s32 $0x2, s31;
	[sflag:s10] =	ssyncset.done $0x0  }
0x7d: {  	s1 =	sshrl.u32 s0, $0x1;
	[sflag:s10] =	ssyncadd.s32 $0xFFFF8300  }
0x7e: {  	[hbm4b:s29+s2] =	stream.linear.scatter [tilespmem:s7], [sflag:$0x2], $0x7D00, $0x38;
	[tilespmem:$0x101D0] =	vst v63  }
0x7f: {  	s0 =	ssub.s32 s0, s1;
	_ =	swait.ge [sflag:s10], $0x7D00  }
0x80: {  	s0 =	smax.u32 s0, $0x1;
	[sflag:s10] =	ssyncset.done $0x0  }
0x81: {  	p0 =	sne.s32 s0, $0x1;
	[sflag:s10] =	ssyncadd.s32 $0xFFFF8300  }
0x82: {  	[hbm4b:s30+s2] =	stream.linear.scatter [tilespmem:s9], [sflag:$0x2], $0x7D00, $0x38;
	[tilespmem:$0x101D0] =	vst v63  }
.Ltmp0:
0x83: {  	_ =	swait.ge [sflag:s13], $0x7D00;
	(pc) =	sbr.rel @!p0 .LBB2_2-.Ltmp0, $4  }
0x84: {  	[sflag:s13] =	ssyncset.done $0x0  }
0x85: {  	[sflag:s13] =	ssyncadd.s32 $0xFFFF8300  }
0x86: {  	_ =	swait.ge [sflag:s13], $0x7D00  }
0x87: {  	s31 =	sadd.s32 $0xFFFFFFFF, s0;
	[sflag:s13] =	ssyncset.done $0x0  }
.LBB2_1:
0x88: {  	p0 =	sne.s32 s31, $0x1;
	s31 =	sadd.s32 $0xFFFFFFFF, s31;
	[sflag:s13] =	ssyncadd.s32 $0xFFFF8300  }
0x89: {  	[tilespmem:s2], [sflag:$0x3] =	stream.linear.gather [hbm4b:s3+s2], $0x3E8, $0x38;
	[tilespmem:$0x101D0] =	vst v63  }
0x8a: {  	_ =	swait.ge [sflag:s4], $0x3E8  }
0x8b: {  	[sflag:s4] =	ssyncset.done $0x0  }
0x8c: {  	[sflag:s4] =	ssyncadd.s32 $0xFFFFFC18  }
0x8d: {  	[tilespmem:s7], [sflag:$0x1] =	stream.indirect.gather [hbm4b:s5+s6], $0x20, s2, s6, $0xb8;
	[tilespmem:$0x101D0] =	vst v63  }
0x8e: {  	_ = 	snop  }
0x8f: {  	[tilespmem:s6], [sflag:$0x3] =	stream.linear.gather [hbm4b:s8+s2], $0x3E8, $0x38;
	[tilespmem:$0x101D0] =	vst v63  }
0x90: {  	_ =	swait.ge [sflag:s4], $0x3E8  }
0x91: {  	[sflag:s4] =	ssyncset.done $0x0  }
0x92: {  	[sflag:s4] =	ssyncadd.s32 $0xFFFFFC18  }
0x93: {  	[tilespmem:s9], [sflag:$0x1] =	stream.indirect.gather [hbm4b:s5+s6], $0x20, s6, s6, $0xb8;
	[tilespmem:$0x101D0] =	vst v63  }
0x94: {  	_ =	swait.ge [sflag:s10], $0x7D00  }
0x95: {  	[sflag:s10] =	ssyncset.done $0x0  }
0x96: {  	[sflag:s10] =	ssyncadd.s32 $0xFFFF8300  }
0x97: {  	[hbm4b:s11+s2] =	stream.linear.scatter [tilespmem:s7], [sflag:$0x2], $0x7D00, $0x38;
	[tilespmem:$0x101D0] =	vst v63  }
0x98: {  	_ = 	snop  }
0x99: {  	[tilespmem:s2], [sflag:$0x3] =	stream.linear.gather [hbm4b:s12+s2], $0x3E8, $0x38;
	[tilespmem:$0x101D0] =	vst v63  }
0x9a: {  	_ =	swait.ge [sflag:s4], $0x3E8  }
0x9b: {  	[sflag:s4] =	ssyncset.done $0x0  }
0x9c: {  	[sflag:s4] =	ssyncadd.s32 $0xFFFFFC18  }
0x9d: {  	_ =	swait.ge [sflag:s13], $0x7D00  }
0x9e: {  	[sflag:s13] =	ssyncset.done $0x0  }
0x9f: {  	[sflag:s13] =	ssyncadd.s32 $0xFFFF8300  }
0xa0: {  	[tilespmem:s7], [sflag:$0x1] =	stream.indirect.gather [hbm4b:s5+s6], $0x20, s2, s6, $0xb8;
	[tilespmem:$0x101D0] =	vst v63  }
0xa1: {  	_ =	swait.ge [sflag:s10], $0x7D00  }
0xa2: {  	[sflag:s10] =	ssyncset.done $0x0  }
0xa3: {  	[sflag:s10] =	ssyncadd.s32 $0xFFFF8300  }
0xa4: {  	[hbm4b:s14+s2] =	stream.linear.scatter [tilespmem:s9], [sflag:$0x2], $0x7D00, $0x38;
	[tilespmem:$0x101D0] =	vst v63  }
0xa5: {  	_ = 	snop  }
0xa6: {  	[tilespmem:s6], [sflag:$0x3] =	stream.linear.gather [hbm4b:s15+s2], $0x3E8, $0x38;
	[tilespmem:$0x101D0] =	vst v63  }
0xa7: {  	_ =	swait.ge [sflag:s4], $0x3E8  }
0xa8: {  	[sflag:s4] =	ssyncset.done $0x0  }
0xa9: {  	[sflag:s4] =	ssyncadd.s32 $0xFFFFFC18  }
0xaa: {  	_ =	swait.ge [sflag:s13], $0x7D00  }
0xab: {  	[sflag:s13] =	ssyncset.done $0x0  }
0xac: {  	[sflag:s13] =	ssyncadd.s32 $0xFFFF8300  }
0xad: {  	[tilespmem:s9], [sflag:$0x1] =	stream.indirect.gather [hbm4b:s5+s6], $0x20, s6, s6, $0xb8;
	[tilespmem:$0x101D0] =	vst v63  }
0xae: {  	_ =	swait.ge [sflag:s10], $0x7D00  }
0xaf: {  	[sflag:s10] =	ssyncset.done $0x0  }
0xb0: {  	[sflag:s10] =	ssyncadd.s32 $0xFFFF8300  }
0xb1: {  	[hbm4b:s16+s2] =	stream.linear.scatter [tilespmem:s7], [sflag:$0x2], $0x7D00, $0x38;
	[tilespmem:$0x101D0] =	vst v63  }
0xb2: {  	_ = 	snop  }
0xb3: {  	[tilespmem:s2], [sflag:$0x3] =	stream.linear.gather [hbm4b:s17+s2], $0x3E8, $0x38;
	[tilespmem:$0x101D0] =	vst v63  }
0xb4: {  	_ =	swait.ge [sflag:s4], $0x3E8  }
0xb5: {  	[sflag:s4] =	ssyncset.done $0x0  }
0xb6: {  	[sflag:s4] =	ssyncadd.s32 $0xFFFFFC18  }
0xb7: {  	_ =	swait.ge [sflag:s13], $0x7D00  }
0xb8: {  	[sflag:s13] =	ssyncset.done $0x0  }
0xb9: {  	[sflag:s13] =	ssyncadd.s32 $0xFFFF8300  }
0xba: {  	[tilespmem:s7], [sflag:$0x1] =	stream.indirect.gather [hbm4b:s5+s6], $0x20, s2, s6, $0xb8;
	[tilespmem:$0x101D0] =	vst v63  }
0xbb: {  	_ =	swait.ge [sflag:s10], $0x7D00  }
0xbc: {  	[sflag:s10] =	ssyncset.done $0x0  }
0xbd: {  	[sflag:s10] =	ssyncadd.s32 $0xFFFF8300  }
0xbe: {  	[hbm4b:s18+s2] =	stream.linear.scatter [tilespmem:s9], [sflag:$0x2], $0x7D00, $0x38;
	[tilespmem:$0x101D0] =	vst v63  }
0xbf: {  	_ = 	snop  }
0xc0: {  	[tilespmem:s6], [sflag:$0x3] =	stream.linear.gather [hbm4b:s19+s2], $0x3E8, $0x38;
	[tilespmem:$0x101D0] =	vst v63  }
0xc1: {  	_ =	swait.ge [sflag:s4], $0x3E8  }
0xc2: {  	[sflag:s4] =	ssyncset.done $0x0  }
0xc3: {  	[sflag:s4] =	ssyncadd.s32 $0xFFFFFC18  }
0xc4: {  	_ =	swait.ge [sflag:s13], $0x7D00  }
0xc5: {  	[sflag:s13] =	ssyncset.done $0x0  }
0xc6: {  	[sflag:s13] =	ssyncadd.s32 $0xFFFF8300  }
0xc7: {  	[tilespmem:s9], [sflag:$0x1] =	stream.indirect.gather [hbm4b:s5+s6], $0x20, s6, s6, $0xb8;
	[tilespmem:$0x101D0] =	vst v63  }
0xc8: {  	_ =	swait.ge [sflag:s10], $0x7D00  }
0xc9: {  	[sflag:s10] =	ssyncset.done $0x0  }
0xca: {  	[sflag:s10] =	ssyncadd.s32 $0xFFFF8300  }
0xcb: {  	[hbm4b:s20+s2] =	stream.linear.scatter [tilespmem:s7], [sflag:$0x2], $0x7D00, $0x38;
	[tilespmem:$0x101D0] =	vst v63  }
0xcc: {  	_ = 	snop  }
0xcd: {  	[tilespmem:s2], [sflag:$0x3] =	stream.linear.gather [hbm4b:s21+s2], $0x3E8, $0x38;
	[tilespmem:$0x101D0] =	vst v63  }
0xce: {  	_ =	swait.ge [sflag:s4], $0x3E8  }
0xcf: {  	[sflag:s4] =	ssyncset.done $0x0  }
0xd0: {  	[sflag:s4] =	ssyncadd.s32 $0xFFFFFC18  }
0xd1: {  	_ =	swait.ge [sflag:s13], $0x7D00  }
0xd2: {  	[sflag:s13] =	ssyncset.done $0x0  }
0xd3: {  	[sflag:s13] =	ssyncadd.s32 $0xFFFF8300  }
0xd4: {  	[tilespmem:s7], [sflag:$0x1] =	stream.indirect.gather [hbm4b:s5+s6], $0x20, s2, s6, $0xb8;
	[tilespmem:$0x101D0] =	vst v63  }
0xd5: {  	_ =	swait.ge [sflag:s10], $0x7D00  }
0xd6: {  	[sflag:s10] =	ssyncset.done $0x0  }
0xd7: {  	[sflag:s10] =	ssyncadd.s32 $0xFFFF8300  }
0xd8: {  	[hbm4b:s22+s2] =	stream.linear.scatter [tilespmem:s9], [sflag:$0x2], $0x7D00, $0x38;
	[tilespmem:$0x101D0] =	vst v63  }
0xd9: {  	_ = 	snop  }
0xda: {  	[tilespmem:s6], [sflag:$0x3] =	stream.linear.gather [hbm4b:s23+s2], $0x3E8, $0x38;
	[tilespmem:$0x101D0] =	vst v63  }
0xdb: {  	_ =	swait.ge [sflag:s4], $0x3E8  }
0xdc: {  	[sflag:s4] =	ssyncset.done $0x0  }
0xdd: {  	[sflag:s4] =	ssyncadd.s32 $0xFFFFFC18  }
0xde: {  	_ =	swait.ge [sflag:s13], $0x7D00  }
0xdf: {  	[sflag:s13] =	ssyncset.done $0x0  }
0xe0: {  	[sflag:s13] =	ssyncadd.s32 $0xFFFF8300  }
0xe1: {  	[tilespmem:s9], [sflag:$0x1] =	stream.indirect.gather [hbm4b:s5+s6], $0x20, s6, s6, $0xb8;
	[tilespmem:$0x101D0] =	vst v63  }
0xe2: {  	_ =	swait.ge [sflag:s10], $0x7D00  }
0xe3: {  	[sflag:s10] =	ssyncset.done $0x0  }
0xe4: {  	[sflag:s10] =	ssyncadd.s32 $0xFFFF8300  }
0xe5: {  	[hbm4b:s24+s2] =	stream.linear.scatter [tilespmem:s7], [sflag:$0x2], $0x7D00, $0x38;
	[tilespmem:$0x101D0] =	vst v63  }
0xe6: {  	_ = 	snop  }
0xe7: {  	[tilespmem:s2], [sflag:$0x3] =	stream.linear.gather [hbm4b:s25+s2], $0x3E8, $0x38;
	[tilespmem:$0x101D0] =	vst v63  }
0xe8: {  	_ =	swait.ge [sflag:s4], $0x3E8  }
0xe9: {  	[sflag:s4] =	ssyncset.done $0x0  }
0xea: {  	[sflag:s4] =	ssyncadd.s32 $0xFFFFFC18  }
0xeb: {  	_ =	swait.ge [sflag:s13], $0x7D00  }
0xec: {  	[sflag:s13] =	ssyncset.done $0x0  }
0xed: {  	[sflag:s13] =	ssyncadd.s32 $0xFFFF8300  }
0xee: {  	[tilespmem:s7], [sflag:$0x1] =	stream.indirect.gather [hbm4b:s5+s6], $0x20, s2, s6, $0xb8;
	[tilespmem:$0x101D0] =	vst v63  }
0xef: {  	_ =	swait.ge [sflag:s10], $0x7D00  }
0xf0: {  	[sflag:s10] =	ssyncset.done $0x0  }
0xf1: {  	[sflag:s10] =	ssyncadd.s32 $0xFFFF8300  }
0xf2: {  	[hbm4b:s26+s2] =	stream.linear.scatter [tilespmem:s9], [sflag:$0x2], $0x7D00, $0x38;
	[tilespmem:$0x101D0] =	vst v63  }
0xf3: {  	_ = 	snop  }
0xf4: {  	[tilespmem:s6], [sflag:$0x3] =	stream.linear.gather [hbm4b:s28+s2], $0x3E8, $0x38;
	[tilespmem:$0x101D0] =	vst v63  }
0xf5: {  	_ =	swait.ge [sflag:s4], $0x3E8  }
0xf6: {  	[sflag:s4] =	ssyncset.done $0x0  }
0xf7: {  	[sflag:s4] =	ssyncadd.s32 $0xFFFFFC18  }
0xf8: {  	_ =	swait.ge [sflag:s13], $0x7D00  }
0xf9: {  	[sflag:s13] =	ssyncset.done $0x0  }
0xfa: {  	[sflag:s13] =	ssyncadd.s32 $0xFFFF8300  }
0xfb: {  	[tilespmem:s9], [sflag:$0x1] =	stream.indirect.gather [hbm4b:s5+s6], $0x20, s6, s6, $0xb8;
	[tilespmem:$0x101D0] =	vst v63  }
0xfc: {  	_ =	swait.ge [sflag:s10], $0x7D00  }
0xfd: {  	[sflag:s10] =	ssyncset.done $0x0  }
0xfe: {  	[sflag:s10] =	ssyncadd.s32 $0xFFFF8300  }
0xff: {  	[hbm4b:s29+s2] =	stream.linear.scatter [tilespmem:s7], [sflag:$0x2], $0x7D00, $0x38;
	[tilespmem:$0x101D0] =	vst v63  }
0x100: {  	_ =	swait.ge [sflag:s10], $0x7D00  }
0x101: {  	[sflag:s10] =	ssyncset.done $0x0  }
0x102: {  	[sflag:s10] =	ssyncadd.s32 $0xFFFF8300  }
0x103: {  	[hbm4b:s30+s2] =	stream.linear.scatter [tilespmem:s9], [sflag:$0x2], $0x7D00, $0x38;
	[tilespmem:$0x101D0] =	vst v63  }
.Ltmp1:
0x104: {  	_ =	swait.ge [sflag:s13], $0x7D00;
	(pc) =	sbr.rel @p0 .LBB2_1-.Ltmp1, $4  }
0x105: {  	[sflag:s13] =	ssyncset.done $0x0  }
0x106: {  	[sflag:s13] =	ssyncadd.s32 $0xFFFF8300  }
0x107: {  	_ =	swait.ge [sflag:s13], $0x7D00  }
0x108: {  	[sflag:s13] =	ssyncset.done $0x0  }
.LBB2_2:
0x109: {  	[sflag:s13] =	ssyncadd.s32 $0xFFFF8300  }
0x10a: {  	_ =	sfence.sel $0x180000  }
0x10b: {  	[bflag:$0x0] =	sbarrier.arrive $0xFFFF  }
0x10c: {  	_ =	strace $0x90000047  }
0x10d: {  	s0 =	stileid.u32;
	[bflag:$0x2] =	sbarrier.arrive $0xFFFF  }
0x10e: {  	p0 =	sne.s32 s0, $0x0;
	s0 =	rddreg [dreg:$0x1]  }
0x10f: {  	s0 =	sadd.s32 @!p0 $0x100000, s0  }
0x110: {  	[sflag:s0] =	ssyncadd.tile.s32 @!p0 $0x1;
	_ =	shalt  }
.Lfunc_end2:
_tile_overlayer_lowered:
.L_overlay_start_2:
0x111: {  	(tag) =	ssettag $0x2  }
0x112: {  	s0 =	rddreg [dreg:$0x0];
	s2 =	stileid.u32  }
0x113: {  	s1 =	rddreg [dreg:$0x1];
	p0 =	sne.s32 s2, $0x0  }
0x114: {  	s3 =	rddreg [dreg:$0x2];
	[bflag:$0x3] =	sbarrier.arrive $0xFFFF;
	s2 =	simm.s32 @!p0 $0x1C03  }
0x115: {  	[timem:s3], [sflag:s2] =	dma.local @!p0 [hbm:s0], s1  }
0x116: {  	s0 =	simm.s32 @!p0 $0x3  }
0x117: {  	_ =	swait.ge @!p0 [sflag:s0], s1  }
0x118: {  	s1 =	ssub.s32 @!p0 $0x0, s1;
	[sflag:s0] =	ssyncset.done @!p0 $0x0  }
0x119: {  	[sflag:s0] =	ssyncadd.s32 @!p0 s1  }
0x11a: {  	[bflag:$0x3] =	sbarrier.arrive $0xFFFF  }
0x11b: {  	_ =	shalt  }

</sc_bundles>
